<compile_context>
chip_gen: v7x
topology: tpu7x:2x2x1
jax: 0.10.2.dev20260603
libtpu: 0.0.44.dev20260713+nightly
codegen_flags: <defaults>
</compile_context>

<pallas_src>
import functools

import jax
import jax.numpy as jnp
from jax import lax
from jax.experimental import pallas as pl
from jax.experimental.pallas import tpu as pltpu
from jax.experimental.pallas import tpu_sc as plsc

N = 10000
E = 320000
D = 128
H = 128
H8 = 16
G = 64
OUTC = 2

NCORE = 2
NSUB = 16
NW = NCORE * NSUB
CHUNK = 128
NCHUNKS = 80
WIN = 8
NWIN = NCHUNKS // WIN
E_PAD = NW * NCHUNKS * CHUNK
N_PAD = 10240
ROWS_PER_SUB = N_PAD // NSUB

def _leaky(v):
    return jnp.where(v >= 0, v, 0.2 * v)


def _bn_eval(v, g, b):
    return v / jnp.sqrt(1.0 + 1e-5) * g + b


def _deg_body(dst3, ones_c, zeros_n, out, dst_v, ones_v, deg_sh):
    cid = lax.axis_index("c")
    sid = lax.axis_index("s")
    wid = sid * NCORE + cid
    pltpu.sync_copy(dst3.at[wid], dst_v)
    pltpu.sync_copy(ones_c, ones_v)

    @pl.when(sid == 0)
    def _():
        pltpu.sync_copy(zeros_n, deg_sh)

    plsc.subcore_barrier()

    def body(j, carry):
        pltpu.sync_copy(ones_v, deg_sh.at[dst_v.at[j]], add=True)
        return carry

    lax.fori_loop(0, NCHUNKS, body, 0)
    plsc.subcore_barrier()

    @pl.when(sid == 0)
    def _():
        pltpu.sync_copy(deg_sh, out.at[cid])


@functools.cache
def _deg_call():
    return pl.kernel(
        _deg_body,
        out_type=jax.ShapeDtypeStruct((NCORE, N_PAD), jnp.float32),
        mesh=plsc.VectorSubcoreMesh(core_axis_name="c", subcore_axis_name="s"),
        scratch_types=[
            pltpu.VMEM((NCHUNKS, CHUNK), jnp.int32),
            pltpu.VMEM((CHUNK,), jnp.float32),
            pltpu.VMEM_SHARED((N_PAD,), jnp.float32),
        ],
    )


def _agg_body(hp, src2, dst3, zeros_blk, out, src_v, dwin0, dwin1, rows0, rows1,
              dsem0, dsem1, gsem0, gsem1, agg_sh):
    cid = lax.axis_index("c")
    sid = lax.axis_index("s")
    wid = sid * NCORE + cid
    pltpu.sync_copy(src2.at[wid], src_v)
    dwin = (dwin0, dwin1)
    dsem = (dsem0, dsem1)
    rows = (rows0, rows1)
    gsem = (gsem0, gsem1)
    pltpu.async_copy(dst3.at[wid].at[pl.ds(0, WIN)], dwin[0], dsem[0])
    pltpu.sync_copy(zeros_blk, agg_sh.at[pl.ds(sid * ROWS_PER_SUB, ROWS_PER_SUB)])
    plsc.subcore_barrier()
    pltpu.async_copy(hp.at[src_v.at[pl.ds(0, CHUNK)]], rows[0], gsem[0])

    def outer(t, carry):
        for ww in range(2):
            w = 2 * t + ww

            @pl.when(w + 1 < NWIN)
            def _():
                pltpu.async_copy(dst3.at[wid].at[pl.ds((w + 1) * WIN, WIN)],
                                 dwin[1 - ww], dsem[1 - ww])

            pltpu.make_async_copy(dst3.at[wid].at[pl.ds(0, WIN)],
                                  dwin[ww], dsem[ww]).wait()
            for b in range(WIN):
                j = w * WIN + b

                @pl.when(j + 1 < NCHUNKS)
                def _():
                    pltpu.async_copy(
                        hp.at[src_v.at[pl.ds((j + 1) * CHUNK, CHUNK)]],
                        rows[1 - b % 2], gsem[1 - b % 2])

                pltpu.make_async_copy(hp.at[src_v.at[pl.ds(j * CHUNK, CHUNK)]],
                                      rows[b % 2], gsem[b % 2]).wait()
                pltpu.sync_copy(rows[b % 2], agg_sh.at[dwin[ww].at[b]], add=True)
        return carry

    lax.fori_loop(0, NWIN // 2, outer, 0)
    plsc.subcore_barrier()
    pltpu.sync_copy(
        agg_sh.at[pl.ds(sid * ROWS_PER_SUB, ROWS_PER_SUB)],
        out.at[cid].at[pl.ds(sid * ROWS_PER_SUB, ROWS_PER_SUB)],
    )


@functools.cache
def _agg_call():
    return pl.kernel(
        _agg_body,
        out_type=jax.ShapeDtypeStruct((NCORE, N_PAD, D), jnp.float32),
        mesh=plsc.VectorSubcoreMesh(core_axis_name="c", subcore_axis_name="s"),
        scratch_types=[
            pltpu.VMEM((NCHUNKS * CHUNK,), jnp.int32),
            pltpu.VMEM((WIN, CHUNK), jnp.int32),
            pltpu.VMEM((WIN, CHUNK), jnp.int32),
            pltpu.VMEM((CHUNK, D), jnp.float32),
            pltpu.VMEM((CHUNK, D), jnp.float32),
            pltpu.SemaphoreType.DMA,
            pltpu.SemaphoreType.DMA,
            pltpu.SemaphoreType.DMA,
            pltpu.SemaphoreType.DMA,
            pltpu.VMEM_SHARED((N_PAD, D), jnp.float32),
        ],
    )


def _tc1a_body(x_ref, w1_ref, l0w_ref, l0b_ref, h1_ref, ft_ref):
    x = x_ref[...]
    h1_ref[...] = jnp.dot(x, w1_ref[...], preferred_element_type=jnp.float32)
    ft_ref[...] = jnp.maximum(
        jnp.dot(x, l0w_ref[...], preferred_element_type=jnp.float32) + l0b_ref[...],
        0.0,
    )


_tc1a_call = pl.pallas_call(
    _tc1a_body,
    out_shape=(
        jax.ShapeDtypeStruct((N, H), jnp.float32),
        jax.ShapeDtypeStruct((N, H8), jnp.float32),
    ),
)


def _tc1b_body(h1_ref, degp_ref, hp1_ref):
    degt = jnp.transpose(degp_ref[...], (1, 0))
    deg = degt[:N, 0:1] + degt[:N, 1:2] + 1.0
    norm = lax.rsqrt(deg)
    hp1_ref[:N, :] = h1_ref[...] * norm
    hp1_ref[N:, :] = jnp.zeros((N_PAD - N, H), jnp.float32)


_tc1b_call = pl.pallas_call(
    _tc1b_body,
    out_shape=jax.ShapeDtypeStruct((N_PAD, H), jnp.float32),
)


def _tc2_body(aggp_ref, h1_ref, degp_ref, b1_ref, w2_ref, hp2_ref, h2_ref):
    degt = jnp.transpose(degp_ref[...], (1, 0))
    deg = degt[:N, 0:1] + degt[:N, 1:2] + 1.0
    norm = lax.rsqrt(deg)
    inv = 1.0 / deg
    h1 = h1_ref[...]
    agg = (aggp_ref[0, :N, :] + aggp_ref[1, :N, :]) * norm + h1 * inv + b1_ref[...]
    h1f = _leaky(agg)
    h2 = jnp.dot(h1f, w2_ref[...], preferred_element_type=jnp.float32)
    h2_ref[...] = h2
    hp2_ref[:N, :] = h2 * norm
    hp2_ref[N:, :] = jnp.zeros((N_PAD - N, H), jnp.float32)


_tc2_call = pl.pallas_call(
    _tc2_body,
    out_shape=(
        jax.ShapeDtypeStruct((N_PAD, H), jnp.float32),
        jax.ShapeDtypeStruct((N, H), jnp.float32),
    ),
)


def _tc3_body(aggp_ref, h2_ref, degp_ref, b2_ref, batch_ref, ft_ref,
              l1w_ref, l1b_ref, bn1g_ref, bn1b_ref,
              l2w_ref, l2b_ref, bn2g_ref, bn2b_ref, emb_ref, out_ref):
    degt = jnp.transpose(degp_ref[...], (1, 0))
    deg = degt[:N, 0:1] + degt[:N, 1:2] + 1.0
    norm = lax.rsqrt(deg)
    inv = 1.0 / deg
    h2 = h2_ref[...]
    h2f = _leaky((aggp_ref[0, :N, :] + aggp_ref[1, :N, :]) * norm + h2 * inv + b2_ref[...])

    seg = lax.broadcasted_iota(jnp.int32, (G, N), 0)
    pmat = (seg == batch_ref[...]).astype(jnp.float32)
    counts = jnp.sum(pmat, axis=1, keepdims=True)
    denom = jnp.maximum(counts, 1.0)
    pooled = jnp.dot(pmat, h2f, preferred_element_type=jnp.float32) / denom
    ft_pool = jnp.dot(pmat, ft_ref[...], preferred_element_type=jnp.float32) / denom

    z = _leaky(_bn_eval(
        jnp.dot(pooled, l1w_ref[...], preferred_element_type=jnp.float32)
        + l1b_ref[...],
        bn1g_ref[...], bn1b_ref[...]))

    big = counts >= 10.0
    x1 = jnp.where(big, emb_ref[1:2, :], emb_ref[0:1, :])
    x1 = _leaky(_bn_eval(x1, bn2g_ref[...], bn2b_ref[...]))
    x1 = (1.0 / (1.0 + jnp.exp(-x1))) * ft_pool

    cat = jnp.concatenate([z, x1], axis=1)
    out_ref[...] = (
        jnp.dot(cat, l2w_ref[...], preferred_element_type=jnp.float32)
        + l2b_ref[...]
    )


_tc3_call = pl.pallas_call(
    _tc3_body,
    out_shape=jax.ShapeDtypeStruct((G, OUTC), jnp.float32),
)


def kernel(x, edge_index, batch, W_conv1, b_conv1, W_conv2, b_conv2,
           lin0_W, lin0_b, lin1_W, lin1_b, lin2_W, lin2_b,
           bn1_g, bn1_b, bn2_g, bn2_b, emb):
    pad = N + (jnp.arange(E_PAD - E, dtype=jnp.int32) % (N_PAD - N))
    src2 = jnp.concatenate([edge_index[0], pad]).reshape(NW, NCHUNKS * CHUNK)
    dst3 = jnp.concatenate([edge_index[1], pad]).reshape(NW, NCHUNKS, CHUNK)
    ones_c = jnp.ones((CHUNK,), jnp.float32)
    zeros_n = jnp.zeros((N_PAD,), jnp.float32)
    zeros_blk = jnp.zeros((ROWS_PER_SUB, D), jnp.float32)

    degp = _deg_call()(dst3, ones_c, zeros_n)

    h1, ft = _tc1a_call(x, W_conv1, lin0_W, lin0_b.reshape(1, H8))
    hp1 = _tc1b_call(h1, degp)
    agg1 = _agg_call()(hp1, src2, dst3, zeros_blk)
    hp2, h2 = _tc2_call(agg1, h1, degp, b_conv1.reshape(1, H), W_conv2)
    agg2 = _agg_call()(hp2, src2, dst3, zeros_blk)
    return _tc3_call(agg2, h2, degp, b_conv2.reshape(1, H),
                     batch.reshape(1, N), ft,
                     lin1_W, lin1_b.reshape(1, H8),
                     bn1_g.reshape(1, H8), bn1_b.reshape(1, H8),
                     lin2_W, lin2_b.reshape(1, OUTC),
                     bn2_g.reshape(1, H8), bn2_b.reshape(1, H8), emb)

# --- scband reference (transcript-rebuilt; emitter-appended) ---
"""Pipeline reference for scband-parent-homogeneous-gnn-27599459844333 (READ-ONLY COPY).

The authoritative reference and input builder live on the scoring server;
editing this copy changes nothing except your own understanding.
"""

import jax, jax.numpy as jnp
import numpy as np

N = 10000
E = 320000
D = 128
H = 128
H8 = 16
G = 64
NC = 2

def _leaky(v):
    return jnp.where(v >= 0, v, 0.2 * v)

def _bn_eval(v, g, b):
    # eval-mode BatchNorm1d with init running stats (mean=0, var=1)
    return v / jnp.sqrt(1.0 + 1e-5) * g + b

def _gcn(x, W, b, src, dst):
    h = x @ W
    deg = jnp.bincount(dst, length=N).astype(jnp.float32) + 1.0
    norm = jax.lax.rsqrt(deg)
    msg = h[src] * (norm[src] * norm[dst])[:, None]
    agg = jax.ops.segment_sum(msg, dst, num_segments=N)
    agg = agg + h * (1.0 / deg)[:, None]
    return agg + b

def setup_inputs(seed: int = 0):
    key = jax.random.key(seed)
    ks = jax.random.split(key, 12)
    inp = {}
    inp["x"] = jax.random.normal(ks[0], (N, D), dtype=jnp.float32)
    inp["edge_index"] = jax.random.randint(ks[1], (2, E), 0, N, dtype=jnp.int32)
    inp["batch"] = jnp.sort(jax.random.randint(ks[2], (N,), 0, G, dtype=jnp.int32))
    inp["W_conv1"] = 0.05 * jax.random.normal(ks[3], (D, H), dtype=jnp.float32)
    inp["b_conv1"] = jnp.zeros((H,), dtype=jnp.float32)
    inp["W_conv2"] = 0.05 * jax.random.normal(ks[4], (H, H), dtype=jnp.float32)
    inp["b_conv2"] = jnp.zeros((H,), dtype=jnp.float32)
    inp["lin0_W"] = 0.05 * jax.random.normal(ks[5], (D, H8), dtype=jnp.float32)
    inp["lin0_b"] = jnp.zeros((H8,), dtype=jnp.float32)
    inp["lin1_W"] = 0.05 * jax.random.normal(ks[6], (H, H8), dtype=jnp.float32)
    inp["lin1_b"] = jnp.zeros((H8,), dtype=jnp.float32)
    inp["lin2_W"] = 0.05 * jax.random.normal(ks[7], (2 * H8, NC), dtype=jnp.float32)
    inp["lin2_b"] = jnp.zeros((NC,), dtype=jnp.float32)
    inp["bn1_g"] = jnp.ones((H8,), dtype=jnp.float32)
    inp["bn1_b"] = jnp.zeros((H8,), dtype=jnp.float32)
    inp["bn2_g"] = jnp.ones((H8,), dtype=jnp.float32)
    inp["bn2_b"] = jnp.zeros((H8,), dtype=jnp.float32)
    inp["emb"] = 0.05 * jax.random.normal(ks[8], (2, H8), dtype=jnp.float32)
    return inp

def reference(x, edge_index, batch, W_conv1, b_conv1, W_conv2, b_conv2, lin0_W, lin0_b, lin1_W, lin1_b, lin2_W, lin2_b, bn1_g, bn1_b, bn2_g, bn2_b, emb):
    src = edge_index[0]
    dst = edge_index[1]
    ft = jax.nn.relu(x @ lin0_W + lin0_b)
    h = _leaky(_gcn(x, W_conv1, b_conv1, src, dst))
    h = _leaky(_gcn(h, W_conv2, b_conv2, src, dst))
    counts = jax.ops.segment_sum(jnp.ones((N,), dtype=jnp.float32), batch, num_segments=G)
    denom = jnp.maximum(counts, 1.0)
    pooled = jax.ops.segment_sum(h, batch, num_segments=G) / denom[:, None]
    z = _leaky(_bn_eval(pooled @ lin1_W + lin1_b, bn1_g, bn1_b))
    idx = (jnp.bincount(batch, length=G) >= 10).astype(jnp.int32)
    x1 = emb[idx]
    x1 = _leaky(_bn_eval(x1, bn2_g, bn2_b))
    ft_pool = jax.ops.segment_sum(ft, batch, num_segments=G) / denom[:, None]
    x1 = jax.nn.sigmoid(x1) * ft_pool
    cat = jnp.concatenate([z, x1], axis=1)
    # dropout p=0.5 is identity in eval mode
    return cat @ lin2_W + lin2_b

if __name__ == "__main__":
    import jax
    _d = setup_inputs()
    print(jax.jit(kernel)(*tuple(_d.values())))

</pallas_src>

<mosaic_0001>
#map = affine_map<(d0, d1) -> (0, 0, 0)>
#map1 = affine_map<(d0, d1) -> (0)>
#map2 = affine_map<(d0, d1) -> (0, 0)>
module attributes {stable_mosaic.version = 14 : i64} {
  func.func @_deg_body(%arg0: i32, %arg1: i32, %arg2: memref<32x80x128xi32, #tpu.memory_space<hbm>>, %arg3: memref<128xf32, #tpu.memory_space<hbm>>, %arg4: memref<10240xf32, #tpu.memory_space<hbm>>, %arg5: memref<2x10240xf32, #tpu.memory_space<hbm>>, %arg6: memref<80x128xi32, #tpu.memory_space<vmem>>, %arg7: memref<128xf32, #tpu.memory_space<vmem>>, %arg8: memref<10240xf32, #tpu.memory_space<vmem_shared>>) attributes {dimension_semantics = [#tpu.dimension_semantics<core_parallel>, #tpu.dimension_semantics<subcore_parallel>], iteration_bounds = array<i64: 2, 16>, scalar_prefetch = 0 : i64, scratch_operands = 3 : i64, tpu.core_type = #tpu.core_type<sc_vector_subcore>, window_params = [{transform_indices = #map}, {transform_indices = #map1}, {transform_indices = #map1}, {transform_indices = #map2}]} {
    %mul3A = arith.constant 2 : i32
    %mul3A_0 = arith.muli %arg1, %mul3A : i32
    %add3A = arith.addi %mul3A_0, %arg0 : i32
    "tpu.region"() ({
      %run_scoped3A = tpu.sem_alloc : memref<!tpu.dma_semaphore, #tpu.memory_space<semaphore_mem>>
      %dma_start3A = arith.constant 0 : i32
      %dma_start3A_14 = arith.constant 0 : i32
      %dma_start3A_15 = tpu.memref_slice %arg2[%add3A, %dma_start3A, %dma_start3A_14] : memref<32x80x128xi32, #tpu.memory_space<hbm>> -> memref<1x80x128xi32, #tpu.memory_space<hbm>>
      %dma_start3A_16 = tpu.memref_squeeze %dma_start3A_15 : memref<1x80x128xi32, #tpu.memory_space<hbm>> -> memref<80x128xi32, #tpu.memory_space<hbm>>
      %dma_start3A_17 = arith.constant 0 : i32
      %dma_start3A_18 = arith.constant 0 : i32
      %dma_start3A_19 = tpu.memref_slice %arg2[%add3A, %dma_start3A_17, %dma_start3A_18] : memref<32x80x128xi32, #tpu.memory_space<hbm>> -> memref<1x80x128xi32, #tpu.memory_space<hbm>>
      %dma_start3A_20 = tpu.memref_squeeze %dma_start3A_19 : memref<1x80x128xi32, #tpu.memory_space<hbm>> -> memref<80x128xi32, #tpu.memory_space<hbm>>
      tpu.enqueue_dma source(%dma_start3A_20 : memref<80x128xi32, #tpu.memory_space<hbm>>) target(%arg6 : memref<80x128xi32, #tpu.memory_space<vmem>>) target_semaphore(%run_scoped3A : memref<!tpu.dma_semaphore, #tpu.memory_space<semaphore_mem>>)
      %dma_wait3A = arith.constant 0 : i32
      %dma_wait3A_21 = arith.constant 0 : i32
      %dma_wait3A_22 = tpu.memref_slice %arg2[%add3A, %dma_wait3A, %dma_wait3A_21] : memref<32x80x128xi32, #tpu.memory_space<hbm>> -> memref<1x80x128xi32, #tpu.memory_space<hbm>>
      %dma_wait3A_23 = tpu.memref_squeeze %dma_wait3A_22 : memref<1x80x128xi32, #tpu.memory_space<hbm>> -> memref<80x128xi32, #tpu.memory_space<hbm>>
      %dma_wait3A_24 = arith.constant 0 : i32
      %dma_wait3A_25 = arith.constant 0 : i32
      %dma_wait3A_26 = tpu.memref_slice %arg2[%add3A, %dma_wait3A_24, %dma_wait3A_25] : memref<32x80x128xi32, #tpu.memory_space<hbm>> -> memref<1x80x128xi32, #tpu.memory_space<hbm>>
      %dma_wait3A_27 = tpu.memref_squeeze %dma_wait3A_26 : memref<1x80x128xi32, #tpu.memory_space<hbm>> -> memref<80x128xi32, #tpu.memory_space<hbm>>
      tpu.wait_dma2 semaphore(%run_scoped3A : memref<!tpu.dma_semaphore, #tpu.memory_space<semaphore_mem>>) src(%dma_wait3A_27 : memref<80x128xi32, #tpu.memory_space<hbm>>) dst(%arg6 : memref<80x128xi32, #tpu.memory_space<vmem>>)
      tpu.yield
    }) : () -> ()
    "tpu.region"() ({
      %run_scoped3A = tpu.sem_alloc : memref<!tpu.dma_semaphore, #tpu.memory_space<semaphore_mem>>
      tpu.enqueue_dma source(%arg3 : memref<128xf32, #tpu.memory_space<hbm>>) target(%arg7 : memref<128xf32, #tpu.memory_space<vmem>>) target_semaphore(%run_scoped3A : memref<!tpu.dma_semaphore, #tpu.memory_space<semaphore_mem>>)
      tpu.wait_dma2 semaphore(%run_scoped3A : memref<!tpu.dma_semaphore, #tpu.memory_space<semaphore_mem>>) src(%arg3 : memref<128xf32, #tpu.memory_space<hbm>>) dst(%arg7 : memref<128xf32, #tpu.memory_space<vmem>>)
      tpu.yield
    }) : () -> ()
    %eq3A = arith.constant 0 : i32
    %eq3A_1 = arith.cmpi eq, %arg1, %eq3A : i32
    %convert_element_type3A = arith.extui %eq3A_1 : i1 to i32
    %cond3A = arith.constant 0 : i32
    %cond3A_2 = arith.cmpi ne, %convert_element_type3A, %cond3A : i32
    scf.if %cond3A_2 {
      "tpu.region"() ({
        %run_scoped3A = tpu.sem_alloc : memref<!tpu.dma_semaphore, #tpu.memory_space<semaphore_mem>>
        tpu.enqueue_dma source(%arg4 : memref<10240xf32, #tpu.memory_space<hbm>>) target(%arg8 : memref<10240xf32, #tpu.memory_space<vmem_shared>>) target_semaphore(%run_scoped3A : memref<!tpu.dma_semaphore, #tpu.memory_space<semaphore_mem>>)
        tpu.wait_dma2 semaphore(%run_scoped3A : memref<!tpu.dma_semaphore, #tpu.memory_space<semaphore_mem>>) src(%arg4 : memref<10240xf32, #tpu.memory_space<hbm>>) dst(%arg8 : memref<10240xf32, #tpu.memory_space<vmem_shared>>)
        tpu.yield
      }) : () -> ()
    } else {
    }
    %barrier3A = arith.constant 0 : index
    tpu.barrier barrier_id(%barrier3A)
    %scan3A = arith.constant 0 : i32
    %scan3A_3 = arith.constant 0 : i32
    %scan3A_4 = arith.constant 80 : i32
    %scan3A_5 = arith.addi %scan3A_3, %scan3A_4 : i32
    %scan3A_6 = arith.constant 1 : i32
    scf.for %scan3A_14 = %scan3A_3 to %scan3A_5 step %scan3A_6  : i32 {
      "tpu.region"() ({
        %run_scoped3A = tpu.sem_alloc : memref<!tpu.dma_semaphore, #tpu.memory_space<semaphore_mem>>
        %dma_start3A = arith.constant 0 : i32
        %dma_start3A_15 = tpu.memref_slice %arg6[%scan3A_14, %dma_start3A] : memref<80x128xi32, #tpu.memory_space<vmem>> -> memref<1x128xi32, #tpu.memory_space<vmem>>
        %dma_start3A_16 = tpu.memref_squeeze %dma_start3A_15 : memref<1x128xi32, #tpu.memory_space<vmem>> -> memref<128xi32, #tpu.memory_space<vmem>>
        %dma_start3A_17 = arith.constant 0 : i32
        %dma_start3A_18 = tpu.memref_slice %arg8[%dma_start3A_17] : memref<10240xf32, #tpu.memory_space<vmem_shared>> -> memref<10240xf32, #tpu.memory_space<vmem_shared>>
        tpu.enqueue_indirect_dma source(%arg7 : memref<128xf32, #tpu.memory_space<vmem>>) target(%dma_start3A_18 : memref<10240xf32, #tpu.memory_space<vmem_shared>>) offsets(%dma_start3A_16 : memref<128xi32, #tpu.memory_space<vmem>>) semaphore(%run_scoped3A : memref<!tpu.dma_semaphore, #tpu.memory_space<semaphore_mem>>) {add = true}
        %dma_wait3A = arith.constant 0 : i32
        %dma_wait3A_19 = tpu.memref_slice %arg6[%scan3A_14, %dma_wait3A] : memref<80x128xi32, #tpu.memory_space<vmem>> -> memref<1x128xi32, #tpu.memory_space<vmem>>
        %dma_wait3A_20 = tpu.memref_squeeze %dma_wait3A_19 : memref<1x128xi32, #tpu.memory_space<vmem>> -> memref<128xi32, #tpu.memory_space<vmem>>
        %dma_wait3A_21 = arith.constant 0 : i32
        %dma_wait3A_22 = tpu.memref_slice %arg8[%dma_wait3A_21] : memref<10240xf32, #tpu.memory_space<vmem_shared>> -> memref<10240xf32, #tpu.memory_space<vmem_shared>>
        tpu.wait_indirect_dma semaphore(%run_scoped3A : memref<!tpu.dma_semaphore, #tpu.memory_space<semaphore_mem>>) src(%arg7 : memref<128xf32, #tpu.memory_space<vmem>>) dst(%dma_wait3A_22 : memref<10240xf32, #tpu.memory_space<vmem_shared>>)
        tpu.yield
      }) : () -> ()
    }
    %scan3A_7 = arith.constant 80 : i32
    %barrier3A_8 = arith.constant 0 : index
    tpu.barrier barrier_id(%barrier3A_8)
    %eq3A_9 = arith.constant 0 : i32
    %eq3A_10 = arith.cmpi eq, %arg1, %eq3A_9 : i32
    %convert_element_type3A_11 = arith.extui %eq3A_10 : i1 to i32
    %cond3A_12 = arith.constant 0 : i32
    %cond3A_13 = arith.cmpi ne, %convert_element_type3A_11, %cond3A_12 : i32
    scf.if %cond3A_13 {
      "tpu.region"() ({
        %run_scoped3A = tpu.sem_alloc : memref<!tpu.dma_semaphore, #tpu.memory_space<semaphore_mem>>
        %dma_start3A = arith.constant 0 : i32
        %dma_start3A_14 = tpu.memref_slice %arg5[%arg0, %dma_start3A] : memref<2x10240xf32, #tpu.memory_space<hbm>> -> memref<1x10240xf32, #tpu.memory_space<hbm>>
        %dma_start3A_15 = tpu.memref_squeeze %dma_start3A_14 : memref<1x10240xf32, #tpu.memory_space<hbm>> -> memref<10240xf32, #tpu.memory_space<hbm>>
        tpu.enqueue_dma source(%arg8 : memref<10240xf32, #tpu.memory_space<vmem_shared>>) target(%dma_start3A_15 : memref<10240xf32, #tpu.memory_space<hbm>>) target_semaphore(%run_scoped3A : memref<!tpu.dma_semaphore, #tpu.memory_space<semaphore_mem>>)
        %dma_wait3A = arith.constant 0 : i32
        %dma_wait3A_16 = tpu.memref_slice %arg5[%arg0, %dma_wait3A] : memref<2x10240xf32, #tpu.memory_space<hbm>> -> memref<1x10240xf32, #tpu.memory_space<hbm>>
        %dma_wait3A_17 = tpu.memref_squeeze %dma_wait3A_16 : memref<1x10240xf32, #tpu.memory_space<hbm>> -> memref<10240xf32, #tpu.memory_space<hbm>>
        tpu.wait_dma2 semaphore(%run_scoped3A : memref<!tpu.dma_semaphore, #tpu.memory_space<semaphore_mem>>) src(%arg8 : memref<10240xf32, #tpu.memory_space<vmem_shared>>) dst(%dma_wait3A_17 : memref<10240xf32, #tpu.memory_space<hbm>>)
        tpu.yield
      }) : () -> ()
    } else {
    }
    return
  }
}

#map = affine_map<(d0, d1) -> (0, 0)>
#map1 = affine_map<(d0, d1) -> (0, 0, 0)>
module attributes {stable_mosaic.version = 14 : i64} {
  func.func @_agg_body(%arg0: i32, %arg1: i32, %arg2: memref<10240x128xf32, #tpu.memory_space<hbm>>, %arg3: memref<32x10240xi32, #tpu.memory_space<hbm>>, %arg4: memref<32x80x128xi32, #tpu.memory_space<hbm>>, %arg5: memref<640x128xf32, #tpu.memory_space<hbm>>, %arg6: memref<2x10240x128xf32, #tpu.memory_space<hbm>>, %arg7: memref<10240xi32, #tpu.memory_space<vmem>>, %arg8: memref<8x128xi32, #tpu.memory_space<vmem>>, %arg9: memref<8x128xi32, #tpu.memory_space<vmem>>, %arg10: memref<128x128xf32, #tpu.memory_space<vmem>>, %arg11: memref<128x128xf32, #tpu.memory_space<vmem>>, %arg12: memref<!tpu.dma_semaphore, #tpu.memory_space<semaphore_mem>>, %arg13: memref<!tpu.dma_semaphore, #tpu.memory_space<semaphore_mem>>, %arg14: memref<!tpu.dma_semaphore, #tpu.memory_space<semaphore_mem>>, %arg15: memref<!tpu.dma_semaphore, #tpu.memory_space<semaphore_mem>>, %arg16: memref<10240x128xf32, #tpu.memory_space<vmem_shared>>) attributes {dimension_semantics = [#tpu.dimension_semantics<core_parallel>, #tpu.dimension_semantics<subcore_parallel>], iteration_bounds = array<i64: 2, 16>, scalar_prefetch = 0 : i64, scratch_operands = 10 : i64, tpu.core_type = #tpu.core_type<sc_vector_subcore>, window_params = [{transform_indices = #map}, {transform_indices = #map}, {transform_indices = #map1}, {transform_indices = #map}, {transform_indices = #map1}]} {
    %mul3A = arith.constant 2 : i32
    %mul3A_0 = arith.muli %arg1, %mul3A : i32
    %add3A = arith.addi %mul3A_0, %arg0 : i32
    "tpu.region"() ({
      %run_scoped3A = tpu.sem_alloc : memref<!tpu.dma_semaphore, #tpu.memory_space<semaphore_mem>>
      %dma_start3A_31 = arith.constant 0 : i32
      %dma_start3A_32 = tpu.memref_slice %arg3[%add3A, %dma_start3A_31] : memref<32x10240xi32, #tpu.memory_space<hbm>> -> memref<1x10240xi32, #tpu.memory_space<hbm>>
      %dma_start3A_33 = tpu.memref_squeeze %dma_start3A_32 : memref<1x10240xi32, #tpu.memory_space<hbm>> -> memref<10240xi32, #tpu.memory_space<hbm>>
      %dma_start3A_34 = arith.constant 0 : i32
      %dma_start3A_35 = tpu.memref_slice %arg3[%add3A, %dma_start3A_34] : memref<32x10240xi32, #tpu.memory_space<hbm>> -> memref<1x10240xi32, #tpu.memory_space<hbm>>
      %dma_start3A_36 = tpu.memref_squeeze %dma_start3A_35 : memref<1x10240xi32, #tpu.memory_space<hbm>> -> memref<10240xi32, #tpu.memory_space<hbm>>
      tpu.enqueue_dma source(%dma_start3A_36 : memref<10240xi32, #tpu.memory_space<hbm>>) target(%arg7 : memref<10240xi32, #tpu.memory_space<vmem>>) target_semaphore(%run_scoped3A : memref<!tpu.dma_semaphore, #tpu.memory_space<semaphore_mem>>)
      %dma_wait3A = arith.constant 0 : i32
      %dma_wait3A_37 = tpu.memref_slice %arg3[%add3A, %dma_wait3A] : memref<32x10240xi32, #tpu.memory_space<hbm>> -> memref<1x10240xi32, #tpu.memory_space<hbm>>
      %dma_wait3A_38 = tpu.memref_squeeze %dma_wait3A_37 : memref<1x10240xi32, #tpu.memory_space<hbm>> -> memref<10240xi32, #tpu.memory_space<hbm>>
      %dma_wait3A_39 = arith.constant 0 : i32
      %dma_wait3A_40 = tpu.memref_slice %arg3[%add3A, %dma_wait3A_39] : memref<32x10240xi32, #tpu.memory_space<hbm>> -> memref<1x10240xi32, #tpu.memory_space<hbm>>
      %dma_wait3A_41 = tpu.memref_squeeze %dma_wait3A_40 : memref<1x10240xi32, #tpu.memory_space<hbm>> -> memref<10240xi32, #tpu.memory_space<hbm>>
      tpu.wait_dma2 semaphore(%run_scoped3A : memref<!tpu.dma_semaphore, #tpu.memory_space<semaphore_mem>>) src(%dma_wait3A_41 : memref<10240xi32, #tpu.memory_space<hbm>>) dst(%arg7 : memref<10240xi32, #tpu.memory_space<vmem>>)
      tpu.yield
    }) : () -> ()
    %dma_start3A = arith.constant 0 : i32
    %dma_start3A_1 = arith.constant 0 : i32
    %dma_start3A_2 = tpu.memref_slice %arg4[%add3A, %dma_start3A, %dma_start3A_1] : memref<32x80x128xi32, #tpu.memory_space<hbm>> -> memref<1x80x128xi32, #tpu.memory_space<hbm>>
    %dma_start3A_3 = tpu.memref_squeeze %dma_start3A_2 : memref<1x80x128xi32, #tpu.memory_space<hbm>> -> memref<80x128xi32, #tpu.memory_space<hbm>>
    %dma_start3A_4 = arith.constant 0 : i32
    %dma_start3A_5 = arith.constant 0 : i32
    %dma_start3A_6 = tpu.memref_slice %dma_start3A_3[%dma_start3A_4, %dma_start3A_5] : memref<80x128xi32, #tpu.memory_space<hbm>> -> memref<8x128xi32, #tpu.memory_space<hbm>>
    %dma_start3A_7 = arith.constant 0 : i32
    %dma_start3A_8 = arith.constant 0 : i32
    %dma_start3A_9 = tpu.memref_slice %arg4[%add3A, %dma_start3A_7, %dma_start3A_8] : memref<32x80x128xi32, #tpu.memory_space<hbm>> -> memref<1x80x128xi32, #tpu.memory_space<hbm>>
    %dma_start3A_10 = tpu.memref_squeeze %dma_start3A_9 : memref<1x80x128xi32, #tpu.memory_space<hbm>> -> memref<80x128xi32, #tpu.memory_space<hbm>>
    %dma_start3A_11 = arith.constant 0 : i32
    %dma_start3A_12 = arith.constant 0 : i32
    %dma_start3A_13 = tpu.memref_slice %dma_start3A_10[%dma_start3A_11, %dma_start3A_12] : memref<80x128xi32, #tpu.memory_space<hbm>> -> memref<8x128xi32, #tpu.memory_space<hbm>>
    tpu.enqueue_dma source(%dma_start3A_13 : memref<8x128xi32, #tpu.memory_space<hbm>>) target(%arg8 : memref<8x128xi32, #tpu.memory_space<vmem>>) target_semaphore(%arg12 : memref<!tpu.dma_semaphore, #tpu.memory_space<semaphore_mem>>)
    %mul3A_14 = arith.constant 640 : i32
    %mul3A_15 = arith.muli %arg1, %mul3A_14 : i32
    "tpu.region"() ({
      %run_scoped3A = tpu.sem_alloc : memref<!tpu.dma_semaphore, #tpu.memory_space<semaphore_mem>>
      %dma_start3A_31 = arith.constant 0 : i32
      %dma_start3A_32 = tpu.memref_slice %arg16[%mul3A_15, %dma_start3A_31] : memref<10240x128xf32, #tpu.memory_space<vmem_shared>> -> memref<640x128xf32, #tpu.memory_space<vmem_shared>>
      tpu.enqueue_dma source(%arg5 : memref<640x128xf32, #tpu.memory_space<hbm>>) target(%dma_start3A_32 : memref<640x128xf32, #tpu.memory_space<vmem_shared>>) target_semaphore(%run_scoped3A : memref<!tpu.dma_semaphore, #tpu.memory_space<semaphore_mem>>)
      %dma_wait3A = arith.constant 0 : i32
      %dma_wait3A_33 = tpu.memref_slice %arg16[%mul3A_15, %dma_wait3A] : memref<10240x128xf32, #tpu.memory_space<vmem_shared>> -> memref<640x128xf32, #tpu.memory_space<vmem_shared>>
      tpu.wait_dma2 semaphore(%run_scoped3A : memref<!tpu.dma_semaphore, #tpu.memory_space<semaphore_mem>>) src(%arg5 : memref<640x128xf32, #tpu.memory_space<hbm>>) dst(%dma_wait3A_33 : memref<640x128xf32, #tpu.memory_space<vmem_shared>>)
      tpu.yield
    }) : () -> ()
    %barrier3A = arith.constant 0 : index
    tpu.barrier barrier_id(%barrier3A)
    %dma_start3A_16 = arith.constant 0 : i32
    %dma_start3A_17 = tpu.memref_slice %arg7[%dma_start3A_16] : memref<10240xi32, #tpu.memory_space<vmem>> -> memref<128xi32, #tpu.memory_space<vmem>>
    %dma_start3A_18 = arith.constant 0 : i32
    %dma_start3A_19 = arith.constant 0 : i32
    %dma_start3A_20 = tpu.memref_slice %arg2[%dma_start3A_18, %dma_start3A_19] : memref<10240x128xf32, #tpu.memory_space<hbm>> -> memref<10240x128xf32, #tpu.memory_space<hbm>>
    tpu.enqueue_indirect_dma source(%dma_start3A_20 : memref<10240x128xf32, #tpu.memory_space<hbm>>) target(%arg10 : memref<128x128xf32, #tpu.memory_space<vmem>>) offsets(%dma_start3A_17 : memref<128xi32, #tpu.memory_space<vmem>>) semaphore(%arg14 : memref<!tpu.dma_semaphore, #tpu.memory_space<semaphore_mem>>)
    %scan3A = arith.constant 0 : i32
    %scan3A_21 = arith.constant 0 : i32
    %scan3A_22 = arith.constant 5 : i32
    %scan3A_23 = arith.addi %scan3A_21, %scan3A_22 : i32
    %scan3A_24 = arith.constant 1 : i32
    scf.for %scan3A_31 = %scan3A_21 to %scan3A_23 step %scan3A_24  : i32 {
      %mul3A_32 = arith.constant 2 : i32
      %mul3A_33 = arith.muli %mul3A_32, %scan3A_31 : i32
      %add3A_34 = arith.constant 0 : i32
      %add3A_35 = arith.addi %mul3A_33, %add3A_34 : i32
      %add3A_36 = arith.constant 1 : i32
      %add3A_37 = arith.addi %add3A_35, %add3A_36 : i32
      %lt3A = arith.constant 10 : i32
      %lt3A_38 = arith.cmpi slt, %add3A_37, %lt3A : i32
      %convert_element_type3A = arith.extui %lt3A_38 : i1 to i32
      %cond3A = arith.constant 0 : i32
      %cond3A_39 = arith.cmpi ne, %convert_element_type3A, %cond3A : i32
      scf.if %cond3A_39 {
        %add3A_365 = arith.constant 1 : i32
        %add3A_366 = arith.addi %add3A_35, %add3A_365 : i32
        %mul3A_367 = arith.constant 8 : i32
        %mul3A_368 = arith.muli %add3A_366, %mul3A_367 : i32
        %dma_start3A_369 = arith.constant 0 : i32
        %dma_start3A_370 = arith.constant 0 : i32
        %dma_start3A_371 = tpu.memref_slice %arg4[%add3A, %dma_start3A_369, %dma_start3A_370] : memref<32x80x128xi32, #tpu.memory_space<hbm>> -> memref<1x80x128xi32, #tpu.memory_space<hbm>>
        %dma_start3A_372 = tpu.memref_squeeze %dma_start3A_371 : memref<1x80x128xi32, #tpu.memory_space<hbm>> -> memref<80x128xi32, #tpu.memory_space<hbm>>
        %dma_start3A_373 = arith.constant 0 : i32
        %dma_start3A_374 = tpu.memref_slice %dma_start3A_372[%mul3A_368, %dma_start3A_373] : memref<80x128xi32, #tpu.memory_space<hbm>> -> memref<8x128xi32, #tpu.memory_space<hbm>>
        %dma_start3A_375 = arith.constant 0 : i32
        %dma_start3A_376 = arith.constant 0 : i32
        %dma_start3A_377 = tpu.memref_slice %arg4[%add3A, %dma_start3A_375, %dma_start3A_376] : memref<32x80x128xi32, #tpu.memory_space<hbm>> -> memref<1x80x128xi32, #tpu.memory_space<hbm>>
        %dma_start3A_378 = tpu.memref_squeeze %dma_start3A_377 : memref<1x80x128xi32, #tpu.memory_space<hbm>> -> memref<80x128xi32, #tpu.memory_space<hbm>>
        %dma_start3A_379 = arith.constant 0 : i32
        %dma_start3A_380 = tpu.memref_slice %dma_start3A_378[%mul3A_368, %dma_start3A_379] : memref<80x128xi32, #tpu.memory_space<hbm>> -> memref<8x128xi32, #tpu.memory_space<hbm>>
        tpu.enqueue_dma source(%dma_start3A_380 : memref<8x128xi32, #tpu.memory_space<hbm>>) target(%arg9 : memref<8x128xi32, #tpu.memory_space<vmem>>) target_semaphore(%arg13 : memref<!tpu.dma_semaphore, #tpu.memory_space<semaphore_mem>>)
      } else {
      }
      %dma_wait3A = arith.constant 0 : i32
      %dma_wait3A_40 = arith.constant 0 : i32
      %dma_wait3A_41 = tpu.memref_slice %arg4[%add3A, %dma_wait3A, %dma_wait3A_40] : memref<32x80x128xi32, #tpu.memory_space<hbm>> -> memref<1x80x128xi32, #tpu.memory_space<hbm>>
      %dma_wait3A_42 = tpu.memref_squeeze %dma_wait3A_41 : memref<1x80x128xi32, #tpu.memory_space<hbm>> -> memref<80x128xi32, #tpu.memory_space<hbm>>
      %dma_wait3A_43 = arith.constant 0 : i32
      %dma_wait3A_44 = arith.constant 0 : i32
      %dma_wait3A_45 = tpu.memref_slice %dma_wait3A_42[%dma_wait3A_43, %dma_wait3A_44] : memref<80x128xi32, #tpu.memory_space<hbm>> -> memref<8x128xi32, #tpu.memory_space<hbm>>
      %dma_wait3A_46 = arith.constant 0 : i32
      %dma_wait3A_47 = arith.constant 0 : i32
      %dma_wait3A_48 = tpu.memref_slice %arg4[%add3A, %dma_wait3A_46, %dma_wait3A_47] : memref<32x80x128xi32, #tpu.memory_space<hbm>> -> memref<1x80x128xi32, #tpu.memory_space<hbm>>
      %dma_wait3A_49 = tpu.memref_squeeze %dma_wait3A_48 : memref<1x80x128xi32, #tpu.memory_space<hbm>> -> memref<80x128xi32, #tpu.memory_space<hbm>>
      %dma_wait3A_50 = arith.constant 0 : i32
      %dma_wait3A_51 = arith.constant 0 : i32
      %dma_wait3A_52 = tpu.memref_slice %dma_wait3A_49[%dma_wait3A_50, %dma_wait3A_51] : memref<80x128xi32, #tpu.memory_space<hbm>> -> memref<8x128xi32, #tpu.memory_space<hbm>>
      tpu.wait_dma2 semaphore(%arg12 : memref<!tpu.dma_semaphore, #tpu.memory_space<semaphore_mem>>) src(%dma_wait3A_52 : memref<8x128xi32, #tpu.memory_space<hbm>>) dst(%arg8 : memref<8x128xi32, #tpu.memory_space<vmem>>)
      %mul3A_53 = arith.constant 8 : i32
      %mul3A_54 = arith.muli %add3A_35, %mul3A_53 : i32
      %add3A_55 = arith.constant 0 : i32
      %add3A_56 = arith.addi %mul3A_54, %add3A_55 : i32
      %add3A_57 = arith.constant 1 : i32
      %add3A_58 = arith.addi %add3A_56, %add3A_57 : i32
      %lt3A_59 = arith.constant 80 : i32
      %lt3A_60 = arith.cmpi slt, %add3A_58, %lt3A_59 : i32
      %convert_element_type3A_61 = arith.extui %lt3A_60 : i1 to i32
      %cond3A_62 = arith.constant 0 : i32
      %cond3A_63 = arith.cmpi ne, %convert_element_type3A_61, %cond3A_62 : i32
      scf.if %cond3A_63 {
        %add3A_365 = arith.constant 1 : i32
        %add3A_366 = arith.addi %add3A_56, %add3A_365 : i32
        %mul3A_367 = arith.constant 128 : i32
        %mul3A_368 = arith.muli %add3A_366, %mul3A_367 : i32
        %dma_start3A_369 = tpu.memref_slice %arg7[%mul3A_368] : memref<10240xi32, #tpu.memory_space<vmem>> -> memref<128xi32, #tpu.memory_space<vmem>>
        %dma_start3A_370 = arith.constant 0 : i32
        %dma_start3A_371 = arith.constant 0 : i32
        %dma_start3A_372 = tpu.memref_slice %arg2[%dma_start3A_370, %dma_start3A_371] : memref<10240x128xf32, #tpu.memory_space<hbm>> -> memref<10240x128xf32, #tpu.memory_space<hbm>>
        tpu.enqueue_indirect_dma source(%dma_start3A_372 : memref<10240x128xf32, #tpu.memory_space<hbm>>) target(%arg11 : memref<128x128xf32, #tpu.memory_space<vmem>>) offsets(%dma_start3A_369 : memref<128xi32, #tpu.memory_space<vmem>>) semaphore(%arg15 : memref<!tpu.dma_semaphore, #tpu.memory_space<semaphore_mem>>)
      } else {
      }
      %mul3A_64 = arith.constant 128 : i32
      %mul3A_65 = arith.muli %add3A_56, %mul3A_64 : i32
      %dma_wait3A_66 = tpu.memref_slice %arg7[%mul3A_65] : memref<10240xi32, #tpu.memory_space<vmem>> -> memref<128xi32, #tpu.memory_space<vmem>>
      %dma_wait3A_67 = arith.constant 0 : i32
      %dma_wait3A_68 = arith.constant 0 : i32
      %dma_wait3A_69 = tpu.memref_slice %arg2[%dma_wait3A_67, %dma_wait3A_68] : memref<10240x128xf32, #tpu.memory_space<hbm>> -> memref<10240x128xf32, #tpu.memory_space<hbm>>
      tpu.wait_indirect_dma semaphore(%arg14 : memref<!tpu.dma_semaphore, #tpu.memory_space<semaphore_mem>>) src(%dma_wait3A_69 : memref<10240x128xf32, #tpu.memory_space<hbm>>) dst(%arg10 : memref<128x128xf32, #tpu.memory_space<vmem>>)
      %run_scoped3A = arith.constant 0 : i32
      "tpu.region"() ({
        %run_scoped3A_365 = tpu.sem_alloc : memref<!tpu.dma_semaphore, #tpu.memory_space<semaphore_mem>>
        %dma_start3A_366 = arith.constant 0 : i32
        %dma_start3A_367 = tpu.memref_slice %arg8[%run_scoped3A, %dma_start3A_366] : memref<8x128xi32, #tpu.memory_space<vmem>> -> memref<1x128xi32, #tpu.memory_space<vmem>>
        %dma_start3A_368 = tpu.memref_squeeze %dma_start3A_367 : memref<1x128xi32, #tpu.memory_space<vmem>> -> memref<128xi32, #tpu.memory_space<vmem>>
        %dma_start3A_369 = arith.constant 0 : i32
        %dma_start3A_370 = arith.constant 0 : i32
        %dma_start3A_371 = tpu.memref_slice %arg16[%dma_start3A_369, %dma_start3A_370] : memref<10240x128xf32, #tpu.memory_space<vmem_shared>> -> memref<10240x128xf32, #tpu.memory_space<vmem_shared>>
        tpu.enqueue_indirect_dma source(%arg10 : memref<128x128xf32, #tpu.memory_space<vmem>>) target(%dma_start3A_371 : memref<10240x128xf32, #tpu.memory_space<vmem_shared>>) offsets(%dma_start3A_368 : memref<128xi32, #tpu.memory_space<vmem>>) semaphore(%run_scoped3A_365 : memref<!tpu.dma_semaphore, #tpu.memory_space<semaphore_mem>>) {add = true}
        %dma_wait3A_372 = arith.constant 0 : i32
        %dma_wait3A_373 = tpu.memref_slice %arg8[%run_scoped3A, %dma_wait3A_372] : memref<8x128xi32, #tpu.memory_space<vmem>> -> memref<1x128xi32, #tpu.memory_space<vmem>>
        %dma_wait3A_374 = tpu.memref_squeeze %dma_wait3A_373 : memref<1x128xi32, #tpu.memory_space<vmem>> -> memref<128xi32, #tpu.memory_space<vmem>>
        %dma_wait3A_375 = arith.constant 0 : i32
        %dma_wait3A_376 = arith.constant 0 : i32
        %dma_wait3A_377 = tpu.memref_slice %arg16[%dma_wait3A_375, %dma_wait3A_376] : memref<10240x128xf32, #tpu.memory_space<vmem_shared>> -> memref<10240x128xf32, #tpu.memory_space<vmem_shared>>
        tpu.wait_indirect_dma semaphore(%run_scoped3A_365 : memref<!tpu.dma_semaphore, #tpu.memory_space<semaphore_mem>>) src(%arg10 : memref<128x128xf32, #tpu.memory_space<vmem>>) dst(%dma_wait3A_377 : memref<10240x128xf32, #tpu.memory_space<vmem_shared>>)
        tpu.yield
      }) : () -> ()
      %mul3A_70 = arith.constant 8 : i32
      %mul3A_71 = arith.muli %add3A_35, %mul3A_70 : i32
      %add3A_72 = arith.constant 1 : i32
      %add3A_73 = arith.addi %mul3A_71, %add3A_72 : i32
      %add3A_74 = arith.constant 1 : i32
      %add3A_75 = arith.addi %add3A_73, %add3A_74 : i32
      %lt3A_76 = arith.constant 80 : i32
      %lt3A_77 = arith.cmpi slt, %add3A_75, %lt3A_76 : i32
      %convert_element_type3A_78 = arith.extui %lt3A_77 : i1 to i32
      %cond3A_79 = arith.constant 0 : i32
      %cond3A_80 = arith.cmpi ne, %convert_element_type3A_78, %cond3A_79 : i32
      scf.if %cond3A_80 {
        %add3A_365 = arith.constant 1 : i32
        %add3A_366 = arith.addi %add3A_73, %add3A_365 : i32
        %mul3A_367 = arith.constant 128 : i32
        %mul3A_368 = arith.muli %add3A_366, %mul3A_367 : i32
        %dma_start3A_369 = tpu.memref_slice %arg7[%mul3A_368] : memref<10240xi32, #tpu.memory_space<vmem>> -> memref<128xi32, #tpu.memory_space<vmem>>
        %dma_start3A_370 = arith.constant 0 : i32
        %dma_start3A_371 = arith.constant 0 : i32
        %dma_start3A_372 = tpu.memref_slice %arg2[%dma_start3A_370, %dma_start3A_371] : memref<10240x128xf32, #tpu.memory_space<hbm>> -> memref<10240x128xf32, #tpu.memory_space<hbm>>
        tpu.enqueue_indirect_dma source(%dma_start3A_372 : memref<10240x128xf32, #tpu.memory_space<hbm>>) target(%arg10 : memref<128x128xf32, #tpu.memory_space<vmem>>) offsets(%dma_start3A_369 : memref<128xi32, #tpu.memory_space<vmem>>) semaphore(%arg14 : memref<!tpu.dma_semaphore, #tpu.memory_space<semaphore_mem>>)
      } else {
      }
      %mul3A_81 = arith.constant 128 : i32
      %mul3A_82 = arith.muli %add3A_73, %mul3A_81 : i32
      %dma_wait3A_83 = tpu.memref_slice %arg7[%mul3A_82] : memref<10240xi32, #tpu.memory_space<vmem>> -> memref<128xi32, #tpu.memory_space<vmem>>
      %dma_wait3A_84 = arith.constant 0 : i32
      %dma_wait3A_85 = arith.constant 0 : i32
      %dma_wait3A_86 = tpu.memref_slice %arg2[%dma_wait3A_84, %dma_wait3A_85] : memref<10240x128xf32, #tpu.memory_space<hbm>> -> memref<10240x128xf32, #tpu.memory_space<hbm>>
      tpu.wait_indirect_dma semaphore(%arg15 : memref<!tpu.dma_semaphore, #tpu.memory_space<semaphore_mem>>) src(%dma_wait3A_86 : memref<10240x128xf32, #tpu.memory_space<hbm>>) dst(%arg11 : memref<128x128xf32, #tpu.memory_space<vmem>>)
      %run_scoped3A_87 = arith.constant 1 : i32
      "tpu.region"() ({
        %run_scoped3A_365 = tpu.sem_alloc : memref<!tpu.dma_semaphore, #tpu.memory_space<semaphore_mem>>
        %dma_start3A_366 = arith.constant 0 : i32
        %dma_start3A_367 = tpu.memref_slice %arg8[%run_scoped3A_87, %dma_start3A_366] : memref<8x128xi32, #tpu.memory_space<vmem>> -> memref<1x128xi32, #tpu.memory_space<vmem>>
        %dma_start3A_368 = tpu.memref_squeeze %dma_start3A_367 : memref<1x128xi32, #tpu.memory_space<vmem>> -> memref<128xi32, #tpu.memory_space<vmem>>
        %dma_start3A_369 = arith.constant 0 : i32
        %dma_start3A_370 = arith.constant 0 : i32
        %dma_start3A_371 = tpu.memref_slice %arg16[%dma_start3A_369, %dma_start3A_370] : memref<10240x128xf32, #tpu.memory_space<vmem_shared>> -> memref<10240x128xf32, #tpu.memory_space<vmem_shared>>
        tpu.enqueue_indirect_dma source(%arg11 : memref<128x128xf32, #tpu.memory_space<vmem>>) target(%dma_start3A_371 : memref<10240x128xf32, #tpu.memory_space<vmem_shared>>) offsets(%dma_start3A_368 : memref<128xi32, #tpu.memory_space<vmem>>) semaphore(%run_scoped3A_365 : memref<!tpu.dma_semaphore, #tpu.memory_space<semaphore_mem>>) {add = true}
        %dma_wait3A_372 = arith.constant 0 : i32
        %dma_wait3A_373 = tpu.memref_slice %arg8[%run_scoped3A_87, %dma_wait3A_372] : memref<8x128xi32, #tpu.memory_space<vmem>> -> memref<1x128xi32, #tpu.memory_space<vmem>>
        %dma_wait3A_374 = tpu.memref_squeeze %dma_wait3A_373 : memref<1x128xi32, #tpu.memory_space<vmem>> -> memref<128xi32, #tpu.memory_space<vmem>>
        %dma_wait3A_375 = arith.constant 0 : i32
        %dma_wait3A_376 = arith.constant 0 : i32
        %dma_wait3A_377 = tpu.memref_slice %arg16[%dma_wait3A_375, %dma_wait3A_376] : memref<10240x128xf32, #tpu.memory_space<vmem_shared>> -> memref<10240x128xf32, #tpu.memory_space<vmem_shared>>
        tpu.wait_indirect_dma semaphore(%run_scoped3A_365 : memref<!tpu.dma_semaphore, #tpu.memory_space<semaphore_mem>>) src(%arg11 : memref<128x128xf32, #tpu.memory_space<vmem>>) dst(%dma_wait3A_377 : memref<10240x128xf32, #tpu.memory_space<vmem_shared>>)
        tpu.yield
      }) : () -> ()
      %mul3A_88 = arith.constant 8 : i32
      %mul3A_89 = arith.muli %add3A_35, %mul3A_88 : i32
      %add3A_90 = arith.constant 2 : i32
      %add3A_91 = arith.addi %mul3A_89, %add3A_90 : i32
      %add3A_92 = arith.constant 1 : i32
      %add3A_93 = arith.addi %add3A_91, %add3A_92 : i32
      %lt3A_94 = arith.constant 80 : i32
      %lt3A_95 = arith.cmpi slt, %add3A_93, %lt3A_94 : i32
      %convert_element_type3A_96 = arith.extui %lt3A_95 : i1 to i32
      %cond3A_97 = arith.constant 0 : i32
      %cond3A_98 = arith.cmpi ne, %convert_element_type3A_96, %cond3A_97 : i32
      scf.if %cond3A_98 {
        %add3A_365 = arith.constant 1 : i32
        %add3A_366 = arith.addi %add3A_91, %add3A_365 : i32
        %mul3A_367 = arith.constant 128 : i32
        %mul3A_368 = arith.muli %add3A_366, %mul3A_367 : i32
        %dma_start3A_369 = tpu.memref_slice %arg7[%mul3A_368] : memref<10240xi32, #tpu.memory_space<vmem>> -> memref<128xi32, #tpu.memory_space<vmem>>
        %dma_start3A_370 = arith.constant 0 : i32
        %dma_start3A_371 = arith.constant 0 : i32
        %dma_start3A_372 = tpu.memref_slice %arg2[%dma_start3A_370, %dma_start3A_371] : memref<10240x128xf32, #tpu.memory_space<hbm>> -> memref<10240x128xf32, #tpu.memory_space<hbm>>
        tpu.enqueue_indirect_dma source(%dma_start3A_372 : memref<10240x128xf32, #tpu.memory_space<hbm>>) target(%arg11 : memref<128x128xf32, #tpu.memory_space<vmem>>) offsets(%dma_start3A_369 : memref<128xi32, #tpu.memory_space<vmem>>) semaphore(%arg15 : memref<!tpu.dma_semaphore, #tpu.memory_space<semaphore_mem>>)
      } else {
      }
      %mul3A_99 = arith.constant 128 : i32
      %mul3A_100 = arith.muli %add3A_91, %mul3A_99 : i32
      %dma_wait3A_101 = tpu.memref_slice %arg7[%mul3A_100] : memref<10240xi32, #tpu.memory_space<vmem>> -> memref<128xi32, #tpu.memory_space<vmem>>
      %dma_wait3A_102 = arith.constant 0 : i32
      %dma_wait3A_103 = arith.constant 0 : i32
      %dma_wait3A_104 = tpu.memref_slice %arg2[%dma_wait3A_102, %dma_wait3A_103] : memref<10240x128xf32, #tpu.memory_space<hbm>> -> memref<10240x128xf32, #tpu.memory_space<hbm>>
      tpu.wait_indirect_dma semaphore(%arg14 : memref<!tpu.dma_semaphore, #tpu.memory_space<semaphore_mem>>) src(%dma_wait3A_104 : memref<10240x128xf32, #tpu.memory_space<hbm>>) dst(%arg10 : memref<128x128xf32, #tpu.memory_space<vmem>>)
      %run_scoped3A_105 = arith.constant 2 : i32
      "tpu.region"() ({
        %run_scoped3A_365 = tpu.sem_alloc : memref<!tpu.dma_semaphore, #tpu.memory_space<semaphore_mem>>
        %dma_start3A_366 = arith.constant 0 : i32
        %dma_start3A_367 = tpu.memref_slice %arg8[%run_scoped3A_105, %dma_start3A_366] : memref<8x128xi32, #tpu.memory_space<vmem>> -> memref<1x128xi32, #tpu.memory_space<vmem>>
        %dma_start3A_368 = tpu.memref_squeeze %dma_start3A_367 : memref<1x128xi32, #tpu.memory_space<vmem>> -> memref<128xi32, #tpu.memory_space<vmem>>
        %dma_start3A_369 = arith.constant 0 : i32
        %dma_start3A_370 = arith.constant 0 : i32
        %dma_start3A_371 = tpu.memref_slice %arg16[%dma_start3A_369, %dma_start3A_370] : memref<10240x128xf32, #tpu.memory_space<vmem_shared>> -> memref<10240x128xf32, #tpu.memory_space<vmem_shared>>
        tpu.enqueue_indirect_dma source(%arg10 : memref<128x128xf32, #tpu.memory_space<vmem>>) target(%dma_start3A_371 : memref<10240x128xf32, #tpu.memory_space<vmem_shared>>) offsets(%dma_start3A_368 : memref<128xi32, #tpu.memory_space<vmem>>) semaphore(%run_scoped3A_365 : memref<!tpu.dma_semaphore, #tpu.memory_space<semaphore_mem>>) {add = true}
        %dma_wait3A_372 = arith.constant 0 : i32
        %dma_wait3A_373 = tpu.memref_slice %arg8[%run_scoped3A_105, %dma_wait3A_372] : memref<8x128xi32, #tpu.memory_space<vmem>> -> memref<1x128xi32, #tpu.memory_space<vmem>>
        %dma_wait3A_374 = tpu.memref_squeeze %dma_wait3A_373 : memref<1x128xi32, #tpu.memory_space<vmem>> -> memref<128xi32, #tpu.memory_space<vmem>>
        %dma_wait3A_375 = arith.constant 0 : i32
        %dma_wait3A_376 = arith.constant 0 : i32
        %dma_wait3A_377 = tpu.memref_slice %arg16[%dma_wait3A_375, %dma_wait3A_376] : memref<10240x128xf32, #tpu.memory_space<vmem_shared>> -> memref<10240x128xf32, #tpu.memory_space<vmem_shared>>
        tpu.wait_indirect_dma semaphore(%run_scoped3A_365 : memref<!tpu.dma_semaphore, #tpu.memory_space<semaphore_mem>>) src(%arg10 : memref<128x128xf32, #tpu.memory_space<vmem>>) dst(%dma_wait3A_377 : memref<10240x128xf32, #tpu.memory_space<vmem_shared>>)
        tpu.yield
      }) : () -> ()
      %mul3A_106 = arith.constant 8 : i32
      %mul3A_107 = arith.muli %add3A_35, %mul3A_106 : i32
      %add3A_108 = arith.constant 3 : i32
      %add3A_109 = arith.addi %mul3A_107, %add3A_108 : i32
      %add3A_110 = arith.constant 1 : i32
      %add3A_111 = arith.addi %add3A_109, %add3A_110 : i32
      %lt3A_112 = arith.constant 80 : i32
      %lt3A_113 = arith.cmpi slt, %add3A_111, %lt3A_112 : i32
      %convert_element_type3A_114 = arith.extui %lt3A_113 : i1 to i32
      %cond3A_115 = arith.constant 0 : i32
      %cond3A_116 = arith.cmpi ne, %convert_element_type3A_114, %cond3A_115 : i32
      scf.if %cond3A_116 {
        %add3A_365 = arith.constant 1 : i32
        %add3A_366 = arith.addi %add3A_109, %add3A_365 : i32
        %mul3A_367 = arith.constant 128 : i32
        %mul3A_368 = arith.muli %add3A_366, %mul3A_367 : i32
        %dma_start3A_369 = tpu.memref_slice %arg7[%mul3A_368] : memref<10240xi32, #tpu.memory_space<vmem>> -> memref<128xi32, #tpu.memory_space<vmem>>
        %dma_start3A_370 = arith.constant 0 : i32
        %dma_start3A_371 = arith.constant 0 : i32
        %dma_start3A_372 = tpu.memref_slice %arg2[%dma_start3A_370, %dma_start3A_371] : memref<10240x128xf32, #tpu.memory_space<hbm>> -> memref<10240x128xf32, #tpu.memory_space<hbm>>
        tpu.enqueue_indirect_dma source(%dma_start3A_372 : memref<10240x128xf32, #tpu.memory_space<hbm>>) target(%arg10 : memref<128x128xf32, #tpu.memory_space<vmem>>) offsets(%dma_start3A_369 : memref<128xi32, #tpu.memory_space<vmem>>) semaphore(%arg14 : memref<!tpu.dma_semaphore, #tpu.memory_space<semaphore_mem>>)
      } else {
      }
      %mul3A_117 = arith.constant 128 : i32
      %mul3A_118 = arith.muli %add3A_109, %mul3A_117 : i32
      %dma_wait3A_119 = tpu.memref_slice %arg7[%mul3A_118] : memref<10240xi32, #tpu.memory_space<vmem>> -> memref<128xi32, #tpu.memory_space<vmem>>
      %dma_wait3A_120 = arith.constant 0 : i32
      %dma_wait3A_121 = arith.constant 0 : i32
      %dma_wait3A_122 = tpu.memref_slice %arg2[%dma_wait3A_120, %dma_wait3A_121] : memref<10240x128xf32, #tpu.memory_space<hbm>> -> memref<10240x128xf32, #tpu.memory_space<hbm>>
      tpu.wait_indirect_dma semaphore(%arg15 : memref<!tpu.dma_semaphore, #tpu.memory_space<semaphore_mem>>) src(%dma_wait3A_122 : memref<10240x128xf32, #tpu.memory_space<hbm>>) dst(%arg11 : memref<128x128xf32, #tpu.memory_space<vmem>>)
      %run_scoped3A_123 = arith.constant 3 : i32
      "tpu.region"() ({
        %run_scoped3A_365 = tpu.sem_alloc : memref<!tpu.dma_semaphore, #tpu.memory_space<semaphore_mem>>
        %dma_start3A_366 = arith.constant 0 : i32
        %dma_start3A_367 = tpu.memref_slice %arg8[%run_scoped3A_123, %dma_start3A_366] : memref<8x128xi32, #tpu.memory_space<vmem>> -> memref<1x128xi32, #tpu.memory_space<vmem>>
        %dma_start3A_368 = tpu.memref_squeeze %dma_start3A_367 : memref<1x128xi32, #tpu.memory_space<vmem>> -> memref<128xi32, #tpu.memory_space<vmem>>
        %dma_start3A_369 = arith.constant 0 : i32
        %dma_start3A_370 = arith.constant 0 : i32
        %dma_start3A_371 = tpu.memref_slice %arg16[%dma_start3A_369, %dma_start3A_370] : memref<10240x128xf32, #tpu.memory_space<vmem_shared>> -> memref<10240x128xf32, #tpu.memory_space<vmem_shared>>
        tpu.enqueue_indirect_dma source(%arg11 : memref<128x128xf32, #tpu.memory_space<vmem>>) target(%dma_start3A_371 : memref<10240x128xf32, #tpu.memory_space<vmem_shared>>) offsets(%dma_start3A_368 : memref<128xi32, #tpu.memory_space<vmem>>) semaphore(%run_scoped3A_365 : memref<!tpu.dma_semaphore, #tpu.memory_space<semaphore_mem>>) {add = true}
        %dma_wait3A_372 = arith.constant 0 : i32
        %dma_wait3A_373 = tpu.memref_slice %arg8[%run_scoped3A_123, %dma_wait3A_372] : memref<8x128xi32, #tpu.memory_space<vmem>> -> memref<1x128xi32, #tpu.memory_space<vmem>>
        %dma_wait3A_374 = tpu.memref_squeeze %dma_wait3A_373 : memref<1x128xi32, #tpu.memory_space<vmem>> -> memref<128xi32, #tpu.memory_space<vmem>>
        %dma_wait3A_375 = arith.constant 0 : i32
        %dma_wait3A_376 = arith.constant 0 : i32
        %dma_wait3A_377 = tpu.memref_slice %arg16[%dma_wait3A_375, %dma_wait3A_376] : memref<10240x128xf32, #tpu.memory_space<vmem_shared>> -> memref<10240x128xf32, #tpu.memory_space<vmem_shared>>
        tpu.wait_indirect_dma semaphore(%run_scoped3A_365 : memref<!tpu.dma_semaphore, #tpu.memory_space<semaphore_mem>>) src(%arg11 : memref<128x128xf32, #tpu.memory_space<vmem>>) dst(%dma_wait3A_377 : memref<10240x128xf32, #tpu.memory_space<vmem_shared>>)
        tpu.yield
      }) : () -> ()
      %mul3A_124 = arith.constant 8 : i32
      %mul3A_125 = arith.muli %add3A_35, %mul3A_124 : i32
      %add3A_126 = arith.constant 4 : i32
      %add3A_127 = arith.addi %mul3A_125, %add3A_126 : i32
      %add3A_128 = arith.constant 1 : i32
      %add3A_129 = arith.addi %add3A_127, %add3A_128 : i32
      %lt3A_130 = arith.constant 80 : i32
      %lt3A_131 = arith.cmpi slt, %add3A_129, %lt3A_130 : i32
      %convert_element_type3A_132 = arith.extui %lt3A_131 : i1 to i32
      %cond3A_133 = arith.constant 0 : i32
      %cond3A_134 = arith.cmpi ne, %convert_element_type3A_132, %cond3A_133 : i32
      scf.if %cond3A_134 {
        %add3A_365 = arith.constant 1 : i32
        %add3A_366 = arith.addi %add3A_127, %add3A_365 : i32
        %mul3A_367 = arith.constant 128 : i32
        %mul3A_368 = arith.muli %add3A_366, %mul3A_367 : i32
        %dma_start3A_369 = tpu.memref_slice %arg7[%mul3A_368] : memref<10240xi32, #tpu.memory_space<vmem>> -> memref<128xi32, #tpu.memory_space<vmem>>
        %dma_start3A_370 = arith.constant 0 : i32
        %dma_start3A_371 = arith.constant 0 : i32
        %dma_start3A_372 = tpu.memref_slice %arg2[%dma_start3A_370, %dma_start3A_371] : memref<10240x128xf32, #tpu.memory_space<hbm>> -> memref<10240x128xf32, #tpu.memory_space<hbm>>
        tpu.enqueue_indirect_dma source(%dma_start3A_372 : memref<10240x128xf32, #tpu.memory_space<hbm>>) target(%arg11 : memref<128x128xf32, #tpu.memory_space<vmem>>) offsets(%dma_start3A_369 : memref<128xi32, #tpu.memory_space<vmem>>) semaphore(%arg15 : memref<!tpu.dma_semaphore, #tpu.memory_space<semaphore_mem>>)
      } else {
      }
      %mul3A_135 = arith.constant 128 : i32
      %mul3A_136 = arith.muli %add3A_127, %mul3A_135 : i32
      %dma_wait3A_137 = tpu.memref_slice %arg7[%mul3A_136] : memref<10240xi32, #tpu.memory_space<vmem>> -> memref<128xi32, #tpu.memory_space<vmem>>
      %dma_wait3A_138 = arith.constant 0 : i32
      %dma_wait3A_139 = arith.constant 0 : i32
      %dma_wait3A_140 = tpu.memref_slice %arg2[%dma_wait3A_138, %dma_wait3A_139] : memref<10240x128xf32, #tpu.memory_space<hbm>> -> memref<10240x128xf32, #tpu.memory_space<hbm>>
      tpu.wait_indirect_dma semaphore(%arg14 : memref<!tpu.dma_semaphore, #tpu.memory_space<semaphore_mem>>) src(%dma_wait3A_140 : memref<10240x128xf32, #tpu.memory_space<hbm>>) dst(%arg10 : memref<128x128xf32, #tpu.memory_space<vmem>>)
      %run_scoped3A_141 = arith.constant 4 : i32
      "tpu.region"() ({
        %run_scoped3A_365 = tpu.sem_alloc : memref<!tpu.dma_semaphore, #tpu.memory_space<semaphore_mem>>
        %dma_start3A_366 = arith.constant 0 : i32
        %dma_start3A_367 = tpu.memref_slice %arg8[%run_scoped3A_141, %dma_start3A_366] : memref<8x128xi32, #tpu.memory_space<vmem>> -> memref<1x128xi32, #tpu.memory_space<vmem>>
        %dma_start3A_368 = tpu.memref_squeeze %dma_start3A_367 : memref<1x128xi32, #tpu.memory_space<vmem>> -> memref<128xi32, #tpu.memory_space<vmem>>
        %dma_start3A_369 = arith.constant 0 : i32
        %dma_start3A_370 = arith.constant 0 : i32
        %dma_start3A_371 = tpu.memref_slice %arg16[%dma_start3A_369, %dma_start3A_370] : memref<10240x128xf32, #tpu.memory_space<vmem_shared>> -> memref<10240x128xf32, #tpu.memory_space<vmem_shared>>
        tpu.enqueue_indirect_dma source(%arg10 : memref<128x128xf32, #tpu.memory_space<vmem>>) target(%dma_start3A_371 : memref<10240x128xf32, #tpu.memory_space<vmem_shared>>) offsets(%dma_start3A_368 : memref<128xi32, #tpu.memory_space<vmem>>) semaphore(%run_scoped3A_365 : memref<!tpu.dma_semaphore, #tpu.memory_space<semaphore_mem>>) {add = true}
        %dma_wait3A_372 = arith.constant 0 : i32
        %dma_wait3A_373 = tpu.memref_slice %arg8[%run_scoped3A_141, %dma_wait3A_372] : memref<8x128xi32, #tpu.memory_space<vmem>> -> memref<1x128xi32, #tpu.memory_space<vmem>>
        %dma_wait3A_374 = tpu.memref_squeeze %dma_wait3A_373 : memref<1x128xi32, #tpu.memory_space<vmem>> -> memref<128xi32, #tpu.memory_space<vmem>>
        %dma_wait3A_375 = arith.constant 0 : i32
        %dma_wait3A_376 = arith.constant 0 : i32
        %dma_wait3A_377 = tpu.memref_slice %arg16[%dma_wait3A_375, %dma_wait3A_376] : memref<10240x128xf32, #tpu.memory_space<vmem_shared>> -> memref<10240x128xf32, #tpu.memory_space<vmem_shared>>
        tpu.wait_indirect_dma semaphore(%run_scoped3A_365 : memref<!tpu.dma_semaphore, #tpu.memory_space<semaphore_mem>>) src(%arg10 : memref<128x128xf32, #tpu.memory_space<vmem>>) dst(%dma_wait3A_377 : memref<10240x128xf32, #tpu.memory_space<vmem_shared>>)
        tpu.yield
      }) : () -> ()
      %mul3A_142 = arith.constant 8 : i32
      %mul3A_143 = arith.muli %add3A_35, %mul3A_142 : i32
      %add3A_144 = arith.constant 5 : i32
      %add3A_145 = arith.addi %mul3A_143, %add3A_144 : i32
      %add3A_146 = arith.constant 1 : i32
      %add3A_147 = arith.addi %add3A_145, %add3A_146 : i32
      %lt3A_148 = arith.constant 80 : i32
      %lt3A_149 = arith.cmpi slt, %add3A_147, %lt3A_148 : i32
      %convert_element_type3A_150 = arith.extui %lt3A_149 : i1 to i32
      %cond3A_151 = arith.constant 0 : i32
      %cond3A_152 = arith.cmpi ne, %convert_element_type3A_150, %cond3A_151 : i32
      scf.if %cond3A_152 {
        %add3A_365 = arith.constant 1 : i32
        %add3A_366 = arith.addi %add3A_145, %add3A_365 : i32
        %mul3A_367 = arith.constant 128 : i32
        %mul3A_368 = arith.muli %add3A_366, %mul3A_367 : i32
        %dma_start3A_369 = tpu.memref_slice %arg7[%mul3A_368] : memref<10240xi32, #tpu.memory_space<vmem>> -> memref<128xi32, #tpu.memory_space<vmem>>
        %dma_start3A_370 = arith.constant 0 : i32
        %dma_start3A_371 = arith.constant 0 : i32
        %dma_start3A_372 = tpu.memref_slice %arg2[%dma_start3A_370, %dma_start3A_371] : memref<10240x128xf32, #tpu.memory_space<hbm>> -> memref<10240x128xf32, #tpu.memory_space<hbm>>
        tpu.enqueue_indirect_dma source(%dma_start3A_372 : memref<10240x128xf32, #tpu.memory_space<hbm>>) target(%arg10 : memref<128x128xf32, #tpu.memory_space<vmem>>) offsets(%dma_start3A_369 : memref<128xi32, #tpu.memory_space<vmem>>) semaphore(%arg14 : memref<!tpu.dma_semaphore, #tpu.memory_space<semaphore_mem>>)
      } else {
      }
      %mul3A_153 = arith.constant 128 : i32
      %mul3A_154 = arith.muli %add3A_145, %mul3A_153 : i32
      %dma_wait3A_155 = tpu.memref_slice %arg7[%mul3A_154] : memref<10240xi32, #tpu.memory_space<vmem>> -> memref<128xi32, #tpu.memory_space<vmem>>
      %dma_wait3A_156 = arith.constant 0 : i32
      %dma_wait3A_157 = arith.constant 0 : i32
      %dma_wait3A_158 = tpu.memref_slice %arg2[%dma_wait3A_156, %dma_wait3A_157] : memref<10240x128xf32, #tpu.memory_space<hbm>> -> memref<10240x128xf32, #tpu.memory_space<hbm>>
      tpu.wait_indirect_dma semaphore(%arg15 : memref<!tpu.dma_semaphore, #tpu.memory_space<semaphore_mem>>) src(%dma_wait3A_158 : memref<10240x128xf32, #tpu.memory_space<hbm>>) dst(%arg11 : memref<128x128xf32, #tpu.memory_space<vmem>>)
      %run_scoped3A_159 = arith.constant 5 : i32
      "tpu.region"() ({
        %run_scoped3A_365 = tpu.sem_alloc : memref<!tpu.dma_semaphore, #tpu.memory_space<semaphore_mem>>
        %dma_start3A_366 = arith.constant 0 : i32
        %dma_start3A_367 = tpu.memref_slice %arg8[%run_scoped3A_159, %dma_start3A_366] : memref<8x128xi32, #tpu.memory_space<vmem>> -> memref<1x128xi32, #tpu.memory_space<vmem>>
        %dma_start3A_368 = tpu.memref_squeeze %dma_start3A_367 : memref<1x128xi32, #tpu.memory_space<vmem>> -> memref<128xi32, #tpu.memory_space<vmem>>
        %dma_start3A_369 = arith.constant 0 : i32
        %dma_start3A_370 = arith.constant 0 : i32
        %dma_start3A_371 = tpu.memref_slice %arg16[%dma_start3A_369, %dma_start3A_370] : memref<10240x128xf32, #tpu.memory_space<vmem_shared>> -> memref<10240x128xf32, #tpu.memory_space<vmem_shared>>
        tpu.enqueue_indirect_dma source(%arg11 : memref<128x128xf32, #tpu.memory_space<vmem>>) target(%dma_start3A_371 : memref<10240x128xf32, #tpu.memory_space<vmem_shared>>) offsets(%dma_start3A_368 : memref<128xi32, #tpu.memory_space<vmem>>) semaphore(%run_scoped3A_365 : memref<!tpu.dma_semaphore, #tpu.memory_space<semaphore_mem>>) {add = true}
        %dma_wait3A_372 = arith.constant 0 : i32
        %dma_wait3A_373 = tpu.memref_slice %arg8[%run_scoped3A_159, %dma_wait3A_372] : memref<8x128xi32, #tpu.memory_space<vmem>> -> memref<1x128xi32, #tpu.memory_space<vmem>>
        %dma_wait3A_374 = tpu.memref_squeeze %dma_wait3A_373 : memref<1x128xi32, #tpu.memory_space<vmem>> -> memref<128xi32, #tpu.memory_space<vmem>>
        %dma_wait3A_375 = arith.constant 0 : i32
        %dma_wait3A_376 = arith.constant 0 : i32
        %dma_wait3A_377 = tpu.memref_slice %arg16[%dma_wait3A_375, %dma_wait3A_376] : memref<10240x128xf32, #tpu.memory_space<vmem_shared>> -> memref<10240x128xf32, #tpu.memory_space<vmem_shared>>
        tpu.wait_indirect_dma semaphore(%run_scoped3A_365 : memref<!tpu.dma_semaphore, #tpu.memory_space<semaphore_mem>>) src(%arg11 : memref<128x128xf32, #tpu.memory_space<vmem>>) dst(%dma_wait3A_377 : memref<10240x128xf32, #tpu.memory_space<vmem_shared>>)
        tpu.yield
      }) : () -> ()
      %mul3A_160 = arith.constant 8 : i32
      %mul3A_161 = arith.muli %add3A_35, %mul3A_160 : i32
      %add3A_162 = arith.constant 6 : i32
      %add3A_163 = arith.addi %mul3A_161, %add3A_162 : i32
      %add3A_164 = arith.constant 1 : i32
      %add3A_165 = arith.addi %add3A_163, %add3A_164 : i32
      %lt3A_166 = arith.constant 80 : i32
      %lt3A_167 = arith.cmpi slt, %add3A_165, %lt3A_166 : i32
      %convert_element_type3A_168 = arith.extui %lt3A_167 : i1 to i32
      %cond3A_169 = arith.constant 0 : i32
      %cond3A_170 = arith.cmpi ne, %convert_element_type3A_168, %cond3A_169 : i32
      scf.if %cond3A_170 {
        %add3A_365 = arith.constant 1 : i32
        %add3A_366 = arith.addi %add3A_163, %add3A_365 : i32
        %mul3A_367 = arith.constant 128 : i32
        %mul3A_368 = arith.muli %add3A_366, %mul3A_367 : i32
        %dma_start3A_369 = tpu.memref_slice %arg7[%mul3A_368] : memref<10240xi32, #tpu.memory_space<vmem>> -> memref<128xi32, #tpu.memory_space<vmem>>
        %dma_start3A_370 = arith.constant 0 : i32
        %dma_start3A_371 = arith.constant 0 : i32
        %dma_start3A_372 = tpu.memref_slice %arg2[%dma_start3A_370, %dma_start3A_371] : memref<10240x128xf32, #tpu.memory_space<hbm>> -> memref<10240x128xf32, #tpu.memory_space<hbm>>
        tpu.enqueue_indirect_dma source(%dma_start3A_372 : memref<10240x128xf32, #tpu.memory_space<hbm>>) target(%arg11 : memref<128x128xf32, #tpu.memory_space<vmem>>) offsets(%dma_start3A_369 : memref<128xi32, #tpu.memory_space<vmem>>) semaphore(%arg15 : memref<!tpu.dma_semaphore, #tpu.memory_space<semaphore_mem>>)
      } else {
      }
      %mul3A_171 = arith.constant 128 : i32
      %mul3A_172 = arith.muli %add3A_163, %mul3A_171 : i32
      %dma_wait3A_173 = tpu.memref_slice %arg7[%mul3A_172] : memref<10240xi32, #tpu.memory_space<vmem>> -> memref<128xi32, #tpu.memory_space<vmem>>
      %dma_wait3A_174 = arith.constant 0 : i32
      %dma_wait3A_175 = arith.constant 0 : i32
      %dma_wait3A_176 = tpu.memref_slice %arg2[%dma_wait3A_174, %dma_wait3A_175] : memref<10240x128xf32, #tpu.memory_space<hbm>> -> memref<10240x128xf32, #tpu.memory_space<hbm>>
      tpu.wait_indirect_dma semaphore(%arg14 : memref<!tpu.dma_semaphore, #tpu.memory_space<semaphore_mem>>) src(%dma_wait3A_176 : memref<10240x128xf32, #tpu.memory_space<hbm>>) dst(%arg10 : memref<128x128xf32, #tpu.memory_space<vmem>>)
      %run_scoped3A_177 = arith.constant 6 : i32
      "tpu.region"() ({
        %run_scoped3A_365 = tpu.sem_alloc : memref<!tpu.dma_semaphore, #tpu.memory_space<semaphore_mem>>
        %dma_start3A_366 = arith.constant 0 : i32
        %dma_start3A_367 = tpu.memref_slice %arg8[%run_scoped3A_177, %dma_start3A_366] : memref<8x128xi32, #tpu.memory_space<vmem>> -> memref<1x128xi32, #tpu.memory_space<vmem>>
        %dma_start3A_368 = tpu.memref_squeeze %dma_start3A_367 : memref<1x128xi32, #tpu.memory_space<vmem>> -> memref<128xi32, #tpu.memory_space<vmem>>
        %dma_start3A_369 = arith.constant 0 : i32
        %dma_start3A_370 = arith.constant 0 : i32
        %dma_start3A_371 = tpu.memref_slice %arg16[%dma_start3A_369, %dma_start3A_370] : memref<10240x128xf32, #tpu.memory_space<vmem_shared>> -> memref<10240x128xf32, #tpu.memory_space<vmem_shared>>
        tpu.enqueue_indirect_dma source(%arg10 : memref<128x128xf32, #tpu.memory_space<vmem>>) target(%dma_start3A_371 : memref<10240x128xf32, #tpu.memory_space<vmem_shared>>) offsets(%dma_start3A_368 : memref<128xi32, #tpu.memory_space<vmem>>) semaphore(%run_scoped3A_365 : memref<!tpu.dma_semaphore, #tpu.memory_space<semaphore_mem>>) {add = true}
        %dma_wait3A_372 = arith.constant 0 : i32
        %dma_wait3A_373 = tpu.memref_slice %arg8[%run_scoped3A_177, %dma_wait3A_372] : memref<8x128xi32, #tpu.memory_space<vmem>> -> memref<1x128xi32, #tpu.memory_space<vmem>>
        %dma_wait3A_374 = tpu.memref_squeeze %dma_wait3A_373 : memref<1x128xi32, #tpu.memory_space<vmem>> -> memref<128xi32, #tpu.memory_space<vmem>>
        %dma_wait3A_375 = arith.constant 0 : i32
        %dma_wait3A_376 = arith.constant 0 : i32
        %dma_wait3A_377 = tpu.memref_slice %arg16[%dma_wait3A_375, %dma_wait3A_376] : memref<10240x128xf32, #tpu.memory_space<vmem_shared>> -> memref<10240x128xf32, #tpu.memory_space<vmem_shared>>
        tpu.wait_indirect_dma semaphore(%run_scoped3A_365 : memref<!tpu.dma_semaphore, #tpu.memory_space<semaphore_mem>>) src(%arg10 : memref<128x128xf32, #tpu.memory_space<vmem>>) dst(%dma_wait3A_377 : memref<10240x128xf32, #tpu.memory_space<vmem_shared>>)
        tpu.yield
      }) : () -> ()
      %mul3A_178 = arith.constant 8 : i32
      %mul3A_179 = arith.muli %add3A_35, %mul3A_178 : i32
      %add3A_180 = arith.constant 7 : i32
      %add3A_181 = arith.addi %mul3A_179, %add3A_180 : i32
      %add3A_182 = arith.constant 1 : i32
      %add3A_183 = arith.addi %add3A_181, %add3A_182 : i32
      %lt3A_184 = arith.constant 80 : i32
      %lt3A_185 = arith.cmpi slt, %add3A_183, %lt3A_184 : i32
      %convert_element_type3A_186 = arith.extui %lt3A_185 : i1 to i32
      %cond3A_187 = arith.constant 0 : i32
      %cond3A_188 = arith.cmpi ne, %convert_element_type3A_186, %cond3A_187 : i32
      scf.if %cond3A_188 {
        %add3A_365 = arith.constant 1 : i32
        %add3A_366 = arith.addi %add3A_181, %add3A_365 : i32
        %mul3A_367 = arith.constant 128 : i32
        %mul3A_368 = arith.muli %add3A_366, %mul3A_367 : i32
        %dma_start3A_369 = tpu.memref_slice %arg7[%mul3A_368] : memref<10240xi32, #tpu.memory_space<vmem>> -> memref<128xi32, #tpu.memory_space<vmem>>
        %dma_start3A_370 = arith.constant 0 : i32
        %dma_start3A_371 = arith.constant 0 : i32
        %dma_start3A_372 = tpu.memref_slice %arg2[%dma_start3A_370, %dma_start3A_371] : memref<10240x128xf32, #tpu.memory_space<hbm>> -> memref<10240x128xf32, #tpu.memory_space<hbm>>
        tpu.enqueue_indirect_dma source(%dma_start3A_372 : memref<10240x128xf32, #tpu.memory_space<hbm>>) target(%arg10 : memref<128x128xf32, #tpu.memory_space<vmem>>) offsets(%dma_start3A_369 : memref<128xi32, #tpu.memory_space<vmem>>) semaphore(%arg14 : memref<!tpu.dma_semaphore, #tpu.memory_space<semaphore_mem>>)
      } else {
      }
      %mul3A_189 = arith.constant 128 : i32
      %mul3A_190 = arith.muli %add3A_181, %mul3A_189 : i32
      %dma_wait3A_191 = tpu.memref_slice %arg7[%mul3A_190] : memref<10240xi32, #tpu.memory_space<vmem>> -> memref<128xi32, #tpu.memory_space<vmem>>
      %dma_wait3A_192 = arith.constant 0 : i32
      %dma_wait3A_193 = arith.constant 0 : i32
      %dma_wait3A_194 = tpu.memref_slice %arg2[%dma_wait3A_192, %dma_wait3A_193] : memref<10240x128xf32, #tpu.memory_space<hbm>> -> memref<10240x128xf32, #tpu.memory_space<hbm>>
      tpu.wait_indirect_dma semaphore(%arg15 : memref<!tpu.dma_semaphore, #tpu.memory_space<semaphore_mem>>) src(%dma_wait3A_194 : memref<10240x128xf32, #tpu.memory_space<hbm>>) dst(%arg11 : memref<128x128xf32, #tpu.memory_space<vmem>>)
      %run_scoped3A_195 = arith.constant 7 : i32
      "tpu.region"() ({
        %run_scoped3A_365 = tpu.sem_alloc : memref<!tpu.dma_semaphore, #tpu.memory_space<semaphore_mem>>
        %dma_start3A_366 = arith.constant 0 : i32
        %dma_start3A_367 = tpu.memref_slice %arg8[%run_scoped3A_195, %dma_start3A_366] : memref<8x128xi32, #tpu.memory_space<vmem>> -> memref<1x128xi32, #tpu.memory_space<vmem>>
        %dma_start3A_368 = tpu.memref_squeeze %dma_start3A_367 : memref<1x128xi32, #tpu.memory_space<vmem>> -> memref<128xi32, #tpu.memory_space<vmem>>
        %dma_start3A_369 = arith.constant 0 : i32
        %dma_start3A_370 = arith.constant 0 : i32
        %dma_start3A_371 = tpu.memref_slice %arg16[%dma_start3A_369, %dma_start3A_370] : memref<10240x128xf32, #tpu.memory_space<vmem_shared>> -> memref<10240x128xf32, #tpu.memory_space<vmem_shared>>
        tpu.enqueue_indirect_dma source(%arg11 : memref<128x128xf32, #tpu.memory_space<vmem>>) target(%dma_start3A_371 : memref<10240x128xf32, #tpu.memory_space<vmem_shared>>) offsets(%dma_start3A_368 : memref<128xi32, #tpu.memory_space<vmem>>) semaphore(%run_scoped3A_365 : memref<!tpu.dma_semaphore, #tpu.memory_space<semaphore_mem>>) {add = true}
        %dma_wait3A_372 = arith.constant 0 : i32
        %dma_wait3A_373 = tpu.memref_slice %arg8[%run_scoped3A_195, %dma_wait3A_372] : memref<8x128xi32, #tpu.memory_space<vmem>> -> memref<1x128xi32, #tpu.memory_space<vmem>>
        %dma_wait3A_374 = tpu.memref_squeeze %dma_wait3A_373 : memref<1x128xi32, #tpu.memory_space<vmem>> -> memref<128xi32, #tpu.memory_space<vmem>>
        %dma_wait3A_375 = arith.constant 0 : i32
        %dma_wait3A_376 = arith.constant 0 : i32
        %dma_wait3A_377 = tpu.memref_slice %arg16[%dma_wait3A_375, %dma_wait3A_376] : memref<10240x128xf32, #tpu.memory_space<vmem_shared>> -> memref<10240x128xf32, #tpu.memory_space<vmem_shared>>
        tpu.wait_indirect_dma semaphore(%run_scoped3A_365 : memref<!tpu.dma_semaphore, #tpu.memory_space<semaphore_mem>>) src(%arg11 : memref<128x128xf32, #tpu.memory_space<vmem>>) dst(%dma_wait3A_377 : memref<10240x128xf32, #tpu.memory_space<vmem_shared>>)
        tpu.yield
      }) : () -> ()
      %mul3A_196 = arith.constant 2 : i32
      %mul3A_197 = arith.muli %mul3A_196, %scan3A_31 : i32
      %add3A_198 = arith.constant 1 : i32
      %add3A_199 = arith.addi %mul3A_197, %add3A_198 : i32
      %add3A_200 = arith.constant 1 : i32
      %add3A_201 = arith.addi %add3A_199, %add3A_200 : i32
      %lt3A_202 = arith.constant 10 : i32
      %lt3A_203 = arith.cmpi slt, %add3A_201, %lt3A_202 : i32
      %convert_element_type3A_204 = arith.extui %lt3A_203 : i1 to i32
      %cond3A_205 = arith.constant 0 : i32
      %cond3A_206 = arith.cmpi ne, %convert_element_type3A_204, %cond3A_205 : i32
      scf.if %cond3A_206 {
        %add3A_365 = arith.constant 1 : i32
        %add3A_366 = arith.addi %add3A_199, %add3A_365 : i32
        %mul3A_367 = arith.constant 8 : i32
        %mul3A_368 = arith.muli %add3A_366, %mul3A_367 : i32
        %dma_start3A_369 = arith.constant 0 : i32
        %dma_start3A_370 = arith.constant 0 : i32
        %dma_start3A_371 = tpu.memref_slice %arg4[%add3A, %dma_start3A_369, %dma_start3A_370] : memref<32x80x128xi32, #tpu.memory_space<hbm>> -> memref<1x80x128xi32, #tpu.memory_space<hbm>>
        %dma_start3A_372 = tpu.memref_squeeze %dma_start3A_371 : memref<1x80x128xi32, #tpu.memory_space<hbm>> -> memref<80x128xi32, #tpu.memory_space<hbm>>
        %dma_start3A_373 = arith.constant 0 : i32
        %dma_start3A_374 = tpu.memref_slice %dma_start3A_372[%mul3A_368, %dma_start3A_373] : memref<80x128xi32, #tpu.memory_space<hbm>> -> memref<8x128xi32, #tpu.memory_space<hbm>>
        %dma_start3A_375 = arith.constant 0 : i32
        %dma_start3A_376 = arith.constant 0 : i32
        %dma_start3A_377 = tpu.memref_slice %arg4[%add3A, %dma_start3A_375, %dma_start3A_376] : memref<32x80x128xi32, #tpu.memory_space<hbm>> -> memref<1x80x128xi32, #tpu.memory_space<hbm>>
        %dma_start3A_378 = tpu.memref_squeeze %dma_start3A_377 : memref<1x80x128xi32, #tpu.memory_space<hbm>> -> memref<80x128xi32, #tpu.memory_space<hbm>>
        %dma_start3A_379 = arith.constant 0 : i32
        %dma_start3A_380 = tpu.memref_slice %dma_start3A_378[%mul3A_368, %dma_start3A_379] : memref<80x128xi32, #tpu.memory_space<hbm>> -> memref<8x128xi32, #tpu.memory_space<hbm>>
        tpu.enqueue_dma source(%dma_start3A_380 : memref<8x128xi32, #tpu.memory_space<hbm>>) target(%arg8 : memref<8x128xi32, #tpu.memory_space<vmem>>) target_semaphore(%arg12 : memref<!tpu.dma_semaphore, #tpu.memory_space<semaphore_mem>>)
      } else {
      }
      %dma_wait3A_207 = arith.constant 0 : i32
      %dma_wait3A_208 = arith.constant 0 : i32
      %dma_wait3A_209 = tpu.memref_slice %arg4[%add3A, %dma_wait3A_207, %dma_wait3A_208] : memref<32x80x128xi32, #tpu.memory_space<hbm>> -> memref<1x80x128xi32, #tpu.memory_space<hbm>>
      %dma_wait3A_210 = tpu.memref_squeeze %dma_wait3A_209 : memref<1x80x128xi32, #tpu.memory_space<hbm>> -> memref<80x128xi32, #tpu.memory_space<hbm>>
      %dma_wait3A_211 = arith.constant 0 : i32
      %dma_wait3A_212 = arith.constant 0 : i32
      %dma_wait3A_213 = tpu.memref_slice %dma_wait3A_210[%dma_wait3A_211, %dma_wait3A_212] : memref<80x128xi32, #tpu.memory_space<hbm>> -> memref<8x128xi32, #tpu.memory_space<hbm>>
      %dma_wait3A_214 = arith.constant 0 : i32
      %dma_wait3A_215 = arith.constant 0 : i32
      %dma_wait3A_216 = tpu.memref_slice %arg4[%add3A, %dma_wait3A_214, %dma_wait3A_215] : memref<32x80x128xi32, #tpu.memory_space<hbm>> -> memref<1x80x128xi32, #tpu.memory_space<hbm>>
      %dma_wait3A_217 = tpu.memref_squeeze %dma_wait3A_216 : memref<1x80x128xi32, #tpu.memory_space<hbm>> -> memref<80x128xi32, #tpu.memory_space<hbm>>
      %dma_wait3A_218 = arith.constant 0 : i32
      %dma_wait3A_219 = arith.constant 0 : i32
      %dma_wait3A_220 = tpu.memref_slice %dma_wait3A_217[%dma_wait3A_218, %dma_wait3A_219] : memref<80x128xi32, #tpu.memory_space<hbm>> -> memref<8x128xi32, #tpu.memory_space<hbm>>
      tpu.wait_dma2 semaphore(%arg13 : memref<!tpu.dma_semaphore, #tpu.memory_space<semaphore_mem>>) src(%dma_wait3A_220 : memref<8x128xi32, #tpu.memory_space<hbm>>) dst(%arg9 : memref<8x128xi32, #tpu.memory_space<vmem>>)
      %mul3A_221 = arith.constant 8 : i32
      %mul3A_222 = arith.muli %add3A_199, %mul3A_221 : i32
      %add3A_223 = arith.constant 0 : i32
      %add3A_224 = arith.addi %mul3A_222, %add3A_223 : i32
      %add3A_225 = arith.constant 1 : i32
      %add3A_226 = arith.addi %add3A_224, %add3A_225 : i32
      %lt3A_227 = arith.constant 80 : i32
      %lt3A_228 = arith.cmpi slt, %add3A_226, %lt3A_227 : i32
      %convert_element_type3A_229 = arith.extui %lt3A_228 : i1 to i32
      %cond3A_230 = arith.constant 0 : i32
      %cond3A_231 = arith.cmpi ne, %convert_element_type3A_229, %cond3A_230 : i32
      scf.if %cond3A_231 {
        %add3A_365 = arith.constant 1 : i32
        %add3A_366 = arith.addi %add3A_224, %add3A_365 : i32
        %mul3A_367 = arith.constant 128 : i32
        %mul3A_368 = arith.muli %add3A_366, %mul3A_367 : i32
        %dma_start3A_369 = tpu.memref_slice %arg7[%mul3A_368] : memref<10240xi32, #tpu.memory_space<vmem>> -> memref<128xi32, #tpu.memory_space<vmem>>
        %dma_start3A_370 = arith.constant 0 : i32
        %dma_start3A_371 = arith.constant 0 : i32
        %dma_start3A_372 = tpu.memref_slice %arg2[%dma_start3A_370, %dma_start3A_371] : memref<10240x128xf32, #tpu.memory_space<hbm>> -> memref<10240x128xf32, #tpu.memory_space<hbm>>
        tpu.enqueue_indirect_dma source(%dma_start3A_372 : memref<10240x128xf32, #tpu.memory_space<hbm>>) target(%arg11 : memref<128x128xf32, #tpu.memory_space<vmem>>) offsets(%dma_start3A_369 : memref<128xi32, #tpu.memory_space<vmem>>) semaphore(%arg15 : memref<!tpu.dma_semaphore, #tpu.memory_space<semaphore_mem>>)
      } else {
      }
      %mul3A_232 = arith.constant 128 : i32
      %mul3A_233 = arith.muli %add3A_224, %mul3A_232 : i32
      %dma_wait3A_234 = tpu.memref_slice %arg7[%mul3A_233] : memref<10240xi32, #tpu.memory_space<vmem>> -> memref<128xi32, #tpu.memory_space<vmem>>
      %dma_wait3A_235 = arith.constant 0 : i32
      %dma_wait3A_236 = arith.constant 0 : i32
      %dma_wait3A_237 = tpu.memref_slice %arg2[%dma_wait3A_235, %dma_wait3A_236] : memref<10240x128xf32, #tpu.memory_space<hbm>> -> memref<10240x128xf32, #tpu.memory_space<hbm>>
      tpu.wait_indirect_dma semaphore(%arg14 : memref<!tpu.dma_semaphore, #tpu.memory_space<semaphore_mem>>) src(%dma_wait3A_237 : memref<10240x128xf32, #tpu.memory_space<hbm>>) dst(%arg10 : memref<128x128xf32, #tpu.memory_space<vmem>>)
      %run_scoped3A_238 = arith.constant 0 : i32
      "tpu.region"() ({
        %run_scoped3A_365 = tpu.sem_alloc : memref<!tpu.dma_semaphore, #tpu.memory_space<semaphore_mem>>
        %dma_start3A_366 = arith.constant 0 : i32
        %dma_start3A_367 = tpu.memref_slice %arg9[%run_scoped3A_238, %dma_start3A_366] : memref<8x128xi32, #tpu.memory_space<vmem>> -> memref<1x128xi32, #tpu.memory_space<vmem>>
        %dma_start3A_368 = tpu.memref_squeeze %dma_start3A_367 : memref<1x128xi32, #tpu.memory_space<vmem>> -> memref<128xi32, #tpu.memory_space<vmem>>
        %dma_start3A_369 = arith.constant 0 : i32
        %dma_start3A_370 = arith.constant 0 : i32
        %dma_start3A_371 = tpu.memref_slice %arg16[%dma_start3A_369, %dma_start3A_370] : memref<10240x128xf32, #tpu.memory_space<vmem_shared>> -> memref<10240x128xf32, #tpu.memory_space<vmem_shared>>
        tpu.enqueue_indirect_dma source(%arg10 : memref<128x128xf32, #tpu.memory_space<vmem>>) target(%dma_start3A_371 : memref<10240x128xf32, #tpu.memory_space<vmem_shared>>) offsets(%dma_start3A_368 : memref<128xi32, #tpu.memory_space<vmem>>) semaphore(%run_scoped3A_365 : memref<!tpu.dma_semaphore, #tpu.memory_space<semaphore_mem>>) {add = true}
        %dma_wait3A_372 = arith.constant 0 : i32
        %dma_wait3A_373 = tpu.memref_slice %arg9[%run_scoped3A_238, %dma_wait3A_372] : memref<8x128xi32, #tpu.memory_space<vmem>> -> memref<1x128xi32, #tpu.memory_space<vmem>>
        %dma_wait3A_374 = tpu.memref_squeeze %dma_wait3A_373 : memref<1x128xi32, #tpu.memory_space<vmem>> -> memref<128xi32, #tpu.memory_space<vmem>>
        %dma_wait3A_375 = arith.constant 0 : i32
        %dma_wait3A_376 = arith.constant 0 : i32
        %dma_wait3A_377 = tpu.memref_slice %arg16[%dma_wait3A_375, %dma_wait3A_376] : memref<10240x128xf32, #tpu.memory_space<vmem_shared>> -> memref<10240x128xf32, #tpu.memory_space<vmem_shared>>
        tpu.wait_indirect_dma semaphore(%run_scoped3A_365 : memref<!tpu.dma_semaphore, #tpu.memory_space<semaphore_mem>>) src(%arg10 : memref<128x128xf32, #tpu.memory_space<vmem>>) dst(%dma_wait3A_377 : memref<10240x128xf32, #tpu.memory_space<vmem_shared>>)
        tpu.yield
      }) : () -> ()
      %mul3A_239 = arith.constant 8 : i32
      %mul3A_240 = arith.muli %add3A_199, %mul3A_239 : i32
      %add3A_241 = arith.constant 1 : i32
      %add3A_242 = arith.addi %mul3A_240, %add3A_241 : i32
      %add3A_243 = arith.constant 1 : i32
      %add3A_244 = arith.addi %add3A_242, %add3A_243 : i32
      %lt3A_245 = arith.constant 80 : i32
      %lt3A_246 = arith.cmpi slt, %add3A_244, %lt3A_245 : i32
      %convert_element_type3A_247 = arith.extui %lt3A_246 : i1 to i32
      %cond3A_248 = arith.constant 0 : i32
      %cond3A_249 = arith.cmpi ne, %convert_element_type3A_247, %cond3A_248 : i32
      scf.if %cond3A_249 {
        %add3A_365 = arith.constant 1 : i32
        %add3A_366 = arith.addi %add3A_242, %add3A_365 : i32
        %mul3A_367 = arith.constant 128 : i32
        %mul3A_368 = arith.muli %add3A_366, %mul3A_367 : i32
        %dma_start3A_369 = tpu.memref_slice %arg7[%mul3A_368] : memref<10240xi32, #tpu.memory_space<vmem>> -> memref<128xi32, #tpu.memory_space<vmem>>
        %dma_start3A_370 = arith.constant 0 : i32
        %dma_start3A_371 = arith.constant 0 : i32
        %dma_start3A_372 = tpu.memref_slice %arg2[%dma_start3A_370, %dma_start3A_371] : memref<10240x128xf32, #tpu.memory_space<hbm>> -> memref<10240x128xf32, #tpu.memory_space<hbm>>
        tpu.enqueue_indirect_dma source(%dma_start3A_372 : memref<10240x128xf32, #tpu.memory_space<hbm>>) target(%arg10 : memref<128x128xf32, #tpu.memory_space<vmem>>) offsets(%dma_start3A_369 : memref<128xi32, #tpu.memory_space<vmem>>) semaphore(%arg14 : memref<!tpu.dma_semaphore, #tpu.memory_space<semaphore_mem>>)
      } else {
      }
      %mul3A_250 = arith.constant 128 : i32
      %mul3A_251 = arith.muli %add3A_242, %mul3A_250 : i32
      %dma_wait3A_252 = tpu.memref_slice %arg7[%mul3A_251] : memref<10240xi32, #tpu.memory_space<vmem>> -> memref<128xi32, #tpu.memory_space<vmem>>
      %dma_wait3A_253 = arith.constant 0 : i32
      %dma_wait3A_254 = arith.constant 0 : i32
      %dma_wait3A_255 = tpu.memref_slice %arg2[%dma_wait3A_253, %dma_wait3A_254] : memref<10240x128xf32, #tpu.memory_space<hbm>> -> memref<10240x128xf32, #tpu.memory_space<hbm>>
      tpu.wait_indirect_dma semaphore(%arg15 : memref<!tpu.dma_semaphore, #tpu.memory_space<semaphore_mem>>) src(%dma_wait3A_255 : memref<10240x128xf32, #tpu.memory_space<hbm>>) dst(%arg11 : memref<128x128xf32, #tpu.memory_space<vmem>>)
      %run_scoped3A_256 = arith.constant 1 : i32
      "tpu.region"() ({
        %run_scoped3A_365 = tpu.sem_alloc : memref<!tpu.dma_semaphore, #tpu.memory_space<semaphore_mem>>
        %dma_start3A_366 = arith.constant 0 : i32
        %dma_start3A_367 = tpu.memref_slice %arg9[%run_scoped3A_256, %dma_start3A_366] : memref<8x128xi32, #tpu.memory_space<vmem>> -> memref<1x128xi32, #tpu.memory_space<vmem>>
        %dma_start3A_368 = tpu.memref_squeeze %dma_start3A_367 : memref<1x128xi32, #tpu.memory_space<vmem>> -> memref<128xi32, #tpu.memory_space<vmem>>
        %dma_start3A_369 = arith.constant 0 : i32
        %dma_start3A_370 = arith.constant 0 : i32
        %dma_start3A_371 = tpu.memref_slice %arg16[%dma_start3A_369, %dma_start3A_370] : memref<10240x128xf32, #tpu.memory_space<vmem_shared>> -> memref<10240x128xf32, #tpu.memory_space<vmem_shared>>
        tpu.enqueue_indirect_dma source(%arg11 : memref<128x128xf32, #tpu.memory_space<vmem>>) target(%dma_start3A_371 : memref<10240x128xf32, #tpu.memory_space<vmem_shared>>) offsets(%dma_start3A_368 : memref<128xi32, #tpu.memory_space<vmem>>) semaphore(%run_scoped3A_365 : memref<!tpu.dma_semaphore, #tpu.memory_space<semaphore_mem>>) {add = true}
        %dma_wait3A_372 = arith.constant 0 : i32
        %dma_wait3A_373 = tpu.memref_slice %arg9[%run_scoped3A_256, %dma_wait3A_372] : memref<8x128xi32, #tpu.memory_space<vmem>> -> memref<1x128xi32, #tpu.memory_space<vmem>>
        %dma_wait3A_374 = tpu.memref_squeeze %dma_wait3A_373 : memref<1x128xi32, #tpu.memory_space<vmem>> -> memref<128xi32, #tpu.memory_space<vmem>>
        %dma_wait3A_375 = arith.constant 0 : i32
        %dma_wait3A_376 = arith.constant 0 : i32
        %dma_wait3A_377 = tpu.memref_slice %arg16[%dma_wait3A_375, %dma_wait3A_376] : memref<10240x128xf32, #tpu.memory_space<vmem_shared>> -> memref<10240x128xf32, #tpu.memory_space<vmem_shared>>
        tpu.wait_indirect_dma semaphore(%run_scoped3A_365 : memref<!tpu.dma_semaphore, #tpu.memory_space<semaphore_mem>>) src(%arg11 : memref<128x128xf32, #tpu.memory_space<vmem>>) dst(%dma_wait3A_377 : memref<10240x128xf32, #tpu.memory_space<vmem_shared>>)
        tpu.yield
      }) : () -> ()
      %mul3A_257 = arith.constant 8 : i32
      %mul3A_258 = arith.muli %add3A_199, %mul3A_257 : i32
      %add3A_259 = arith.constant 2 : i32
      %add3A_260 = arith.addi %mul3A_258, %add3A_259 : i32
      %add3A_261 = arith.constant 1 : i32
      %add3A_262 = arith.addi %add3A_260, %add3A_261 : i32
      %lt3A_263 = arith.constant 80 : i32
      %lt3A_264 = arith.cmpi slt, %add3A_262, %lt3A_263 : i32
      %convert_element_type3A_265 = arith.extui %lt3A_264 : i1 to i32
      %cond3A_266 = arith.constant 0 : i32
      %cond3A_267 = arith.cmpi ne, %convert_element_type3A_265, %cond3A_266 : i32
      scf.if %cond3A_267 {
        %add3A_365 = arith.constant 1 : i32
        %add3A_366 = arith.addi %add3A_260, %add3A_365 : i32
        %mul3A_367 = arith.constant 128 : i32
        %mul3A_368 = arith.muli %add3A_366, %mul3A_367 : i32
        %dma_start3A_369 = tpu.memref_slice %arg7[%mul3A_368] : memref<10240xi32, #tpu.memory_space<vmem>> -> memref<128xi32, #tpu.memory_space<vmem>>
        %dma_start3A_370 = arith.constant 0 : i32
        %dma_start3A_371 = arith.constant 0 : i32
        %dma_start3A_372 = tpu.memref_slice %arg2[%dma_start3A_370, %dma_start3A_371] : memref<10240x128xf32, #tpu.memory_space<hbm>> -> memref<10240x128xf32, #tpu.memory_space<hbm>>
        tpu.enqueue_indirect_dma source(%dma_start3A_372 : memref<10240x128xf32, #tpu.memory_space<hbm>>) target(%arg11 : memref<128x128xf32, #tpu.memory_space<vmem>>) offsets(%dma_start3A_369 : memref<128xi32, #tpu.memory_space<vmem>>) semaphore(%arg15 : memref<!tpu.dma_semaphore, #tpu.memory_space<semaphore_mem>>)
      } else {
      }
      %mul3A_268 = arith.constant 128 : i32
      %mul3A_269 = arith.muli %add3A_260, %mul3A_268 : i32
      %dma_wait3A_270 = tpu.memref_slice %arg7[%mul3A_269] : memref<10240xi32, #tpu.memory_space<vmem>> -> memref<128xi32, #tpu.memory_space<vmem>>
      %dma_wait3A_271 = arith.constant 0 : i32
      %dma_wait3A_272 = arith.constant 0 : i32
      %dma_wait3A_273 = tpu.memref_slice %arg2[%dma_wait3A_271, %dma_wait3A_272] : memref<10240x128xf32, #tpu.memory_space<hbm>> -> memref<10240x128xf32, #tpu.memory_space<hbm>>
      tpu.wait_indirect_dma semaphore(%arg14 : memref<!tpu.dma_semaphore, #tpu.memory_space<semaphore_mem>>) src(%dma_wait3A_273 : memref<10240x128xf32, #tpu.memory_space<hbm>>) dst(%arg10 : memref<128x128xf32, #tpu.memory_space<vmem>>)
      %run_scoped3A_274 = arith.constant 2 : i32
      "tpu.region"() ({
        %run_scoped3A_365 = tpu.sem_alloc : memref<!tpu.dma_semaphore, #tpu.memory_space<semaphore_mem>>
        %dma_start3A_366 = arith.constant 0 : i32
        %dma_start3A_367 = tpu.memref_slice %arg9[%run_scoped3A_274, %dma_start3A_366] : memref<8x128xi32, #tpu.memory_space<vmem>> -> memref<1x128xi32, #tpu.memory_space<vmem>>
        %dma_start3A_368 = tpu.memref_squeeze %dma_start3A_367 : memref<1x128xi32, #tpu.memory_space<vmem>> -> memref<128xi32, #tpu.memory_space<vmem>>
        %dma_start3A_369 = arith.constant 0 : i32
        %dma_start3A_370 = arith.constant 0 : i32
        %dma_start3A_371 = tpu.memref_slice %arg16[%dma_start3A_369, %dma_start3A_370] : memref<10240x128xf32, #tpu.memory_space<vmem_shared>> -> memref<10240x128xf32, #tpu.memory_space<vmem_shared>>
        tpu.enqueue_indirect_dma source(%arg10 : memref<128x128xf32, #tpu.memory_space<vmem>>) target(%dma_start3A_371 : memref<10240x128xf32, #tpu.memory_space<vmem_shared>>) offsets(%dma_start3A_368 : memref<128xi32, #tpu.memory_space<vmem>>) semaphore(%run_scoped3A_365 : memref<!tpu.dma_semaphore, #tpu.memory_space<semaphore_mem>>) {add = true}
        %dma_wait3A_372 = arith.constant 0 : i32
        %dma_wait3A_373 = tpu.memref_slice %arg9[%run_scoped3A_274, %dma_wait3A_372] : memref<8x128xi32, #tpu.memory_space<vmem>> -> memref<1x128xi32, #tpu.memory_space<vmem>>
        %dma_wait3A_374 = tpu.memref_squeeze %dma_wait3A_373 : memref<1x128xi32, #tpu.memory_space<vmem>> -> memref<128xi32, #tpu.memory_space<vmem>>
        %dma_wait3A_375 = arith.constant 0 : i32
        %dma_wait3A_376 = arith.constant 0 : i32
        %dma_wait3A_377 = tpu.memref_slice %arg16[%dma_wait3A_375, %dma_wait3A_376] : memref<10240x128xf32, #tpu.memory_space<vmem_shared>> -> memref<10240x128xf32, #tpu.memory_space<vmem_shared>>
        tpu.wait_indirect_dma semaphore(%run_scoped3A_365 : memref<!tpu.dma_semaphore, #tpu.memory_space<semaphore_mem>>) src(%arg10 : memref<128x128xf32, #tpu.memory_space<vmem>>) dst(%dma_wait3A_377 : memref<10240x128xf32, #tpu.memory_space<vmem_shared>>)
        tpu.yield
      }) : () -> ()
      %mul3A_275 = arith.constant 8 : i32
      %mul3A_276 = arith.muli %add3A_199, %mul3A_275 : i32
      %add3A_277 = arith.constant 3 : i32
      %add3A_278 = arith.addi %mul3A_276, %add3A_277 : i32
      %add3A_279 = arith.constant 1 : i32
      %add3A_280 = arith.addi %add3A_278, %add3A_279 : i32
      %lt3A_281 = arith.constant 80 : i32
      %lt3A_282 = arith.cmpi slt, %add3A_280, %lt3A_281 : i32
      %convert_element_type3A_283 = arith.extui %lt3A_282 : i1 to i32
      %cond3A_284 = arith.constant 0 : i32
      %cond3A_285 = arith.cmpi ne, %convert_element_type3A_283, %cond3A_284 : i32
      scf.if %cond3A_285 {
        %add3A_365 = arith.constant 1 : i32
        %add3A_366 = arith.addi %add3A_278, %add3A_365 : i32
        %mul3A_367 = arith.constant 128 : i32
        %mul3A_368 = arith.muli %add3A_366, %mul3A_367 : i32
        %dma_start3A_369 = tpu.memref_slice %arg7[%mul3A_368] : memref<10240xi32, #tpu.memory_space<vmem>> -> memref<128xi32, #tpu.memory_space<vmem>>
        %dma_start3A_370 = arith.constant 0 : i32
        %dma_start3A_371 = arith.constant 0 : i32
        %dma_start3A_372 = tpu.memref_slice %arg2[%dma_start3A_370, %dma_start3A_371] : memref<10240x128xf32, #tpu.memory_space<hbm>> -> memref<10240x128xf32, #tpu.memory_space<hbm>>
        tpu.enqueue_indirect_dma source(%dma_start3A_372 : memref<10240x128xf32, #tpu.memory_space<hbm>>) target(%arg10 : memref<128x128xf32, #tpu.memory_space<vmem>>) offsets(%dma_start3A_369 : memref<128xi32, #tpu.memory_space<vmem>>) semaphore(%arg14 : memref<!tpu.dma_semaphore, #tpu.memory_space<semaphore_mem>>)
      } else {
      }
      %mul3A_286 = arith.constant 128 : i32
      %mul3A_287 = arith.muli %add3A_278, %mul3A_286 : i32
      %dma_wait3A_288 = tpu.memref_slice %arg7[%mul3A_287] : memref<10240xi32, #tpu.memory_space<vmem>> -> memref<128xi32, #tpu.memory_space<vmem>>
      %dma_wait3A_289 = arith.constant 0 : i32
      %dma_wait3A_290 = arith.constant 0 : i32
      %dma_wait3A_291 = tpu.memref_slice %arg2[%dma_wait3A_289, %dma_wait3A_290] : memref<10240x128xf32, #tpu.memory_space<hbm>> -> memref<10240x128xf32, #tpu.memory_space<hbm>>
      tpu.wait_indirect_dma semaphore(%arg15 : memref<!tpu.dma_semaphore, #tpu.memory_space<semaphore_mem>>) src(%dma_wait3A_291 : memref<10240x128xf32, #tpu.memory_space<hbm>>) dst(%arg11 : memref<128x128xf32, #tpu.memory_space<vmem>>)
      %run_scoped3A_292 = arith.constant 3 : i32
      "tpu.region"() ({
        %run_scoped3A_365 = tpu.sem_alloc : memref<!tpu.dma_semaphore, #tpu.memory_space<semaphore_mem>>
        %dma_start3A_366 = arith.constant 0 : i32
        %dma_start3A_367 = tpu.memref_slice %arg9[%run_scoped3A_292, %dma_start3A_366] : memref<8x128xi32, #tpu.memory_space<vmem>> -> memref<1x128xi32, #tpu.memory_space<vmem>>
        %dma_start3A_368 = tpu.memref_squeeze %dma_start3A_367 : memref<1x128xi32, #tpu.memory_space<vmem>> -> memref<128xi32, #tpu.memory_space<vmem>>
        %dma_start3A_369 = arith.constant 0 : i32
        %dma_start3A_370 = arith.constant 0 : i32
        %dma_start3A_371 = tpu.memref_slice %arg16[%dma_start3A_369, %dma_start3A_370] : memref<10240x128xf32, #tpu.memory_space<vmem_shared>> -> memref<10240x128xf32, #tpu.memory_space<vmem_shared>>
        tpu.enqueue_indirect_dma source(%arg11 : memref<128x128xf32, #tpu.memory_space<vmem>>) target(%dma_start3A_371 : memref<10240x128xf32, #tpu.memory_space<vmem_shared>>) offsets(%dma_start3A_368 : memref<128xi32, #tpu.memory_space<vmem>>) semaphore(%run_scoped3A_365 : memref<!tpu.dma_semaphore, #tpu.memory_space<semaphore_mem>>) {add = true}
        %dma_wait3A_372 = arith.constant 0 : i32
        %dma_wait3A_373 = tpu.memref_slice %arg9[%run_scoped3A_292, %dma_wait3A_372] : memref<8x128xi32, #tpu.memory_space<vmem>> -> memref<1x128xi32, #tpu.memory_space<vmem>>
        %dma_wait3A_374 = tpu.memref_squeeze %dma_wait3A_373 : memref<1x128xi32, #tpu.memory_space<vmem>> -> memref<128xi32, #tpu.memory_space<vmem>>
        %dma_wait3A_375 = arith.constant 0 : i32
        %dma_wait3A_376 = arith.constant 0 : i32
        %dma_wait3A_377 = tpu.memref_slice %arg16[%dma_wait3A_375, %dma_wait3A_376] : memref<10240x128xf32, #tpu.memory_space<vmem_shared>> -> memref<10240x128xf32, #tpu.memory_space<vmem_shared>>
        tpu.wait_indirect_dma semaphore(%run_scoped3A_365 : memref<!tpu.dma_semaphore, #tpu.memory_space<semaphore_mem>>) src(%arg11 : memref<128x128xf32, #tpu.memory_space<vmem>>) dst(%dma_wait3A_377 : memref<10240x128xf32, #tpu.memory_space<vmem_shared>>)
        tpu.yield
      }) : () -> ()
      %mul3A_293 = arith.constant 8 : i32
      %mul3A_294 = arith.muli %add3A_199, %mul3A_293 : i32
      %add3A_295 = arith.constant 4 : i32
      %add3A_296 = arith.addi %mul3A_294, %add3A_295 : i32
      %add3A_297 = arith.constant 1 : i32
      %add3A_298 = arith.addi %add3A_296, %add3A_297 : i32
      %lt3A_299 = arith.constant 80 : i32
      %lt3A_300 = arith.cmpi slt, %add3A_298, %lt3A_299 : i32
      %convert_element_type3A_301 = arith.extui %lt3A_300 : i1 to i32
      %cond3A_302 = arith.constant 0 : i32
      %cond3A_303 = arith.cmpi ne, %convert_element_type3A_301, %cond3A_302 : i32
      scf.if %cond3A_303 {
        %add3A_365 = arith.constant 1 : i32
        %add3A_366 = arith.addi %add3A_296, %add3A_365 : i32
        %mul3A_367 = arith.constant 128 : i32
        %mul3A_368 = arith.muli %add3A_366, %mul3A_367 : i32
        %dma_start3A_369 = tpu.memref_slice %arg7[%mul3A_368] : memref<10240xi32, #tpu.memory_space<vmem>> -> memref<128xi32, #tpu.memory_space<vmem>>
        %dma_start3A_370 = arith.constant 0 : i32
        %dma_start3A_371 = arith.constant 0 : i32
        %dma_start3A_372 = tpu.memref_slice %arg2[%dma_start3A_370, %dma_start3A_371] : memref<10240x128xf32, #tpu.memory_space<hbm>> -> memref<10240x128xf32, #tpu.memory_space<hbm>>
        tpu.enqueue_indirect_dma source(%dma_start3A_372 : memref<10240x128xf32, #tpu.memory_space<hbm>>) target(%arg11 : memref<128x128xf32, #tpu.memory_space<vmem>>) offsets(%dma_start3A_369 : memref<128xi32, #tpu.memory_space<vmem>>) semaphore(%arg15 : memref<!tpu.dma_semaphore, #tpu.memory_space<semaphore_mem>>)
      } else {
      }
      %mul3A_304 = arith.constant 128 : i32
      %mul3A_305 = arith.muli %add3A_296, %mul3A_304 : i32
      %dma_wait3A_306 = tpu.memref_slice %arg7[%mul3A_305] : memref<10240xi32, #tpu.memory_space<vmem>> -> memref<128xi32, #tpu.memory_space<vmem>>
      %dma_wait3A_307 = arith.constant 0 : i32
      %dma_wait3A_308 = arith.constant 0 : i32
      %dma_wait3A_309 = tpu.memref_slice %arg2[%dma_wait3A_307, %dma_wait3A_308] : memref<10240x128xf32, #tpu.memory_space<hbm>> -> memref<10240x128xf32, #tpu.memory_space<hbm>>
      tpu.wait_indirect_dma semaphore(%arg14 : memref<!tpu.dma_semaphore, #tpu.memory_space<semaphore_mem>>) src(%dma_wait3A_309 : memref<10240x128xf32, #tpu.memory_space<hbm>>) dst(%arg10 : memref<128x128xf32, #tpu.memory_space<vmem>>)
      %run_scoped3A_310 = arith.constant 4 : i32
      "tpu.region"() ({
        %run_scoped3A_365 = tpu.sem_alloc : memref<!tpu.dma_semaphore, #tpu.memory_space<semaphore_mem>>
        %dma_start3A_366 = arith.constant 0 : i32
        %dma_start3A_367 = tpu.memref_slice %arg9[%run_scoped3A_310, %dma_start3A_366] : memref<8x128xi32, #tpu.memory_space<vmem>> -> memref<1x128xi32, #tpu.memory_space<vmem>>
        %dma_start3A_368 = tpu.memref_squeeze %dma_start3A_367 : memref<1x128xi32, #tpu.memory_space<vmem>> -> memref<128xi32, #tpu.memory_space<vmem>>
        %dma_start3A_369 = arith.constant 0 : i32
        %dma_start3A_370 = arith.constant 0 : i32
        %dma_start3A_371 = tpu.memref_slice %arg16[%dma_start3A_369, %dma_start3A_370] : memref<10240x128xf32, #tpu.memory_space<vmem_shared>> -> memref<10240x128xf32, #tpu.memory_space<vmem_shared>>
        tpu.enqueue_indirect_dma source(%arg10 : memref<128x128xf32, #tpu.memory_space<vmem>>) target(%dma_start3A_371 : memref<10240x128xf32, #tpu.memory_space<vmem_shared>>) offsets(%dma_start3A_368 : memref<128xi32, #tpu.memory_space<vmem>>) semaphore(%run_scoped3A_365 : memref<!tpu.dma_semaphore, #tpu.memory_space<semaphore_mem>>) {add = true}
        %dma_wait3A_372 = arith.constant 0 : i32
        %dma_wait3A_373 = tpu.memref_slice %arg9[%run_scoped3A_310, %dma_wait3A_372] : memref<8x128xi32, #tpu.memory_space<vmem>> -> memref<1x128xi32, #tpu.memory_space<vmem>>
        %dma_wait3A_374 = tpu.memref_squeeze %dma_wait3A_373 : memref<1x128xi32, #tpu.memory_space<vmem>> -> memref<128xi32, #tpu.memory_space<vmem>>
        %dma_wait3A_375 = arith.constant 0 : i32
        %dma_wait3A_376 = arith.constant 0 : i32
        %dma_wait3A_377 = tpu.memref_slice %arg16[%dma_wait3A_375, %dma_wait3A_376] : memref<10240x128xf32, #tpu.memory_space<vmem_shared>> -> memref<10240x128xf32, #tpu.memory_space<vmem_shared>>
        tpu.wait_indirect_dma semaphore(%run_scoped3A_365 : memref<!tpu.dma_semaphore, #tpu.memory_space<semaphore_mem>>) src(%arg10 : memref<128x128xf32, #tpu.memory_space<vmem>>) dst(%dma_wait3A_377 : memref<10240x128xf32, #tpu.memory_space<vmem_shared>>)
        tpu.yield
      }) : () -> ()
      %mul3A_311 = arith.constant 8 : i32
      %mul3A_312 = arith.muli %add3A_199, %mul3A_311 : i32
      %add3A_313 = arith.constant 5 : i32
      %add3A_314 = arith.addi %mul3A_312, %add3A_313 : i32
      %add3A_315 = arith.constant 1 : i32
      %add3A_316 = arith.addi %add3A_314, %add3A_315 : i32
      %lt3A_317 = arith.constant 80 : i32
      %lt3A_318 = arith.cmpi slt, %add3A_316, %lt3A_317 : i32
      %convert_element_type3A_319 = arith.extui %lt3A_318 : i1 to i32
      %cond3A_320 = arith.constant 0 : i32
      %cond3A_321 = arith.cmpi ne, %convert_element_type3A_319, %cond3A_320 : i32
      scf.if %cond3A_321 {
        %add3A_365 = arith.constant 1 : i32
        %add3A_366 = arith.addi %add3A_314, %add3A_365 : i32
        %mul3A_367 = arith.constant 128 : i32
        %mul3A_368 = arith.muli %add3A_366, %mul3A_367 : i32
        %dma_start3A_369 = tpu.memref_slice %arg7[%mul3A_368] : memref<10240xi32, #tpu.memory_space<vmem>> -> memref<128xi32, #tpu.memory_space<vmem>>
        %dma_start3A_370 = arith.constant 0 : i32
        %dma_start3A_371 = arith.constant 0 : i32
        %dma_start3A_372 = tpu.memref_slice %arg2[%dma_start3A_370, %dma_start3A_371] : memref<10240x128xf32, #tpu.memory_space<hbm>> -> memref<10240x128xf32, #tpu.memory_space<hbm>>
        tpu.enqueue_indirect_dma source(%dma_start3A_372 : memref<10240x128xf32, #tpu.memory_space<hbm>>) target(%arg10 : memref<128x128xf32, #tpu.memory_space<vmem>>) offsets(%dma_start3A_369 : memref<128xi32, #tpu.memory_space<vmem>>) semaphore(%arg14 : memref<!tpu.dma_semaphore, #tpu.memory_space<semaphore_mem>>)
      } else {
      }
      %mul3A_322 = arith.constant 128 : i32
      %mul3A_323 = arith.muli %add3A_314, %mul3A_322 : i32
      %dma_wait3A_324 = tpu.memref_slice %arg7[%mul3A_323] : memref<10240xi32, #tpu.memory_space<vmem>> -> memref<128xi32, #tpu.memory_space<vmem>>
      %dma_wait3A_325 = arith.constant 0 : i32
      %dma_wait3A_326 = arith.constant 0 : i32
      %dma_wait3A_327 = tpu.memref_slice %arg2[%dma_wait3A_325, %dma_wait3A_326] : memref<10240x128xf32, #tpu.memory_space<hbm>> -> memref<10240x128xf32, #tpu.memory_space<hbm>>
      tpu.wait_indirect_dma semaphore(%arg15 : memref<!tpu.dma_semaphore, #tpu.memory_space<semaphore_mem>>) src(%dma_wait3A_327 : memref<10240x128xf32, #tpu.memory_space<hbm>>) dst(%arg11 : memref<128x128xf32, #tpu.memory_space<vmem>>)
      %run_scoped3A_328 = arith.constant 5 : i32
      "tpu.region"() ({
        %run_scoped3A_365 = tpu.sem_alloc : memref<!tpu.dma_semaphore, #tpu.memory_space<semaphore_mem>>
        %dma_start3A_366 = arith.constant 0 : i32
        %dma_start3A_367 = tpu.memref_slice %arg9[%run_scoped3A_328, %dma_start3A_366] : memref<8x128xi32, #tpu.memory_space<vmem>> -> memref<1x128xi32, #tpu.memory_space<vmem>>
        %dma_start3A_368 = tpu.memref_squeeze %dma_start3A_367 : memref<1x128xi32, #tpu.memory_space<vmem>> -> memref<128xi32, #tpu.memory_space<vmem>>
        %dma_start3A_369 = arith.constant 0 : i32
        %dma_start3A_370 = arith.constant 0 : i32
        %dma_start3A_371 = tpu.memref_slice %arg16[%dma_start3A_369, %dma_start3A_370] : memref<10240x128xf32, #tpu.memory_space<vmem_shared>> -> memref<10240x128xf32, #tpu.memory_space<vmem_shared>>
        tpu.enqueue_indirect_dma source(%arg11 : memref<128x128xf32, #tpu.memory_space<vmem>>) target(%dma_start3A_371 : memref<10240x128xf32, #tpu.memory_space<vmem_shared>>) offsets(%dma_start3A_368 : memref<128xi32, #tpu.memory_space<vmem>>) semaphore(%run_scoped3A_365 : memref<!tpu.dma_semaphore, #tpu.memory_space<semaphore_mem>>) {add = true}
        %dma_wait3A_372 = arith.constant 0 : i32
        %dma_wait3A_373 = tpu.memref_slice %arg9[%run_scoped3A_328, %dma_wait3A_372] : memref<8x128xi32, #tpu.memory_space<vmem>> -> memref<1x128xi32, #tpu.memory_space<vmem>>
        %dma_wait3A_374 = tpu.memref_squeeze %dma_wait3A_373 : memref<1x128xi32, #tpu.memory_space<vmem>> -> memref<128xi32, #tpu.memory_space<vmem>>
        %dma_wait3A_375 = arith.constant 0 : i32
        %dma_wait3A_376 = arith.constant 0 : i32
        %dma_wait3A_377 = tpu.memref_slice %arg16[%dma_wait3A_375, %dma_wait3A_376] : memref<10240x128xf32, #tpu.memory_space<vmem_shared>> -> memref<10240x128xf32, #tpu.memory_space<vmem_shared>>
        tpu.wait_indirect_dma semaphore(%run_scoped3A_365 : memref<!tpu.dma_semaphore, #tpu.memory_space<semaphore_mem>>) src(%arg11 : memref<128x128xf32, #tpu.memory_space<vmem>>) dst(%dma_wait3A_377 : memref<10240x128xf32, #tpu.memory_space<vmem_shared>>)
        tpu.yield
      }) : () -> ()
      %mul3A_329 = arith.constant 8 : i32
      %mul3A_330 = arith.muli %add3A_199, %mul3A_329 : i32
      %add3A_331 = arith.constant 6 : i32
      %add3A_332 = arith.addi %mul3A_330, %add3A_331 : i32
      %add3A_333 = arith.constant 1 : i32
      %add3A_334 = arith.addi %add3A_332, %add3A_333 : i32
      %lt3A_335 = arith.constant 80 : i32
      %lt3A_336 = arith.cmpi slt, %add3A_334, %lt3A_335 : i32
      %convert_element_type3A_337 = arith.extui %lt3A_336 : i1 to i32
      %cond3A_338 = arith.constant 0 : i32
      %cond3A_339 = arith.cmpi ne, %convert_element_type3A_337, %cond3A_338 : i32
      scf.if %cond3A_339 {
        %add3A_365 = arith.constant 1 : i32
        %add3A_366 = arith.addi %add3A_332, %add3A_365 : i32
        %mul3A_367 = arith.constant 128 : i32
        %mul3A_368 = arith.muli %add3A_366, %mul3A_367 : i32
        %dma_start3A_369 = tpu.memref_slice %arg7[%mul3A_368] : memref<10240xi32, #tpu.memory_space<vmem>> -> memref<128xi32, #tpu.memory_space<vmem>>
        %dma_start3A_370 = arith.constant 0 : i32
        %dma_start3A_371 = arith.constant 0 : i32
        %dma_start3A_372 = tpu.memref_slice %arg2[%dma_start3A_370, %dma_start3A_371] : memref<10240x128xf32, #tpu.memory_space<hbm>> -> memref<10240x128xf32, #tpu.memory_space<hbm>>
        tpu.enqueue_indirect_dma source(%dma_start3A_372 : memref<10240x128xf32, #tpu.memory_space<hbm>>) target(%arg11 : memref<128x128xf32, #tpu.memory_space<vmem>>) offsets(%dma_start3A_369 : memref<128xi32, #tpu.memory_space<vmem>>) semaphore(%arg15 : memref<!tpu.dma_semaphore, #tpu.memory_space<semaphore_mem>>)
      } else {
      }
      %mul3A_340 = arith.constant 128 : i32
      %mul3A_341 = arith.muli %add3A_332, %mul3A_340 : i32
      %dma_wait3A_342 = tpu.memref_slice %arg7[%mul3A_341] : memref<10240xi32, #tpu.memory_space<vmem>> -> memref<128xi32, #tpu.memory_space<vmem>>
      %dma_wait3A_343 = arith.constant 0 : i32
      %dma_wait3A_344 = arith.constant 0 : i32
      %dma_wait3A_345 = tpu.memref_slice %arg2[%dma_wait3A_343, %dma_wait3A_344] : memref<10240x128xf32, #tpu.memory_space<hbm>> -> memref<10240x128xf32, #tpu.memory_space<hbm>>
      tpu.wait_indirect_dma semaphore(%arg14 : memref<!tpu.dma_semaphore, #tpu.memory_space<semaphore_mem>>) src(%dma_wait3A_345 : memref<10240x128xf32, #tpu.memory_space<hbm>>) dst(%arg10 : memref<128x128xf32, #tpu.memory_space<vmem>>)
      %run_scoped3A_346 = arith.constant 6 : i32
      "tpu.region"() ({
        %run_scoped3A_365 = tpu.sem_alloc : memref<!tpu.dma_semaphore, #tpu.memory_space<semaphore_mem>>
        %dma_start3A_366 = arith.constant 0 : i32
        %dma_start3A_367 = tpu.memref_slice %arg9[%run_scoped3A_346, %dma_start3A_366] : memref<8x128xi32, #tpu.memory_space<vmem>> -> memref<1x128xi32, #tpu.memory_space<vmem>>
        %dma_start3A_368 = tpu.memref_squeeze %dma_start3A_367 : memref<1x128xi32, #tpu.memory_space<vmem>> -> memref<128xi32, #tpu.memory_space<vmem>>
        %dma_start3A_369 = arith.constant 0 : i32
        %dma_start3A_370 = arith.constant 0 : i32
        %dma_start3A_371 = tpu.memref_slice %arg16[%dma_start3A_369, %dma_start3A_370] : memref<10240x128xf32, #tpu.memory_space<vmem_shared>> -> memref<10240x128xf32, #tpu.memory_space<vmem_shared>>
        tpu.enqueue_indirect_dma source(%arg10 : memref<128x128xf32, #tpu.memory_space<vmem>>) target(%dma_start3A_371 : memref<10240x128xf32, #tpu.memory_space<vmem_shared>>) offsets(%dma_start3A_368 : memref<128xi32, #tpu.memory_space<vmem>>) semaphore(%run_scoped3A_365 : memref<!tpu.dma_semaphore, #tpu.memory_space<semaphore_mem>>) {add = true}
        %dma_wait3A_372 = arith.constant 0 : i32
        %dma_wait3A_373 = tpu.memref_slice %arg9[%run_scoped3A_346, %dma_wait3A_372] : memref<8x128xi32, #tpu.memory_space<vmem>> -> memref<1x128xi32, #tpu.memory_space<vmem>>
        %dma_wait3A_374 = tpu.memref_squeeze %dma_wait3A_373 : memref<1x128xi32, #tpu.memory_space<vmem>> -> memref<128xi32, #tpu.memory_space<vmem>>
        %dma_wait3A_375 = arith.constant 0 : i32
        %dma_wait3A_376 = arith.constant 0 : i32
        %dma_wait3A_377 = tpu.memref_slice %arg16[%dma_wait3A_375, %dma_wait3A_376] : memref<10240x128xf32, #tpu.memory_space<vmem_shared>> -> memref<10240x128xf32, #tpu.memory_space<vmem_shared>>
        tpu.wait_indirect_dma semaphore(%run_scoped3A_365 : memref<!tpu.dma_semaphore, #tpu.memory_space<semaphore_mem>>) src(%arg10 : memref<128x128xf32, #tpu.memory_space<vmem>>) dst(%dma_wait3A_377 : memref<10240x128xf32, #tpu.memory_space<vmem_shared>>)
        tpu.yield
      }) : () -> ()
      %mul3A_347 = arith.constant 8 : i32
      %mul3A_348 = arith.muli %add3A_199, %mul3A_347 : i32
      %add3A_349 = arith.constant 7 : i32
      %add3A_350 = arith.addi %mul3A_348, %add3A_349 : i32
      %add3A_351 = arith.constant 1 : i32
      %add3A_352 = arith.addi %add3A_350, %add3A_351 : i32
      %lt3A_353 = arith.constant 80 : i32
      %lt3A_354 = arith.cmpi slt, %add3A_352, %lt3A_353 : i32
      %convert_element_type3A_355 = arith.extui %lt3A_354 : i1 to i32
      %cond3A_356 = arith.constant 0 : i32
      %cond3A_357 = arith.cmpi ne, %convert_element_type3A_355, %cond3A_356 : i32
      scf.if %cond3A_357 {
        %add3A_365 = arith.constant 1 : i32
        %add3A_366 = arith.addi %add3A_350, %add3A_365 : i32
        %mul3A_367 = arith.constant 128 : i32
        %mul3A_368 = arith.muli %add3A_366, %mul3A_367 : i32
        %dma_start3A_369 = tpu.memref_slice %arg7[%mul3A_368] : memref<10240xi32, #tpu.memory_space<vmem>> -> memref<128xi32, #tpu.memory_space<vmem>>
        %dma_start3A_370 = arith.constant 0 : i32
        %dma_start3A_371 = arith.constant 0 : i32
        %dma_start3A_372 = tpu.memref_slice %arg2[%dma_start3A_370, %dma_start3A_371] : memref<10240x128xf32, #tpu.memory_space<hbm>> -> memref<10240x128xf32, #tpu.memory_space<hbm>>
        tpu.enqueue_indirect_dma source(%dma_start3A_372 : memref<10240x128xf32, #tpu.memory_space<hbm>>) target(%arg10 : memref<128x128xf32, #tpu.memory_space<vmem>>) offsets(%dma_start3A_369 : memref<128xi32, #tpu.memory_space<vmem>>) semaphore(%arg14 : memref<!tpu.dma_semaphore, #tpu.memory_space<semaphore_mem>>)
      } else {
      }
      %mul3A_358 = arith.constant 128 : i32
      %mul3A_359 = arith.muli %add3A_350, %mul3A_358 : i32
      %dma_wait3A_360 = tpu.memref_slice %arg7[%mul3A_359] : memref<10240xi32, #tpu.memory_space<vmem>> -> memref<128xi32, #tpu.memory_space<vmem>>
      %dma_wait3A_361 = arith.constant 0 : i32
      %dma_wait3A_362 = arith.constant 0 : i32
      %dma_wait3A_363 = tpu.memref_slice %arg2[%dma_wait3A_361, %dma_wait3A_362] : memref<10240x128xf32, #tpu.memory_space<hbm>> -> memref<10240x128xf32, #tpu.memory_space<hbm>>
      tpu.wait_indirect_dma semaphore(%arg15 : memref<!tpu.dma_semaphore, #tpu.memory_space<semaphore_mem>>) src(%dma_wait3A_363 : memref<10240x128xf32, #tpu.memory_space<hbm>>) dst(%arg11 : memref<128x128xf32, #tpu.memory_space<vmem>>)
      %run_scoped3A_364 = arith.constant 7 : i32
      "tpu.region"() ({
        %run_scoped3A_365 = tpu.sem_alloc : memref<!tpu.dma_semaphore, #tpu.memory_space<semaphore_mem>>
        %dma_start3A_366 = arith.constant 0 : i32
        %dma_start3A_367 = tpu.memref_slice %arg9[%run_scoped3A_364, %dma_start3A_366] : memref<8x128xi32, #tpu.memory_space<vmem>> -> memref<1x128xi32, #tpu.memory_space<vmem>>
        %dma_start3A_368 = tpu.memref_squeeze %dma_start3A_367 : memref<1x128xi32, #tpu.memory_space<vmem>> -> memref<128xi32, #tpu.memory_space<vmem>>
        %dma_start3A_369 = arith.constant 0 : i32
        %dma_start3A_370 = arith.constant 0 : i32
        %dma_start3A_371 = tpu.memref_slice %arg16[%dma_start3A_369, %dma_start3A_370] : memref<10240x128xf32, #tpu.memory_space<vmem_shared>> -> memref<10240x128xf32, #tpu.memory_space<vmem_shared>>
        tpu.enqueue_indirect_dma source(%arg11 : memref<128x128xf32, #tpu.memory_space<vmem>>) target(%dma_start3A_371 : memref<10240x128xf32, #tpu.memory_space<vmem_shared>>) offsets(%dma_start3A_368 : memref<128xi32, #tpu.memory_space<vmem>>) semaphore(%run_scoped3A_365 : memref<!tpu.dma_semaphore, #tpu.memory_space<semaphore_mem>>) {add = true}
        %dma_wait3A_372 = arith.constant 0 : i32
        %dma_wait3A_373 = tpu.memref_slice %arg9[%run_scoped3A_364, %dma_wait3A_372] : memref<8x128xi32, #tpu.memory_space<vmem>> -> memref<1x128xi32, #tpu.memory_space<vmem>>
        %dma_wait3A_374 = tpu.memref_squeeze %dma_wait3A_373 : memref<1x128xi32, #tpu.memory_space<vmem>> -> memref<128xi32, #tpu.memory_space<vmem>>
        %dma_wait3A_375 = arith.constant 0 : i32
        %dma_wait3A_376 = arith.constant 0 : i32
        %dma_wait3A_377 = tpu.memref_slice %arg16[%dma_wait3A_375, %dma_wait3A_376] : memref<10240x128xf32, #tpu.memory_space<vmem_shared>> -> memref<10240x128xf32, #tpu.memory_space<vmem_shared>>
        tpu.wait_indirect_dma semaphore(%run_scoped3A_365 : memref<!tpu.dma_semaphore, #tpu.memory_space<semaphore_mem>>) src(%arg11 : memref<128x128xf32, #tpu.memory_space<vmem>>) dst(%dma_wait3A_377 : memref<10240x128xf32, #tpu.memory_space<vmem_shared>>)
        tpu.yield
      }) : () -> ()
    }
    %scan3A_25 = arith.constant 5 : i32
    %barrier3A_26 = arith.constant 0 : index
    tpu.barrier barrier_id(%barrier3A_26)
    %mul3A_27 = arith.constant 640 : i32
    %mul3A_28 = arith.muli %arg1, %mul3A_27 : i32
    %mul3A_29 = arith.constant 640 : i32
    %mul3A_30 = arith.muli %arg1, %mul3A_29 : i32
    "tpu.region"() ({
      %run_scoped3A = tpu.sem_alloc : memref<!tpu.dma_semaphore, #tpu.memory_space<semaphore_mem>>
      %dma_start3A_31 = arith.constant 0 : i32
      %dma_start3A_32 = arith.constant 0 : i32
      %dma_start3A_33 = tpu.memref_slice %arg6[%arg0, %dma_start3A_31, %dma_start3A_32] : memref<2x10240x128xf32, #tpu.memory_space<hbm>> -> memref<1x10240x128xf32, #tpu.memory_space<hbm>>
      %dma_start3A_34 = tpu.memref_squeeze %dma_start3A_33 : memref<1x10240x128xf32, #tpu.memory_space<hbm>> -> memref<10240x128xf32, #tpu.memory_space<hbm>>
      %dma_start3A_35 = arith.constant 0 : i32
      %dma_start3A_36 = tpu.memref_slice %dma_start3A_34[%mul3A_30, %dma_start3A_35] : memref<10240x128xf32, #tpu.memory_space<hbm>> -> memref<640x128xf32, #tpu.memory_space<hbm>>
      %dma_start3A_37 = arith.constant 0 : i32
      %dma_start3A_38 = tpu.memref_slice %arg16[%mul3A_28, %dma_start3A_37] : memref<10240x128xf32, #tpu.memory_space<vmem_shared>> -> memref<640x128xf32, #tpu.memory_space<vmem_shared>>
      tpu.enqueue_dma source(%dma_start3A_38 : memref<640x128xf32, #tpu.memory_space<vmem_shared>>) target(%dma_start3A_36 : memref<640x128xf32, #tpu.memory_space<hbm>>) target_semaphore(%run_scoped3A : memref<!tpu.dma_semaphore, #tpu.memory_space<semaphore_mem>>)
      %dma_wait3A = arith.constant 0 : i32
      %dma_wait3A_39 = arith.constant 0 : i32
      %dma_wait3A_40 = tpu.memref_slice %arg6[%arg0, %dma_wait3A, %dma_wait3A_39] : memref<2x10240x128xf32, #tpu.memory_space<hbm>> -> memref<1x10240x128xf32, #tpu.memory_space<hbm>>
      %dma_wait3A_41 = tpu.memref_squeeze %dma_wait3A_40 : memref<1x10240x128xf32, #tpu.memory_space<hbm>> -> memref<10240x128xf32, #tpu.memory_space<hbm>>
      %dma_wait3A_42 = arith.constant 0 : i32
      %dma_wait3A_43 = tpu.memref_slice %dma_wait3A_41[%mul3A_30, %dma_wait3A_42] : memref<10240x128xf32, #tpu.memory_space<hbm>> -> memref<640x128xf32, #tpu.memory_space<hbm>>
      %dma_wait3A_44 = arith.constant 0 : i32
      %dma_wait3A_45 = tpu.memref_slice %arg16[%mul3A_28, %dma_wait3A_44] : memref<10240x128xf32, #tpu.memory_space<vmem_shared>> -> memref<640x128xf32, #tpu.memory_space<vmem_shared>>
      tpu.wait_dma2 semaphore(%run_scoped3A : memref<!tpu.dma_semaphore, #tpu.memory_space<semaphore_mem>>) src(%dma_wait3A_45 : memref<640x128xf32, #tpu.memory_space<vmem_shared>>) dst(%dma_wait3A_43 : memref<640x128xf32, #tpu.memory_space<hbm>>)
      tpu.yield
    }) : () -> ()
    return
  }
}

#map = affine_map<(d0, d1) -> (0, 0)>
#map1 = affine_map<(d0, d1) -> (0, 0, 0)>
module attributes {stable_mosaic.version = 14 : i64} {
  func.func @_agg_body(%arg0: i32, %arg1: i32, %arg2: memref<10240x128xf32, #tpu.memory_space<hbm>>, %arg3: memref<32x10240xi32, #tpu.memory_space<hbm>>, %arg4: memref<32x80x128xi32, #tpu.memory_space<hbm>>, %arg5: memref<640x128xf32, #tpu.memory_space<hbm>>, %arg6: memref<2x10240x128xf32, #tpu.memory_space<hbm>>, %arg7: memref<10240xi32, #tpu.memory_space<vmem>>, %arg8: memref<8x128xi32, #tpu.memory_space<vmem>>, %arg9: memref<8x128xi32, #tpu.memory_space<vmem>>, %arg10: memref<128x128xf32, #tpu.memory_space<vmem>>, %arg11: memref<128x128xf32, #tpu.memory_space<vmem>>, %arg12: memref<!tpu.dma_semaphore, #tpu.memory_space<semaphore_mem>>, %arg13: memref<!tpu.dma_semaphore, #tpu.memory_space<semaphore_mem>>, %arg14: memref<!tpu.dma_semaphore, #tpu.memory_space<semaphore_mem>>, %arg15: memref<!tpu.dma_semaphore, #tpu.memory_space<semaphore_mem>>, %arg16: memref<10240x128xf32, #tpu.memory_space<vmem_shared>>) attributes {dimension_semantics = [#tpu.dimension_semantics<core_parallel>, #tpu.dimension_semantics<subcore_parallel>], iteration_bounds = array<i64: 2, 16>, scalar_prefetch = 0 : i64, scratch_operands = 10 : i64, tpu.core_type = #tpu.core_type<sc_vector_subcore>, window_params = [{transform_indices = #map}, {transform_indices = #map}, {transform_indices = #map1}, {transform_indices = #map}, {transform_indices = #map1}]} {
    %mul3A = arith.constant 2 : i32
    %mul3A_0 = arith.muli %arg1, %mul3A : i32
    %add3A = arith.addi %mul3A_0, %arg0 : i32
    "tpu.region"() ({
      %run_scoped3A = tpu.sem_alloc : memref<!tpu.dma_semaphore, #tpu.memory_space<semaphore_mem>>
      %dma_start3A_31 = arith.constant 0 : i32
      %dma_start3A_32 = tpu.memref_slice %arg3[%add3A, %dma_start3A_31] : memref<32x10240xi32, #tpu.memory_space<hbm>> -> memref<1x10240xi32, #tpu.memory_space<hbm>>
      %dma_start3A_33 = tpu.memref_squeeze %dma_start3A_32 : memref<1x10240xi32, #tpu.memory_space<hbm>> -> memref<10240xi32, #tpu.memory_space<hbm>>
      %dma_start3A_34 = arith.constant 0 : i32
      %dma_start3A_35 = tpu.memref_slice %arg3[%add3A, %dma_start3A_34] : memref<32x10240xi32, #tpu.memory_space<hbm>> -> memref<1x10240xi32, #tpu.memory_space<hbm>>
      %dma_start3A_36 = tpu.memref_squeeze %dma_start3A_35 : memref<1x10240xi32, #tpu.memory_space<hbm>> -> memref<10240xi32, #tpu.memory_space<hbm>>
      tpu.enqueue_dma source(%dma_start3A_36 : memref<10240xi32, #tpu.memory_space<hbm>>) target(%arg7 : memref<10240xi32, #tpu.memory_space<vmem>>) target_semaphore(%run_scoped3A : memref<!tpu.dma_semaphore, #tpu.memory_space<semaphore_mem>>)
      %dma_wait3A = arith.constant 0 : i32
      %dma_wait3A_37 = tpu.memref_slice %arg3[%add3A, %dma_wait3A] : memref<32x10240xi32, #tpu.memory_space<hbm>> -> memref<1x10240xi32, #tpu.memory_space<hbm>>
      %dma_wait3A_38 = tpu.memref_squeeze %dma_wait3A_37 : memref<1x10240xi32, #tpu.memory_space<hbm>> -> memref<10240xi32, #tpu.memory_space<hbm>>
      %dma_wait3A_39 = arith.constant 0 : i32
      %dma_wait3A_40 = tpu.memref_slice %arg3[%add3A, %dma_wait3A_39] : memref<32x10240xi32, #tpu.memory_space<hbm>> -> memref<1x10240xi32, #tpu.memory_space<hbm>>
      %dma_wait3A_41 = tpu.memref_squeeze %dma_wait3A_40 : memref<1x10240xi32, #tpu.memory_space<hbm>> -> memref<10240xi32, #tpu.memory_space<hbm>>
      tpu.wait_dma2 semaphore(%run_scoped3A : memref<!tpu.dma_semaphore, #tpu.memory_space<semaphore_mem>>) src(%dma_wait3A_41 : memref<10240xi32, #tpu.memory_space<hbm>>) dst(%arg7 : memref<10240xi32, #tpu.memory_space<vmem>>)
      tpu.yield
    }) : () -> ()
    %dma_start3A = arith.constant 0 : i32
    %dma_start3A_1 = arith.constant 0 : i32
    %dma_start3A_2 = tpu.memref_slice %arg4[%add3A, %dma_start3A, %dma_start3A_1] : memref<32x80x128xi32, #tpu.memory_space<hbm>> -> memref<1x80x128xi32, #tpu.memory_space<hbm>>
    %dma_start3A_3 = tpu.memref_squeeze %dma_start3A_2 : memref<1x80x128xi32, #tpu.memory_space<hbm>> -> memref<80x128xi32, #tpu.memory_space<hbm>>
    %dma_start3A_4 = arith.constant 0 : i32
    %dma_start3A_5 = arith.constant 0 : i32
    %dma_start3A_6 = tpu.memref_slice %dma_start3A_3[%dma_start3A_4, %dma_start3A_5] : memref<80x128xi32, #tpu.memory_space<hbm>> -> memref<8x128xi32, #tpu.memory_space<hbm>>
    %dma_start3A_7 = arith.constant 0 : i32
    %dma_start3A_8 = arith.constant 0 : i32
    %dma_start3A_9 = tpu.memref_slice %arg4[%add3A, %dma_start3A_7, %dma_start3A_8] : memref<32x80x128xi32, #tpu.memory_space<hbm>> -> memref<1x80x128xi32, #tpu.memory_space<hbm>>
    %dma_start3A_10 = tpu.memref_squeeze %dma_start3A_9 : memref<1x80x128xi32, #tpu.memory_space<hbm>> -> memref<80x128xi32, #tpu.memory_space<hbm>>
    %dma_start3A_11 = arith.constant 0 : i32
    %dma_start3A_12 = arith.constant 0 : i32
    %dma_start3A_13 = tpu.memref_slice %dma_start3A_10[%dma_start3A_11, %dma_start3A_12] : memref<80x128xi32, #tpu.memory_space<hbm>> -> memref<8x128xi32, #tpu.memory_space<hbm>>
    tpu.enqueue_dma source(%dma_start3A_13 : memref<8x128xi32, #tpu.memory_space<hbm>>) target(%arg8 : memref<8x128xi32, #tpu.memory_space<vmem>>) target_semaphore(%arg12 : memref<!tpu.dma_semaphore, #tpu.memory_space<semaphore_mem>>)
    %mul3A_14 = arith.constant 640 : i32
    %mul3A_15 = arith.muli %arg1, %mul3A_14 : i32
    "tpu.region"() ({
      %run_scoped3A = tpu.sem_alloc : memref<!tpu.dma_semaphore, #tpu.memory_space<semaphore_mem>>
      %dma_start3A_31 = arith.constant 0 : i32
      %dma_start3A_32 = tpu.memref_slice %arg16[%mul3A_15, %dma_start3A_31] : memref<10240x128xf32, #tpu.memory_space<vmem_shared>> -> memref<640x128xf32, #tpu.memory_space<vmem_shared>>
      tpu.enqueue_dma source(%arg5 : memref<640x128xf32, #tpu.memory_space<hbm>>) target(%dma_start3A_32 : memref<640x128xf32, #tpu.memory_space<vmem_shared>>) target_semaphore(%run_scoped3A : memref<!tpu.dma_semaphore, #tpu.memory_space<semaphore_mem>>)
      %dma_wait3A = arith.constant 0 : i32
      %dma_wait3A_33 = tpu.memref_slice %arg16[%mul3A_15, %dma_wait3A] : memref<10240x128xf32, #tpu.memory_space<vmem_shared>> -> memref<640x128xf32, #tpu.memory_space<vmem_shared>>
      tpu.wait_dma2 semaphore(%run_scoped3A : memref<!tpu.dma_semaphore, #tpu.memory_space<semaphore_mem>>) src(%arg5 : memref<640x128xf32, #tpu.memory_space<hbm>>) dst(%dma_wait3A_33 : memref<640x128xf32, #tpu.memory_space<vmem_shared>>)
      tpu.yield
    }) : () -> ()
    %barrier3A = arith.constant 0 : index
    tpu.barrier barrier_id(%barrier3A)
    %dma_start3A_16 = arith.constant 0 : i32
    %dma_start3A_17 = tpu.memref_slice %arg7[%dma_start3A_16] : memref<10240xi32, #tpu.memory_space<vmem>> -> memref<128xi32, #tpu.memory_space<vmem>>
    %dma_start3A_18 = arith.constant 0 : i32
    %dma_start3A_19 = arith.constant 0 : i32
    %dma_start3A_20 = tpu.memref_slice %arg2[%dma_start3A_18, %dma_start3A_19] : memref<10240x128xf32, #tpu.memory_space<hbm>> -> memref<10240x128xf32, #tpu.memory_space<hbm>>
    tpu.enqueue_indirect_dma source(%dma_start3A_20 : memref<10240x128xf32, #tpu.memory_space<hbm>>) target(%arg10 : memref<128x128xf32, #tpu.memory_space<vmem>>) offsets(%dma_start3A_17 : memref<128xi32, #tpu.memory_space<vmem>>) semaphore(%arg14 : memref<!tpu.dma_semaphore, #tpu.memory_space<semaphore_mem>>)
    %scan3A = arith.constant 0 : i32
    %scan3A_21 = arith.constant 0 : i32
    %scan3A_22 = arith.constant 5 : i32
    %scan3A_23 = arith.addi %scan3A_21, %scan3A_22 : i32
    %scan3A_24 = arith.constant 1 : i32
    scf.for %scan3A_31 = %scan3A_21 to %scan3A_23 step %scan3A_24  : i32 {
      %mul3A_32 = arith.constant 2 : i32
      %mul3A_33 = arith.muli %mul3A_32, %scan3A_31 : i32
      %add3A_34 = arith.constant 0 : i32
      %add3A_35 = arith.addi %mul3A_33, %add3A_34 : i32
      %add3A_36 = arith.constant 1 : i32
      %add3A_37 = arith.addi %add3A_35, %add3A_36 : i32
      %lt3A = arith.constant 10 : i32
      %lt3A_38 = arith.cmpi slt, %add3A_37, %lt3A : i32
      %convert_element_type3A = arith.extui %lt3A_38 : i1 to i32
      %cond3A = arith.constant 0 : i32
      %cond3A_39 = arith.cmpi ne, %convert_element_type3A, %cond3A : i32
      scf.if %cond3A_39 {
        %add3A_365 = arith.constant 1 : i32
        %add3A_366 = arith.addi %add3A_35, %add3A_365 : i32
        %mul3A_367 = arith.constant 8 : i32
        %mul3A_368 = arith.muli %add3A_366, %mul3A_367 : i32
        %dma_start3A_369 = arith.constant 0 : i32
        %dma_start3A_370 = arith.constant 0 : i32
        %dma_start3A_371 = tpu.memref_slice %arg4[%add3A, %dma_start3A_369, %dma_start3A_370] : memref<32x80x128xi32, #tpu.memory_space<hbm>> -> memref<1x80x128xi32, #tpu.memory_space<hbm>>
        %dma_start3A_372 = tpu.memref_squeeze %dma_start3A_371 : memref<1x80x128xi32, #tpu.memory_space<hbm>> -> memref<80x128xi32, #tpu.memory_space<hbm>>
        %dma_start3A_373 = arith.constant 0 : i32
        %dma_start3A_374 = tpu.memref_slice %dma_start3A_372[%mul3A_368, %dma_start3A_373] : memref<80x128xi32, #tpu.memory_space<hbm>> -> memref<8x128xi32, #tpu.memory_space<hbm>>
        %dma_start3A_375 = arith.constant 0 : i32
        %dma_start3A_376 = arith.constant 0 : i32
        %dma_start3A_377 = tpu.memref_slice %arg4[%add3A, %dma_start3A_375, %dma_start3A_376] : memref<32x80x128xi32, #tpu.memory_space<hbm>> -> memref<1x80x128xi32, #tpu.memory_space<hbm>>
        %dma_start3A_378 = tpu.memref_squeeze %dma_start3A_377 : memref<1x80x128xi32, #tpu.memory_space<hbm>> -> memref<80x128xi32, #tpu.memory_space<hbm>>
        %dma_start3A_379 = arith.constant 0 : i32
        %dma_start3A_380 = tpu.memref_slice %dma_start3A_378[%mul3A_368, %dma_start3A_379] : memref<80x128xi32, #tpu.memory_space<hbm>> -> memref<8x128xi32, #tpu.memory_space<hbm>>
        tpu.enqueue_dma source(%dma_start3A_380 : memref<8x128xi32, #tpu.memory_space<hbm>>) target(%arg9 : memref<8x128xi32, #tpu.memory_space<vmem>>) target_semaphore(%arg13 : memref<!tpu.dma_semaphore, #tpu.memory_space<semaphore_mem>>)
      } else {
      }
      %dma_wait3A = arith.constant 0 : i32
      %dma_wait3A_40 = arith.constant 0 : i32
      %dma_wait3A_41 = tpu.memref_slice %arg4[%add3A, %dma_wait3A, %dma_wait3A_40] : memref<32x80x128xi32, #tpu.memory_space<hbm>> -> memref<1x80x128xi32, #tpu.memory_space<hbm>>
      %dma_wait3A_42 = tpu.memref_squeeze %dma_wait3A_41 : memref<1x80x128xi32, #tpu.memory_space<hbm>> -> memref<80x128xi32, #tpu.memory_space<hbm>>
      %dma_wait3A_43 = arith.constant 0 : i32
      %dma_wait3A_44 = arith.constant 0 : i32
      %dma_wait3A_45 = tpu.memref_slice %dma_wait3A_42[%dma_wait3A_43, %dma_wait3A_44] : memref<80x128xi32, #tpu.memory_space<hbm>> -> memref<8x128xi32, #tpu.memory_space<hbm>>
      %dma_wait3A_46 = arith.constant 0 : i32
      %dma_wait3A_47 = arith.constant 0 : i32
      %dma_wait3A_48 = tpu.memref_slice %arg4[%add3A, %dma_wait3A_46, %dma_wait3A_47] : memref<32x80x128xi32, #tpu.memory_space<hbm>> -> memref<1x80x128xi32, #tpu.memory_space<hbm>>
      %dma_wait3A_49 = tpu.memref_squeeze %dma_wait3A_48 : memref<1x80x128xi32, #tpu.memory_space<hbm>> -> memref<80x128xi32, #tpu.memory_space<hbm>>
      %dma_wait3A_50 = arith.constant 0 : i32
      %dma_wait3A_51 = arith.constant 0 : i32
      %dma_wait3A_52 = tpu.memref_slice %dma_wait3A_49[%dma_wait3A_50, %dma_wait3A_51] : memref<80x128xi32, #tpu.memory_space<hbm>> -> memref<8x128xi32, #tpu.memory_space<hbm>>
      tpu.wait_dma2 semaphore(%arg12 : memref<!tpu.dma_semaphore, #tpu.memory_space<semaphore_mem>>) src(%dma_wait3A_52 : memref<8x128xi32, #tpu.memory_space<hbm>>) dst(%arg8 : memref<8x128xi32, #tpu.memory_space<vmem>>)
      %mul3A_53 = arith.constant 8 : i32
      %mul3A_54 = arith.muli %add3A_35, %mul3A_53 : i32
      %add3A_55 = arith.constant 0 : i32
      %add3A_56 = arith.addi %mul3A_54, %add3A_55 : i32
      %add3A_57 = arith.constant 1 : i32
      %add3A_58 = arith.addi %add3A_56, %add3A_57 : i32
      %lt3A_59 = arith.constant 80 : i32
      %lt3A_60 = arith.cmpi slt, %add3A_58, %lt3A_59 : i32
      %convert_element_type3A_61 = arith.extui %lt3A_60 : i1 to i32
      %cond3A_62 = arith.constant 0 : i32
      %cond3A_63 = arith.cmpi ne, %convert_element_type3A_61, %cond3A_62 : i32
      scf.if %cond3A_63 {
        %add3A_365 = arith.constant 1 : i32
        %add3A_366 = arith.addi %add3A_56, %add3A_365 : i32
        %mul3A_367 = arith.constant 128 : i32
        %mul3A_368 = arith.muli %add3A_366, %mul3A_367 : i32
        %dma_start3A_369 = tpu.memref_slice %arg7[%mul3A_368] : memref<10240xi32, #tpu.memory_space<vmem>> -> memref<128xi32, #tpu.memory_space<vmem>>
        %dma_start3A_370 = arith.constant 0 : i32
        %dma_start3A_371 = arith.constant 0 : i32
        %dma_start3A_372 = tpu.memref_slice %arg2[%dma_start3A_370, %dma_start3A_371] : memref<10240x128xf32, #tpu.memory_space<hbm>> -> memref<10240x128xf32, #tpu.memory_space<hbm>>
        tpu.enqueue_indirect_dma source(%dma_start3A_372 : memref<10240x128xf32, #tpu.memory_space<hbm>>) target(%arg11 : memref<128x128xf32, #tpu.memory_space<vmem>>) offsets(%dma_start3A_369 : memref<128xi32, #tpu.memory_space<vmem>>) semaphore(%arg15 : memref<!tpu.dma_semaphore, #tpu.memory_space<semaphore_mem>>)
      } else {
      }
      %mul3A_64 = arith.constant 128 : i32
      %mul3A_65 = arith.muli %add3A_56, %mul3A_64 : i32
      %dma_wait3A_66 = tpu.memref_slice %arg7[%mul3A_65] : memref<10240xi32, #tpu.memory_space<vmem>> -> memref<128xi32, #tpu.memory_space<vmem>>
      %dma_wait3A_67 = arith.constant 0 : i32
      %dma_wait3A_68 = arith.constant 0 : i32
      %dma_wait3A_69 = tpu.memref_slice %arg2[%dma_wait3A_67, %dma_wait3A_68] : memref<10240x128xf32, #tpu.memory_space<hbm>> -> memref<10240x128xf32, #tpu.memory_space<hbm>>
      tpu.wait_indirect_dma semaphore(%arg14 : memref<!tpu.dma_semaphore, #tpu.memory_space<semaphore_mem>>) src(%dma_wait3A_69 : memref<10240x128xf32, #tpu.memory_space<hbm>>) dst(%arg10 : memref<128x128xf32, #tpu.memory_space<vmem>>)
      %run_scoped3A = arith.constant 0 : i32
      "tpu.region"() ({
        %run_scoped3A_365 = tpu.sem_alloc : memref<!tpu.dma_semaphore, #tpu.memory_space<semaphore_mem>>
        %dma_start3A_366 = arith.constant 0 : i32
        %dma_start3A_367 = tpu.memref_slice %arg8[%run_scoped3A, %dma_start3A_366] : memref<8x128xi32, #tpu.memory_space<vmem>> -> memref<1x128xi32, #tpu.memory_space<vmem>>
        %dma_start3A_368 = tpu.memref_squeeze %dma_start3A_367 : memref<1x128xi32, #tpu.memory_space<vmem>> -> memref<128xi32, #tpu.memory_space<vmem>>
        %dma_start3A_369 = arith.constant 0 : i32
        %dma_start3A_370 = arith.constant 0 : i32
        %dma_start3A_371 = tpu.memref_slice %arg16[%dma_start3A_369, %dma_start3A_370] : memref<10240x128xf32, #tpu.memory_space<vmem_shared>> -> memref<10240x128xf32, #tpu.memory_space<vmem_shared>>
        tpu.enqueue_indirect_dma source(%arg10 : memref<128x128xf32, #tpu.memory_space<vmem>>) target(%dma_start3A_371 : memref<10240x128xf32, #tpu.memory_space<vmem_shared>>) offsets(%dma_start3A_368 : memref<128xi32, #tpu.memory_space<vmem>>) semaphore(%run_scoped3A_365 : memref<!tpu.dma_semaphore, #tpu.memory_space<semaphore_mem>>) {add = true}
        %dma_wait3A_372 = arith.constant 0 : i32
        %dma_wait3A_373 = tpu.memref_slice %arg8[%run_scoped3A, %dma_wait3A_372] : memref<8x128xi32, #tpu.memory_space<vmem>> -> memref<1x128xi32, #tpu.memory_space<vmem>>
        %dma_wait3A_374 = tpu.memref_squeeze %dma_wait3A_373 : memref<1x128xi32, #tpu.memory_space<vmem>> -> memref<128xi32, #tpu.memory_space<vmem>>
        %dma_wait3A_375 = arith.constant 0 : i32
        %dma_wait3A_376 = arith.constant 0 : i32
        %dma_wait3A_377 = tpu.memref_slice %arg16[%dma_wait3A_375, %dma_wait3A_376] : memref<10240x128xf32, #tpu.memory_space<vmem_shared>> -> memref<10240x128xf32, #tpu.memory_space<vmem_shared>>
        tpu.wait_indirect_dma semaphore(%run_scoped3A_365 : memref<!tpu.dma_semaphore, #tpu.memory_space<semaphore_mem>>) src(%arg10 : memref<128x128xf32, #tpu.memory_space<vmem>>) dst(%dma_wait3A_377 : memref<10240x128xf32, #tpu.memory_space<vmem_shared>>)
        tpu.yield
      }) : () -> ()
      %mul3A_70 = arith.constant 8 : i32
      %mul3A_71 = arith.muli %add3A_35, %mul3A_70 : i32
      %add3A_72 = arith.constant 1 : i32
      %add3A_73 = arith.addi %mul3A_71, %add3A_72 : i32
      %add3A_74 = arith.constant 1 : i32
      %add3A_75 = arith.addi %add3A_73, %add3A_74 : i32
      %lt3A_76 = arith.constant 80 : i32
      %lt3A_77 = arith.cmpi slt, %add3A_75, %lt3A_76 : i32
      %convert_element_type3A_78 = arith.extui %lt3A_77 : i1 to i32
      %cond3A_79 = arith.constant 0 : i32
      %cond3A_80 = arith.cmpi ne, %convert_element_type3A_78, %cond3A_79 : i32
      scf.if %cond3A_80 {
        %add3A_365 = arith.constant 1 : i32
        %add3A_366 = arith.addi %add3A_73, %add3A_365 : i32
        %mul3A_367 = arith.constant 128 : i32
        %mul3A_368 = arith.muli %add3A_366, %mul3A_367 : i32
        %dma_start3A_369 = tpu.memref_slice %arg7[%mul3A_368] : memref<10240xi32, #tpu.memory_space<vmem>> -> memref<128xi32, #tpu.memory_space<vmem>>
        %dma_start3A_370 = arith.constant 0 : i32
        %dma_start3A_371 = arith.constant 0 : i32
        %dma_start3A_372 = tpu.memref_slice %arg2[%dma_start3A_370, %dma_start3A_371] : memref<10240x128xf32, #tpu.memory_space<hbm>> -> memref<10240x128xf32, #tpu.memory_space<hbm>>
        tpu.enqueue_indirect_dma source(%dma_start3A_372 : memref<10240x128xf32, #tpu.memory_space<hbm>>) target(%arg10 : memref<128x128xf32, #tpu.memory_space<vmem>>) offsets(%dma_start3A_369 : memref<128xi32, #tpu.memory_space<vmem>>) semaphore(%arg14 : memref<!tpu.dma_semaphore, #tpu.memory_space<semaphore_mem>>)
      } else {
      }
      %mul3A_81 = arith.constant 128 : i32
      %mul3A_82 = arith.muli %add3A_73, %mul3A_81 : i32
      %dma_wait3A_83 = tpu.memref_slice %arg7[%mul3A_82] : memref<10240xi32, #tpu.memory_space<vmem>> -> memref<128xi32, #tpu.memory_space<vmem>>
      %dma_wait3A_84 = arith.constant 0 : i32
      %dma_wait3A_85 = arith.constant 0 : i32
      %dma_wait3A_86 = tpu.memref_slice %arg2[%dma_wait3A_84, %dma_wait3A_85] : memref<10240x128xf32, #tpu.memory_space<hbm>> -> memref<10240x128xf32, #tpu.memory_space<hbm>>
      tpu.wait_indirect_dma semaphore(%arg15 : memref<!tpu.dma_semaphore, #tpu.memory_space<semaphore_mem>>) src(%dma_wait3A_86 : memref<10240x128xf32, #tpu.memory_space<hbm>>) dst(%arg11 : memref<128x128xf32, #tpu.memory_space<vmem>>)
      %run_scoped3A_87 = arith.constant 1 : i32
      "tpu.region"() ({
        %run_scoped3A_365 = tpu.sem_alloc : memref<!tpu.dma_semaphore, #tpu.memory_space<semaphore_mem>>
        %dma_start3A_366 = arith.constant 0 : i32
        %dma_start3A_367 = tpu.memref_slice %arg8[%run_scoped3A_87, %dma_start3A_366] : memref<8x128xi32, #tpu.memory_space<vmem>> -> memref<1x128xi32, #tpu.memory_space<vmem>>
        %dma_start3A_368 = tpu.memref_squeeze %dma_start3A_367 : memref<1x128xi32, #tpu.memory_space<vmem>> -> memref<128xi32, #tpu.memory_space<vmem>>
        %dma_start3A_369 = arith.constant 0 : i32
        %dma_start3A_370 = arith.constant 0 : i32
        %dma_start3A_371 = tpu.memref_slice %arg16[%dma_start3A_369, %dma_start3A_370] : memref<10240x128xf32, #tpu.memory_space<vmem_shared>> -> memref<10240x128xf32, #tpu.memory_space<vmem_shared>>
        tpu.enqueue_indirect_dma source(%arg11 : memref<128x128xf32, #tpu.memory_space<vmem>>) target(%dma_start3A_371 : memref<10240x128xf32, #tpu.memory_space<vmem_shared>>) offsets(%dma_start3A_368 : memref<128xi32, #tpu.memory_space<vmem>>) semaphore(%run_scoped3A_365 : memref<!tpu.dma_semaphore, #tpu.memory_space<semaphore_mem>>) {add = true}
        %dma_wait3A_372 = arith.constant 0 : i32
        %dma_wait3A_373 = tpu.memref_slice %arg8[%run_scoped3A_87, %dma_wait3A_372] : memref<8x128xi32, #tpu.memory_space<vmem>> -> memref<1x128xi32, #tpu.memory_space<vmem>>
        %dma_wait3A_374 = tpu.memref_squeeze %dma_wait3A_373 : memref<1x128xi32, #tpu.memory_space<vmem>> -> memref<128xi32, #tpu.memory_space<vmem>>
        %dma_wait3A_375 = arith.constant 0 : i32
        %dma_wait3A_376 = arith.constant 0 : i32
        %dma_wait3A_377 = tpu.memref_slice %arg16[%dma_wait3A_375, %dma_wait3A_376] : memref<10240x128xf32, #tpu.memory_space<vmem_shared>> -> memref<10240x128xf32, #tpu.memory_space<vmem_shared>>
        tpu.wait_indirect_dma semaphore(%run_scoped3A_365 : memref<!tpu.dma_semaphore, #tpu.memory_space<semaphore_mem>>) src(%arg11 : memref<128x128xf32, #tpu.memory_space<vmem>>) dst(%dma_wait3A_377 : memref<10240x128xf32, #tpu.memory_space<vmem_shared>>)
        tpu.yield
      }) : () -> ()
      %mul3A_88 = arith.constant 8 : i32
      %mul3A_89 = arith.muli %add3A_35, %mul3A_88 : i32
      %add3A_90 = arith.constant 2 : i32
      %add3A_91 = arith.addi %mul3A_89, %add3A_90 : i32
      %add3A_92 = arith.constant 1 : i32
      %add3A_93 = arith.addi %add3A_91, %add3A_92 : i32
      %lt3A_94 = arith.constant 80 : i32
      %lt3A_95 = arith.cmpi slt, %add3A_93, %lt3A_94 : i32
      %convert_element_type3A_96 = arith.extui %lt3A_95 : i1 to i32
      %cond3A_97 = arith.constant 0 : i32
      %cond3A_98 = arith.cmpi ne, %convert_element_type3A_96, %cond3A_97 : i32
      scf.if %cond3A_98 {
        %add3A_365 = arith.constant 1 : i32
        %add3A_366 = arith.addi %add3A_91, %add3A_365 : i32
        %mul3A_367 = arith.constant 128 : i32
        %mul3A_368 = arith.muli %add3A_366, %mul3A_367 : i32
        %dma_start3A_369 = tpu.memref_slice %arg7[%mul3A_368] : memref<10240xi32, #tpu.memory_space<vmem>> -> memref<128xi32, #tpu.memory_space<vmem>>
        %dma_start3A_370 = arith.constant 0 : i32
        %dma_start3A_371 = arith.constant 0 : i32
        %dma_start3A_372 = tpu.memref_slice %arg2[%dma_start3A_370, %dma_start3A_371] : memref<10240x128xf32, #tpu.memory_space<hbm>> -> memref<10240x128xf32, #tpu.memory_space<hbm>>
        tpu.enqueue_indirect_dma source(%dma_start3A_372 : memref<10240x128xf32, #tpu.memory_space<hbm>>) target(%arg11 : memref<128x128xf32, #tpu.memory_space<vmem>>) offsets(%dma_start3A_369 : memref<128xi32, #tpu.memory_space<vmem>>) semaphore(%arg15 : memref<!tpu.dma_semaphore, #tpu.memory_space<semaphore_mem>>)
      } else {
      }
      %mul3A_99 = arith.constant 128 : i32
      %mul3A_100 = arith.muli %add3A_91, %mul3A_99 : i32
      %dma_wait3A_101 = tpu.memref_slice %arg7[%mul3A_100] : memref<10240xi32, #tpu.memory_space<vmem>> -> memref<128xi32, #tpu.memory_space<vmem>>
      %dma_wait3A_102 = arith.constant 0 : i32
      %dma_wait3A_103 = arith.constant 0 : i32
      %dma_wait3A_104 = tpu.memref_slice %arg2[%dma_wait3A_102, %dma_wait3A_103] : memref<10240x128xf32, #tpu.memory_space<hbm>> -> memref<10240x128xf32, #tpu.memory_space<hbm>>
      tpu.wait_indirect_dma semaphore(%arg14 : memref<!tpu.dma_semaphore, #tpu.memory_space<semaphore_mem>>) src(%dma_wait3A_104 : memref<10240x128xf32, #tpu.memory_space<hbm>>) dst(%arg10 : memref<128x128xf32, #tpu.memory_space<vmem>>)
      %run_scoped3A_105 = arith.constant 2 : i32
      "tpu.region"() ({
        %run_scoped3A_365 = tpu.sem_alloc : memref<!tpu.dma_semaphore, #tpu.memory_space<semaphore_mem>>
        %dma_start3A_366 = arith.constant 0 : i32
        %dma_start3A_367 = tpu.memref_slice %arg8[%run_scoped3A_105, %dma_start3A_366] : memref<8x128xi32, #tpu.memory_space<vmem>> -> memref<1x128xi32, #tpu.memory_space<vmem>>
        %dma_start3A_368 = tpu.memref_squeeze %dma_start3A_367 : memref<1x128xi32, #tpu.memory_space<vmem>> -> memref<128xi32, #tpu.memory_space<vmem>>
        %dma_start3A_369 = arith.constant 0 : i32
        %dma_start3A_370 = arith.constant 0 : i32
        %dma_start3A_371 = tpu.memref_slice %arg16[%dma_start3A_369, %dma_start3A_370] : memref<10240x128xf32, #tpu.memory_space<vmem_shared>> -> memref<10240x128xf32, #tpu.memory_space<vmem_shared>>
        tpu.enqueue_indirect_dma source(%arg10 : memref<128x128xf32, #tpu.memory_space<vmem>>) target(%dma_start3A_371 : memref<10240x128xf32, #tpu.memory_space<vmem_shared>>) offsets(%dma_start3A_368 : memref<128xi32, #tpu.memory_space<vmem>>) semaphore(%run_scoped3A_365 : memref<!tpu.dma_semaphore, #tpu.memory_space<semaphore_mem>>) {add = true}
        %dma_wait3A_372 = arith.constant 0 : i32
        %dma_wait3A_373 = tpu.memref_slice %arg8[%run_scoped3A_105, %dma_wait3A_372] : memref<8x128xi32, #tpu.memory_space<vmem>> -> memref<1x128xi32, #tpu.memory_space<vmem>>
        %dma_wait3A_374 = tpu.memref_squeeze %dma_wait3A_373 : memref<1x128xi32, #tpu.memory_space<vmem>> -> memref<128xi32, #tpu.memory_space<vmem>>
        %dma_wait3A_375 = arith.constant 0 : i32
        %dma_wait3A_376 = arith.constant 0 : i32
        %dma_wait3A_377 = tpu.memref_slice %arg16[%dma_wait3A_375, %dma_wait3A_376] : memref<10240x128xf32, #tpu.memory_space<vmem_shared>> -> memref<10240x128xf32, #tpu.memory_space<vmem_shared>>
        tpu.wait_indirect_dma semaphore(%run_scoped3A_365 : memref<!tpu.dma_semaphore, #tpu.memory_space<semaphore_mem>>) src(%arg10 : memref<128x128xf32, #tpu.memory_space<vmem>>) dst(%dma_wait3A_377 : memref<10240x128xf32, #tpu.memory_space<vmem_shared>>)
        tpu.yield
      }) : () -> ()
      %mul3A_106 = arith.constant 8 : i32
      %mul3A_107 = arith.muli %add3A_35, %mul3A_106 : i32
      %add3A_108 = arith.constant 3 : i32
      %add3A_109 = arith.addi %mul3A_107, %add3A_108 : i32
      %add3A_110 = arith.constant 1 : i32
      %add3A_111 = arith.addi %add3A_109, %add3A_110 : i32
      %lt3A_112 = arith.constant 80 : i32
      %lt3A_113 = arith.cmpi slt, %add3A_111, %lt3A_112 : i32
      %convert_element_type3A_114 = arith.extui %lt3A_113 : i1 to i32
      %cond3A_115 = arith.constant 0 : i32
      %cond3A_116 = arith.cmpi ne, %convert_element_type3A_114, %cond3A_115 : i32
      scf.if %cond3A_116 {
        %add3A_365 = arith.constant 1 : i32
        %add3A_366 = arith.addi %add3A_109, %add3A_365 : i32
        %mul3A_367 = arith.constant 128 : i32
        %mul3A_368 = arith.muli %add3A_366, %mul3A_367 : i32
        %dma_start3A_369 = tpu.memref_slice %arg7[%mul3A_368] : memref<10240xi32, #tpu.memory_space<vmem>> -> memref<128xi32, #tpu.memory_space<vmem>>
        %dma_start3A_370 = arith.constant 0 : i32
        %dma_start3A_371 = arith.constant 0 : i32
        %dma_start3A_372 = tpu.memref_slice %arg2[%dma_start3A_370, %dma_start3A_371] : memref<10240x128xf32, #tpu.memory_space<hbm>> -> memref<10240x128xf32, #tpu.memory_space<hbm>>
        tpu.enqueue_indirect_dma source(%dma_start3A_372 : memref<10240x128xf32, #tpu.memory_space<hbm>>) target(%arg10 : memref<128x128xf32, #tpu.memory_space<vmem>>) offsets(%dma_start3A_369 : memref<128xi32, #tpu.memory_space<vmem>>) semaphore(%arg14 : memref<!tpu.dma_semaphore, #tpu.memory_space<semaphore_mem>>)
      } else {
      }
      %mul3A_117 = arith.constant 128 : i32
      %mul3A_118 = arith.muli %add3A_109, %mul3A_117 : i32
      %dma_wait3A_119 = tpu.memref_slice %arg7[%mul3A_118] : memref<10240xi32, #tpu.memory_space<vmem>> -> memref<128xi32, #tpu.memory_space<vmem>>
      %dma_wait3A_120 = arith.constant 0 : i32
      %dma_wait3A_121 = arith.constant 0 : i32
      %dma_wait3A_122 = tpu.memref_slice %arg2[%dma_wait3A_120, %dma_wait3A_121] : memref<10240x128xf32, #tpu.memory_space<hbm>> -> memref<10240x128xf32, #tpu.memory_space<hbm>>
      tpu.wait_indirect_dma semaphore(%arg15 : memref<!tpu.dma_semaphore, #tpu.memory_space<semaphore_mem>>) src(%dma_wait3A_122 : memref<10240x128xf32, #tpu.memory_space<hbm>>) dst(%arg11 : memref<128x128xf32, #tpu.memory_space<vmem>>)
      %run_scoped3A_123 = arith.constant 3 : i32
      "tpu.region"() ({
        %run_scoped3A_365 = tpu.sem_alloc : memref<!tpu.dma_semaphore, #tpu.memory_space<semaphore_mem>>
        %dma_start3A_366 = arith.constant 0 : i32
        %dma_start3A_367 = tpu.memref_slice %arg8[%run_scoped3A_123, %dma_start3A_366] : memref<8x128xi32, #tpu.memory_space<vmem>> -> memref<1x128xi32, #tpu.memory_space<vmem>>
        %dma_start3A_368 = tpu.memref_squeeze %dma_start3A_367 : memref<1x128xi32, #tpu.memory_space<vmem>> -> memref<128xi32, #tpu.memory_space<vmem>>
        %dma_start3A_369 = arith.constant 0 : i32
        %dma_start3A_370 = arith.constant 0 : i32
        %dma_start3A_371 = tpu.memref_slice %arg16[%dma_start3A_369, %dma_start3A_370] : memref<10240x128xf32, #tpu.memory_space<vmem_shared>> -> memref<10240x128xf32, #tpu.memory_space<vmem_shared>>
        tpu.enqueue_indirect_dma source(%arg11 : memref<128x128xf32, #tpu.memory_space<vmem>>) target(%dma_start3A_371 : memref<10240x128xf32, #tpu.memory_space<vmem_shared>>) offsets(%dma_start3A_368 : memref<128xi32, #tpu.memory_space<vmem>>) semaphore(%run_scoped3A_365 : memref<!tpu.dma_semaphore, #tpu.memory_space<semaphore_mem>>) {add = true}
        %dma_wait3A_372 = arith.constant 0 : i32
        %dma_wait3A_373 = tpu.memref_slice %arg8[%run_scoped3A_123, %dma_wait3A_372] : memref<8x128xi32, #tpu.memory_space<vmem>> -> memref<1x128xi32, #tpu.memory_space<vmem>>
        %dma_wait3A_374 = tpu.memref_squeeze %dma_wait3A_373 : memref<1x128xi32, #tpu.memory_space<vmem>> -> memref<128xi32, #tpu.memory_space<vmem>>
        %dma_wait3A_375 = arith.constant 0 : i32
        %dma_wait3A_376 = arith.constant 0 : i32
        %dma_wait3A_377 = tpu.memref_slice %arg16[%dma_wait3A_375, %dma_wait3A_376] : memref<10240x128xf32, #tpu.memory_space<vmem_shared>> -> memref<10240x128xf32, #tpu.memory_space<vmem_shared>>
        tpu.wait_indirect_dma semaphore(%run_scoped3A_365 : memref<!tpu.dma_semaphore, #tpu.memory_space<semaphore_mem>>) src(%arg11 : memref<128x128xf32, #tpu.memory_space<vmem>>) dst(%dma_wait3A_377 : memref<10240x128xf32, #tpu.memory_space<vmem_shared>>)
        tpu.yield
      }) : () -> ()
      %mul3A_124 = arith.constant 8 : i32
      %mul3A_125 = arith.muli %add3A_35, %mul3A_124 : i32
      %add3A_126 = arith.constant 4 : i32
      %add3A_127 = arith.addi %mul3A_125, %add3A_126 : i32
      %add3A_128 = arith.constant 1 : i32
      %add3A_129 = arith.addi %add3A_127, %add3A_128 : i32
      %lt3A_130 = arith.constant 80 : i32
      %lt3A_131 = arith.cmpi slt, %add3A_129, %lt3A_130 : i32
      %convert_element_type3A_132 = arith.extui %lt3A_131 : i1 to i32
      %cond3A_133 = arith.constant 0 : i32
      %cond3A_134 = arith.cmpi ne, %convert_element_type3A_132, %cond3A_133 : i32
      scf.if %cond3A_134 {
        %add3A_365 = arith.constant 1 : i32
        %add3A_366 = arith.addi %add3A_127, %add3A_365 : i32
        %mul3A_367 = arith.constant 128 : i32
        %mul3A_368 = arith.muli %add3A_366, %mul3A_367 : i32
        %dma_start3A_369 = tpu.memref_slice %arg7[%mul3A_368] : memref<10240xi32, #tpu.memory_space<vmem>> -> memref<128xi32, #tpu.memory_space<vmem>>
        %dma_start3A_370 = arith.constant 0 : i32
        %dma_start3A_371 = arith.constant 0 : i32
        %dma_start3A_372 = tpu.memref_slice %arg2[%dma_start3A_370, %dma_start3A_371] : memref<10240x128xf32, #tpu.memory_space<hbm>> -> memref<10240x128xf32, #tpu.memory_space<hbm>>
        tpu.enqueue_indirect_dma source(%dma_start3A_372 : memref<10240x128xf32, #tpu.memory_space<hbm>>) target(%arg11 : memref<128x128xf32, #tpu.memory_space<vmem>>) offsets(%dma_start3A_369 : memref<128xi32, #tpu.memory_space<vmem>>) semaphore(%arg15 : memref<!tpu.dma_semaphore, #tpu.memory_space<semaphore_mem>>)
      } else {
      }
      %mul3A_135 = arith.constant 128 : i32
      %mul3A_136 = arith.muli %add3A_127, %mul3A_135 : i32
      %dma_wait3A_137 = tpu.memref_slice %arg7[%mul3A_136] : memref<10240xi32, #tpu.memory_space<vmem>> -> memref<128xi32, #tpu.memory_space<vmem>>
      %dma_wait3A_138 = arith.constant 0 : i32
      %dma_wait3A_139 = arith.constant 0 : i32
      %dma_wait3A_140 = tpu.memref_slice %arg2[%dma_wait3A_138, %dma_wait3A_139] : memref<10240x128xf32, #tpu.memory_space<hbm>> -> memref<10240x128xf32, #tpu.memory_space<hbm>>
      tpu.wait_indirect_dma semaphore(%arg14 : memref<!tpu.dma_semaphore, #tpu.memory_space<semaphore_mem>>) src(%dma_wait3A_140 : memref<10240x128xf32, #tpu.memory_space<hbm>>) dst(%arg10 : memref<128x128xf32, #tpu.memory_space<vmem>>)
      %run_scoped3A_141 = arith.constant 4 : i32
      "tpu.region"() ({
        %run_scoped3A_365 = tpu.sem_alloc : memref<!tpu.dma_semaphore, #tpu.memory_space<semaphore_mem>>
        %dma_start3A_366 = arith.constant 0 : i32
        %dma_start3A_367 = tpu.memref_slice %arg8[%run_scoped3A_141, %dma_start3A_366] : memref<8x128xi32, #tpu.memory_space<vmem>> -> memref<1x128xi32, #tpu.memory_space<vmem>>
        %dma_start3A_368 = tpu.memref_squeeze %dma_start3A_367 : memref<1x128xi32, #tpu.memory_space<vmem>> -> memref<128xi32, #tpu.memory_space<vmem>>
        %dma_start3A_369 = arith.constant 0 : i32
        %dma_start3A_370 = arith.constant 0 : i32
        %dma_start3A_371 = tpu.memref_slice %arg16[%dma_start3A_369, %dma_start3A_370] : memref<10240x128xf32, #tpu.memory_space<vmem_shared>> -> memref<10240x128xf32, #tpu.memory_space<vmem_shared>>
        tpu.enqueue_indirect_dma source(%arg10 : memref<128x128xf32, #tpu.memory_space<vmem>>) target(%dma_start3A_371 : memref<10240x128xf32, #tpu.memory_space<vmem_shared>>) offsets(%dma_start3A_368 : memref<128xi32, #tpu.memory_space<vmem>>) semaphore(%run_scoped3A_365 : memref<!tpu.dma_semaphore, #tpu.memory_space<semaphore_mem>>) {add = true}
        %dma_wait3A_372 = arith.constant 0 : i32
        %dma_wait3A_373 = tpu.memref_slice %arg8[%run_scoped3A_141, %dma_wait3A_372] : memref<8x128xi32, #tpu.memory_space<vmem>> -> memref<1x128xi32, #tpu.memory_space<vmem>>
        %dma_wait3A_374 = tpu.memref_squeeze %dma_wait3A_373 : memref<1x128xi32, #tpu.memory_space<vmem>> -> memref<128xi32, #tpu.memory_space<vmem>>
        %dma_wait3A_375 = arith.constant 0 : i32
        %dma_wait3A_376 = arith.constant 0 : i32
        %dma_wait3A_377 = tpu.memref_slice %arg16[%dma_wait3A_375, %dma_wait3A_376] : memref<10240x128xf32, #tpu.memory_space<vmem_shared>> -> memref<10240x128xf32, #tpu.memory_space<vmem_shared>>
        tpu.wait_indirect_dma semaphore(%run_scoped3A_365 : memref<!tpu.dma_semaphore, #tpu.memory_space<semaphore_mem>>) src(%arg10 : memref<128x128xf32, #tpu.memory_space<vmem>>) dst(%dma_wait3A_377 : memref<10240x128xf32, #tpu.memory_space<vmem_shared>>)
        tpu.yield
      }) : () -> ()
      %mul3A_142 = arith.constant 8 : i32
      %mul3A_143 = arith.muli %add3A_35, %mul3A_142 : i32
      %add3A_144 = arith.constant 5 : i32
      %add3A_145 = arith.addi %mul3A_143, %add3A_144 : i32
      %add3A_146 = arith.constant 1 : i32
      %add3A_147 = arith.addi %add3A_145, %add3A_146 : i32
      %lt3A_148 = arith.constant 80 : i32
      %lt3A_149 = arith.cmpi slt, %add3A_147, %lt3A_148 : i32
      %convert_element_type3A_150 = arith.extui %lt3A_149 : i1 to i32
      %cond3A_151 = arith.constant 0 : i32
      %cond3A_152 = arith.cmpi ne, %convert_element_type3A_150, %cond3A_151 : i32
      scf.if %cond3A_152 {
        %add3A_365 = arith.constant 1 : i32
        %add3A_366 = arith.addi %add3A_145, %add3A_365 : i32
        %mul3A_367 = arith.constant 128 : i32
        %mul3A_368 = arith.muli %add3A_366, %mul3A_367 : i32
        %dma_start3A_369 = tpu.memref_slice %arg7[%mul3A_368] : memref<10240xi32, #tpu.memory_space<vmem>> -> memref<128xi32, #tpu.memory_space<vmem>>
        %dma_start3A_370 = arith.constant 0 : i32
        %dma_start3A_371 = arith.constant 0 : i32
        %dma_start3A_372 = tpu.memref_slice %arg2[%dma_start3A_370, %dma_start3A_371] : memref<10240x128xf32, #tpu.memory_space<hbm>> -> memref<10240x128xf32, #tpu.memory_space<hbm>>
        tpu.enqueue_indirect_dma source(%dma_start3A_372 : memref<10240x128xf32, #tpu.memory_space<hbm>>) target(%arg10 : memref<128x128xf32, #tpu.memory_space<vmem>>) offsets(%dma_start3A_369 : memref<128xi32, #tpu.memory_space<vmem>>) semaphore(%arg14 : memref<!tpu.dma_semaphore, #tpu.memory_space<semaphore_mem>>)
      } else {
      }
      %mul3A_153 = arith.constant 128 : i32
      %mul3A_154 = arith.muli %add3A_145, %mul3A_153 : i32
      %dma_wait3A_155 = tpu.memref_slice %arg7[%mul3A_154] : memref<10240xi32, #tpu.memory_space<vmem>> -> memref<128xi32, #tpu.memory_space<vmem>>
      %dma_wait3A_156 = arith.constant 0 : i32
      %dma_wait3A_157 = arith.constant 0 : i32
      %dma_wait3A_158 = tpu.memref_slice %arg2[%dma_wait3A_156, %dma_wait3A_157] : memref<10240x128xf32, #tpu.memory_space<hbm>> -> memref<10240x128xf32, #tpu.memory_space<hbm>>
      tpu.wait_indirect_dma semaphore(%arg15 : memref<!tpu.dma_semaphore, #tpu.memory_space<semaphore_mem>>) src(%dma_wait3A_158 : memref<10240x128xf32, #tpu.memory_space<hbm>>) dst(%arg11 : memref<128x128xf32, #tpu.memory_space<vmem>>)
      %run_scoped3A_159 = arith.constant 5 : i32
      "tpu.region"() ({
        %run_scoped3A_365 = tpu.sem_alloc : memref<!tpu.dma_semaphore, #tpu.memory_space<semaphore_mem>>
        %dma_start3A_366 = arith.constant 0 : i32
        %dma_start3A_367 = tpu.memref_slice %arg8[%run_scoped3A_159, %dma_start3A_366] : memref<8x128xi32, #tpu.memory_space<vmem>> -> memref<1x128xi32, #tpu.memory_space<vmem>>
        %dma_start3A_368 = tpu.memref_squeeze %dma_start3A_367 : memref<1x128xi32, #tpu.memory_space<vmem>> -> memref<128xi32, #tpu.memory_space<vmem>>
        %dma_start3A_369 = arith.constant 0 : i32
        %dma_start3A_370 = arith.constant 0 : i32
        %dma_start3A_371 = tpu.memref_slice %arg16[%dma_start3A_369, %dma_start3A_370] : memref<10240x128xf32, #tpu.memory_space<vmem_shared>> -> memref<10240x128xf32, #tpu.memory_space<vmem_shared>>
        tpu.enqueue_indirect_dma source(%arg11 : memref<128x128xf32, #tpu.memory_space<vmem>>) target(%dma_start3A_371 : memref<10240x128xf32, #tpu.memory_space<vmem_shared>>) offsets(%dma_start3A_368 : memref<128xi32, #tpu.memory_space<vmem>>) semaphore(%run_scoped3A_365 : memref<!tpu.dma_semaphore, #tpu.memory_space<semaphore_mem>>) {add = true}
        %dma_wait3A_372 = arith.constant 0 : i32
        %dma_wait3A_373 = tpu.memref_slice %arg8[%run_scoped3A_159, %dma_wait3A_372] : memref<8x128xi32, #tpu.memory_space<vmem>> -> memref<1x128xi32, #tpu.memory_space<vmem>>
        %dma_wait3A_374 = tpu.memref_squeeze %dma_wait3A_373 : memref<1x128xi32, #tpu.memory_space<vmem>> -> memref<128xi32, #tpu.memory_space<vmem>>
        %dma_wait3A_375 = arith.constant 0 : i32
        %dma_wait3A_376 = arith.constant 0 : i32
        %dma_wait3A_377 = tpu.memref_slice %arg16[%dma_wait3A_375, %dma_wait3A_376] : memref<10240x128xf32, #tpu.memory_space<vmem_shared>> -> memref<10240x128xf32, #tpu.memory_space<vmem_shared>>
        tpu.wait_indirect_dma semaphore(%run_scoped3A_365 : memref<!tpu.dma_semaphore, #tpu.memory_space<semaphore_mem>>) src(%arg11 : memref<128x128xf32, #tpu.memory_space<vmem>>) dst(%dma_wait3A_377 : memref<10240x128xf32, #tpu.memory_space<vmem_shared>>)
        tpu.yield
      }) : () -> ()
      %mul3A_160 = arith.constant 8 : i32
      %mul3A_161 = arith.muli %add3A_35, %mul3A_160 : i32
      %add3A_162 = arith.constant 6 : i32
      %add3A_163 = arith.addi %mul3A_161, %add3A_162 : i32
      %add3A_164 = arith.constant 1 : i32
      %add3A_165 = arith.addi %add3A_163, %add3A_164 : i32
      %lt3A_166 = arith.constant 80 : i32
      %lt3A_167 = arith.cmpi slt, %add3A_165, %lt3A_166 : i32
      %convert_element_type3A_168 = arith.extui %lt3A_167 : i1 to i32
      %cond3A_169 = arith.constant 0 : i32
      %cond3A_170 = arith.cmpi ne, %convert_element_type3A_168, %cond3A_169 : i32
      scf.if %cond3A_170 {
        %add3A_365 = arith.constant 1 : i32
        %add3A_366 = arith.addi %add3A_163, %add3A_365 : i32
        %mul3A_367 = arith.constant 128 : i32
        %mul3A_368 = arith.muli %add3A_366, %mul3A_367 : i32
        %dma_start3A_369 = tpu.memref_slice %arg7[%mul3A_368] : memref<10240xi32, #tpu.memory_space<vmem>> -> memref<128xi32, #tpu.memory_space<vmem>>
        %dma_start3A_370 = arith.constant 0 : i32
        %dma_start3A_371 = arith.constant 0 : i32
        %dma_start3A_372 = tpu.memref_slice %arg2[%dma_start3A_370, %dma_start3A_371] : memref<10240x128xf32, #tpu.memory_space<hbm>> -> memref<10240x128xf32, #tpu.memory_space<hbm>>
        tpu.enqueue_indirect_dma source(%dma_start3A_372 : memref<10240x128xf32, #tpu.memory_space<hbm>>) target(%arg11 : memref<128x128xf32, #tpu.memory_space<vmem>>) offsets(%dma_start3A_369 : memref<128xi32, #tpu.memory_space<vmem>>) semaphore(%arg15 : memref<!tpu.dma_semaphore, #tpu.memory_space<semaphore_mem>>)
      } else {
      }
      %mul3A_171 = arith.constant 128 : i32
      %mul3A_172 = arith.muli %add3A_163, %mul3A_171 : i32
      %dma_wait3A_173 = tpu.memref_slice %arg7[%mul3A_172] : memref<10240xi32, #tpu.memory_space<vmem>> -> memref<128xi32, #tpu.memory_space<vmem>>
      %dma_wait3A_174 = arith.constant 0 : i32
      %dma_wait3A_175 = arith.constant 0 : i32
      %dma_wait3A_176 = tpu.memref_slice %arg2[%dma_wait3A_174, %dma_wait3A_175] : memref<10240x128xf32, #tpu.memory_space<hbm>> -> memref<10240x128xf32, #tpu.memory_space<hbm>>
      tpu.wait_indirect_dma semaphore(%arg14 : memref<!tpu.dma_semaphore, #tpu.memory_space<semaphore_mem>>) src(%dma_wait3A_176 : memref<10240x128xf32, #tpu.memory_space<hbm>>) dst(%arg10 : memref<128x128xf32, #tpu.memory_space<vmem>>)
      %run_scoped3A_177 = arith.constant 6 : i32
      "tpu.region"() ({
        %run_scoped3A_365 = tpu.sem_alloc : memref<!tpu.dma_semaphore, #tpu.memory_space<semaphore_mem>>
        %dma_start3A_366 = arith.constant 0 : i32
        %dma_start3A_367 = tpu.memref_slice %arg8[%run_scoped3A_177, %dma_start3A_366] : memref<8x128xi32, #tpu.memory_space<vmem>> -> memref<1x128xi32, #tpu.memory_space<vmem>>
        %dma_start3A_368 = tpu.memref_squeeze %dma_start3A_367 : memref<1x128xi32, #tpu.memory_space<vmem>> -> memref<128xi32, #tpu.memory_space<vmem>>
        %dma_start3A_369 = arith.constant 0 : i32
        %dma_start3A_370 = arith.constant 0 : i32
        %dma_start3A_371 = tpu.memref_slice %arg16[%dma_start3A_369, %dma_start3A_370] : memref<10240x128xf32, #tpu.memory_space<vmem_shared>> -> memref<10240x128xf32, #tpu.memory_space<vmem_shared>>
        tpu.enqueue_indirect_dma source(%arg10 : memref<128x128xf32, #tpu.memory_space<vmem>>) target(%dma_start3A_371 : memref<10240x128xf32, #tpu.memory_space<vmem_shared>>) offsets(%dma_start3A_368 : memref<128xi32, #tpu.memory_space<vmem>>) semaphore(%run_scoped3A_365 : memref<!tpu.dma_semaphore, #tpu.memory_space<semaphore_mem>>) {add = true}
        %dma_wait3A_372 = arith.constant 0 : i32
        %dma_wait3A_373 = tpu.memref_slice %arg8[%run_scoped3A_177, %dma_wait3A_372] : memref<8x128xi32, #tpu.memory_space<vmem>> -> memref<1x128xi32, #tpu.memory_space<vmem>>
        %dma_wait3A_374 = tpu.memref_squeeze %dma_wait3A_373 : memref<1x128xi32, #tpu.memory_space<vmem>> -> memref<128xi32, #tpu.memory_space<vmem>>
        %dma_wait3A_375 = arith.constant 0 : i32
        %dma_wait3A_376 = arith.constant 0 : i32
        %dma_wait3A_377 = tpu.memref_slice %arg16[%dma_wait3A_375, %dma_wait3A_376] : memref<10240x128xf32, #tpu.memory_space<vmem_shared>> -> memref<10240x128xf32, #tpu.memory_space<vmem_shared>>
        tpu.wait_indirect_dma semaphore(%run_scoped3A_365 : memref<!tpu.dma_semaphore, #tpu.memory_space<semaphore_mem>>) src(%arg10 : memref<128x128xf32, #tpu.memory_space<vmem>>) dst(%dma_wait3A_377 : memref<10240x128xf32, #tpu.memory_space<vmem_shared>>)
        tpu.yield
      }) : () -> ()
      %mul3A_178 = arith.constant 8 : i32
      %mul3A_179 = arith.muli %add3A_35, %mul3A_178 : i32
      %add3A_180 = arith.constant 7 : i32
      %add3A_181 = arith.addi %mul3A_179, %add3A_180 : i32
      %add3A_182 = arith.constant 1 : i32
      %add3A_183 = arith.addi %add3A_181, %add3A_182 : i32
      %lt3A_184 = arith.constant 80 : i32
      %lt3A_185 = arith.cmpi slt, %add3A_183, %lt3A_184 : i32
      %convert_element_type3A_186 = arith.extui %lt3A_185 : i1 to i32
      %cond3A_187 = arith.constant 0 : i32
      %cond3A_188 = arith.cmpi ne, %convert_element_type3A_186, %cond3A_187 : i32
      scf.if %cond3A_188 {
        %add3A_365 = arith.constant 1 : i32
        %add3A_366 = arith.addi %add3A_181, %add3A_365 : i32
        %mul3A_367 = arith.constant 128 : i32
        %mul3A_368 = arith.muli %add3A_366, %mul3A_367 : i32
        %dma_start3A_369 = tpu.memref_slice %arg7[%mul3A_368] : memref<10240xi32, #tpu.memory_space<vmem>> -> memref<128xi32, #tpu.memory_space<vmem>>
        %dma_start3A_370 = arith.constant 0 : i32
        %dma_start3A_371 = arith.constant 0 : i32
        %dma_start3A_372 = tpu.memref_slice %arg2[%dma_start3A_370, %dma_start3A_371] : memref<10240x128xf32, #tpu.memory_space<hbm>> -> memref<10240x128xf32, #tpu.memory_space<hbm>>
        tpu.enqueue_indirect_dma source(%dma_start3A_372 : memref<10240x128xf32, #tpu.memory_space<hbm>>) target(%arg10 : memref<128x128xf32, #tpu.memory_space<vmem>>) offsets(%dma_start3A_369 : memref<128xi32, #tpu.memory_space<vmem>>) semaphore(%arg14 : memref<!tpu.dma_semaphore, #tpu.memory_space<semaphore_mem>>)
      } else {
      }
      %mul3A_189 = arith.constant 128 : i32
      %mul3A_190 = arith.muli %add3A_181, %mul3A_189 : i32
      %dma_wait3A_191 = tpu.memref_slice %arg7[%mul3A_190] : memref<10240xi32, #tpu.memory_space<vmem>> -> memref<128xi32, #tpu.memory_space<vmem>>
      %dma_wait3A_192 = arith.constant 0 : i32
      %dma_wait3A_193 = arith.constant 0 : i32
      %dma_wait3A_194 = tpu.memref_slice %arg2[%dma_wait3A_192, %dma_wait3A_193] : memref<10240x128xf32, #tpu.memory_space<hbm>> -> memref<10240x128xf32, #tpu.memory_space<hbm>>
      tpu.wait_indirect_dma semaphore(%arg15 : memref<!tpu.dma_semaphore, #tpu.memory_space<semaphore_mem>>) src(%dma_wait3A_194 : memref<10240x128xf32, #tpu.memory_space<hbm>>) dst(%arg11 : memref<128x128xf32, #tpu.memory_space<vmem>>)
      %run_scoped3A_195 = arith.constant 7 : i32
      "tpu.region"() ({
        %run_scoped3A_365 = tpu.sem_alloc : memref<!tpu.dma_semaphore, #tpu.memory_space<semaphore_mem>>
        %dma_start3A_366 = arith.constant 0 : i32
        %dma_start3A_367 = tpu.memref_slice %arg8[%run_scoped3A_195, %dma_start3A_366] : memref<8x128xi32, #tpu.memory_space<vmem>> -> memref<1x128xi32, #tpu.memory_space<vmem>>
        %dma_start3A_368 = tpu.memref_squeeze %dma_start3A_367 : memref<1x128xi32, #tpu.memory_space<vmem>> -> memref<128xi32, #tpu.memory_space<vmem>>
        %dma_start3A_369 = arith.constant 0 : i32
        %dma_start3A_370 = arith.constant 0 : i32
        %dma_start3A_371 = tpu.memref_slice %arg16[%dma_start3A_369, %dma_start3A_370] : memref<10240x128xf32, #tpu.memory_space<vmem_shared>> -> memref<10240x128xf32, #tpu.memory_space<vmem_shared>>
        tpu.enqueue_indirect_dma source(%arg11 : memref<128x128xf32, #tpu.memory_space<vmem>>) target(%dma_start3A_371 : memref<10240x128xf32, #tpu.memory_space<vmem_shared>>) offsets(%dma_start3A_368 : memref<128xi32, #tpu.memory_space<vmem>>) semaphore(%run_scoped3A_365 : memref<!tpu.dma_semaphore, #tpu.memory_space<semaphore_mem>>) {add = true}
        %dma_wait3A_372 = arith.constant 0 : i32
        %dma_wait3A_373 = tpu.memref_slice %arg8[%run_scoped3A_195, %dma_wait3A_372] : memref<8x128xi32, #tpu.memory_space<vmem>> -> memref<1x128xi32, #tpu.memory_space<vmem>>
        %dma_wait3A_374 = tpu.memref_squeeze %dma_wait3A_373 : memref<1x128xi32, #tpu.memory_space<vmem>> -> memref<128xi32, #tpu.memory_space<vmem>>
        %dma_wait3A_375 = arith.constant 0 : i32
        %dma_wait3A_376 = arith.constant 0 : i32
        %dma_wait3A_377 = tpu.memref_slice %arg16[%dma_wait3A_375, %dma_wait3A_376] : memref<10240x128xf32, #tpu.memory_space<vmem_shared>> -> memref<10240x128xf32, #tpu.memory_space<vmem_shared>>
        tpu.wait_indirect_dma semaphore(%run_scoped3A_365 : memref<!tpu.dma_semaphore, #tpu.memory_space<semaphore_mem>>) src(%arg11 : memref<128x128xf32, #tpu.memory_space<vmem>>) dst(%dma_wait3A_377 : memref<10240x128xf32, #tpu.memory_space<vmem_shared>>)
        tpu.yield
      }) : () -> ()
      %mul3A_196 = arith.constant 2 : i32
      %mul3A_197 = arith.muli %mul3A_196, %scan3A_31 : i32
      %add3A_198 = arith.constant 1 : i32
      %add3A_199 = arith.addi %mul3A_197, %add3A_198 : i32
      %add3A_200 = arith.constant 1 : i32
      %add3A_201 = arith.addi %add3A_199, %add3A_200 : i32
      %lt3A_202 = arith.constant 10 : i32
      %lt3A_203 = arith.cmpi slt, %add3A_201, %lt3A_202 : i32
      %convert_element_type3A_204 = arith.extui %lt3A_203 : i1 to i32
      %cond3A_205 = arith.constant 0 : i32
      %cond3A_206 = arith.cmpi ne, %convert_element_type3A_204, %cond3A_205 : i32
      scf.if %cond3A_206 {
        %add3A_365 = arith.constant 1 : i32
        %add3A_366 = arith.addi %add3A_199, %add3A_365 : i32
        %mul3A_367 = arith.constant 8 : i32
        %mul3A_368 = arith.muli %add3A_366, %mul3A_367 : i32
        %dma_start3A_369 = arith.constant 0 : i32
        %dma_start3A_370 = arith.constant 0 : i32
        %dma_start3A_371 = tpu.memref_slice %arg4[%add3A, %dma_start3A_369, %dma_start3A_370] : memref<32x80x128xi32, #tpu.memory_space<hbm>> -> memref<1x80x128xi32, #tpu.memory_space<hbm>>
        %dma_start3A_372 = tpu.memref_squeeze %dma_start3A_371 : memref<1x80x128xi32, #tpu.memory_space<hbm>> -> memref<80x128xi32, #tpu.memory_space<hbm>>
        %dma_start3A_373 = arith.constant 0 : i32
        %dma_start3A_374 = tpu.memref_slice %dma_start3A_372[%mul3A_368, %dma_start3A_373] : memref<80x128xi32, #tpu.memory_space<hbm>> -> memref<8x128xi32, #tpu.memory_space<hbm>>
        %dma_start3A_375 = arith.constant 0 : i32
        %dma_start3A_376 = arith.constant 0 : i32
        %dma_start3A_377 = tpu.memref_slice %arg4[%add3A, %dma_start3A_375, %dma_start3A_376] : memref<32x80x128xi32, #tpu.memory_space<hbm>> -> memref<1x80x128xi32, #tpu.memory_space<hbm>>
        %dma_start3A_378 = tpu.memref_squeeze %dma_start3A_377 : memref<1x80x128xi32, #tpu.memory_space<hbm>> -> memref<80x128xi32, #tpu.memory_space<hbm>>
        %dma_start3A_379 = arith.constant 0 : i32
        %dma_start3A_380 = tpu.memref_slice %dma_start3A_378[%mul3A_368, %dma_start3A_379] : memref<80x128xi32, #tpu.memory_space<hbm>> -> memref<8x128xi32, #tpu.memory_space<hbm>>
        tpu.enqueue_dma source(%dma_start3A_380 : memref<8x128xi32, #tpu.memory_space<hbm>>) target(%arg8 : memref<8x128xi32, #tpu.memory_space<vmem>>) target_semaphore(%arg12 : memref<!tpu.dma_semaphore, #tpu.memory_space<semaphore_mem>>)
      } else {
      }
      %dma_wait3A_207 = arith.constant 0 : i32
      %dma_wait3A_208 = arith.constant 0 : i32
      %dma_wait3A_209 = tpu.memref_slice %arg4[%add3A, %dma_wait3A_207, %dma_wait3A_208] : memref<32x80x128xi32, #tpu.memory_space<hbm>> -> memref<1x80x128xi32, #tpu.memory_space<hbm>>
      %dma_wait3A_210 = tpu.memref_squeeze %dma_wait3A_209 : memref<1x80x128xi32, #tpu.memory_space<hbm>> -> memref<80x128xi32, #tpu.memory_space<hbm>>
      %dma_wait3A_211 = arith.constant 0 : i32
      %dma_wait3A_212 = arith.constant 0 : i32
      %dma_wait3A_213 = tpu.memref_slice %dma_wait3A_210[%dma_wait3A_211, %dma_wait3A_212] : memref<80x128xi32, #tpu.memory_space<hbm>> -> memref<8x128xi32, #tpu.memory_space<hbm>>
      %dma_wait3A_214 = arith.constant 0 : i32
      %dma_wait3A_215 = arith.constant 0 : i32
      %dma_wait3A_216 = tpu.memref_slice %arg4[%add3A, %dma_wait3A_214, %dma_wait3A_215] : memref<32x80x128xi32, #tpu.memory_space<hbm>> -> memref<1x80x128xi32, #tpu.memory_space<hbm>>
      %dma_wait3A_217 = tpu.memref_squeeze %dma_wait3A_216 : memref<1x80x128xi32, #tpu.memory_space<hbm>> -> memref<80x128xi32, #tpu.memory_space<hbm>>
      %dma_wait3A_218 = arith.constant 0 : i32
      %dma_wait3A_219 = arith.constant 0 : i32
      %dma_wait3A_220 = tpu.memref_slice %dma_wait3A_217[%dma_wait3A_218, %dma_wait3A_219] : memref<80x128xi32, #tpu.memory_space<hbm>> -> memref<8x128xi32, #tpu.memory_space<hbm>>
      tpu.wait_dma2 semaphore(%arg13 : memref<!tpu.dma_semaphore, #tpu.memory_space<semaphore_mem>>) src(%dma_wait3A_220 : memref<8x128xi32, #tpu.memory_space<hbm>>) dst(%arg9 : memref<8x128xi32, #tpu.memory_space<vmem>>)
      %mul3A_221 = arith.constant 8 : i32
      %mul3A_222 = arith.muli %add3A_199, %mul3A_221 : i32
      %add3A_223 = arith.constant 0 : i32
      %add3A_224 = arith.addi %mul3A_222, %add3A_223 : i32
      %add3A_225 = arith.constant 1 : i32
      %add3A_226 = arith.addi %add3A_224, %add3A_225 : i32
      %lt3A_227 = arith.constant 80 : i32
      %lt3A_228 = arith.cmpi slt, %add3A_226, %lt3A_227 : i32
      %convert_element_type3A_229 = arith.extui %lt3A_228 : i1 to i32
      %cond3A_230 = arith.constant 0 : i32
      %cond3A_231 = arith.cmpi ne, %convert_element_type3A_229, %cond3A_230 : i32
      scf.if %cond3A_231 {
        %add3A_365 = arith.constant 1 : i32
        %add3A_366 = arith.addi %add3A_224, %add3A_365 : i32
        %mul3A_367 = arith.constant 128 : i32
        %mul3A_368 = arith.muli %add3A_366, %mul3A_367 : i32
        %dma_start3A_369 = tpu.memref_slice %arg7[%mul3A_368] : memref<10240xi32, #tpu.memory_space<vmem>> -> memref<128xi32, #tpu.memory_space<vmem>>
        %dma_start3A_370 = arith.constant 0 : i32
        %dma_start3A_371 = arith.constant 0 : i32
        %dma_start3A_372 = tpu.memref_slice %arg2[%dma_start3A_370, %dma_start3A_371] : memref<10240x128xf32, #tpu.memory_space<hbm>> -> memref<10240x128xf32, #tpu.memory_space<hbm>>
        tpu.enqueue_indirect_dma source(%dma_start3A_372 : memref<10240x128xf32, #tpu.memory_space<hbm>>) target(%arg11 : memref<128x128xf32, #tpu.memory_space<vmem>>) offsets(%dma_start3A_369 : memref<128xi32, #tpu.memory_space<vmem>>) semaphore(%arg15 : memref<!tpu.dma_semaphore, #tpu.memory_space<semaphore_mem>>)
      } else {
      }
      %mul3A_232 = arith.constant 128 : i32
      %mul3A_233 = arith.muli %add3A_224, %mul3A_232 : i32
      %dma_wait3A_234 = tpu.memref_slice %arg7[%mul3A_233] : memref<10240xi32, #tpu.memory_space<vmem>> -> memref<128xi32, #tpu.memory_space<vmem>>
      %dma_wait3A_235 = arith.constant 0 : i32
      %dma_wait3A_236 = arith.constant 0 : i32
      %dma_wait3A_237 = tpu.memref_slice %arg2[%dma_wait3A_235, %dma_wait3A_236] : memref<10240x128xf32, #tpu.memory_space<hbm>> -> memref<10240x128xf32, #tpu.memory_space<hbm>>
      tpu.wait_indirect_dma semaphore(%arg14 : memref<!tpu.dma_semaphore, #tpu.memory_space<semaphore_mem>>) src(%dma_wait3A_237 : memref<10240x128xf32, #tpu.memory_space<hbm>>) dst(%arg10 : memref<128x128xf32, #tpu.memory_space<vmem>>)
      %run_scoped3A_238 = arith.constant 0 : i32
      "tpu.region"() ({
        %run_scoped3A_365 = tpu.sem_alloc : memref<!tpu.dma_semaphore, #tpu.memory_space<semaphore_mem>>
        %dma_start3A_366 = arith.constant 0 : i32
        %dma_start3A_367 = tpu.memref_slice %arg9[%run_scoped3A_238, %dma_start3A_366] : memref<8x128xi32, #tpu.memory_space<vmem>> -> memref<1x128xi32, #tpu.memory_space<vmem>>
        %dma_start3A_368 = tpu.memref_squeeze %dma_start3A_367 : memref<1x128xi32, #tpu.memory_space<vmem>> -> memref<128xi32, #tpu.memory_space<vmem>>
        %dma_start3A_369 = arith.constant 0 : i32
        %dma_start3A_370 = arith.constant 0 : i32
        %dma_start3A_371 = tpu.memref_slice %arg16[%dma_start3A_369, %dma_start3A_370] : memref<10240x128xf32, #tpu.memory_space<vmem_shared>> -> memref<10240x128xf32, #tpu.memory_space<vmem_shared>>
        tpu.enqueue_indirect_dma source(%arg10 : memref<128x128xf32, #tpu.memory_space<vmem>>) target(%dma_start3A_371 : memref<10240x128xf32, #tpu.memory_space<vmem_shared>>) offsets(%dma_start3A_368 : memref<128xi32, #tpu.memory_space<vmem>>) semaphore(%run_scoped3A_365 : memref<!tpu.dma_semaphore, #tpu.memory_space<semaphore_mem>>) {add = true}
        %dma_wait3A_372 = arith.constant 0 : i32
        %dma_wait3A_373 = tpu.memref_slice %arg9[%run_scoped3A_238, %dma_wait3A_372] : memref<8x128xi32, #tpu.memory_space<vmem>> -> memref<1x128xi32, #tpu.memory_space<vmem>>
        %dma_wait3A_374 = tpu.memref_squeeze %dma_wait3A_373 : memref<1x128xi32, #tpu.memory_space<vmem>> -> memref<128xi32, #tpu.memory_space<vmem>>
        %dma_wait3A_375 = arith.constant 0 : i32
        %dma_wait3A_376 = arith.constant 0 : i32
        %dma_wait3A_377 = tpu.memref_slice %arg16[%dma_wait3A_375, %dma_wait3A_376] : memref<10240x128xf32, #tpu.memory_space<vmem_shared>> -> memref<10240x128xf32, #tpu.memory_space<vmem_shared>>
        tpu.wait_indirect_dma semaphore(%run_scoped3A_365 : memref<!tpu.dma_semaphore, #tpu.memory_space<semaphore_mem>>) src(%arg10 : memref<128x128xf32, #tpu.memory_space<vmem>>) dst(%dma_wait3A_377 : memref<10240x128xf32, #tpu.memory_space<vmem_shared>>)
        tpu.yield
      }) : () -> ()
      %mul3A_239 = arith.constant 8 : i32
      %mul3A_240 = arith.muli %add3A_199, %mul3A_239 : i32
      %add3A_241 = arith.constant 1 : i32
      %add3A_242 = arith.addi %mul3A_240, %add3A_241 : i32
      %add3A_243 = arith.constant 1 : i32
      %add3A_244 = arith.addi %add3A_242, %add3A_243 : i32
      %lt3A_245 = arith.constant 80 : i32
      %lt3A_246 = arith.cmpi slt, %add3A_244, %lt3A_245 : i32
      %convert_element_type3A_247 = arith.extui %lt3A_246 : i1 to i32
      %cond3A_248 = arith.constant 0 : i32
      %cond3A_249 = arith.cmpi ne, %convert_element_type3A_247, %cond3A_248 : i32
      scf.if %cond3A_249 {
        %add3A_365 = arith.constant 1 : i32
        %add3A_366 = arith.addi %add3A_242, %add3A_365 : i32
        %mul3A_367 = arith.constant 128 : i32
        %mul3A_368 = arith.muli %add3A_366, %mul3A_367 : i32
        %dma_start3A_369 = tpu.memref_slice %arg7[%mul3A_368] : memref<10240xi32, #tpu.memory_space<vmem>> -> memref<128xi32, #tpu.memory_space<vmem>>
        %dma_start3A_370 = arith.constant 0 : i32
        %dma_start3A_371 = arith.constant 0 : i32
        %dma_start3A_372 = tpu.memref_slice %arg2[%dma_start3A_370, %dma_start3A_371] : memref<10240x128xf32, #tpu.memory_space<hbm>> -> memref<10240x128xf32, #tpu.memory_space<hbm>>
        tpu.enqueue_indirect_dma source(%dma_start3A_372 : memref<10240x128xf32, #tpu.memory_space<hbm>>) target(%arg10 : memref<128x128xf32, #tpu.memory_space<vmem>>) offsets(%dma_start3A_369 : memref<128xi32, #tpu.memory_space<vmem>>) semaphore(%arg14 : memref<!tpu.dma_semaphore, #tpu.memory_space<semaphore_mem>>)
      } else {
      }
      %mul3A_250 = arith.constant 128 : i32
      %mul3A_251 = arith.muli %add3A_242, %mul3A_250 : i32
      %dma_wait3A_252 = tpu.memref_slice %arg7[%mul3A_251] : memref<10240xi32, #tpu.memory_space<vmem>> -> memref<128xi32, #tpu.memory_space<vmem>>
      %dma_wait3A_253 = arith.constant 0 : i32
      %dma_wait3A_254 = arith.constant 0 : i32
      %dma_wait3A_255 = tpu.memref_slice %arg2[%dma_wait3A_253, %dma_wait3A_254] : memref<10240x128xf32, #tpu.memory_space<hbm>> -> memref<10240x128xf32, #tpu.memory_space<hbm>>
      tpu.wait_indirect_dma semaphore(%arg15 : memref<!tpu.dma_semaphore, #tpu.memory_space<semaphore_mem>>) src(%dma_wait3A_255 : memref<10240x128xf32, #tpu.memory_space<hbm>>) dst(%arg11 : memref<128x128xf32, #tpu.memory_space<vmem>>)
      %run_scoped3A_256 = arith.constant 1 : i32
      "tpu.region"() ({
        %run_scoped3A_365 = tpu.sem_alloc : memref<!tpu.dma_semaphore, #tpu.memory_space<semaphore_mem>>
        %dma_start3A_366 = arith.constant 0 : i32
        %dma_start3A_367 = tpu.memref_slice %arg9[%run_scoped3A_256, %dma_start3A_366] : memref<8x128xi32, #tpu.memory_space<vmem>> -> memref<1x128xi32, #tpu.memory_space<vmem>>
        %dma_start3A_368 = tpu.memref_squeeze %dma_start3A_367 : memref<1x128xi32, #tpu.memory_space<vmem>> -> memref<128xi32, #tpu.memory_space<vmem>>
        %dma_start3A_369 = arith.constant 0 : i32
        %dma_start3A_370 = arith.constant 0 : i32
        %dma_start3A_371 = tpu.memref_slice %arg16[%dma_start3A_369, %dma_start3A_370] : memref<10240x128xf32, #tpu.memory_space<vmem_shared>> -> memref<10240x128xf32, #tpu.memory_space<vmem_shared>>
        tpu.enqueue_indirect_dma source(%arg11 : memref<128x128xf32, #tpu.memory_space<vmem>>) target(%dma_start3A_371 : memref<10240x128xf32, #tpu.memory_space<vmem_shared>>) offsets(%dma_start3A_368 : memref<128xi32, #tpu.memory_space<vmem>>) semaphore(%run_scoped3A_365 : memref<!tpu.dma_semaphore, #tpu.memory_space<semaphore_mem>>) {add = true}
        %dma_wait3A_372 = arith.constant 0 : i32
        %dma_wait3A_373 = tpu.memref_slice %arg9[%run_scoped3A_256, %dma_wait3A_372] : memref<8x128xi32, #tpu.memory_space<vmem>> -> memref<1x128xi32, #tpu.memory_space<vmem>>
        %dma_wait3A_374 = tpu.memref_squeeze %dma_wait3A_373 : memref<1x128xi32, #tpu.memory_space<vmem>> -> memref<128xi32, #tpu.memory_space<vmem>>
        %dma_wait3A_375 = arith.constant 0 : i32
        %dma_wait3A_376 = arith.constant 0 : i32
        %dma_wait3A_377 = tpu.memref_slice %arg16[%dma_wait3A_375, %dma_wait3A_376] : memref<10240x128xf32, #tpu.memory_space<vmem_shared>> -> memref<10240x128xf32, #tpu.memory_space<vmem_shared>>
        tpu.wait_indirect_dma semaphore(%run_scoped3A_365 : memref<!tpu.dma_semaphore, #tpu.memory_space<semaphore_mem>>) src(%arg11 : memref<128x128xf32, #tpu.memory_space<vmem>>) dst(%dma_wait3A_377 : memref<10240x128xf32, #tpu.memory_space<vmem_shared>>)
        tpu.yield
      }) : () -> ()
      %mul3A_257 = arith.constant 8 : i32
      %mul3A_258 = arith.muli %add3A_199, %mul3A_257 : i32
      %add3A_259 = arith.constant 2 : i32
      %add3A_260 = arith.addi %mul3A_258, %add3A_259 : i32
      %add3A_261 = arith.constant 1 : i32
      %add3A_262 = arith.addi %add3A_260, %add3A_261 : i32
      %lt3A_263 = arith.constant 80 : i32
      %lt3A_264 = arith.cmpi slt, %add3A_262, %lt3A_263 : i32
      %convert_element_type3A_265 = arith.extui %lt3A_264 : i1 to i32
      %cond3A_266 = arith.constant 0 : i32
      %cond3A_267 = arith.cmpi ne, %convert_element_type3A_265, %cond3A_266 : i32
      scf.if %cond3A_267 {
        %add3A_365 = arith.constant 1 : i32
        %add3A_366 = arith.addi %add3A_260, %add3A_365 : i32
        %mul3A_367 = arith.constant 128 : i32
        %mul3A_368 = arith.muli %add3A_366, %mul3A_367 : i32
        %dma_start3A_369 = tpu.memref_slice %arg7[%mul3A_368] : memref<10240xi32, #tpu.memory_space<vmem>> -> memref<128xi32, #tpu.memory_space<vmem>>
        %dma_start3A_370 = arith.constant 0 : i32
        %dma_start3A_371 = arith.constant 0 : i32
        %dma_start3A_372 = tpu.memref_slice %arg2[%dma_start3A_370, %dma_start3A_371] : memref<10240x128xf32, #tpu.memory_space<hbm>> -> memref<10240x128xf32, #tpu.memory_space<hbm>>
        tpu.enqueue_indirect_dma source(%dma_start3A_372 : memref<10240x128xf32, #tpu.memory_space<hbm>>) target(%arg11 : memref<128x128xf32, #tpu.memory_space<vmem>>) offsets(%dma_start3A_369 : memref<128xi32, #tpu.memory_space<vmem>>) semaphore(%arg15 : memref<!tpu.dma_semaphore, #tpu.memory_space<semaphore_mem>>)
      } else {
      }
      %mul3A_268 = arith.constant 128 : i32
      %mul3A_269 = arith.muli %add3A_260, %mul3A_268 : i32
      %dma_wait3A_270 = tpu.memref_slice %arg7[%mul3A_269] : memref<10240xi32, #tpu.memory_space<vmem>> -> memref<128xi32, #tpu.memory_space<vmem>>
      %dma_wait3A_271 = arith.constant 0 : i32
      %dma_wait3A_272 = arith.constant 0 : i32
      %dma_wait3A_273 = tpu.memref_slice %arg2[%dma_wait3A_271, %dma_wait3A_272] : memref<10240x128xf32, #tpu.memory_space<hbm>> -> memref<10240x128xf32, #tpu.memory_space<hbm>>
      tpu.wait_indirect_dma semaphore(%arg14 : memref<!tpu.dma_semaphore, #tpu.memory_space<semaphore_mem>>) src(%dma_wait3A_273 : memref<10240x128xf32, #tpu.memory_space<hbm>>) dst(%arg10 : memref<128x128xf32, #tpu.memory_space<vmem>>)
      %run_scoped3A_274 = arith.constant 2 : i32
      "tpu.region"() ({
        %run_scoped3A_365 = tpu.sem_alloc : memref<!tpu.dma_semaphore, #tpu.memory_space<semaphore_mem>>
        %dma_start3A_366 = arith.constant 0 : i32
        %dma_start3A_367 = tpu.memref_slice %arg9[%run_scoped3A_274, %dma_start3A_366] : memref<8x128xi32, #tpu.memory_space<vmem>> -> memref<1x128xi32, #tpu.memory_space<vmem>>
        %dma_start3A_368 = tpu.memref_squeeze %dma_start3A_367 : memref<1x128xi32, #tpu.memory_space<vmem>> -> memref<128xi32, #tpu.memory_space<vmem>>
        %dma_start3A_369 = arith.constant 0 : i32
        %dma_start3A_370 = arith.constant 0 : i32
        %dma_start3A_371 = tpu.memref_slice %arg16[%dma_start3A_369, %dma_start3A_370] : memref<10240x128xf32, #tpu.memory_space<vmem_shared>> -> memref<10240x128xf32, #tpu.memory_space<vmem_shared>>
        tpu.enqueue_indirect_dma source(%arg10 : memref<128x128xf32, #tpu.memory_space<vmem>>) target(%dma_start3A_371 : memref<10240x128xf32, #tpu.memory_space<vmem_shared>>) offsets(%dma_start3A_368 : memref<128xi32, #tpu.memory_space<vmem>>) semaphore(%run_scoped3A_365 : memref<!tpu.dma_semaphore, #tpu.memory_space<semaphore_mem>>) {add = true}
        %dma_wait3A_372 = arith.constant 0 : i32
        %dma_wait3A_373 = tpu.memref_slice %arg9[%run_scoped3A_274, %dma_wait3A_372] : memref<8x128xi32, #tpu.memory_space<vmem>> -> memref<1x128xi32, #tpu.memory_space<vmem>>
        %dma_wait3A_374 = tpu.memref_squeeze %dma_wait3A_373 : memref<1x128xi32, #tpu.memory_space<vmem>> -> memref<128xi32, #tpu.memory_space<vmem>>
        %dma_wait3A_375 = arith.constant 0 : i32
        %dma_wait3A_376 = arith.constant 0 : i32
        %dma_wait3A_377 = tpu.memref_slice %arg16[%dma_wait3A_375, %dma_wait3A_376] : memref<10240x128xf32, #tpu.memory_space<vmem_shared>> -> memref<10240x128xf32, #tpu.memory_space<vmem_shared>>
        tpu.wait_indirect_dma semaphore(%run_scoped3A_365 : memref<!tpu.dma_semaphore, #tpu.memory_space<semaphore_mem>>) src(%arg10 : memref<128x128xf32, #tpu.memory_space<vmem>>) dst(%dma_wait3A_377 : memref<10240x128xf32, #tpu.memory_space<vmem_shared>>)
        tpu.yield
      }) : () -> ()
      %mul3A_275 = arith.constant 8 : i32
      %mul3A_276 = arith.muli %add3A_199, %mul3A_275 : i32
      %add3A_277 = arith.constant 3 : i32
      %add3A_278 = arith.addi %mul3A_276, %add3A_277 : i32
      %add3A_279 = arith.constant 1 : i32
      %add3A_280 = arith.addi %add3A_278, %add3A_279 : i32
      %lt3A_281 = arith.constant 80 : i32
      %lt3A_282 = arith.cmpi slt, %add3A_280, %lt3A_281 : i32
      %convert_element_type3A_283 = arith.extui %lt3A_282 : i1 to i32
      %cond3A_284 = arith.constant 0 : i32
      %cond3A_285 = arith.cmpi ne, %convert_element_type3A_283, %cond3A_284 : i32
      scf.if %cond3A_285 {
        %add3A_365 = arith.constant 1 : i32
        %add3A_366 = arith.addi %add3A_278, %add3A_365 : i32
        %mul3A_367 = arith.constant 128 : i32
        %mul3A_368 = arith.muli %add3A_366, %mul3A_367 : i32
        %dma_start3A_369 = tpu.memref_slice %arg7[%mul3A_368] : memref<10240xi32, #tpu.memory_space<vmem>> -> memref<128xi32, #tpu.memory_space<vmem>>
        %dma_start3A_370 = arith.constant 0 : i32
        %dma_start3A_371 = arith.constant 0 : i32
        %dma_start3A_372 = tpu.memref_slice %arg2[%dma_start3A_370, %dma_start3A_371] : memref<10240x128xf32, #tpu.memory_space<hbm>> -> memref<10240x128xf32, #tpu.memory_space<hbm>>
        tpu.enqueue_indirect_dma source(%dma_start3A_372 : memref<10240x128xf32, #tpu.memory_space<hbm>>) target(%arg10 : memref<128x128xf32, #tpu.memory_space<vmem>>) offsets(%dma_start3A_369 : memref<128xi32, #tpu.memory_space<vmem>>) semaphore(%arg14 : memref<!tpu.dma_semaphore, #tpu.memory_space<semaphore_mem>>)
      } else {
      }
      %mul3A_286 = arith.constant 128 : i32
      %mul3A_287 = arith.muli %add3A_278, %mul3A_286 : i32
      %dma_wait3A_288 = tpu.memref_slice %arg7[%mul3A_287] : memref<10240xi32, #tpu.memory_space<vmem>> -> memref<128xi32, #tpu.memory_space<vmem>>
      %dma_wait3A_289 = arith.constant 0 : i32
      %dma_wait3A_290 = arith.constant 0 : i32
      %dma_wait3A_291 = tpu.memref_slice %arg2[%dma_wait3A_289, %dma_wait3A_290] : memref<10240x128xf32, #tpu.memory_space<hbm>> -> memref<10240x128xf32, #tpu.memory_space<hbm>>
      tpu.wait_indirect_dma semaphore(%arg15 : memref<!tpu.dma_semaphore, #tpu.memory_space<semaphore_mem>>) src(%dma_wait3A_291 : memref<10240x128xf32, #tpu.memory_space<hbm>>) dst(%arg11 : memref<128x128xf32, #tpu.memory_space<vmem>>)
      %run_scoped3A_292 = arith.constant 3 : i32
      "tpu.region"() ({
        %run_scoped3A_365 = tpu.sem_alloc : memref<!tpu.dma_semaphore, #tpu.memory_space<semaphore_mem>>
        %dma_start3A_366 = arith.constant 0 : i32
        %dma_start3A_367 = tpu.memref_slice %arg9[%run_scoped3A_292, %dma_start3A_366] : memref<8x128xi32, #tpu.memory_space<vmem>> -> memref<1x128xi32, #tpu.memory_space<vmem>>
        %dma_start3A_368 = tpu.memref_squeeze %dma_start3A_367 : memref<1x128xi32, #tpu.memory_space<vmem>> -> memref<128xi32, #tpu.memory_space<vmem>>
        %dma_start3A_369 = arith.constant 0 : i32
        %dma_start3A_370 = arith.constant 0 : i32
        %dma_start3A_371 = tpu.memref_slice %arg16[%dma_start3A_369, %dma_start3A_370] : memref<10240x128xf32, #tpu.memory_space<vmem_shared>> -> memref<10240x128xf32, #tpu.memory_space<vmem_shared>>
        tpu.enqueue_indirect_dma source(%arg11 : memref<128x128xf32, #tpu.memory_space<vmem>>) target(%dma_start3A_371 : memref<10240x128xf32, #tpu.memory_space<vmem_shared>>) offsets(%dma_start3A_368 : memref<128xi32, #tpu.memory_space<vmem>>) semaphore(%run_scoped3A_365 : memref<!tpu.dma_semaphore, #tpu.memory_space<semaphore_mem>>) {add = true}
        %dma_wait3A_372 = arith.constant 0 : i32
        %dma_wait3A_373 = tpu.memref_slice %arg9[%run_scoped3A_292, %dma_wait3A_372] : memref<8x128xi32, #tpu.memory_space<vmem>> -> memref<1x128xi32, #tpu.memory_space<vmem>>
        %dma_wait3A_374 = tpu.memref_squeeze %dma_wait3A_373 : memref<1x128xi32, #tpu.memory_space<vmem>> -> memref<128xi32, #tpu.memory_space<vmem>>
        %dma_wait3A_375 = arith.constant 0 : i32
        %dma_wait3A_376 = arith.constant 0 : i32
        %dma_wait3A_377 = tpu.memref_slice %arg16[%dma_wait3A_375, %dma_wait3A_376] : memref<10240x128xf32, #tpu.memory_space<vmem_shared>> -> memref<10240x128xf32, #tpu.memory_space<vmem_shared>>
        tpu.wait_indirect_dma semaphore(%run_scoped3A_365 : memref<!tpu.dma_semaphore, #tpu.memory_space<semaphore_mem>>) src(%arg11 : memref<128x128xf32, #tpu.memory_space<vmem>>) dst(%dma_wait3A_377 : memref<10240x128xf32, #tpu.memory_space<vmem_shared>>)
        tpu.yield
      }) : () -> ()
      %mul3A_293 = arith.constant 8 : i32
      %mul3A_294 = arith.muli %add3A_199, %mul3A_293 : i32
      %add3A_295 = arith.constant 4 : i32
      %add3A_296 = arith.addi %mul3A_294, %add3A_295 : i32
      %add3A_297 = arith.constant 1 : i32
      %add3A_298 = arith.addi %add3A_296, %add3A_297 : i32
      %lt3A_299 = arith.constant 80 : i32
      %lt3A_300 = arith.cmpi slt, %add3A_298, %lt3A_299 : i32
      %convert_element_type3A_301 = arith.extui %lt3A_300 : i1 to i32
      %cond3A_302 = arith.constant 0 : i32
      %cond3A_303 = arith.cmpi ne, %convert_element_type3A_301, %cond3A_302 : i32
      scf.if %cond3A_303 {
        %add3A_365 = arith.constant 1 : i32
        %add3A_366 = arith.addi %add3A_296, %add3A_365 : i32
        %mul3A_367 = arith.constant 128 : i32
        %mul3A_368 = arith.muli %add3A_366, %mul3A_367 : i32
        %dma_start3A_369 = tpu.memref_slice %arg7[%mul3A_368] : memref<10240xi32, #tpu.memory_space<vmem>> -> memref<128xi32, #tpu.memory_space<vmem>>
        %dma_start3A_370 = arith.constant 0 : i32
        %dma_start3A_371 = arith.constant 0 : i32
        %dma_start3A_372 = tpu.memref_slice %arg2[%dma_start3A_370, %dma_start3A_371] : memref<10240x128xf32, #tpu.memory_space<hbm>> -> memref<10240x128xf32, #tpu.memory_space<hbm>>
        tpu.enqueue_indirect_dma source(%dma_start3A_372 : memref<10240x128xf32, #tpu.memory_space<hbm>>) target(%arg11 : memref<128x128xf32, #tpu.memory_space<vmem>>) offsets(%dma_start3A_369 : memref<128xi32, #tpu.memory_space<vmem>>) semaphore(%arg15 : memref<!tpu.dma_semaphore, #tpu.memory_space<semaphore_mem>>)
      } else {
      }
      %mul3A_304 = arith.constant 128 : i32
      %mul3A_305 = arith.muli %add3A_296, %mul3A_304 : i32
      %dma_wait3A_306 = tpu.memref_slice %arg7[%mul3A_305] : memref<10240xi32, #tpu.memory_space<vmem>> -> memref<128xi32, #tpu.memory_space<vmem>>
      %dma_wait3A_307 = arith.constant 0 : i32
      %dma_wait3A_308 = arith.constant 0 : i32
      %dma_wait3A_309 = tpu.memref_slice %arg2[%dma_wait3A_307, %dma_wait3A_308] : memref<10240x128xf32, #tpu.memory_space<hbm>> -> memref<10240x128xf32, #tpu.memory_space<hbm>>
      tpu.wait_indirect_dma semaphore(%arg14 : memref<!tpu.dma_semaphore, #tpu.memory_space<semaphore_mem>>) src(%dma_wait3A_309 : memref<10240x128xf32, #tpu.memory_space<hbm>>) dst(%arg10 : memref<128x128xf32, #tpu.memory_space<vmem>>)
      %run_scoped3A_310 = arith.constant 4 : i32
      "tpu.region"() ({
        %run_scoped3A_365 = tpu.sem_alloc : memref<!tpu.dma_semaphore, #tpu.memory_space<semaphore_mem>>
        %dma_start3A_366 = arith.constant 0 : i32
        %dma_start3A_367 = tpu.memref_slice %arg9[%run_scoped3A_310, %dma_start3A_366] : memref<8x128xi32, #tpu.memory_space<vmem>> -> memref<1x128xi32, #tpu.memory_space<vmem>>
        %dma_start3A_368 = tpu.memref_squeeze %dma_start3A_367 : memref<1x128xi32, #tpu.memory_space<vmem>> -> memref<128xi32, #tpu.memory_space<vmem>>
        %dma_start3A_369 = arith.constant 0 : i32
        %dma_start3A_370 = arith.constant 0 : i32
        %dma_start3A_371 = tpu.memref_slice %arg16[%dma_start3A_369, %dma_start3A_370] : memref<10240x128xf32, #tpu.memory_space<vmem_shared>> -> memref<10240x128xf32, #tpu.memory_space<vmem_shared>>
        tpu.enqueue_indirect_dma source(%arg10 : memref<128x128xf32, #tpu.memory_space<vmem>>) target(%dma_start3A_371 : memref<10240x128xf32, #tpu.memory_space<vmem_shared>>) offsets(%dma_start3A_368 : memref<128xi32, #tpu.memory_space<vmem>>) semaphore(%run_scoped3A_365 : memref<!tpu.dma_semaphore, #tpu.memory_space<semaphore_mem>>) {add = true}
        %dma_wait3A_372 = arith.constant 0 : i32
        %dma_wait3A_373 = tpu.memref_slice %arg9[%run_scoped3A_310, %dma_wait3A_372] : memref<8x128xi32, #tpu.memory_space<vmem>> -> memref<1x128xi32, #tpu.memory_space<vmem>>
        %dma_wait3A_374 = tpu.memref_squeeze %dma_wait3A_373 : memref<1x128xi32, #tpu.memory_space<vmem>> -> memref<128xi32, #tpu.memory_space<vmem>>
        %dma_wait3A_375 = arith.constant 0 : i32
        %dma_wait3A_376 = arith.constant 0 : i32
        %dma_wait3A_377 = tpu.memref_slice %arg16[%dma_wait3A_375, %dma_wait3A_376] : memref<10240x128xf32, #tpu.memory_space<vmem_shared>> -> memref<10240x128xf32, #tpu.memory_space<vmem_shared>>
        tpu.wait_indirect_dma semaphore(%run_scoped3A_365 : memref<!tpu.dma_semaphore, #tpu.memory_space<semaphore_mem>>) src(%arg10 : memref<128x128xf32, #tpu.memory_space<vmem>>) dst(%dma_wait3A_377 : memref<10240x128xf32, #tpu.memory_space<vmem_shared>>)
        tpu.yield
      }) : () -> ()
      %mul3A_311 = arith.constant 8 : i32
      %mul3A_312 = arith.muli %add3A_199, %mul3A_311 : i32
      %add3A_313 = arith.constant 5 : i32
      %add3A_314 = arith.addi %mul3A_312, %add3A_313 : i32
      %add3A_315 = arith.constant 1 : i32
      %add3A_316 = arith.addi %add3A_314, %add3A_315 : i32
      %lt3A_317 = arith.constant 80 : i32
      %lt3A_318 = arith.cmpi slt, %add3A_316, %lt3A_317 : i32
      %convert_element_type3A_319 = arith.extui %lt3A_318 : i1 to i32
      %cond3A_320 = arith.constant 0 : i32
      %cond3A_321 = arith.cmpi ne, %convert_element_type3A_319, %cond3A_320 : i32
      scf.if %cond3A_321 {
        %add3A_365 = arith.constant 1 : i32
        %add3A_366 = arith.addi %add3A_314, %add3A_365 : i32
        %mul3A_367 = arith.constant 128 : i32
        %mul3A_368 = arith.muli %add3A_366, %mul3A_367 : i32
        %dma_start3A_369 = tpu.memref_slice %arg7[%mul3A_368] : memref<10240xi32, #tpu.memory_space<vmem>> -> memref<128xi32, #tpu.memory_space<vmem>>
        %dma_start3A_370 = arith.constant 0 : i32
        %dma_start3A_371 = arith.constant 0 : i32
        %dma_start3A_372 = tpu.memref_slice %arg2[%dma_start3A_370, %dma_start3A_371] : memref<10240x128xf32, #tpu.memory_space<hbm>> -> memref<10240x128xf32, #tpu.memory_space<hbm>>
        tpu.enqueue_indirect_dma source(%dma_start3A_372 : memref<10240x128xf32, #tpu.memory_space<hbm>>) target(%arg10 : memref<128x128xf32, #tpu.memory_space<vmem>>) offsets(%dma_start3A_369 : memref<128xi32, #tpu.memory_space<vmem>>) semaphore(%arg14 : memref<!tpu.dma_semaphore, #tpu.memory_space<semaphore_mem>>)
      } else {
      }
      %mul3A_322 = arith.constant 128 : i32
      %mul3A_323 = arith.muli %add3A_314, %mul3A_322 : i32
      %dma_wait3A_324 = tpu.memref_slice %arg7[%mul3A_323] : memref<10240xi32, #tpu.memory_space<vmem>> -> memref<128xi32, #tpu.memory_space<vmem>>
      %dma_wait3A_325 = arith.constant 0 : i32
      %dma_wait3A_326 = arith.constant 0 : i32
      %dma_wait3A_327 = tpu.memref_slice %arg2[%dma_wait3A_325, %dma_wait3A_326] : memref<10240x128xf32, #tpu.memory_space<hbm>> -> memref<10240x128xf32, #tpu.memory_space<hbm>>
      tpu.wait_indirect_dma semaphore(%arg15 : memref<!tpu.dma_semaphore, #tpu.memory_space<semaphore_mem>>) src(%dma_wait3A_327 : memref<10240x128xf32, #tpu.memory_space<hbm>>) dst(%arg11 : memref<128x128xf32, #tpu.memory_space<vmem>>)
      %run_scoped3A_328 = arith.constant 5 : i32
      "tpu.region"() ({
        %run_scoped3A_365 = tpu.sem_alloc : memref<!tpu.dma_semaphore, #tpu.memory_space<semaphore_mem>>
        %dma_start3A_366 = arith.constant 0 : i32
        %dma_start3A_367 = tpu.memref_slice %arg9[%run_scoped3A_328, %dma_start3A_366] : memref<8x128xi32, #tpu.memory_space<vmem>> -> memref<1x128xi32, #tpu.memory_space<vmem>>
        %dma_start3A_368 = tpu.memref_squeeze %dma_start3A_367 : memref<1x128xi32, #tpu.memory_space<vmem>> -> memref<128xi32, #tpu.memory_space<vmem>>
        %dma_start3A_369 = arith.constant 0 : i32
        %dma_start3A_370 = arith.constant 0 : i32
        %dma_start3A_371 = tpu.memref_slice %arg16[%dma_start3A_369, %dma_start3A_370] : memref<10240x128xf32, #tpu.memory_space<vmem_shared>> -> memref<10240x128xf32, #tpu.memory_space<vmem_shared>>
        tpu.enqueue_indirect_dma source(%arg11 : memref<128x128xf32, #tpu.memory_space<vmem>>) target(%dma_start3A_371 : memref<10240x128xf32, #tpu.memory_space<vmem_shared>>) offsets(%dma_start3A_368 : memref<128xi32, #tpu.memory_space<vmem>>) semaphore(%run_scoped3A_365 : memref<!tpu.dma_semaphore, #tpu.memory_space<semaphore_mem>>) {add = true}
        %dma_wait3A_372 = arith.constant 0 : i32
        %dma_wait3A_373 = tpu.memref_slice %arg9[%run_scoped3A_328, %dma_wait3A_372] : memref<8x128xi32, #tpu.memory_space<vmem>> -> memref<1x128xi32, #tpu.memory_space<vmem>>
        %dma_wait3A_374 = tpu.memref_squeeze %dma_wait3A_373 : memref<1x128xi32, #tpu.memory_space<vmem>> -> memref<128xi32, #tpu.memory_space<vmem>>
        %dma_wait3A_375 = arith.constant 0 : i32
        %dma_wait3A_376 = arith.constant 0 : i32
        %dma_wait3A_377 = tpu.memref_slice %arg16[%dma_wait3A_375, %dma_wait3A_376] : memref<10240x128xf32, #tpu.memory_space<vmem_shared>> -> memref<10240x128xf32, #tpu.memory_space<vmem_shared>>
        tpu.wait_indirect_dma semaphore(%run_scoped3A_365 : memref<!tpu.dma_semaphore, #tpu.memory_space<semaphore_mem>>) src(%arg11 : memref<128x128xf32, #tpu.memory_space<vmem>>) dst(%dma_wait3A_377 : memref<10240x128xf32, #tpu.memory_space<vmem_shared>>)
        tpu.yield
      }) : () -> ()
      %mul3A_329 = arith.constant 8 : i32
      %mul3A_330 = arith.muli %add3A_199, %mul3A_329 : i32
      %add3A_331 = arith.constant 6 : i32
      %add3A_332 = arith.addi %mul3A_330, %add3A_331 : i32
      %add3A_333 = arith.constant 1 : i32
      %add3A_334 = arith.addi %add3A_332, %add3A_333 : i32
      %lt3A_335 = arith.constant 80 : i32
      %lt3A_336 = arith.cmpi slt, %add3A_334, %lt3A_335 : i32
      %convert_element_type3A_337 = arith.extui %lt3A_336 : i1 to i32
      %cond3A_338 = arith.constant 0 : i32
      %cond3A_339 = arith.cmpi ne, %convert_element_type3A_337, %cond3A_338 : i32
      scf.if %cond3A_339 {
        %add3A_365 = arith.constant 1 : i32
        %add3A_366 = arith.addi %add3A_332, %add3A_365 : i32
        %mul3A_367 = arith.constant 128 : i32
        %mul3A_368 = arith.muli %add3A_366, %mul3A_367 : i32
        %dma_start3A_369 = tpu.memref_slice %arg7[%mul3A_368] : memref<10240xi32, #tpu.memory_space<vmem>> -> memref<128xi32, #tpu.memory_space<vmem>>
        %dma_start3A_370 = arith.constant 0 : i32
        %dma_start3A_371 = arith.constant 0 : i32
        %dma_start3A_372 = tpu.memref_slice %arg2[%dma_start3A_370, %dma_start3A_371] : memref<10240x128xf32, #tpu.memory_space<hbm>> -> memref<10240x128xf32, #tpu.memory_space<hbm>>
        tpu.enqueue_indirect_dma source(%dma_start3A_372 : memref<10240x128xf32, #tpu.memory_space<hbm>>) target(%arg11 : memref<128x128xf32, #tpu.memory_space<vmem>>) offsets(%dma_start3A_369 : memref<128xi32, #tpu.memory_space<vmem>>) semaphore(%arg15 : memref<!tpu.dma_semaphore, #tpu.memory_space<semaphore_mem>>)
      } else {
      }
      %mul3A_340 = arith.constant 128 : i32
      %mul3A_341 = arith.muli %add3A_332, %mul3A_340 : i32
      %dma_wait3A_342 = tpu.memref_slice %arg7[%mul3A_341] : memref<10240xi32, #tpu.memory_space<vmem>> -> memref<128xi32, #tpu.memory_space<vmem>>
      %dma_wait3A_343 = arith.constant 0 : i32
      %dma_wait3A_344 = arith.constant 0 : i32
      %dma_wait3A_345 = tpu.memref_slice %arg2[%dma_wait3A_343, %dma_wait3A_344] : memref<10240x128xf32, #tpu.memory_space<hbm>> -> memref<10240x128xf32, #tpu.memory_space<hbm>>
      tpu.wait_indirect_dma semaphore(%arg14 : memref<!tpu.dma_semaphore, #tpu.memory_space<semaphore_mem>>) src(%dma_wait3A_345 : memref<10240x128xf32, #tpu.memory_space<hbm>>) dst(%arg10 : memref<128x128xf32, #tpu.memory_space<vmem>>)
      %run_scoped3A_346 = arith.constant 6 : i32
      "tpu.region"() ({
        %run_scoped3A_365 = tpu.sem_alloc : memref<!tpu.dma_semaphore, #tpu.memory_space<semaphore_mem>>
        %dma_start3A_366 = arith.constant 0 : i32
        %dma_start3A_367 = tpu.memref_slice %arg9[%run_scoped3A_346, %dma_start3A_366] : memref<8x128xi32, #tpu.memory_space<vmem>> -> memref<1x128xi32, #tpu.memory_space<vmem>>
        %dma_start3A_368 = tpu.memref_squeeze %dma_start3A_367 : memref<1x128xi32, #tpu.memory_space<vmem>> -> memref<128xi32, #tpu.memory_space<vmem>>
        %dma_start3A_369 = arith.constant 0 : i32
        %dma_start3A_370 = arith.constant 0 : i32
        %dma_start3A_371 = tpu.memref_slice %arg16[%dma_start3A_369, %dma_start3A_370] : memref<10240x128xf32, #tpu.memory_space<vmem_shared>> -> memref<10240x128xf32, #tpu.memory_space<vmem_shared>>
        tpu.enqueue_indirect_dma source(%arg10 : memref<128x128xf32, #tpu.memory_space<vmem>>) target(%dma_start3A_371 : memref<10240x128xf32, #tpu.memory_space<vmem_shared>>) offsets(%dma_start3A_368 : memref<128xi32, #tpu.memory_space<vmem>>) semaphore(%run_scoped3A_365 : memref<!tpu.dma_semaphore, #tpu.memory_space<semaphore_mem>>) {add = true}
        %dma_wait3A_372 = arith.constant 0 : i32
        %dma_wait3A_373 = tpu.memref_slice %arg9[%run_scoped3A_346, %dma_wait3A_372] : memref<8x128xi32, #tpu.memory_space<vmem>> -> memref<1x128xi32, #tpu.memory_space<vmem>>
        %dma_wait3A_374 = tpu.memref_squeeze %dma_wait3A_373 : memref<1x128xi32, #tpu.memory_space<vmem>> -> memref<128xi32, #tpu.memory_space<vmem>>
        %dma_wait3A_375 = arith.constant 0 : i32
        %dma_wait3A_376 = arith.constant 0 : i32
        %dma_wait3A_377 = tpu.memref_slice %arg16[%dma_wait3A_375, %dma_wait3A_376] : memref<10240x128xf32, #tpu.memory_space<vmem_shared>> -> memref<10240x128xf32, #tpu.memory_space<vmem_shared>>
        tpu.wait_indirect_dma semaphore(%run_scoped3A_365 : memref<!tpu.dma_semaphore, #tpu.memory_space<semaphore_mem>>) src(%arg10 : memref<128x128xf32, #tpu.memory_space<vmem>>) dst(%dma_wait3A_377 : memref<10240x128xf32, #tpu.memory_space<vmem_shared>>)
        tpu.yield
      }) : () -> ()
      %mul3A_347 = arith.constant 8 : i32
      %mul3A_348 = arith.muli %add3A_199, %mul3A_347 : i32
      %add3A_349 = arith.constant 7 : i32
      %add3A_350 = arith.addi %mul3A_348, %add3A_349 : i32
      %add3A_351 = arith.constant 1 : i32
      %add3A_352 = arith.addi %add3A_350, %add3A_351 : i32
      %lt3A_353 = arith.constant 80 : i32
      %lt3A_354 = arith.cmpi slt, %add3A_352, %lt3A_353 : i32
      %convert_element_type3A_355 = arith.extui %lt3A_354 : i1 to i32
      %cond3A_356 = arith.constant 0 : i32
      %cond3A_357 = arith.cmpi ne, %convert_element_type3A_355, %cond3A_356 : i32
      scf.if %cond3A_357 {
        %add3A_365 = arith.constant 1 : i32
        %add3A_366 = arith.addi %add3A_350, %add3A_365 : i32
        %mul3A_367 = arith.constant 128 : i32
        %mul3A_368 = arith.muli %add3A_366, %mul3A_367 : i32
        %dma_start3A_369 = tpu.memref_slice %arg7[%mul3A_368] : memref<10240xi32, #tpu.memory_space<vmem>> -> memref<128xi32, #tpu.memory_space<vmem>>
        %dma_start3A_370 = arith.constant 0 : i32
        %dma_start3A_371 = arith.constant 0 : i32
        %dma_start3A_372 = tpu.memref_slice %arg2[%dma_start3A_370, %dma_start3A_371] : memref<10240x128xf32, #tpu.memory_space<hbm>> -> memref<10240x128xf32, #tpu.memory_space<hbm>>
        tpu.enqueue_indirect_dma source(%dma_start3A_372 : memref<10240x128xf32, #tpu.memory_space<hbm>>) target(%arg10 : memref<128x128xf32, #tpu.memory_space<vmem>>) offsets(%dma_start3A_369 : memref<128xi32, #tpu.memory_space<vmem>>) semaphore(%arg14 : memref<!tpu.dma_semaphore, #tpu.memory_space<semaphore_mem>>)
      } else {
      }
      %mul3A_358 = arith.constant 128 : i32
      %mul3A_359 = arith.muli %add3A_350, %mul3A_358 : i32
      %dma_wait3A_360 = tpu.memref_slice %arg7[%mul3A_359] : memref<10240xi32, #tpu.memory_space<vmem>> -> memref<128xi32, #tpu.memory_space<vmem>>
      %dma_wait3A_361 = arith.constant 0 : i32
      %dma_wait3A_362 = arith.constant 0 : i32
      %dma_wait3A_363 = tpu.memref_slice %arg2[%dma_wait3A_361, %dma_wait3A_362] : memref<10240x128xf32, #tpu.memory_space<hbm>> -> memref<10240x128xf32, #tpu.memory_space<hbm>>
      tpu.wait_indirect_dma semaphore(%arg15 : memref<!tpu.dma_semaphore, #tpu.memory_space<semaphore_mem>>) src(%dma_wait3A_363 : memref<10240x128xf32, #tpu.memory_space<hbm>>) dst(%arg11 : memref<128x128xf32, #tpu.memory_space<vmem>>)
      %run_scoped3A_364 = arith.constant 7 : i32
      "tpu.region"() ({
        %run_scoped3A_365 = tpu.sem_alloc : memref<!tpu.dma_semaphore, #tpu.memory_space<semaphore_mem>>
        %dma_start3A_366 = arith.constant 0 : i32
        %dma_start3A_367 = tpu.memref_slice %arg9[%run_scoped3A_364, %dma_start3A_366] : memref<8x128xi32, #tpu.memory_space<vmem>> -> memref<1x128xi32, #tpu.memory_space<vmem>>
        %dma_start3A_368 = tpu.memref_squeeze %dma_start3A_367 : memref<1x128xi32, #tpu.memory_space<vmem>> -> memref<128xi32, #tpu.memory_space<vmem>>
        %dma_start3A_369 = arith.constant 0 : i32
        %dma_start3A_370 = arith.constant 0 : i32
        %dma_start3A_371 = tpu.memref_slice %arg16[%dma_start3A_369, %dma_start3A_370] : memref<10240x128xf32, #tpu.memory_space<vmem_shared>> -> memref<10240x128xf32, #tpu.memory_space<vmem_shared>>
        tpu.enqueue_indirect_dma source(%arg11 : memref<128x128xf32, #tpu.memory_space<vmem>>) target(%dma_start3A_371 : memref<10240x128xf32, #tpu.memory_space<vmem_shared>>) offsets(%dma_start3A_368 : memref<128xi32, #tpu.memory_space<vmem>>) semaphore(%run_scoped3A_365 : memref<!tpu.dma_semaphore, #tpu.memory_space<semaphore_mem>>) {add = true}
        %dma_wait3A_372 = arith.constant 0 : i32
        %dma_wait3A_373 = tpu.memref_slice %arg9[%run_scoped3A_364, %dma_wait3A_372] : memref<8x128xi32, #tpu.memory_space<vmem>> -> memref<1x128xi32, #tpu.memory_space<vmem>>
        %dma_wait3A_374 = tpu.memref_squeeze %dma_wait3A_373 : memref<1x128xi32, #tpu.memory_space<vmem>> -> memref<128xi32, #tpu.memory_space<vmem>>
        %dma_wait3A_375 = arith.constant 0 : i32
        %dma_wait3A_376 = arith.constant 0 : i32
        %dma_wait3A_377 = tpu.memref_slice %arg16[%dma_wait3A_375, %dma_wait3A_376] : memref<10240x128xf32, #tpu.memory_space<vmem_shared>> -> memref<10240x128xf32, #tpu.memory_space<vmem_shared>>
        tpu.wait_indirect_dma semaphore(%run_scoped3A_365 : memref<!tpu.dma_semaphore, #tpu.memory_space<semaphore_mem>>) src(%arg11 : memref<128x128xf32, #tpu.memory_space<vmem>>) dst(%dma_wait3A_377 : memref<10240x128xf32, #tpu.memory_space<vmem_shared>>)
        tpu.yield
      }) : () -> ()
    }
    %scan3A_25 = arith.constant 5 : i32
    %barrier3A_26 = arith.constant 0 : index
    tpu.barrier barrier_id(%barrier3A_26)
    %mul3A_27 = arith.constant 640 : i32
    %mul3A_28 = arith.muli %arg1, %mul3A_27 : i32
    %mul3A_29 = arith.constant 640 : i32
    %mul3A_30 = arith.muli %arg1, %mul3A_29 : i32
    "tpu.region"() ({
      %run_scoped3A = tpu.sem_alloc : memref<!tpu.dma_semaphore, #tpu.memory_space<semaphore_mem>>
      %dma_start3A_31 = arith.constant 0 : i32
      %dma_start3A_32 = arith.constant 0 : i32
      %dma_start3A_33 = tpu.memref_slice %arg6[%arg0, %dma_start3A_31, %dma_start3A_32] : memref<2x10240x128xf32, #tpu.memory_space<hbm>> -> memref<1x10240x128xf32, #tpu.memory_space<hbm>>
      %dma_start3A_34 = tpu.memref_squeeze %dma_start3A_33 : memref<1x10240x128xf32, #tpu.memory_space<hbm>> -> memref<10240x128xf32, #tpu.memory_space<hbm>>
      %dma_start3A_35 = arith.constant 0 : i32
      %dma_start3A_36 = tpu.memref_slice %dma_start3A_34[%mul3A_30, %dma_start3A_35] : memref<10240x128xf32, #tpu.memory_space<hbm>> -> memref<640x128xf32, #tpu.memory_space<hbm>>
      %dma_start3A_37 = arith.constant 0 : i32
      %dma_start3A_38 = tpu.memref_slice %arg16[%mul3A_28, %dma_start3A_37] : memref<10240x128xf32, #tpu.memory_space<vmem_shared>> -> memref<640x128xf32, #tpu.memory_space<vmem_shared>>
      tpu.enqueue_dma source(%dma_start3A_38 : memref<640x128xf32, #tpu.memory_space<vmem_shared>>) target(%dma_start3A_36 : memref<640x128xf32, #tpu.memory_space<hbm>>) target_semaphore(%run_scoped3A : memref<!tpu.dma_semaphore, #tpu.memory_space<semaphore_mem>>)
      %dma_wait3A = arith.constant 0 : i32
      %dma_wait3A_39 = arith.constant 0 : i32
      %dma_wait3A_40 = tpu.memref_slice %arg6[%arg0, %dma_wait3A, %dma_wait3A_39] : memref<2x10240x128xf32, #tpu.memory_space<hbm>> -> memref<1x10240x128xf32, #tpu.memory_space<hbm>>
      %dma_wait3A_41 = tpu.memref_squeeze %dma_wait3A_40 : memref<1x10240x128xf32, #tpu.memory_space<hbm>> -> memref<10240x128xf32, #tpu.memory_space<hbm>>
      %dma_wait3A_42 = arith.constant 0 : i32
      %dma_wait3A_43 = tpu.memref_slice %dma_wait3A_41[%mul3A_30, %dma_wait3A_42] : memref<10240x128xf32, #tpu.memory_space<hbm>> -> memref<640x128xf32, #tpu.memory_space<hbm>>
      %dma_wait3A_44 = arith.constant 0 : i32
      %dma_wait3A_45 = tpu.memref_slice %arg16[%mul3A_28, %dma_wait3A_44] : memref<10240x128xf32, #tpu.memory_space<vmem_shared>> -> memref<640x128xf32, #tpu.memory_space<vmem_shared>>
      tpu.wait_dma2 semaphore(%run_scoped3A : memref<!tpu.dma_semaphore, #tpu.memory_space<semaphore_mem>>) src(%dma_wait3A_45 : memref<640x128xf32, #tpu.memory_space<vmem_shared>>) dst(%dma_wait3A_43 : memref<640x128xf32, #tpu.memory_space<hbm>>)
      tpu.yield
    }) : () -> ()
    return
  }
}

module attributes {stable_mosaic.version = 14 : i64} {
  func.func @_tc1a_body(%arg0: memref<10000x128xf32, #tpu.memory_space<vmem>>, %arg1: memref<128x128xf32, #tpu.memory_space<vmem>>, %arg2: memref<128x16xf32, #tpu.memory_space<vmem>>, %arg3: memref<1x16xf32, #tpu.memory_space<vmem>>, %arg4: memref<10000x128xf32, #tpu.memory_space<vmem>>, %arg5: memref<10000x16xf32, #tpu.memory_space<vmem>>) attributes {dimension_semantics = [], scalar_prefetch = 0 : i64, scratch_operands = 0 : i64, tpu.core_type = #tpu.core_type<tc>} {
    %get3A = arith.constant 0 : index
    %get3A_0 = arith.constant 0 : index
    %get3A_1 = vector.load %arg0[%get3A, %get3A_0] : memref<10000x128xf32, #tpu.memory_space<vmem>>, vector<10000x128xf32>
    %get3A_2 = arith.constant 0 : index
    %get3A_3 = arith.constant 0 : index
    %get3A_4 = vector.load %arg1[%get3A_2, %get3A_3] : memref<128x128xf32, #tpu.memory_space<vmem>>, vector<128x128xf32>
    %dot_general3A = arith.constant dense<0.000000e+00> : vector<10000x128xf32>
    %dot_general3A_5 = tpu.matmul %get3A_1, %get3A_4, %dot_general3A {dimension_numbers = #tpu.dot_dimension_numbers<[1], [0], [0], [1], [0, 0, 1, 1], [], []>, transpose_lhs_hint = false} : vector<10000x128xf32>, vector<128x128xf32>, vector<10000x128xf32> -> vector<10000x128xf32>
    %swap3A = arith.constant 0 : index
    %swap3A_6 = arith.constant 0 : index
    %swap3A_7 = vector.load %arg4[%swap3A, %swap3A_6] : memref<10000x128xf32, #tpu.memory_space<vmem>>, vector<10000x128xf32>
    tpu.vector_store %arg4[%swap3A, %swap3A_6], %dot_general3A_5 {strides = array<i32>} : memref<10000x128xf32, #tpu.memory_space<vmem>>, vector<10000x128xf32>,
    %get3A_8 = arith.constant 0 : index
    %get3A_9 = arith.constant 0 : index
    %get3A_10 = vector.load %arg2[%get3A_8, %get3A_9] : memref<128x16xf32, #tpu.memory_space<vmem>>, vector<128x16xf32>
    %dot_general3A_11 = arith.constant dense<0.000000e+00> : vector<10000x16xf32>
    %dot_general3A_12 = tpu.matmul %get3A_1, %get3A_10, %dot_general3A_11 {dimension_numbers = #tpu.dot_dimension_numbers<[1], [0], [0], [1], [0, 0, 1, 1], [], []>, transpose_lhs_hint = false} : vector<10000x128xf32>, vector<128x16xf32>, vector<10000x16xf32> -> vector<10000x16xf32>
    %get3A_13 = arith.constant 0 : index
    %get3A_14 = arith.constant 0 : index
    %get3A_15 = vector.load %arg3[%get3A_13, %get3A_14] : memref<1x16xf32, #tpu.memory_space<vmem>>, vector<1x16xf32>
    %add3A = vector.broadcast %get3A_15 : vector<1x16xf32> to vector<10000x16xf32>
    %add3A_16 = arith.addf %dot_general3A_12, %add3A : vector<10000x16xf32>
    %max3A = arith.constant 0.000000e+00 : f32
    %max3A_17 = vector.broadcast %max3A : f32 to vector<10000x16xf32>
    %max3A_18 = arith.maximumf %add3A_16, %max3A_17 : vector<10000x16xf32>
    %swap3A_19 = arith.constant 0 : index
    %swap3A_20 = arith.constant 0 : index
    %swap3A_21 = vector.load %arg5[%swap3A_19, %swap3A_20] : memref<10000x16xf32, #tpu.memory_space<vmem>>, vector<10000x16xf32>
    tpu.vector_store %arg5[%swap3A_19, %swap3A_20], %max3A_18 {strides = array<i32>} : memref<10000x16xf32, #tpu.memory_space<vmem>>, vector<10000x16xf32>,
    return
  }
}

module attributes {stable_mosaic.version = 14 : i64} {
  func.func @_tc1b_body(%arg0: memref<10000x128xf32, #tpu.memory_space<vmem>>, %arg1: memref<2x10240xf32, #tpu.memory_space<vmem>>, %arg2: memref<10240x128xf32, #tpu.memory_space<vmem>>) attributes {dimension_semantics = [], scalar_prefetch = 0 : i64, scratch_operands = 0 : i64, tpu.core_type = #tpu.core_type<tc>} {
    %get3A = arith.constant 0 : index
    %get3A_0 = arith.constant 0 : index
    %get3A_1 = vector.load %arg1[%get3A, %get3A_0] : memref<2x10240xf32, #tpu.memory_space<vmem>>, vector<2x10240xf32>
    %transpose3A = tpu.transpose %get3A_1, [1, 0] : vector<2x10240xf32> -> vector<10240x2xf32>
    %slice3A = vector.extract_strided_slice %transpose3A {offsets = [0, 0], sizes = [10000, 1], strides = [1, 1]} : vector<10240x2xf32> to vector<10000x1xf32>
    %slice3A_2 = vector.extract_strided_slice %transpose3A {offsets = [0, 1], sizes = [10000, 1], strides = [1, 1]} : vector<10240x2xf32> to vector<10000x1xf32>
    %add3A = arith.addf %slice3A, %slice3A_2 : vector<10000x1xf32>
    %add3A_3 = arith.constant 1.000000e+00 : f32
    %add3A_4 = vector.broadcast %add3A_3 : f32 to vector<10000x1xf32>
    %add3A_5 = arith.addf %add3A, %add3A_4 : vector<10000x1xf32>
    %rsqrt3A = math.rsqrt %add3A_5 : vector<10000x1xf32>
    %get3A_6 = arith.constant 0 : index
    %get3A_7 = arith.constant 0 : index
    %get3A_8 = vector.load %arg0[%get3A_6, %get3A_7] : memref<10000x128xf32, #tpu.memory_space<vmem>>, vector<10000x128xf32>
    %mul3A = vector.broadcast %rsqrt3A : vector<10000x1xf32> to vector<10000x128xf32>
    %mul3A_9 = arith.mulf %get3A_8, %mul3A : vector<10000x128xf32>
    %swap3A = arith.constant 0 : index
    %swap3A_10 = arith.constant 0 : index
    %swap3A_11 = vector.load %arg2[%swap3A, %swap3A_10] : memref<10240x128xf32, #tpu.memory_space<vmem>>, vector<10000x128xf32>
    tpu.vector_store %arg2[%swap3A, %swap3A_10], %mul3A_9 {strides = array<i32>} : memref<10240x128xf32, #tpu.memory_space<vmem>>, vector<10000x128xf32>,
    %broadcast_in_dim3A = arith.constant 0.000000e+00 : f32
    %broadcast_in_dim3A_12 = vector.broadcast %broadcast_in_dim3A : f32 to vector<240x128xf32>
    %swap3A_13 = arith.constant 10000 : index
    %swap3A_14 = arith.constant 0 : index
    %swap3A_15 = vector.load %arg2[%swap3A_13, %swap3A_14] : memref<10240x128xf32, #tpu.memory_space<vmem>>, vector<240x128xf32>
    tpu.vector_store %arg2[%swap3A_13, %swap3A_14], %broadcast_in_dim3A_12 {strides = array<i32>} : memref<10240x128xf32, #tpu.memory_space<vmem>>, vector<240x128xf32>,
    return
  }
}

module attributes {stable_mosaic.version = 14 : i64} {
  func.func @_tc2_body(%arg0: memref<2x10240x128xf32, #tpu.memory_space<vmem>>, %arg1: memref<10000x128xf32, #tpu.memory_space<vmem>>, %arg2: memref<2x10240xf32, #tpu.memory_space<vmem>>, %arg3: memref<1x128xf32, #tpu.memory_space<vmem>>, %arg4: memref<128x128xf32, #tpu.memory_space<vmem>>, %arg5: memref<10240x128xf32, #tpu.memory_space<vmem>>, %arg6: memref<10000x128xf32, #tpu.memory_space<vmem>>) attributes {dimension_semantics = [], scalar_prefetch = 0 : i64, scratch_operands = 0 : i64, tpu.core_type = #tpu.core_type<tc>} {
    %get3A = arith.constant 0 : index
    %get3A_0 = arith.constant 0 : index
    %get3A_1 = vector.load %arg2[%get3A, %get3A_0] : memref<2x10240xf32, #tpu.memory_space<vmem>>, vector<2x10240xf32>
    %transpose3A = tpu.transpose %get3A_1, [1, 0] : vector<2x10240xf32> -> vector<10240x2xf32>
    %slice3A = vector.extract_strided_slice %transpose3A {offsets = [0, 0], sizes = [10000, 1], strides = [1, 1]} : vector<10240x2xf32> to vector<10000x1xf32>
    %slice3A_2 = vector.extract_strided_slice %transpose3A {offsets = [0, 1], sizes = [10000, 1], strides = [1, 1]} : vector<10240x2xf32> to vector<10000x1xf32>
    %add3A = arith.addf %slice3A, %slice3A_2 : vector<10000x1xf32>
    %add3A_3 = arith.constant 1.000000e+00 : f32
    %add3A_4 = vector.broadcast %add3A_3 : f32 to vector<10000x1xf32>
    %add3A_5 = arith.addf %add3A, %add3A_4 : vector<10000x1xf32>
    %rsqrt3A = math.rsqrt %add3A_5 : vector<10000x1xf32>
    %div3A = arith.constant 1.000000e+00 : f32
    %div3A_6 = vector.broadcast %div3A : f32 to vector<10000x1xf32>
    %div3A_7 = arith.divf %div3A_6, %add3A_5 : vector<10000x1xf32>
    %get3A_8 = arith.constant 0 : index
    %get3A_9 = arith.constant 0 : index
    %get3A_10 = vector.load %arg1[%get3A_8, %get3A_9] : memref<10000x128xf32, #tpu.memory_space<vmem>>, vector<10000x128xf32>
    %get3A_11 = arith.constant 0 : index
    %get3A_12 = arith.constant 0 : index
    %get3A_13 = arith.constant 0 : index
    %get3A_14 = vector.load %arg0[%get3A_11, %get3A_12, %get3A_13] : memref<2x10240x128xf32, #tpu.memory_space<vmem>>, vector<1x10000x128xf32>
    %get3A_15 = vector.shape_cast %get3A_14 : vector<1x10000x128xf32> to vector<10000x128xf32>
    %get3A_16 = arith.constant 1 : index
    %get3A_17 = arith.constant 0 : index
    %get3A_18 = arith.constant 0 : index
    %get3A_19 = vector.load %arg0[%get3A_16, %get3A_17, %get3A_18] : memref<2x10240x128xf32, #tpu.memory_space<vmem>>, vector<1x10000x128xf32>
    %get3A_20 = vector.shape_cast %get3A_19 : vector<1x10000x128xf32> to vector<10000x128xf32>
    %add3A_21 = arith.addf %get3A_15, %get3A_20 : vector<10000x128xf32>
    %mul3A = vector.broadcast %rsqrt3A : vector<10000x1xf32> to vector<10000x128xf32>
    %mul3A_22 = arith.mulf %add3A_21, %mul3A : vector<10000x128xf32>
    %mul3A_23 = vector.broadcast %div3A_7 : vector<10000x1xf32> to vector<10000x128xf32>
    %mul3A_24 = arith.mulf %get3A_10, %mul3A_23 : vector<10000x128xf32>
    %add3A_25 = arith.addf %mul3A_22, %mul3A_24 : vector<10000x128xf32>
    %get3A_26 = arith.constant 0 : index
    %get3A_27 = arith.constant 0 : index
    %get3A_28 = vector.load %arg3[%get3A_26, %get3A_27] : memref<1x128xf32, #tpu.memory_space<vmem>>, vector<1x128xf32>
    %add3A_29 = vector.broadcast %get3A_28 : vector<1x128xf32> to vector<10000x128xf32>
    %add3A_30 = arith.addf %add3A_25, %add3A_29 : vector<10000x128xf32>
    %ge3A = arith.constant 0.000000e+00 : f32
    %ge3A_31 = vector.broadcast %ge3A : f32 to vector<10000x128xf32>
    %ge3A_32 = arith.cmpf oge, %add3A_30, %ge3A_31 : vector<10000x128xf32>
    %mul3A_33 = arith.constant 2.000000e-01 : f32
    %mul3A_34 = vector.broadcast %mul3A_33 : f32 to vector<10000x128xf32>
    %mul3A_35 = arith.mulf %mul3A_34, %add3A_30 : vector<10000x128xf32>
    %select_n3A = arith.select %ge3A_32, %add3A_30, %mul3A_35 : vector<10000x128xi1>, vector<10000x128xf32>
    %get3A_36 = arith.constant 0 : index
    %get3A_37 = arith.constant 0 : index
    %get3A_38 = vector.load %arg4[%get3A_36, %get3A_37] : memref<128x128xf32, #tpu.memory_space<vmem>>, vector<128x128xf32>
    %dot_general3A = arith.constant dense<0.000000e+00> : vector<10000x128xf32>
    %dot_general3A_39 = tpu.matmul %select_n3A, %get3A_38, %dot_general3A {dimension_numbers = #tpu.dot_dimension_numbers<[1], [0], [0], [1], [0, 0, 1, 1], [], []>, transpose_lhs_hint = false} : vector<10000x128xf32>, vector<128x128xf32>, vector<10000x128xf32> -> vector<10000x128xf32>
    %swap3A = arith.constant 0 : index
    %swap3A_40 = arith.constant 0 : index
    %swap3A_41 = vector.load %arg6[%swap3A, %swap3A_40] : memref<10000x128xf32, #tpu.memory_space<vmem>>, vector<10000x128xf32>
    tpu.vector_store %arg6[%swap3A, %swap3A_40], %dot_general3A_39 {strides = array<i32>} : memref<10000x128xf32, #tpu.memory_space<vmem>>, vector<10000x128xf32>,
    %mul3A_42 = vector.broadcast %rsqrt3A : vector<10000x1xf32> to vector<10000x128xf32>
    %mul3A_43 = arith.mulf %dot_general3A_39, %mul3A_42 : vector<10000x128xf32>
    %swap3A_44 = arith.constant 0 : index
    %swap3A_45 = arith.constant 0 : index
    %swap3A_46 = vector.load %arg5[%swap3A_44, %swap3A_45] : memref<10240x128xf32, #tpu.memory_space<vmem>>, vector<10000x128xf32>
    tpu.vector_store %arg5[%swap3A_44, %swap3A_45], %mul3A_43 {strides = array<i32>} : memref<10240x128xf32, #tpu.memory_space<vmem>>, vector<10000x128xf32>,
    %broadcast_in_dim3A = arith.constant 0.000000e+00 : f32
    %broadcast_in_dim3A_47 = vector.broadcast %broadcast_in_dim3A : f32 to vector<240x128xf32>
    %swap3A_48 = arith.constant 10000 : index
    %swap3A_49 = arith.constant 0 : index
    %swap3A_50 = vector.load %arg5[%swap3A_48, %swap3A_49] : memref<10240x128xf32, #tpu.memory_space<vmem>>, vector<240x128xf32>
    tpu.vector_store %arg5[%swap3A_48, %swap3A_49], %broadcast_in_dim3A_47 {strides = array<i32>} : memref<10240x128xf32, #tpu.memory_space<vmem>>, vector<240x128xf32>,
    return
  }
}

module attributes {stable_mosaic.version = 14 : i64} {
  func.func @_tc3_body(%arg0: memref<2x10240x128xf32, #tpu.memory_space<vmem>>, %arg1: memref<10000x128xf32, #tpu.memory_space<vmem>>, %arg2: memref<2x10240xf32, #tpu.memory_space<vmem>>, %arg3: memref<1x128xf32, #tpu.memory_space<vmem>>, %arg4: memref<1x10000xi32, #tpu.memory_space<vmem>>, %arg5: memref<10000x16xf32, #tpu.memory_space<vmem>>, %arg6: memref<128x16xf32, #tpu.memory_space<vmem>>, %arg7: memref<1x16xf32, #tpu.memory_space<vmem>>, %arg8: memref<1x16xf32, #tpu.memory_space<vmem>>, %arg9: memref<1x16xf32, #tpu.memory_space<vmem>>, %arg10: memref<32x2xf32, #tpu.memory_space<vmem>>, %arg11: memref<1x2xf32, #tpu.memory_space<vmem>>, %arg12: memref<1x16xf32, #tpu.memory_space<vmem>>, %arg13: memref<1x16xf32, #tpu.memory_space<vmem>>, %arg14: memref<2x16xf32, #tpu.memory_space<vmem>>, %arg15: memref<64x2xf32, #tpu.memory_space<vmem>>) attributes {dimension_semantics = [], scalar_prefetch = 0 : i64, scratch_operands = 0 : i64, tpu.core_type = #tpu.core_type<tc>} {
    %get3A = arith.constant 0 : index
    %get3A_0 = arith.constant 0 : index
    %get3A_1 = vector.load %arg2[%get3A, %get3A_0] : memref<2x10240xf32, #tpu.memory_space<vmem>>, vector<2x10240xf32>
    %transpose3A = tpu.transpose %get3A_1, [1, 0] : vector<2x10240xf32> -> vector<10240x2xf32>
    %slice3A = vector.extract_strided_slice %transpose3A {offsets = [0, 0], sizes = [10000, 1], strides = [1, 1]} : vector<10240x2xf32> to vector<10000x1xf32>
    %slice3A_2 = vector.extract_strided_slice %transpose3A {offsets = [0, 1], sizes = [10000, 1], strides = [1, 1]} : vector<10240x2xf32> to vector<10000x1xf32>
    %add3A = arith.addf %slice3A, %slice3A_2 : vector<10000x1xf32>
    %add3A_3 = arith.constant 1.000000e+00 : f32
    %add3A_4 = vector.broadcast %add3A_3 : f32 to vector<10000x1xf32>
    %add3A_5 = arith.addf %add3A, %add3A_4 : vector<10000x1xf32>
    %rsqrt3A = math.rsqrt %add3A_5 : vector<10000x1xf32>
    %div3A = arith.constant 1.000000e+00 : f32
    %div3A_6 = vector.broadcast %div3A : f32 to vector<10000x1xf32>
    %div3A_7 = arith.divf %div3A_6, %add3A_5 : vector<10000x1xf32>
    %get3A_8 = arith.constant 0 : index
    %get3A_9 = arith.constant 0 : index
    %get3A_10 = vector.load %arg1[%get3A_8, %get3A_9] : memref<10000x128xf32, #tpu.memory_space<vmem>>, vector<10000x128xf32>
    %get3A_11 = arith.constant 0 : index
    %get3A_12 = arith.constant 0 : index
    %get3A_13 = arith.constant 0 : index
    %get3A_14 = vector.load %arg0[%get3A_11, %get3A_12, %get3A_13] : memref<2x10240x128xf32, #tpu.memory_space<vmem>>, vector<1x10000x128xf32>
    %get3A_15 = vector.shape_cast %get3A_14 : vector<1x10000x128xf32> to vector<10000x128xf32>
    %get3A_16 = arith.constant 1 : index
    %get3A_17 = arith.constant 0 : index
    %get3A_18 = arith.constant 0 : index
    %get3A_19 = vector.load %arg0[%get3A_16, %get3A_17, %get3A_18] : memref<2x10240x128xf32, #tpu.memory_space<vmem>>, vector<1x10000x128xf32>
    %get3A_20 = vector.shape_cast %get3A_19 : vector<1x10000x128xf32> to vector<10000x128xf32>
    %add3A_21 = arith.addf %get3A_15, %get3A_20 : vector<10000x128xf32>
    %mul3A = vector.broadcast %rsqrt3A : vector<10000x1xf32> to vector<10000x128xf32>
    %mul3A_22 = arith.mulf %add3A_21, %mul3A : vector<10000x128xf32>
    %mul3A_23 = vector.broadcast %div3A_7 : vector<10000x1xf32> to vector<10000x128xf32>
    %mul3A_24 = arith.mulf %get3A_10, %mul3A_23 : vector<10000x128xf32>
    %add3A_25 = arith.addf %mul3A_22, %mul3A_24 : vector<10000x128xf32>
    %get3A_26 = arith.constant 0 : index
    %get3A_27 = arith.constant 0 : index
    %get3A_28 = vector.load %arg3[%get3A_26, %get3A_27] : memref<1x128xf32, #tpu.memory_space<vmem>>, vector<1x128xf32>
    %add3A_29 = vector.broadcast %get3A_28 : vector<1x128xf32> to vector<10000x128xf32>
    %add3A_30 = arith.addf %add3A_25, %add3A_29 : vector<10000x128xf32>
    %ge3A = arith.constant 0.000000e+00 : f32
    %ge3A_31 = vector.broadcast %ge3A : f32 to vector<10000x128xf32>
    %ge3A_32 = arith.cmpf oge, %add3A_30, %ge3A_31 : vector<10000x128xf32>
    %mul3A_33 = arith.constant 2.000000e-01 : f32
    %mul3A_34 = vector.broadcast %mul3A_33 : f32 to vector<10000x128xf32>
    %mul3A_35 = arith.mulf %mul3A_34, %add3A_30 : vector<10000x128xf32>
    %select_n3A = arith.select %ge3A_32, %add3A_30, %mul3A_35 : vector<10000x128xi1>, vector<10000x128xf32>
    %iota3A = tpu.iota {dimensions = array<i32: 0>} : vector<64x10000xi32>
    %get3A_36 = arith.constant 0 : index
    %get3A_37 = arith.constant 0 : index
    %get3A_38 = vector.load %arg4[%get3A_36, %get3A_37] : memref<1x10000xi32, #tpu.memory_space<vmem>>, vector<1x10000xi32>
    %eq3A = vector.broadcast %get3A_38 : vector<1x10000xi32> to vector<64x10000xi32>
    %eq3A_39 = arith.cmpi eq, %iota3A, %eq3A : vector<64x10000xi32>
    %convert_element_type3A = arith.extui %eq3A_39 : vector<64x10000xi1> to vector<64x10000xi32>
    %convert_element_type3A_40 = arith.sitofp %convert_element_type3A : vector<64x10000xi32> to vector<64x10000xf32>
    %reduce_sum3A = arith.constant dense<0.000000e+00> : vector<64xf32>
    %reduce_sum3A_41 = vector.multi_reduction <add>, %convert_element_type3A_40, %reduce_sum3A [1] : vector<64x10000xf32> to vector<64xf32>
    %broadcast_in_dim3A = vector.shape_cast %reduce_sum3A_41 : vector<64xf32> to vector<64x1xf32>
    %max3A = arith.constant 1.000000e+00 : f32
    %max3A_42 = vector.broadcast %max3A : f32 to vector<64x1xf32>
    %max3A_43 = arith.maximumf %broadcast_in_dim3A, %max3A_42 : vector<64x1xf32>
    %dot_general3A = arith.constant dense<0.000000e+00> : vector<64x128xf32>
    %dot_general3A_44 = tpu.matmul %convert_element_type3A_40, %select_n3A, %dot_general3A {dimension_numbers = #tpu.dot_dimension_numbers<[1], [0], [0], [1], [0, 0, 1, 1], [], []>, transpose_lhs_hint = false} : vector<64x10000xf32>, vector<10000x128xf32>, vector<64x128xf32> -> vector<64x128xf32>
    %div3A_45 = vector.broadcast %max3A_43 : vector<64x1xf32> to vector<64x128xf32>
    %div3A_46 = arith.divf %dot_general3A_44, %div3A_45 : vector<64x128xf32>
    %get3A_47 = arith.constant 0 : index
    %get3A_48 = arith.constant 0 : index
    %get3A_49 = vector.load %arg5[%get3A_47, %get3A_48] : memref<10000x16xf32, #tpu.memory_space<vmem>>, vector<10000x16xf32>
    %dot_general3A_50 = arith.constant dense<0.000000e+00> : vector<64x16xf32>
    %dot_general3A_51 = tpu.matmul %convert_element_type3A_40, %get3A_49, %dot_general3A_50 {dimension_numbers = #tpu.dot_dimension_numbers<[1], [0], [0], [1], [0, 0, 1, 1], [], []>, transpose_lhs_hint = false} : vector<64x10000xf32>, vector<10000x16xf32>, vector<64x16xf32> -> vector<64x16xf32>
    %div3A_52 = vector.broadcast %max3A_43 : vector<64x1xf32> to vector<64x16xf32>
    %div3A_53 = arith.divf %dot_general3A_51, %div3A_52 : vector<64x16xf32>
    %get3A_54 = arith.constant 0 : index
    %get3A_55 = arith.constant 0 : index
    %get3A_56 = vector.load %arg6[%get3A_54, %get3A_55] : memref<128x16xf32, #tpu.memory_space<vmem>>, vector<128x16xf32>
    %dot_general3A_57 = arith.constant dense<0.000000e+00> : vector<64x16xf32>
    %dot_general3A_58 = tpu.matmul %div3A_46, %get3A_56, %dot_general3A_57 {dimension_numbers = #tpu.dot_dimension_numbers<[1], [0], [0], [1], [0, 0, 1, 1], [], []>, transpose_lhs_hint = false} : vector<64x128xf32>, vector<128x16xf32>, vector<64x16xf32> -> vector<64x16xf32>
    %get3A_59 = arith.constant 0 : index
    %get3A_60 = arith.constant 0 : index
    %get3A_61 = vector.load %arg7[%get3A_59, %get3A_60] : memref<1x16xf32, #tpu.memory_space<vmem>>, vector<1x16xf32>
    %add3A_62 = vector.broadcast %get3A_61 : vector<1x16xf32> to vector<64x16xf32>
    %add3A_63 = arith.addf %dot_general3A_58, %add3A_62 : vector<64x16xf32>
    %get3A_64 = arith.constant 0 : index
    %get3A_65 = arith.constant 0 : index
    %get3A_66 = vector.load %arg8[%get3A_64, %get3A_65] : memref<1x16xf32, #tpu.memory_space<vmem>>, vector<1x16xf32>
    %get3A_67 = arith.constant 0 : index
    %get3A_68 = arith.constant 0 : index
    %get3A_69 = vector.load %arg9[%get3A_67, %get3A_68] : memref<1x16xf32, #tpu.memory_space<vmem>>, vector<1x16xf32>
    %sqrt3A = arith.constant 1.000010e+00 : f32
    %sqrt3A_70 = math.sqrt %sqrt3A : f32
    %div3A_71 = vector.broadcast %sqrt3A_70 : f32 to vector<64x16xf32>
    %div3A_72 = arith.divf %add3A_63, %div3A_71 : vector<64x16xf32>
    %mul3A_73 = vector.broadcast %get3A_66 : vector<1x16xf32> to vector<64x16xf32>
    %mul3A_74 = arith.mulf %div3A_72, %mul3A_73 : vector<64x16xf32>
    %add3A_75 = vector.broadcast %get3A_69 : vector<1x16xf32> to vector<64x16xf32>
    %add3A_76 = arith.addf %mul3A_74, %add3A_75 : vector<64x16xf32>
    %ge3A_77 = arith.constant 0.000000e+00 : f32
    %ge3A_78 = vector.broadcast %ge3A_77 : f32 to vector<64x16xf32>
    %ge3A_79 = arith.cmpf oge, %add3A_76, %ge3A_78 : vector<64x16xf32>
    %mul3A_80 = arith.constant 2.000000e-01 : f32
    %mul3A_81 = vector.broadcast %mul3A_80 : f32 to vector<64x16xf32>
    %mul3A_82 = arith.mulf %mul3A_81, %add3A_76 : vector<64x16xf32>
    %select_n3A_83 = arith.select %ge3A_79, %add3A_76, %mul3A_82 : vector<64x16xi1>, vector<64x16xf32>
    %ge3A_84 = arith.constant 1.000000e+01 : f32
    %ge3A_85 = vector.broadcast %ge3A_84 : f32 to vector<64x1xf32>
    %ge3A_86 = arith.cmpf oge, %broadcast_in_dim3A, %ge3A_85 : vector<64x1xf32>
    %get3A_87 = arith.constant 1 : index
    %get3A_88 = arith.constant 0 : index
    %get3A_89 = vector.load %arg14[%get3A_87, %get3A_88] : memref<2x16xf32, #tpu.memory_space<vmem>>, vector<1x16xf32>
    %get3A_90 = arith.constant 0 : index
    %get3A_91 = arith.constant 0 : index
    %get3A_92 = vector.load %arg14[%get3A_90, %get3A_91] : memref<2x16xf32, #tpu.memory_space<vmem>>, vector<1x16xf32>
    %broadcast_in_dim3A_93 = vector.shape_cast %ge3A_86 : vector<64x1xi1> to vector<64x1xi1>
    %broadcast_in_dim3A_94 = vector.broadcast %broadcast_in_dim3A_93 : vector<64x1xi1> to vector<64x16xi1>
    %broadcast_in_dim3A_95 = vector.shape_cast %get3A_89 : vector<1x16xf32> to vector<1x16xf32>
    %broadcast_in_dim3A_96 = vector.broadcast %broadcast_in_dim3A_95 : vector<1x16xf32> to vector<64x16xf32>
    %broadcast_in_dim3A_97 = vector.shape_cast %get3A_92 : vector<1x16xf32> to vector<1x16xf32>
    %broadcast_in_dim3A_98 = vector.broadcast %broadcast_in_dim3A_97 : vector<1x16xf32> to vector<64x16xf32>
    %select_n3A_99 = arith.select %broadcast_in_dim3A_94, %broadcast_in_dim3A_96, %broadcast_in_dim3A_98 : vector<64x16xi1>, vector<64x16xf32>
    %get3A_100 = arith.constant 0 : index
    %get3A_101 = arith.constant 0 : index
    %get3A_102 = vector.load %arg12[%get3A_100, %get3A_101] : memref<1x16xf32, #tpu.memory_space<vmem>>, vector<1x16xf32>
    %get3A_103 = arith.constant 0 : index
    %get3A_104 = arith.constant 0 : index
    %get3A_105 = vector.load %arg13[%get3A_103, %get3A_104] : memref<1x16xf32, #tpu.memory_space<vmem>>, vector<1x16xf32>
    %sqrt3A_106 = arith.constant 1.000010e+00 : f32
    %sqrt3A_107 = math.sqrt %sqrt3A_106 : f32
    %div3A_108 = vector.broadcast %sqrt3A_107 : f32 to vector<64x16xf32>
    %div3A_109 = arith.divf %select_n3A_99, %div3A_108 : vector<64x16xf32>
    %mul3A_110 = vector.broadcast %get3A_102 : vector<1x16xf32> to vector<64x16xf32>
    %mul3A_111 = arith.mulf %div3A_109, %mul3A_110 : vector<64x16xf32>
    %add3A_112 = vector.broadcast %get3A_105 : vector<1x16xf32> to vector<64x16xf32>
    %add3A_113 = arith.addf %mul3A_111, %add3A_112 : vector<64x16xf32>
    %ge3A_114 = arith.constant 0.000000e+00 : f32
    %ge3A_115 = vector.broadcast %ge3A_114 : f32 to vector<64x16xf32>
    %ge3A_116 = arith.cmpf oge, %add3A_113, %ge3A_115 : vector<64x16xf32>
    %mul3A_117 = arith.constant 2.000000e-01 : f32
    %mul3A_118 = vector.broadcast %mul3A_117 : f32 to vector<64x16xf32>
    %mul3A_119 = arith.mulf %mul3A_118, %add3A_113 : vector<64x16xf32>
    %select_n3A_120 = arith.select %ge3A_116, %add3A_113, %mul3A_119 : vector<64x16xi1>, vector<64x16xf32>
    %neg3A = arith.constant 0.000000e+00 : f32
    %neg3A_121 = vector.broadcast %neg3A : f32 to vector<64x16xf32>
    %neg3A_122 = arith.subf %neg3A_121, %select_n3A_120 : vector<64x16xf32>
    %exp3A = math.exp %neg3A_122 : vector<64x16xf32>
    %add3A_123 = arith.constant 1.000000e+00 : f32
    %add3A_124 = vector.broadcast %add3A_123 : f32 to vector<64x16xf32>
    %add3A_125 = arith.addf %add3A_124, %exp3A : vector<64x16xf32>
    %div3A_126 = arith.constant 1.000000e+00 : f32
    %div3A_127 = vector.broadcast %div3A_126 : f32 to vector<64x16xf32>
    %div3A_128 = arith.divf %div3A_127, %add3A_125 : vector<64x16xf32>
    %mul3A_129 = arith.mulf %div3A_128, %div3A_53 : vector<64x16xf32>
    %concatenate3A = tpu.concatenate %select_n3A_83, %mul3A_129 in 1 : vector<64x16xf32>, vector<64x16xf32> -> vector<64x32xf32>
    %get3A_130 = arith.constant 0 : index
    %get3A_131 = arith.constant 0 : index
    %get3A_132 = vector.load %arg10[%get3A_130, %get3A_131] : memref<32x2xf32, #tpu.memory_space<vmem>>, vector<32x2xf32>
    %dot_general3A_133 = arith.constant dense<0.000000e+00> : vector<64x2xf32>
    %dot_general3A_134 = tpu.matmul %concatenate3A, %get3A_132, %dot_general3A_133 {dimension_numbers = #tpu.dot_dimension_numbers<[1], [0], [0], [1], [0, 0, 1, 1], [], []>, transpose_lhs_hint = false} : vector<64x32xf32>, vector<32x2xf32>, vector<64x2xf32> -> vector<64x2xf32>
    %get3A_135 = arith.constant 0 : index
    %get3A_136 = arith.constant 0 : index
    %get3A_137 = vector.load %arg11[%get3A_135, %get3A_136] : memref<1x2xf32, #tpu.memory_space<vmem>>, vector<1x2xf32>
    %add3A_138 = vector.broadcast %get3A_137 : vector<1x2xf32> to vector<64x2xf32>
    %add3A_139 = arith.addf %dot_general3A_134, %add3A_138 : vector<64x2xf32>
    %swap3A = arith.constant 0 : index
    %swap3A_140 = arith.constant 0 : index
    %swap3A_141 = vector.load %arg15[%swap3A, %swap3A_140] : memref<64x2xf32, #tpu.memory_space<vmem>>, vector<64x2xf32>
    tpu.vector_store %arg15[%swap3A, %swap3A_140], %add3A_139 {strides = array<i32>} : memref<64x2xf32, #tpu.memory_space<vmem>>, vector<64x2xf32>,
    return
  }
}

</mosaic_0001>

<sc_bundles>
// kernel: kernel.12.cloned.1.call-start
scs
__scs_entry_jumppad:
0x0: {  	(pc) =	sbr.rel $0x88, $3  }
0x1: {  	(tag) =	ssettag $0x0;
	lr =	simm.s32 $0x1  }
0x2: {  	[smem:$0x3F8F] =	sst lr;
	_ =	strace $0xD0000000  }
0x3: {  	_ = 	snop  }
0x4: {  	_ = 	snop  }
0x5: {  	_ = 	snop  }
0x6: {  	_ = 	snop  }
0x7: {  	_ = 	snop  }
__scs_overlays_trampoline_lowered:
0x8: {  	[smem:$0x3F9E] =	sst s0  }
0x9: {  	[smem:$0x3F9F] =	sst s1  }
0xa: {  	[smem:$0x3FA0] =	sst s2  }
0xb: {  	[smem:$0x3FA1] =	sst s3  }
0xc: {  	[smem:$0x3FA2] =	sst s4  }
0xd: {  	[smem:$0x3FA3] =	sst s5  }
0xe: {  	[smem:$0x3FA4] =	sst s6  }
0xf: {  	[smem:$0x3FA5] =	sst s7  }
0x10: {  	[smem:$0x3FA6] =	sst s8  }
0x11: {  	[smem:$0x3FA7] =	sst s9;
	s0 =	simm.s32 @!p0 $0x0  }
0x12: {  	s1 =	sld [smem:$0x3F8D];
	s0 =	simm.s32 @p0 $0x1  }
0x13: {  	[smem:$0x3FA8] =	sst s0;
	s0 =	simm.s32 @!p1 $0x0  }
0x14: {  	s2 =	sld [smem:$0x3F8C];
	s0 =	simm.s32 @p1 $0x1  }
0x15: {  	[smem:$0x3FA9] =	sst s0;
	s0 =	simm.s32 @!p2 $0x0  }
0x16: {  	s3 =	sld [smem:$0x3FDB];
	s0 =	simm.s32 @p2 $0x1  }
0x17: {  	s4 =	simm.s32 $0x1BF5;
	[smem:$0x3FAB] =	sst s0  }
0x18: {  	s0 =	sld [smem:$0x3F8E];
	_ =	swait.ge [sflag:s4], $0x0  }
0x19: {  	s7 =	sld [smem:$0x3F8F]  }
0x1a: {  	s8 =	sadd.s32 $0xFFFFE003, lr  }
0x1b: {  	s9 =	sadd.s32 $0xFFFFFEF7, lr;
	s5 =	simm.s32 $0xFFFFFFFF;
	p2 =	slt.u32 s8, $0xFFFFF086  }
0x1c: {  	p1 =	slt.u32 s9, $0xF7A;
	s5 =	simm.s32 @!p2 $0x0  }
0x1d: {  	s5 =	simm.s32 @p1 $0x1;
	p0 =	seq.s32 s7, s2  }
0x1e: {  	s7 =	smul.u32 @!p0 $0xF7A, s2;
	p2 =	seq.s32 @!p0 s5, $0x0  }
0x1f: {  	s9 =	smul.u32 $0xF7A, s1;
	s8 =	simm.s32 @!p0 $0x1BF5;
	p2 =	por !p2, p0  }
0x20: {  	[sflag:s8] =	ssyncset.s32 @!p0 $0xFFFFF086;
	s6 =	sadd.s32 @!p0 s3, s7;
	s7 =	simm.s32 @!p0 $0x108  }
0x21: {  	s3 =	sadd.s32 s3, s9;
	s6 =	sadd.s32 @!p0 $0x88, s6;
	s7 =	simm.s32 @p2 $0x1082  }
0x22: {  	[simem:s7], [sflag:s8] =	dma.local @!p0 [hbm:s6], $0xF7A  }
0x23: {  	s9 =	sor.u32 $0xD0000000, s2;
	s6 =	simm.s32 $0x108;
	_ =	swait.ge @!p0 [sflag:s8], $0x0  }
0x24: {  	s3 =	sadd.s32 $0x88, s3;
	s6 =	simm.s32 @!p1 $0x1082;
	[sflag:s4] =	ssyncset.s32 $0xFFFFF086  }
0x25: {  	[simem:s6], [sflag:s4] =	dma.local [hbm:s3], $0xF7A  }
0x26: {  	[smem:$0x3F8F] =	sst s1;
	(tag) =	ssettag s2;
	_ =	strace s9  }
0x27: {  	s1 =	sld [smem:$0x3F9F]  }
0x28: {  	s2 =	sld [smem:$0x3FA0]  }
0x29: {  	s4 =	sld [smem:$0x3FA2]  }
0x2a: {  	p0 =	seq.s32 s5, $0x0;
	s5 =	sld [smem:$0x3FA3]  }
0x2b: {  	s6 =	sld [smem:$0x3FA4]  }
0x2c: {  	s7 =	sld [smem:$0x3FA5]  }
0x2d: {  	s3 =	simm.s32 $0x108;
	s8 =	sld [smem:$0x3FA6]  }
0x2e: {  	s3 =	simm.s32 @!p0 $0x1082;
	s9 =	sld [smem:$0x3FA7]  }
0x2f: {  	lr =	sadd.s32 s0, s3;
	s0 =	sld [smem:$0x3F9E]  }
0x30: {  	s3 =	sld [smem:$0x3FA1]  }
0x31: {  	[smem:$0x3FAA] =	sst s10  }
0x32: {  	s10 =	sld [smem:$0x3FA8];
	_ =	sdelay $0x3  }
0x33: {  	p0 =	seq.s32 s10, $0x1;
	s10 =	sld [smem:$0x3FAA];
	_ =	sdelay $0x3  }
0x34: {  	[smem:$0x3FAA] =	sst s10  }
0x35: {  	s10 =	sld [smem:$0x3FA9];
	_ =	sdelay $0x3  }
0x36: {  	p1 =	seq.s32 s10, $0x1;
	s10 =	sld [smem:$0x3FAA];
	_ =	sdelay $0x3  }
0x37: {  	[smem:$0x3FAA] =	sst s10  }
0x38: {  	s10 =	sld [smem:$0x3FAB]  }
0x39: {  	_ = 	snop;
	(pc) =	sbr.ind lr, $3  }
0x3a: {  	_ = 	snop  }
0x3b: {  	_ = 	snop  }
0x3c: {  	p2 =	seq.s32 s10, $0x1;
	s10 =	sld [smem:$0x3FAA]  }
0x3d: {  	_ =	shalt  }
0x3e: {  	_ =	shalt  }
0x3f: {  	_ =	shalt  }
0x40: {  	_ =	shalt  }
0x41: {  	_ =	shalt  }
0x42: {  	_ =	shalt  }
0x43: {  	_ =	shalt  }
0x44: {  	_ =	shalt  }
0x45: {  	_ =	shalt  }
0x46: {  	_ =	shalt  }
0x47: {  	_ =	shalt  }
0x48: {  	_ =	shalt  }
0x49: {  	_ =	shalt  }
0x4a: {  	_ =	shalt  }
0x4b: {  	_ =	shalt  }
0x4c: {  	_ =	shalt  }
0x4d: {  	_ =	shalt  }
0x4e: {  	_ =	shalt  }
0x4f: {  	_ =	shalt  }
0x50: {  	_ =	shalt  }
0x51: {  	_ =	shalt  }
0x52: {  	_ =	shalt  }
0x53: {  	_ =	shalt  }
0x54: {  	_ =	shalt  }
0x55: {  	_ =	shalt  }
0x56: {  	_ =	shalt  }
0x57: {  	_ =	shalt  }
0x58: {  	_ =	shalt  }
0x59: {  	_ =	shalt  }
0x5a: {  	_ =	shalt  }
0x5b: {  	_ =	shalt  }
0x5c: {  	_ =	shalt  }
0x5d: {  	_ =	shalt  }
0x5e: {  	_ =	shalt  }
0x5f: {  	_ =	shalt  }
0x60: {  	_ =	shalt  }
0x61: {  	_ =	shalt  }
0x62: {  	_ =	shalt  }
0x63: {  	_ =	shalt  }
0x64: {  	_ =	shalt  }
0x65: {  	_ =	shalt  }
0x66: {  	_ =	shalt  }
0x67: {  	_ =	shalt  }
0x68: {  	_ =	shalt  }
0x69: {  	_ =	shalt  }
0x6a: {  	_ =	shalt  }
0x6b: {  	_ =	shalt  }
0x6c: {  	_ =	shalt  }
0x6d: {  	_ =	shalt  }
0x6e: {  	_ =	shalt  }
0x6f: {  	_ =	shalt  }
0x70: {  	_ =	shalt  }
0x71: {  	_ =	shalt  }
0x72: {  	_ =	shalt  }
0x73: {  	_ =	shalt  }
0x74: {  	_ =	shalt  }
0x75: {  	_ =	shalt  }
0x76: {  	_ =	shalt  }
0x77: {  	_ =	shalt  }
0x78: {  	_ =	shalt  }
0x79: {  	_ =	shalt  }
0x7a: {  	_ =	shalt  }
0x7b: {  	_ =	shalt  }
0x7c: {  	_ =	shalt  }
0x7d: {  	_ =	shalt  }
0x7e: {  	_ =	shalt  }
0x7f: {  	_ =	shalt  }
0x80: {  	_ =	shalt  }
0x81: {  	_ =	shalt  }
0x82: {  	_ =	shalt  }
0x83: {  	_ =	shalt  }
0x84: {  	_ =	shalt  }
0x85: {  	_ =	shalt  }
0x86: {  	_ =	shalt  }
0x87: {  	_ =	shalt  }
.Lfunc_end0:
.L_simem_size_0:
called_computation.1_lowered:
.L_overlay_start_0:
0x88: {  	s2 =	sld [smem:$0x3FD9]  }
0x89: {  	s3 =	sld [smem:$0x3FFE];
	_ =	sdelay $0x1  }
0x8a: {  	s1 =	srdreg.scid  }
0x8b: {  	s0 =	sand.u32 $0x1, s1  }
0x8c: {  	s16 =	sshll.u32 s0, $0xA;
	s2 =	sadd.s32 s3, s2  }
0x8d: {  	s2 =	sadd.s32 s2, s16  }
0x8e: {  	[smem:$0x3FB6] =	sst s2  }
0x8f: {  	_ = 	snop  }
0x90: {  	(tm) =	ssettm $0x1  }
0x91: {  	s17 =	sld [smem:$0x3FFB];
	_ =	sdelay $0x3  }
0x92: {  	_ =	strace s17  }
0x93: {  	s2 =	sld [smem:$0x3FFC];
	_ =	sdelay $0x3  }
0x94: {  	_ =	strace s2  }
0x95: {  	s2 =	sld [smem:$0x3FFD];
	_ =	sdelay $0x3  }
0x96: {  	_ =	strace s2  }
0x97: {  	_ =	strace $0x8FFFFFFF  }
0x98: {  	s18 =	sld [smem:$0x3FDB];
	_ =	sdelay $0x1  }
0x99: {  	s19 =	simm.s32 $_scs_section_size  }
0x9a: {  	s4 =	simm.s32 $_size__tile_overlayer_lowered;
	s5 =	simm.s32 $_tile_overlayer_lowered  }
0x9b: {  	s22 =	simm.s32 $0x1BFF;
	s21 =	sshll.u32 s5, $0x1;
	s2 =	sadd.s32 s19, s18  }
0x9c: {  	s6 =	simm.s32 $0x0;
	s20 =	sshll.u32 s4, $0x1;
	s4 =	sadd.s32 s21, s2  }
0x9d: {  	[timem:s6], [sflag:s22] =	dma.local [hbm:s4], s20  }
0x9e: {  	_ =	swait.ge [sflag:s22], s20  }
0x9f: {  	s3 =	ssub.s32 $0x0, s20;
	[sflag:s22] =	ssyncset.done $0x0  }
0xa0: {  	[sflag:s22] =	ssyncadd.s32 s3;
	_ =	sdelay $0x1  }
0xa1: {  	s23 =	simm.s32 $0x1B8B  }
0xa2: {  	_ =	swait.ge [sflag:s23], $0x1  }
0xa3: {  	[sflag:s23] =	ssyncset.done $0x0  }
0xa4: {  	s25 =	simm.s32 $0x1B8E;
	s24 =	sld [smem:$0x3FFE];
	[sflag:s23] =	ssyncadd.s32 $0xFFFFFFFF  }
0xa5: {  	s26 =	simm.s32 $execute0_lowered;
	[smem:$0x3FD2] =	sst s25  }
0xa6: {  	s4 =	sshll.u32 s26, $0x1;
	_ =	strace $0x80000049;
	[dreg:$0x1] =	wrdreg $0xFFFFFFFF  }
0xa7: {  	s28 =	simm.s32 $_size_execute0_lowered;
	s2 =	sadd.s32 s2, s4;
	[dreg:$0x0] =	wrdreg $0x0  }
0xa8: {  	s4 =	sshll.u32 s28, $0x1;
	[dreg:$0x2] =	wrdreg s2  }
0xa9: {  	[dreg:$0x3] =	wrdreg s4  }
0xaa: {  	[dreg:$0x4] =	wrdreg $0xC0  }
0xab: {  	_ =	task [dreg:s6], $0x5FFFF  }
0xac: {  	[dreg:$0x1] =	wrdreg $0xFFFFFFFF  }
0xad: {  	[dreg:$0x0] =	wrdreg $0x60  }
0xae: {  	[dreg:$0x2] =	wrdreg s24  }
0xaf: {  	[dreg:$0x3] =	wrdreg $0xB0000  }
0xb0: {  	[dreg:$0x4] =	wrdreg $0x9  }
0xb1: {  	_ =	task.clear_ibuf [dreg:s6], $0x5FFFF;
	_ =	strace $0x90000049  }
0xb2: {  	s29 =	simm.s32 $0x9;
	_ =	strace $0x8000004B  }
0xb3: {  	_ =	swait.ge [sflag:s29], $0x1  }
0xb4: {  	[sflag:s29] =	ssyncadd.s32 $0xFFFFFFFF  }
0xb5: {  	_ =	strace $0x9000004B  }
0xb6: {  	_ =	sfence  }
0xb7: {  	s30 =	sld [smem:$0x0];
	_ =	sdelay $0x2  }
0xb8: {  	s31 =	sshll.u32 s1, $0xD;
	s1 =	sshrl.u32 s1, $0x2  }
0xb9: {  	s3 =	sand.u32 $0x4000, s31;
	s1 =	sadd.s32 s1, s30  }
0xba: {  	s0 =	sor.u32 s3, s0;
	s1 =	sshll.u32 s1, $0x11  }
0xbb: {  	s0 =	sor.u32 s1, s0  }
0xbc: {  	s0 =	sadd.s32 $0x8F2B, s0  }
0xbd: {  	[sflag:s0] =	ssyncadd.remote.s32 $0x1  }
0xbe: {  	_ =	sfence.sel $0xFFFF  }
0xbf: {  	[dreg:$0x0] =	wrdreg $0xFFFFFFFF;
	(pc) =	sbr.abs _section_cstart, $3  }
0xc0: {  	[dreg:$0x1] =	wrdreg $0xFFFFFFFF  }
0xc1: {  	_ =	task.clear_ibuf [dreg:s6], $0x2FFFF;
	_ =	strace $0x9FFFFFFF  }
0xc2: {  	(tm) =	ssettm $0x7FFFFFFF  }
0xc3: {  	_ =	shalt  }
tec
execute0_lowered:
.L_overlay_start_1:
0x0: {  	(tag) =	ssettag $0x1  }
0x1: {  	s6 =	rddreg [dreg:$0x0];
	s1 =	srdreg.scid  }
0x2: {  	s0 =	stileid.u32;
	s2 =	rddreg [dreg:$0x1]  }
0x3: {  	s26 =	simm.s32 $0x2880;
	s13 =	simm.s32 $0x2900;
	s28 =	simm.s32 $0x2980  }
0x4: {  	s16 =	simm.s32 $0x2A00;
	s29 =	simm.s32 $0x2A80;
	s30 =	simm.s32 $0x2B00  }
0x5: {  	s17 =	simm.s32 $0x2B80;
	s18 =	simm.s32 $0x2C80;
	s19 =	simm.s32 $0x2D00  }
0x6: {  	s20 =	simm.s32 $0x2D80;
	s21 =	simm.s32 $0x2E00;
	s22 =	simm.s32 $0x2E80  }
0x7: {  	s31 =	simm.s32 $0x2F80;
	s5 =	sand.u32 $0x1, s1;
	s3 =	sshll.u32 s0, $0x1  }
0x8: {  	s11 =	smul.u32 $0x50000, s0;
	s4 =	sor.u32 s5, s3;
	s3 =	simm.s32 $0x0  }
0x9: {  	s7 =	sshrl.u32 s0, $0x2;
	s24 =	smul.u32 $0x2800, s0;
	[smem:$0x7FF] =	sst s3  }
0xa: {  	s7 =	smul.u32 $0x14000, s7;
	_ =	strace $0x8000004A;
	[dreg:$0x3] =	wrdreg s26  }
0xb: {  	s15 =	sshll.u32 s0, $0x6;
	s9 =	smul.u32 $0x28000, s5;
	[dreg:$0x4] =	wrdreg s13  }
0xc: {  	s10 =	ssub.s32 $0x2, s5;
	s5 =	sadd.s32 $0x40A00, s6;
	[dreg:$0x5] =	wrdreg s28  }
0xd: {  	s8 =	sshll.u32 s4, $0x7;
	s25 =	smul.u32 $0x500, s4;
	[dreg:$0x6] =	wrdreg s16  }
0xe: {  	s4 =	sadd.s32 $0x18A00, s6;
	s12 =	sshrl.u32 s10, $0x1;
	[dreg:$0x7] =	wrdreg s29  }
0xf: {  	s11 =	sshrl.u32 s11, $0x2;
	s8 =	sand.u32 $0x380, s8;
	[dreg:$0x8] =	wrdreg s30  }
0x10: {  	s9 =	sadd.s32 s9, s6;
	s10 =	ssub.s32 s10, s12;
	[dreg:$0x9] =	wrdreg s17  }
0x11: {  	s14 =	sadd.s32 s11, s2;
	s11 =	simm.s32 $0x5;
	[dreg:$0xa] =	wrdreg s18  }
0x12: {  	s12 =	simm.s32 $0x2800;
	s13 =	sor.u32 $0x1C05, s15;
	[dreg:$0xb] =	wrdreg s19  }
0x13: {  	s15 =	simm.s32 $0x3000;
	s17 =	simm.s32 $0x2C00;
	[dreg:$0xc] =	wrdreg s20  }
0x14: {  	s18 =	simm.s32 $0x1;
	s19 =	simm.s32 $0x7000;
	[dreg:$0xd] =	wrdreg s21  }
0x15: {  	s20 =	simm.s32 $0x3;
	s21 =	simm.s32 $0x4;
	[dreg:$0xe] =	wrdreg s22  }
0x16: {  	s22 =	simm.s32 $0x2;
	[dreg:$0x10] =	wrdreg s31;
	s7 =	sor.u32 s7, s8  }
0x17: {  	s8 =	sadd.s32 s25, s6;
	s23 =	sadd.s32 $0x43200, s9;
	s9 =	simm.s32 $0x80  }
0x18: {  	s14 =	sshrl.u32 s14, $0x3;
	s25 =	simm.s32 $0x2F00;
	s7 =	sshrl.u32 s7, $0x3  }
0x19: {  	[dreg:$0xf] =	wrdreg s25;
	s23 =	sadd.s32 s24, s23;
	s7 =	sadd.s32 s7, s6  }
0x1a: {  	s24 =	simm.s32 $0x0;
	s6 =	sadd.s32 $0xEA00, s7;
	s7 =	sadd.s32 $0x3A00, s8  }
0x1b: {  	s8 =	smax.u32 s10, $0x1;
	s10 =	simm.s32 $0x400;
	s16 =	sadd.s32 $0x100, s7  }
.LBB2_1:
0x1c: {  	[tilespmem:s3], [sflag:$0x5] =	stream.strided.gather [hbm4b:s6+s9], $0x2800, s10, s9, $0x38;
	[tilespmem:$0x1F000] =	vst v63  }
0x1d: {  	_ =	swait.ge [sflag:s11], $0x2800  }
0x1e: {  	[sflag:s11] =	ssyncset.done $0x0  }
0x1f: {  	[sflag:s11] =	ssyncadd.s32 $0xFFFFD800  }
0x20: {  	[tilespmem:s12], [sflag:$0x1] =	stream.linear.gather [hbm4b:s7+s3], $0x400, $0x38;
	[tilespmem:$0x1F000] =	vst v63  }
0x21: {  	[spmem:s14], [sflag:s13] =	dma.local [hbm:s5], $0x2800  }
0x22: {  	_ =	swait.ge [sflag:s11], $0x2800  }
0x23: {  	[sflag:s11] =	ssyncset.done $0x0  }
0x24: {  	[sflag:s11] =	ssyncadd.s32 $0xFFFFD800  }
0x25: {  	[bflag:$0x0] =	sbarrier.arrive $0xFFFF  }
0x26: {  	[tilespmem:s15], [sflag:$0x3] =	stream.indirect.gather [hbm4b:s4+s9], $0x80, s3, s9, $0xb8;
	[tilespmem:$0x1F000] =	vst v63  }
0x27: {  	s25 =	sadd.s32 $0xFFFFFF80, s16  }
0x28: {  	[tilespmem:s17], [sflag:$0x2] =	stream.linear.gather [hbm4b:s25+s3], $0x400, $0x38;
	[tilespmem:$0x1F000] =	vst v63  }
0x29: {  	_ =	swait.ge [sflag:s18], $0x400  }
0x2a: {  	[sflag:s18] =	ssyncset.done $0x0  }
0x2b: {  	s1 =	simm.s32 $0x80;
	[sflag:s18] =	ssyncadd.s32 $0xFFFFFC00  }
0x2c: {  	[tilespmem:s19], [sflag:$0x4] =	stream.indirect.gather [hbm4b:s4+s9], $0x80, s1, s9, $0xb8;
	[tilespmem:$0x1F000] =	vst v63  }
0x2d: {  	_ =	swait.ge [sflag:s20], $0x4000  }
0x2e: {  	[sflag:s20] =	ssyncset.done $0x0  }
0x2f: {  	[sflag:s20] =	ssyncadd.s32 $0xFFFFC000  }
0x30: {  	[spmem:s2] =	stream.indirect.scatter.add.f32 [tilespmem:s15], [sflag:$0x5], $0x80, s12, s9, $0xb8;
	[tilespmem:$0x1F000] =	vst v63  }
0x31: {  	_ =	swait.ge [sflag:s11], $0x4000  }
0x32: {  	[sflag:s11] =	ssyncset.done $0x0  }
0x33: {  	s26 =	simm.s32 $0x100;
	[sflag:s11] =	ssyncadd.s32 $0xFFFFC000  }
0x34: {  	[tilespmem:s15], [sflag:$0x3] =	stream.indirect.gather [hbm4b:s4+s9], $0x80, s26, s9, $0xb8;
	[tilespmem:$0x1F000] =	vst v63  }
0x35: {  	_ =	swait.ge [sflag:s21], $0x4000  }
0x36: {  	[sflag:s21] =	ssyncset.done $0x0  }
0x37: {  	s30 =	rddreg [dreg:$0x3];
	[sflag:s21] =	ssyncadd.s32 $0xFFFFC000  }
0x38: {  	[spmem:s2] =	stream.indirect.scatter.add.f32 [tilespmem:s19], [sflag:$0x5], $0x80, s30, s9, $0xb8;
	[tilespmem:$0x1F000] =	vst v63  }
0x39: {  	_ =	swait.ge [sflag:s11], $0x4000  }
0x3a: {  	[sflag:s11] =	ssyncset.done $0x0  }
0x3b: {  	s31 =	simm.s32 $0x180;
	[sflag:s11] =	ssyncadd.s32 $0xFFFFC000  }
0x3c: {  	[tilespmem:s19], [sflag:$0x4] =	stream.indirect.gather [hbm4b:s4+s9], $0x80, s31, s9, $0xb8;
	[tilespmem:$0x1F000] =	vst v63  }
0x3d: {  	_ =	swait.ge [sflag:s20], $0x4000  }
0x3e: {  	[sflag:s20] =	ssyncset.done $0x0  }
0x3f: {  	s0 =	rddreg [dreg:$0x4];
	[sflag:s20] =	ssyncadd.s32 $0xFFFFC000  }
0x40: {  	[spmem:s2] =	stream.indirect.scatter.add.f32 [tilespmem:s15], [sflag:$0x5], $0x80, s0, s9, $0xb8;
	[tilespmem:$0x1F000] =	vst v63  }
0x41: {  	_ =	swait.ge [sflag:s11], $0x4000  }
0x42: {  	[sflag:s11] =	ssyncset.done $0x0  }
0x43: {  	s1 =	simm.s32 $0x200;
	[sflag:s11] =	ssyncadd.s32 $0xFFFFC000  }
0x44: {  	[tilespmem:s15], [sflag:$0x3] =	stream.indirect.gather [hbm4b:s4+s9], $0x80, s1, s9, $0xb8;
	[tilespmem:$0x1F000] =	vst v63  }
0x45: {  	_ =	swait.ge [sflag:s21], $0x4000  }
0x46: {  	[sflag:s21] =	ssyncset.done $0x0  }
0x47: {  	s26 =	rddreg [dreg:$0x5];
	[sflag:s21] =	ssyncadd.s32 $0xFFFFC000  }
0x48: {  	[spmem:s2] =	stream.indirect.scatter.add.f32 [tilespmem:s19], [sflag:$0x5], $0x80, s26, s9, $0xb8;
	[tilespmem:$0x1F000] =	vst v63  }
0x49: {  	_ =	swait.ge [sflag:s11], $0x4000  }
0x4a: {  	[sflag:s11] =	ssyncset.done $0x0  }
0x4b: {  	s30 =	simm.s32 $0x280;
	[sflag:s11] =	ssyncadd.s32 $0xFFFFC000  }
0x4c: {  	[tilespmem:s19], [sflag:$0x4] =	stream.indirect.gather [hbm4b:s4+s9], $0x80, s30, s9, $0xb8;
	[tilespmem:$0x1F000] =	vst v63  }
0x4d: {  	_ =	swait.ge [sflag:s20], $0x4000  }
0x4e: {  	[sflag:s20] =	ssyncset.done $0x0  }
0x4f: {  	s31 =	rddreg [dreg:$0x6];
	[sflag:s20] =	ssyncadd.s32 $0xFFFFC000  }
0x50: {  	[spmem:s2] =	stream.indirect.scatter.add.f32 [tilespmem:s15], [sflag:$0x5], $0x80, s31, s9, $0xb8;
	[tilespmem:$0x1F000] =	vst v63  }
0x51: {  	_ =	swait.ge [sflag:s11], $0x4000  }
0x52: {  	[sflag:s11] =	ssyncset.done $0x0  }
0x53: {  	s0 =	simm.s32 $0x300;
	[sflag:s11] =	ssyncadd.s32 $0xFFFFC000  }
0x54: {  	[tilespmem:s15], [sflag:$0x3] =	stream.indirect.gather [hbm4b:s4+s9], $0x80, s0, s9, $0xb8;
	[tilespmem:$0x1F000] =	vst v63  }
0x55: {  	_ =	swait.ge [sflag:s21], $0x4000  }
0x56: {  	[sflag:s21] =	ssyncset.done $0x0  }
0x57: {  	s1 =	rddreg [dreg:$0x7];
	[sflag:s21] =	ssyncadd.s32 $0xFFFFC000  }
0x58: {  	[spmem:s2] =	stream.indirect.scatter.add.f32 [tilespmem:s19], [sflag:$0x5], $0x80, s1, s9, $0xb8;
	[tilespmem:$0x1F000] =	vst v63  }
0x59: {  	_ =	swait.ge [sflag:s11], $0x4000  }
0x5a: {  	[sflag:s11] =	ssyncset.done $0x0  }
0x5b: {  	s26 =	simm.s32 $0x380;
	[sflag:s11] =	ssyncadd.s32 $0xFFFFC000  }
0x5c: {  	[tilespmem:s19], [sflag:$0x4] =	stream.indirect.gather [hbm4b:s4+s9], $0x80, s26, s9, $0xb8;
	[tilespmem:$0x1F000] =	vst v63  }
0x5d: {  	_ =	swait.ge [sflag:s20], $0x4000  }
0x5e: {  	[sflag:s20] =	ssyncset.done $0x0  }
0x5f: {  	s30 =	rddreg [dreg:$0x8];
	[sflag:s20] =	ssyncadd.s32 $0xFFFFC000  }
0x60: {  	[spmem:s2] =	stream.indirect.scatter.add.f32 [tilespmem:s15], [sflag:$0x5], $0x80, s30, s9, $0xb8;
	[tilespmem:$0x1F000] =	vst v63  }
0x61: {  	_ =	swait.ge [sflag:s11], $0x4000  }
0x62: {  	[sflag:s11] =	ssyncset.done $0x0  }
0x63: {  	s31 =	simm.s32 $0x400;
	[sflag:s11] =	ssyncadd.s32 $0xFFFFC000  }
0x64: {  	[tilespmem:s15], [sflag:$0x3] =	stream.indirect.gather [hbm4b:s4+s9], $0x80, s31, s9, $0xb8;
	[tilespmem:$0x1F000] =	vst v63  }
0x65: {  	_ =	swait.ge [sflag:s21], $0x4000  }
0x66: {  	[sflag:s21] =	ssyncset.done $0x0  }
0x67: {  	s0 =	rddreg [dreg:$0x9];
	[sflag:s21] =	ssyncadd.s32 $0xFFFFC000  }
0x68: {  	[spmem:s2] =	stream.indirect.scatter.add.f32 [tilespmem:s19], [sflag:$0x5], $0x80, s0, s9, $0xb8;
	[tilespmem:$0x1F000] =	vst v63  }
0x69: {  	_ =	swait.ge [sflag:s11], $0x4000  }
0x6a: {  	p0 =	por $0x0, $0x0;
	[sflag:s11] =	ssyncset.done $0x0  }
0x6b: {  	s25 =	simm.s32 @!p0 $0x0;
	s26 =	simm.s32 @!p0 $0x2800;
	[sflag:s11] =	ssyncadd.s32 $0xFFFFC000  }
0x6c: {  	[tilespmem:s26], [sflag:$0x1] =	stream.linear.gather @!p0 [hbm4b:s16+s25], $0x400, $0x38;
	[tilespmem:$0x1F000] =	vst v63  }
0x6d: {  	_ =	swait.ge [sflag:s22], $0x400  }
0x6e: {  	[sflag:s22] =	ssyncset.done $0x0  }
0x6f: {  	s1 =	simm.s32 $0x480;
	[sflag:s22] =	ssyncadd.s32 $0xFFFFFC00  }
0x70: {  	[tilespmem:s19], [sflag:$0x4] =	stream.indirect.gather [hbm4b:s4+s9], $0x80, s1, s9, $0xb8;
	[tilespmem:$0x1F000] =	vst v63  }
0x71: {  	_ =	swait.ge [sflag:s20], $0x4000  }
0x72: {  	[sflag:s20] =	ssyncset.done $0x0  }
0x73: {  	[sflag:s20] =	ssyncadd.s32 $0xFFFFC000  }
0x74: {  	[spmem:s2] =	stream.indirect.scatter.add.f32 [tilespmem:s15], [sflag:$0x5], $0x80, s17, s9, $0xb8;
	[tilespmem:$0x1F000] =	vst v63  }
0x75: {  	_ =	swait.ge [sflag:s11], $0x4000  }
0x76: {  	[sflag:s11] =	ssyncset.done $0x0  }
0x77: {  	s26 =	simm.s32 $0x500;
	[sflag:s11] =	ssyncadd.s32 $0xFFFFC000  }
0x78: {  	[tilespmem:s15], [sflag:$0x3] =	stream.indirect.gather [hbm4b:s4+s9], $0x80, s26, s9, $0xb8;
	[tilespmem:$0x1F000] =	vst v63  }
0x79: {  	_ =	swait.ge [sflag:s21], $0x4000  }
0x7a: {  	[sflag:s21] =	ssyncset.done $0x0  }
0x7b: {  	s30 =	rddreg [dreg:$0xa];
	[sflag:s21] =	ssyncadd.s32 $0xFFFFC000  }
0x7c: {  	[spmem:s2] =	stream.indirect.scatter.add.f32 [tilespmem:s19], [sflag:$0x5], $0x80, s30, s9, $0xb8;
	[tilespmem:$0x1F000] =	vst v63  }
0x7d: {  	_ =	swait.ge [sflag:s11], $0x4000  }
0x7e: {  	[sflag:s11] =	ssyncset.done $0x0  }
0x7f: {  	s31 =	simm.s32 $0x580;
	[sflag:s11] =	ssyncadd.s32 $0xFFFFC000  }
0x80: {  	[tilespmem:s19], [sflag:$0x4] =	stream.indirect.gather [hbm4b:s4+s9], $0x80, s31, s9, $0xb8;
	[tilespmem:$0x1F000] =	vst v63  }
0x81: {  	_ =	swait.ge [sflag:s20], $0x4000  }
0x82: {  	[sflag:s20] =	ssyncset.done $0x0  }
0x83: {  	s0 =	rddreg [dreg:$0xb];
	[sflag:s20] =	ssyncadd.s32 $0xFFFFC000  }
0x84: {  	[spmem:s2] =	stream.indirect.scatter.add.f32 [tilespmem:s15], [sflag:$0x5], $0x80, s0, s9, $0xb8;
	[tilespmem:$0x1F000] =	vst v63  }
0x85: {  	_ =	swait.ge [sflag:s11], $0x4000  }
0x86: {  	[sflag:s11] =	ssyncset.done $0x0  }
0x87: {  	s1 =	simm.s32 $0x600;
	[sflag:s11] =	ssyncadd.s32 $0xFFFFC000  }
0x88: {  	[tilespmem:s15], [sflag:$0x3] =	stream.indirect.gather [hbm4b:s4+s9], $0x80, s1, s9, $0xb8;
	[tilespmem:$0x1F000] =	vst v63  }
0x89: {  	_ =	swait.ge [sflag:s21], $0x4000  }
0x8a: {  	[sflag:s21] =	ssyncset.done $0x0  }
0x8b: {  	s26 =	rddreg [dreg:$0xc];
	[sflag:s21] =	ssyncadd.s32 $0xFFFFC000  }
0x8c: {  	[spmem:s2] =	stream.indirect.scatter.add.f32 [tilespmem:s19], [sflag:$0x5], $0x80, s26, s9, $0xb8;
	[tilespmem:$0x1F000] =	vst v63  }
0x8d: {  	_ =	swait.ge [sflag:s11], $0x4000  }
0x8e: {  	[sflag:s11] =	ssyncset.done $0x0  }
0x8f: {  	s30 =	simm.s32 $0x680;
	[sflag:s11] =	ssyncadd.s32 $0xFFFFC000  }
0x90: {  	[tilespmem:s19], [sflag:$0x4] =	stream.indirect.gather [hbm4b:s4+s9], $0x80, s30, s9, $0xb8;
	[tilespmem:$0x1F000] =	vst v63  }
0x91: {  	_ =	swait.ge [sflag:s20], $0x4000  }
0x92: {  	[sflag:s20] =	ssyncset.done $0x0  }
0x93: {  	s31 =	rddreg [dreg:$0xd];
	[sflag:s20] =	ssyncadd.s32 $0xFFFFC000  }
0x94: {  	[spmem:s2] =	stream.indirect.scatter.add.f32 [tilespmem:s15], [sflag:$0x5], $0x80, s31, s9, $0xb8;
	[tilespmem:$0x1F000] =	vst v63  }
0x95: {  	_ =	swait.ge [sflag:s11], $0x4000  }
0x96: {  	[sflag:s11] =	ssyncset.done $0x0  }
0x97: {  	s0 =	simm.s32 $0x700;
	[sflag:s11] =	ssyncadd.s32 $0xFFFFC000  }
0x98: {  	[tilespmem:s15], [sflag:$0x3] =	stream.indirect.gather [hbm4b:s4+s9], $0x80, s0, s9, $0xb8;
	[tilespmem:$0x1F000] =	vst v63  }
0x99: {  	_ =	swait.ge [sflag:s21], $0x4000  }
0x9a: {  	[sflag:s21] =	ssyncset.done $0x0  }
0x9b: {  	s1 =	rddreg [dreg:$0xe];
	[sflag:s21] =	ssyncadd.s32 $0xFFFFC000  }
0x9c: {  	[spmem:s2] =	stream.indirect.scatter.add.f32 [tilespmem:s19], [sflag:$0x5], $0x80, s1, s9, $0xb8;
	[tilespmem:$0x1F000] =	vst v63  }
0x9d: {  	_ =	swait.ge [sflag:s11], $0x4000  }
0x9e: {  	[sflag:s11] =	ssyncset.done $0x0  }
0x9f: {  	s26 =	simm.s32 $0x780;
	[sflag:s11] =	ssyncadd.s32 $0xFFFFC000  }
0xa0: {  	[tilespmem:s19], [sflag:$0x4] =	stream.indirect.gather [hbm4b:s4+s9], $0x80, s26, s9, $0xb8;
	[tilespmem:$0x1F000] =	vst v63  }
0xa1: {  	_ =	swait.ge [sflag:s20], $0x4000  }
0xa2: {  	[sflag:s20] =	ssyncset.done $0x0  }
0xa3: {  	s30 =	rddreg [dreg:$0xf];
	[sflag:s20] =	ssyncadd.s32 $0xFFFFC000  }
0xa4: {  	[spmem:s2] =	stream.indirect.scatter.add.f32 [tilespmem:s15], [sflag:$0x5], $0x80, s30, s9, $0xb8;
	[tilespmem:$0x1F000] =	vst v63  }
0xa5: {  	p0 =	por $0x0, $0x0;
	_ =	swait.ge [sflag:s11], $0x4000  }
0xa6: {  	s25 =	simm.s32 @!p0 $0x3000;
	[sflag:s11] =	ssyncset.done $0x0  }
0xa7: {  	s28 =	simm.s32 @!p0 $0x80;
	s26 =	simm.s32 @!p0 $0x800;
	[sflag:s11] =	ssyncadd.s32 $0xFFFFC000  }
0xa8: {  	[tilespmem:s25], [sflag:$0x3] =	stream.indirect.gather @!p0 [hbm4b:s4+s28], $0x80, s26, s28, $0xb8;
	[tilespmem:$0x1F000] =	vst v63  }
0xa9: {  	_ =	swait.ge [sflag:s21], $0x4000  }
0xaa: {  	[sflag:s21] =	ssyncset.done $0x0  }
0xab: {  	s31 =	rddreg [dreg:$0x10];
	[sflag:s21] =	ssyncadd.s32 $0xFFFFC000  }
0xac: {  	[spmem:s2] =	stream.indirect.scatter.add.f32 [tilespmem:s19], [sflag:$0x5], $0x80, s31, s9, $0xb8;
	[tilespmem:$0x1F000] =	vst v63  }
0xad: {  	s29 =	simm.s32 $0x4000;
	s26 =	simm.s32 $0x2000;
	_ =	swait.ge [sflag:s11], $0x4000  }
0xae: {  	s28 =	sadd.s32 $0x100, s16;
	s25 =	simm.s32 $0x3;
	[sflag:s11] =	ssyncset.done $0x0  }
.LBB2_2:
0xaf: {  	s31 =	sadd.s32 $0xFFFFFF80, s28;
	[sflag:s11] =	ssyncadd.s32 $0xFFFFC000  }
0xb0: {  	[tilespmem:s17], [sflag:$0x2] =	stream.linear.gather [hbm4b:s31+s3], $0x400, $0x38;
	[tilespmem:$0x1F000] =	vst v63  }
0xb1: {  	_ =	swait.ge [sflag:s18], $0x400  }
0xb2: {  	s31 =	sshra.s32 s26, $0x2;
	[sflag:s18] =	ssyncset.done $0x0  }
0xb3: {  	s1 =	sadd.s32 $0x80, s31;
	[sflag:s18] =	ssyncadd.s32 $0xFFFFFC00  }
0xb4: {  	[tilespmem:s19], [sflag:$0x4] =	stream.indirect.gather [hbm4b:s4+s9], $0x80, s1, s9, $0xb8;
	[tilespmem:$0x1F000] =	vst v63  }
0xb5: {  	_ =	swait.ge [sflag:s20], $0x4000  }
0xb6: {  	[sflag:s20] =	ssyncset.done $0x0  }
0xb7: {  	[sflag:s20] =	ssyncadd.s32 $0xFFFFC000  }
0xb8: {  	[spmem:s2] =	stream.indirect.scatter.add.f32 [tilespmem:s15], [sflag:$0x5], $0x80, s12, s9, $0xb8;
	[tilespmem:$0x1F000] =	vst v63  }
0xb9: {  	_ =	swait.ge [sflag:s11], $0x4000  }
0xba: {  	[sflag:s11] =	ssyncset.done $0x0  }
0xbb: {  	s0 =	sadd.s32 $0x100, s31;
	[sflag:s11] =	ssyncadd.s32 $0xFFFFC000  }
0xbc: {  	[tilespmem:s15], [sflag:$0x3] =	stream.indirect.gather [hbm4b:s4+s9], $0x80, s0, s9, $0xb8;
	[tilespmem:$0x1F000] =	vst v63  }
0xbd: {  	_ =	swait.ge [sflag:s21], $0x4000  }
0xbe: {  	[sflag:s21] =	ssyncset.done $0x0  }
0xbf: {  	s0 =	rddreg [dreg:$0x3];
	[sflag:s21] =	ssyncadd.s32 $0xFFFFC000  }
0xc0: {  	[spmem:s2] =	stream.indirect.scatter.add.f32 [tilespmem:s19], [sflag:$0x5], $0x80, s0, s9, $0xb8;
	[tilespmem:$0x1F000] =	vst v63  }
0xc1: {  	_ =	swait.ge [sflag:s11], $0x4000  }
0xc2: {  	[sflag:s11] =	ssyncset.done $0x0  }
0xc3: {  	s0 =	sadd.s32 $0x180, s31;
	[sflag:s11] =	ssyncadd.s32 $0xFFFFC000  }
0xc4: {  	[tilespmem:s19], [sflag:$0x4] =	stream.indirect.gather [hbm4b:s4+s9], $0x80, s0, s9, $0xb8;
	[tilespmem:$0x1F000] =	vst v63  }
0xc5: {  	_ =	swait.ge [sflag:s20], $0x4000  }
0xc6: {  	[sflag:s20] =	ssyncset.done $0x0  }
0xc7: {  	s0 =	rddreg [dreg:$0x4];
	[sflag:s20] =	ssyncadd.s32 $0xFFFFC000  }
0xc8: {  	[spmem:s2] =	stream.indirect.scatter.add.f32 [tilespmem:s15], [sflag:$0x5], $0x80, s0, s9, $0xb8;
	[tilespmem:$0x1F000] =	vst v63  }
0xc9: {  	_ =	swait.ge [sflag:s11], $0x4000  }
0xca: {  	[sflag:s11] =	ssyncset.done $0x0  }
0xcb: {  	s0 =	sadd.s32 $0x200, s31;
	[sflag:s11] =	ssyncadd.s32 $0xFFFFC000  }
0xcc: {  	[tilespmem:s15], [sflag:$0x3] =	stream.indirect.gather [hbm4b:s4+s9], $0x80, s0, s9, $0xb8;
	[tilespmem:$0x1F000] =	vst v63  }
0xcd: {  	_ =	swait.ge [sflag:s21], $0x4000  }
0xce: {  	[sflag:s21] =	ssyncset.done $0x0  }
0xcf: {  	s0 =	rddreg [dreg:$0x5];
	[sflag:s21] =	ssyncadd.s32 $0xFFFFC000  }
0xd0: {  	[spmem:s2] =	stream.indirect.scatter.add.f32 [tilespmem:s19], [sflag:$0x5], $0x80, s0, s9, $0xb8;
	[tilespmem:$0x1F000] =	vst v63  }
0xd1: {  	_ =	swait.ge [sflag:s11], $0x4000  }
0xd2: {  	[sflag:s11] =	ssyncset.done $0x0  }
0xd3: {  	s0 =	sadd.s32 $0x280, s31;
	[sflag:s11] =	ssyncadd.s32 $0xFFFFC000  }
0xd4: {  	[tilespmem:s19], [sflag:$0x4] =	stream.indirect.gather [hbm4b:s4+s9], $0x80, s0, s9, $0xb8;
	[tilespmem:$0x1F000] =	vst v63  }
0xd5: {  	_ =	swait.ge [sflag:s20], $0x4000  }
0xd6: {  	[sflag:s20] =	ssyncset.done $0x0  }
0xd7: {  	s0 =	rddreg [dreg:$0x6];
	[sflag:s20] =	ssyncadd.s32 $0xFFFFC000  }
0xd8: {  	[spmem:s2] =	stream.indirect.scatter.add.f32 [tilespmem:s15], [sflag:$0x5], $0x80, s0, s9, $0xb8;
	[tilespmem:$0x1F000] =	vst v63  }
0xd9: {  	_ =	swait.ge [sflag:s11], $0x4000  }
0xda: {  	[sflag:s11] =	ssyncset.done $0x0  }
0xdb: {  	s0 =	sadd.s32 $0x300, s31;
	[sflag:s11] =	ssyncadd.s32 $0xFFFFC000  }
0xdc: {  	[tilespmem:s15], [sflag:$0x3] =	stream.indirect.gather [hbm4b:s4+s9], $0x80, s0, s9, $0xb8;
	[tilespmem:$0x1F000] =	vst v63  }
0xdd: {  	_ =	swait.ge [sflag:s21], $0x4000  }
0xde: {  	[sflag:s21] =	ssyncset.done $0x0  }
0xdf: {  	s0 =	rddreg [dreg:$0x7];
	[sflag:s21] =	ssyncadd.s32 $0xFFFFC000  }
0xe0: {  	[spmem:s2] =	stream.indirect.scatter.add.f32 [tilespmem:s19], [sflag:$0x5], $0x80, s0, s9, $0xb8;
	[tilespmem:$0x1F000] =	vst v63  }
0xe1: {  	_ =	swait.ge [sflag:s11], $0x4000  }
0xe2: {  	[sflag:s11] =	ssyncset.done $0x0  }
0xe3: {  	s0 =	sadd.s32 $0x380, s31;
	[sflag:s11] =	ssyncadd.s32 $0xFFFFC000  }
0xe4: {  	[tilespmem:s19], [sflag:$0x4] =	stream.indirect.gather [hbm4b:s4+s9], $0x80, s0, s9, $0xb8;
	[tilespmem:$0x1F000] =	vst v63  }
0xe5: {  	_ =	swait.ge [sflag:s20], $0x4000  }
0xe6: {  	[sflag:s20] =	ssyncset.done $0x0  }
0xe7: {  	s0 =	rddreg [dreg:$0x8];
	[sflag:s20] =	ssyncadd.s32 $0xFFFFC000  }
0xe8: {  	[spmem:s2] =	stream.indirect.scatter.add.f32 [tilespmem:s15], [sflag:$0x5], $0x80, s0, s9, $0xb8;
	[tilespmem:$0x1F000] =	vst v63  }
0xe9: {  	_ =	swait.ge [sflag:s11], $0x4000  }
0xea: {  	[sflag:s11] =	ssyncset.done $0x0  }
0xeb: {  	s0 =	sadd.s32 $0x400, s31;
	[sflag:s11] =	ssyncadd.s32 $0xFFFFC000  }
0xec: {  	[tilespmem:s15], [sflag:$0x3] =	stream.indirect.gather [hbm4b:s4+s9], $0x80, s0, s9, $0xb8;
	[tilespmem:$0x1F000] =	vst v63  }
0xed: {  	_ =	swait.ge [sflag:s21], $0x4000  }
0xee: {  	[sflag:s21] =	ssyncset.done $0x0  }
0xef: {  	s0 =	rddreg [dreg:$0x9];
	[sflag:s21] =	ssyncadd.s32 $0xFFFFC000  }
0xf0: {  	[spmem:s2] =	stream.indirect.scatter.add.f32 [tilespmem:s19], [sflag:$0x5], $0x80, s0, s9, $0xb8;
	[tilespmem:$0x1F000] =	vst v63  }
0xf1: {  	_ =	swait.ge [sflag:s11], $0x4000  }
0xf2: {  	p1 =	seq.s32 s26, $0x8000;
	[sflag:s11] =	ssyncset.done $0x0  }
0xf3: {  	s1 =	simm.s32 @!p1 $0x0;
	s0 =	simm.s32 @!p1 $0x2800;
	[sflag:s11] =	ssyncadd.s32 $0xFFFFC000  }
0xf4: {  	[tilespmem:s0], [sflag:$0x1] =	stream.linear.gather @!p1 [hbm4b:s28+s1], $0x400, $0x38;
	[tilespmem:$0x1F000] =	vst v63  }
0xf5: {  	_ =	swait.ge [sflag:s22], $0x400  }
0xf6: {  	[sflag:s22] =	ssyncset.done $0x0  }
0xf7: {  	s1 =	sadd.s32 $0x480, s31;
	[sflag:s22] =	ssyncadd.s32 $0xFFFFFC00  }
0xf8: {  	[tilespmem:s19], [sflag:$0x4] =	stream.indirect.gather [hbm4b:s4+s9], $0x80, s1, s9, $0xb8;
	[tilespmem:$0x1F000] =	vst v63  }
0xf9: {  	_ =	swait.ge [sflag:s20], $0x4000  }
0xfa: {  	[sflag:s20] =	ssyncset.done $0x0  }
0xfb: {  	[sflag:s20] =	ssyncadd.s32 $0xFFFFC000  }
0xfc: {  	[spmem:s2] =	stream.indirect.scatter.add.f32 [tilespmem:s15], [sflag:$0x5], $0x80, s17, s9, $0xb8;
	[tilespmem:$0x1F000] =	vst v63  }
0xfd: {  	_ =	swait.ge [sflag:s11], $0x4000  }
0xfe: {  	[sflag:s11] =	ssyncset.done $0x0  }
0xff: {  	s1 =	sadd.s32 $0x500, s31;
	[sflag:s11] =	ssyncadd.s32 $0xFFFFC000  }
0x100: {  	[tilespmem:s15], [sflag:$0x3] =	stream.indirect.gather [hbm4b:s4+s9], $0x80, s1, s9, $0xb8;
	[tilespmem:$0x1F000] =	vst v63  }
0x101: {  	_ =	swait.ge [sflag:s21], $0x4000  }
0x102: {  	[sflag:s21] =	ssyncset.done $0x0  }
0x103: {  	s1 =	rddreg [dreg:$0xa];
	[sflag:s21] =	ssyncadd.s32 $0xFFFFC000  }
0x104: {  	[spmem:s2] =	stream.indirect.scatter.add.f32 [tilespmem:s19], [sflag:$0x5], $0x80, s1, s9, $0xb8;
	[tilespmem:$0x1F000] =	vst v63  }
0x105: {  	_ =	swait.ge [sflag:s11], $0x4000  }
0x106: {  	[sflag:s11] =	ssyncset.done $0x0  }
0x107: {  	s1 =	sadd.s32 $0x580, s31;
	[sflag:s11] =	ssyncadd.s32 $0xFFFFC000  }
0x108: {  	[tilespmem:s19], [sflag:$0x4] =	stream.indirect.gather [hbm4b:s4+s9], $0x80, s1, s9, $0xb8;
	[tilespmem:$0x1F000] =	vst v63  }
0x109: {  	_ =	swait.ge [sflag:s20], $0x4000  }
0x10a: {  	[sflag:s20] =	ssyncset.done $0x0  }
0x10b: {  	s1 =	rddreg [dreg:$0xb];
	[sflag:s20] =	ssyncadd.s32 $0xFFFFC000  }
0x10c: {  	[spmem:s2] =	stream.indirect.scatter.add.f32 [tilespmem:s15], [sflag:$0x5], $0x80, s1, s9, $0xb8;
	[tilespmem:$0x1F000] =	vst v63  }
0x10d: {  	_ =	swait.ge [sflag:s11], $0x4000  }
0x10e: {  	[sflag:s11] =	ssyncset.done $0x0  }
0x10f: {  	s1 =	sadd.s32 $0x600, s31;
	[sflag:s11] =	ssyncadd.s32 $0xFFFFC000  }
0x110: {  	[tilespmem:s15], [sflag:$0x3] =	stream.indirect.gather [hbm4b:s4+s9], $0x80, s1, s9, $0xb8;
	[tilespmem:$0x1F000] =	vst v63  }
0x111: {  	_ =	swait.ge [sflag:s21], $0x4000  }
0x112: {  	[sflag:s21] =	ssyncset.done $0x0  }
0x113: {  	s1 =	rddreg [dreg:$0xc];
	[sflag:s21] =	ssyncadd.s32 $0xFFFFC000  }
0x114: {  	[spmem:s2] =	stream.indirect.scatter.add.f32 [tilespmem:s19], [sflag:$0x5], $0x80, s1, s9, $0xb8;
	[tilespmem:$0x1F000] =	vst v63  }
0x115: {  	_ =	swait.ge [sflag:s11], $0x4000  }
0x116: {  	[sflag:s11] =	ssyncset.done $0x0  }
0x117: {  	s1 =	sadd.s32 $0x680, s31;
	[sflag:s11] =	ssyncadd.s32 $0xFFFFC000  }
0x118: {  	[tilespmem:s19], [sflag:$0x4] =	stream.indirect.gather [hbm4b:s4+s9], $0x80, s1, s9, $0xb8;
	[tilespmem:$0x1F000] =	vst v63  }
0x119: {  	_ =	swait.ge [sflag:s20], $0x4000  }
0x11a: {  	[sflag:s20] =	ssyncset.done $0x0  }
0x11b: {  	s1 =	rddreg [dreg:$0xd];
	[sflag:s20] =	ssyncadd.s32 $0xFFFFC000  }
0x11c: {  	[spmem:s2] =	stream.indirect.scatter.add.f32 [tilespmem:s15], [sflag:$0x5], $0x80, s1, s9, $0xb8;
	[tilespmem:$0x1F000] =	vst v63  }
0x11d: {  	_ =	swait.ge [sflag:s11], $0x4000  }
0x11e: {  	[sflag:s11] =	ssyncset.done $0x0  }
0x11f: {  	s1 =	sadd.s32 $0x700, s31;
	[sflag:s11] =	ssyncadd.s32 $0xFFFFC000  }
0x120: {  	[tilespmem:s15], [sflag:$0x3] =	stream.indirect.gather [hbm4b:s4+s9], $0x80, s1, s9, $0xb8;
	[tilespmem:$0x1F000] =	vst v63  }
0x121: {  	_ =	swait.ge [sflag:s21], $0x4000  }
0x122: {  	[sflag:s21] =	ssyncset.done $0x0  }
0x123: {  	s1 =	rddreg [dreg:$0xe];
	[sflag:s21] =	ssyncadd.s32 $0xFFFFC000  }
0x124: {  	[spmem:s2] =	stream.indirect.scatter.add.f32 [tilespmem:s19], [sflag:$0x5], $0x80, s1, s9, $0xb8;
	[tilespmem:$0x1F000] =	vst v63  }
0x125: {  	_ =	swait.ge [sflag:s11], $0x4000  }
0x126: {  	[sflag:s11] =	ssyncset.done $0x0  }
0x127: {  	s31 =	sadd.s32 $0x780, s31;
	[sflag:s11] =	ssyncadd.s32 $0xFFFFC000  }
0x128: {  	[tilespmem:s19], [sflag:$0x4] =	stream.indirect.gather [hbm4b:s4+s9], $0x80, s31, s9, $0xb8;
	[tilespmem:$0x1F000] =	vst v63  }
0x129: {  	_ =	swait.ge [sflag:s20], $0x4000  }
0x12a: {  	[sflag:s20] =	ssyncset.done $0x0  }
0x12b: {  	s30 =	smov.u32 s29;
	s1 =	rddreg [dreg:$0xf];
	[sflag:s20] =	ssyncadd.s32 $0xFFFFC000  }
0x12c: {  	[spmem:s2] =	stream.indirect.scatter.add.f32 [tilespmem:s15], [sflag:$0x5], $0x80, s1, s9, $0xb8;
	[tilespmem:$0x1F000] =	vst v63  }
0x12d: {  	s29 =	sadd.s32 $0x2000, s29;
	p1 =	sgt.u32 s25, $0x8;
	_ =	swait.ge [sflag:s11], $0x4000  }
0x12e: {  	s0 =	sshra.s32 @!p1 s26, $0x2;
	s26 =	simm.s32 @!p1 $0x80;
	[sflag:s11] =	ssyncset.done $0x0  }
0x12f: {  	s0 =	sadd.s32 @!p1 $0x800, s0;
	s1 =	simm.s32 @!p1 $0x3000;
	[sflag:s11] =	ssyncadd.s32 $0xFFFFC000  }
0x130: {  	[tilespmem:s1], [sflag:$0x3] =	stream.indirect.gather @!p1 [hbm4b:s4+s26], $0x80, s0, s26, $0xb8;
	[tilespmem:$0x1F000] =	vst v63  }
0x131: {  	p0 =	sne.s32 s29, $0xA000;
	_ =	swait.ge [sflag:s21], $0x4000  }
.Ltmp0:
0x132: {  	[sflag:s21] =	ssyncset.done $0x0;
	(pc) =	sbr.rel @p0 .LBB2_2-.Ltmp0, $4  }
0x133: {  	s31 =	rddreg [dreg:$0x10];
	[sflag:s21] =	ssyncadd.s32 $0xFFFFC000  }
0x134: {  	[spmem:s2] =	stream.indirect.scatter.add.f32 [tilespmem:s19], [sflag:$0x5], $0x80, s31, s9, $0xb8;
	[tilespmem:$0x1F000] =	vst v63  }
0x135: {  	s28 =	sadd.s32 $0x100, s28;
	_ =	swait.ge [sflag:s11], $0x4000  }
0x136: {  	s25 =	sadd.s32 $0x2, s25;
	s26 =	smov.u32 s30;
	[sflag:s11] =	ssyncset.done $0x0  }
0x137: {  	s0 =	sadd.s32 $0xFFFFFF80, s28;
	[sflag:s11] =	ssyncadd.s32 $0xFFFFC000  }
0x138: {  	[tilespmem:s17], [sflag:$0x2] =	stream.linear.gather [hbm4b:s0+s3], $0x400, $0x38;
	[tilespmem:$0x1F000] =	vst v63  }
0x139: {  	_ =	swait.ge [sflag:s18], $0x400  }
0x13a: {  	s29 =	sshra.s32 s26, $0x2;
	[sflag:s18] =	ssyncset.done $0x0  }
0x13b: {  	s31 =	sadd.s32 $0x80, s29;
	[sflag:s18] =	ssyncadd.s32 $0xFFFFFC00  }
0x13c: {  	[tilespmem:s19], [sflag:$0x4] =	stream.indirect.gather [hbm4b:s4+s9], $0x80, s31, s9, $0xb8;
	[tilespmem:$0x1F000] =	vst v63  }
0x13d: {  	_ =	swait.ge [sflag:s20], $0x4000  }
0x13e: {  	[sflag:s20] =	ssyncset.done $0x0  }
0x13f: {  	[sflag:s20] =	ssyncadd.s32 $0xFFFFC000  }
0x140: {  	[spmem:s2] =	stream.indirect.scatter.add.f32 [tilespmem:s15], [sflag:$0x5], $0x80, s12, s9, $0xb8;
	[tilespmem:$0x1F000] =	vst v63  }
0x141: {  	_ =	swait.ge [sflag:s11], $0x4000  }
0x142: {  	[sflag:s11] =	ssyncset.done $0x0  }
0x143: {  	s1 =	sadd.s32 $0x100, s29;
	[sflag:s11] =	ssyncadd.s32 $0xFFFFC000  }
0x144: {  	[tilespmem:s15], [sflag:$0x3] =	stream.indirect.gather [hbm4b:s4+s9], $0x80, s1, s9, $0xb8;
	[tilespmem:$0x1F000] =	vst v63  }
0x145: {  	_ =	swait.ge [sflag:s21], $0x4000  }
0x146: {  	[sflag:s21] =	ssyncset.done $0x0  }
0x147: {  	s30 =	rddreg [dreg:$0x3];
	[sflag:s21] =	ssyncadd.s32 $0xFFFFC000  }
0x148: {  	[spmem:s2] =	stream.indirect.scatter.add.f32 [tilespmem:s19], [sflag:$0x5], $0x80, s30, s9, $0xb8;
	[tilespmem:$0x1F000] =	vst v63  }
0x149: {  	_ =	swait.ge [sflag:s11], $0x4000  }
0x14a: {  	[sflag:s11] =	ssyncset.done $0x0  }
0x14b: {  	s31 =	sadd.s32 $0x180, s29;
	[sflag:s11] =	ssyncadd.s32 $0xFFFFC000  }
0x14c: {  	[tilespmem:s19], [sflag:$0x4] =	stream.indirect.gather [hbm4b:s4+s9], $0x80, s31, s9, $0xb8;
	[tilespmem:$0x1F000] =	vst v63  }
0x14d: {  	_ =	swait.ge [sflag:s20], $0x4000  }
0x14e: {  	[sflag:s20] =	ssyncset.done $0x0  }
0x14f: {  	s1 =	rddreg [dreg:$0x4];
	[sflag:s20] =	ssyncadd.s32 $0xFFFFC000  }
0x150: {  	[spmem:s2] =	stream.indirect.scatter.add.f32 [tilespmem:s15], [sflag:$0x5], $0x80, s1, s9, $0xb8;
	[tilespmem:$0x1F000] =	vst v63  }
0x151: {  	_ =	swait.ge [sflag:s11], $0x4000  }
0x152: {  	[sflag:s11] =	ssyncset.done $0x0  }
0x153: {  	s30 =	sadd.s32 $0x200, s29;
	[sflag:s11] =	ssyncadd.s32 $0xFFFFC000  }
0x154: {  	[tilespmem:s15], [sflag:$0x3] =	stream.indirect.gather [hbm4b:s4+s9], $0x80, s30, s9, $0xb8;
	[tilespmem:$0x1F000] =	vst v63  }
0x155: {  	_ =	swait.ge [sflag:s21], $0x4000  }
0x156: {  	[sflag:s21] =	ssyncset.done $0x0  }
0x157: {  	s31 =	rddreg [dreg:$0x5];
	[sflag:s21] =	ssyncadd.s32 $0xFFFFC000  }
0x158: {  	[spmem:s2] =	stream.indirect.scatter.add.f32 [tilespmem:s19], [sflag:$0x5], $0x80, s31, s9, $0xb8;
	[tilespmem:$0x1F000] =	vst v63  }
0x159: {  	_ =	swait.ge [sflag:s11], $0x4000  }
0x15a: {  	[sflag:s11] =	ssyncset.done $0x0  }
0x15b: {  	s1 =	sadd.s32 $0x280, s29;
	[sflag:s11] =	ssyncadd.s32 $0xFFFFC000  }
0x15c: {  	[tilespmem:s19], [sflag:$0x4] =	stream.indirect.gather [hbm4b:s4+s9], $0x80, s1, s9, $0xb8;
	[tilespmem:$0x1F000] =	vst v63  }
0x15d: {  	_ =	swait.ge [sflag:s20], $0x4000  }
0x15e: {  	[sflag:s20] =	ssyncset.done $0x0  }
0x15f: {  	s30 =	rddreg [dreg:$0x6];
	[sflag:s20] =	ssyncadd.s32 $0xFFFFC000  }
0x160: {  	[spmem:s2] =	stream.indirect.scatter.add.f32 [tilespmem:s15], [sflag:$0x5], $0x80, s30, s9, $0xb8;
	[tilespmem:$0x1F000] =	vst v63  }
0x161: {  	_ =	swait.ge [sflag:s11], $0x4000  }
0x162: {  	[sflag:s11] =	ssyncset.done $0x0  }
0x163: {  	s31 =	sadd.s32 $0x300, s29;
	[sflag:s11] =	ssyncadd.s32 $0xFFFFC000  }
0x164: {  	[tilespmem:s15], [sflag:$0x3] =	stream.indirect.gather [hbm4b:s4+s9], $0x80, s31, s9, $0xb8;
	[tilespmem:$0x1F000] =	vst v63  }
0x165: {  	_ =	swait.ge [sflag:s21], $0x4000  }
0x166: {  	[sflag:s21] =	ssyncset.done $0x0  }
0x167: {  	s1 =	rddreg [dreg:$0x7];
	[sflag:s21] =	ssyncadd.s32 $0xFFFFC000  }
0x168: {  	[spmem:s2] =	stream.indirect.scatter.add.f32 [tilespmem:s19], [sflag:$0x5], $0x80, s1, s9, $0xb8;
	[tilespmem:$0x1F000] =	vst v63  }
0x169: {  	_ =	swait.ge [sflag:s11], $0x4000  }
0x16a: {  	[sflag:s11] =	ssyncset.done $0x0  }
0x16b: {  	s30 =	sadd.s32 $0x380, s29;
	[sflag:s11] =	ssyncadd.s32 $0xFFFFC000  }
0x16c: {  	[tilespmem:s19], [sflag:$0x4] =	stream.indirect.gather [hbm4b:s4+s9], $0x80, s30, s9, $0xb8;
	[tilespmem:$0x1F000] =	vst v63  }
0x16d: {  	_ =	swait.ge [sflag:s20], $0x4000  }
0x16e: {  	[sflag:s20] =	ssyncset.done $0x0  }
0x16f: {  	s31 =	rddreg [dreg:$0x8];
	[sflag:s20] =	ssyncadd.s32 $0xFFFFC000  }
0x170: {  	[spmem:s2] =	stream.indirect.scatter.add.f32 [tilespmem:s15], [sflag:$0x5], $0x80, s31, s9, $0xb8;
	[tilespmem:$0x1F000] =	vst v63  }
0x171: {  	_ =	swait.ge [sflag:s11], $0x4000  }
0x172: {  	[sflag:s11] =	ssyncset.done $0x0  }
0x173: {  	s1 =	sadd.s32 $0x400, s29;
	[sflag:s11] =	ssyncadd.s32 $0xFFFFC000  }
0x174: {  	[tilespmem:s15], [sflag:$0x3] =	stream.indirect.gather [hbm4b:s4+s9], $0x80, s1, s9, $0xb8;
	[tilespmem:$0x1F000] =	vst v63  }
0x175: {  	_ =	swait.ge [sflag:s21], $0x4000  }
0x176: {  	[sflag:s21] =	ssyncset.done $0x0  }
0x177: {  	s30 =	rddreg [dreg:$0x9];
	[sflag:s21] =	ssyncadd.s32 $0xFFFFC000  }
0x178: {  	[spmem:s2] =	stream.indirect.scatter.add.f32 [tilespmem:s19], [sflag:$0x5], $0x80, s30, s9, $0xb8;
	[tilespmem:$0x1F000] =	vst v63  }
0x179: {  	_ =	swait.ge [sflag:s11], $0x4000  }
0x17a: {  	p0 =	seq.s32 s26, $0x8000;
	[sflag:s11] =	ssyncset.done $0x0  }
0x17b: {  	s0 =	simm.s32 @!p0 $0x0;
	s1 =	simm.s32 @!p0 $0x2800;
	[sflag:s11] =	ssyncadd.s32 $0xFFFFC000  }
0x17c: {  	[tilespmem:s1], [sflag:$0x1] =	stream.linear.gather @!p0 [hbm4b:s28+s0], $0x400, $0x38;
	[tilespmem:$0x1F000] =	vst v63  }
0x17d: {  	_ =	swait.ge [sflag:s22], $0x400  }
0x17e: {  	[sflag:s22] =	ssyncset.done $0x0  }
0x17f: {  	s31 =	sadd.s32 $0x480, s29;
	[sflag:s22] =	ssyncadd.s32 $0xFFFFFC00  }
0x180: {  	[tilespmem:s19], [sflag:$0x4] =	stream.indirect.gather [hbm4b:s4+s9], $0x80, s31, s9, $0xb8;
	[tilespmem:$0x1F000] =	vst v63  }
0x181: {  	_ =	swait.ge [sflag:s20], $0x4000  }
0x182: {  	[sflag:s20] =	ssyncset.done $0x0  }
0x183: {  	[sflag:s20] =	ssyncadd.s32 $0xFFFFC000  }
0x184: {  	[spmem:s2] =	stream.indirect.scatter.add.f32 [tilespmem:s15], [sflag:$0x5], $0x80, s17, s9, $0xb8;
	[tilespmem:$0x1F000] =	vst v63  }
0x185: {  	_ =	swait.ge [sflag:s11], $0x4000  }
0x186: {  	[sflag:s11] =	ssyncset.done $0x0  }
0x187: {  	s1 =	sadd.s32 $0x500, s29;
	[sflag:s11] =	ssyncadd.s32 $0xFFFFC000  }
0x188: {  	[tilespmem:s15], [sflag:$0x3] =	stream.indirect.gather [hbm4b:s4+s9], $0x80, s1, s9, $0xb8;
	[tilespmem:$0x1F000] =	vst v63  }
0x189: {  	_ =	swait.ge [sflag:s21], $0x4000  }
0x18a: {  	[sflag:s21] =	ssyncset.done $0x0  }
0x18b: {  	s28 =	rddreg [dreg:$0xa];
	[sflag:s21] =	ssyncadd.s32 $0xFFFFC000  }
0x18c: {  	[spmem:s2] =	stream.indirect.scatter.add.f32 [tilespmem:s19], [sflag:$0x5], $0x80, s28, s9, $0xb8;
	[tilespmem:$0x1F000] =	vst v63  }
0x18d: {  	_ =	swait.ge [sflag:s11], $0x4000  }
0x18e: {  	[sflag:s11] =	ssyncset.done $0x0  }
0x18f: {  	s30 =	sadd.s32 $0x580, s29;
	[sflag:s11] =	ssyncadd.s32 $0xFFFFC000  }
0x190: {  	[tilespmem:s19], [sflag:$0x4] =	stream.indirect.gather [hbm4b:s4+s9], $0x80, s30, s9, $0xb8;
	[tilespmem:$0x1F000] =	vst v63  }
0x191: {  	_ =	swait.ge [sflag:s20], $0x4000  }
0x192: {  	[sflag:s20] =	ssyncset.done $0x0  }
0x193: {  	s31 =	rddreg [dreg:$0xb];
	[sflag:s20] =	ssyncadd.s32 $0xFFFFC000  }
0x194: {  	[spmem:s2] =	stream.indirect.scatter.add.f32 [tilespmem:s15], [sflag:$0x5], $0x80, s31, s9, $0xb8;
	[tilespmem:$0x1F000] =	vst v63  }
0x195: {  	_ =	swait.ge [sflag:s11], $0x4000  }
0x196: {  	[sflag:s11] =	ssyncset.done $0x0  }
0x197: {  	s1 =	sadd.s32 $0x600, s29;
	[sflag:s11] =	ssyncadd.s32 $0xFFFFC000  }
0x198: {  	[tilespmem:s15], [sflag:$0x3] =	stream.indirect.gather [hbm4b:s4+s9], $0x80, s1, s9, $0xb8;
	[tilespmem:$0x1F000] =	vst v63  }
0x199: {  	_ =	swait.ge [sflag:s21], $0x4000  }
0x19a: {  	[sflag:s21] =	ssyncset.done $0x0  }
0x19b: {  	s28 =	rddreg [dreg:$0xc];
	[sflag:s21] =	ssyncadd.s32 $0xFFFFC000  }
0x19c: {  	[spmem:s2] =	stream.indirect.scatter.add.f32 [tilespmem:s19], [sflag:$0x5], $0x80, s28, s9, $0xb8;
	[tilespmem:$0x1F000] =	vst v63  }
0x19d: {  	_ =	swait.ge [sflag:s11], $0x4000  }
0x19e: {  	[sflag:s11] =	ssyncset.done $0x0  }
0x19f: {  	s30 =	sadd.s32 $0x680, s29;
	[sflag:s11] =	ssyncadd.s32 $0xFFFFC000  }
0x1a0: {  	[tilespmem:s19], [sflag:$0x4] =	stream.indirect.gather [hbm4b:s4+s9], $0x80, s30, s9, $0xb8;
	[tilespmem:$0x1F000] =	vst v63  }
0x1a1: {  	_ =	swait.ge [sflag:s20], $0x4000  }
0x1a2: {  	[sflag:s20] =	ssyncset.done $0x0  }
0x1a3: {  	s31 =	rddreg [dreg:$0xd];
	[sflag:s20] =	ssyncadd.s32 $0xFFFFC000  }
0x1a4: {  	[spmem:s2] =	stream.indirect.scatter.add.f32 [tilespmem:s15], [sflag:$0x5], $0x80, s31, s9, $0xb8;
	[tilespmem:$0x1F000] =	vst v63  }
0x1a5: {  	_ =	swait.ge [sflag:s11], $0x4000  }
0x1a6: {  	[sflag:s11] =	ssyncset.done $0x0  }
0x1a7: {  	s1 =	sadd.s32 $0x700, s29;
	[sflag:s11] =	ssyncadd.s32 $0xFFFFC000  }
0x1a8: {  	[tilespmem:s15], [sflag:$0x3] =	stream.indirect.gather [hbm4b:s4+s9], $0x80, s1, s9, $0xb8;
	[tilespmem:$0x1F000] =	vst v63  }
0x1a9: {  	_ =	swait.ge [sflag:s21], $0x4000  }
0x1aa: {  	[sflag:s21] =	ssyncset.done $0x0  }
0x1ab: {  	s28 =	rddreg [dreg:$0xe];
	[sflag:s21] =	ssyncadd.s32 $0xFFFFC000  }
0x1ac: {  	[spmem:s2] =	stream.indirect.scatter.add.f32 [tilespmem:s19], [sflag:$0x5], $0x80, s28, s9, $0xb8;
	[tilespmem:$0x1F000] =	vst v63  }
0x1ad: {  	_ =	swait.ge [sflag:s11], $0x4000  }
0x1ae: {  	[sflag:s11] =	ssyncset.done $0x0  }
0x1af: {  	s29 =	sadd.s32 $0x780, s29;
	[sflag:s11] =	ssyncadd.s32 $0xFFFFC000  }
0x1b0: {  	[tilespmem:s19], [sflag:$0x4] =	stream.indirect.gather [hbm4b:s4+s9], $0x80, s29, s9, $0xb8;
	[tilespmem:$0x1F000] =	vst v63  }
0x1b1: {  	_ =	swait.ge [sflag:s20], $0x4000  }
0x1b2: {  	[sflag:s20] =	ssyncset.done $0x0  }
0x1b3: {  	s30 =	rddreg [dreg:$0xf];
	[sflag:s20] =	ssyncadd.s32 $0xFFFFC000  }
0x1b4: {  	[spmem:s2] =	stream.indirect.scatter.add.f32 [tilespmem:s15], [sflag:$0x5], $0x80, s30, s9, $0xb8;
	[tilespmem:$0x1F000] =	vst v63  }
0x1b5: {  	p0 =	sgt.u32 s25, $0x8;
	_ =	swait.ge [sflag:s11], $0x4000  }
0x1b6: {  	s0 =	sshra.s32 @!p0 s26, $0x2;
	s25 =	simm.s32 @!p0 $0x80;
	[sflag:s11] =	ssyncset.done $0x0  }
0x1b7: {  	s0 =	sadd.s32 @!p0 $0x800, s0;
	s1 =	simm.s32 @!p0 $0x3000;
	[sflag:s11] =	ssyncadd.s32 $0xFFFFC000  }
0x1b8: {  	[tilespmem:s1], [sflag:$0x3] =	stream.indirect.gather @!p0 [hbm4b:s4+s25], $0x80, s0, s25, $0xb8;
	[tilespmem:$0x1F000] =	vst v63  }
0x1b9: {  	_ =	swait.ge [sflag:s21], $0x4000  }
0x1ba: {  	[sflag:s21] =	ssyncset.done $0x0  }
0x1bb: {  	s31 =	rddreg [dreg:$0x10];
	[sflag:s21] =	ssyncadd.s32 $0xFFFFC000  }
0x1bc: {  	[spmem:s2] =	stream.indirect.scatter.add.f32 [tilespmem:s19], [sflag:$0x5], $0x80, s31, s9, $0xb8;
	[tilespmem:$0x1F000] =	vst v63  }
0x1bd: {  	_ =	swait.ge [sflag:s11], $0x4000  }
0x1be: {  	s24 =	sadd.s32 $0x1, s24;
	[sflag:s11] =	ssyncset.done $0x0  }
0x1bf: {  	p0 =	sne.s32 s24, s8;
	[sflag:s11] =	ssyncadd.s32 $0xFFFFC000  }
.Ltmp1:
0x1c0: {  	[bflag:$0x0] =	sbarrier.arrive $0xFFFF;
	(pc) =	sbr.rel @p0 .LBB2_1-.Ltmp1, $4  }
0x1c1: {  	[hbm:s23], [sflag:s13] =	dma.local [spmem:s14], $0x2800  }
0x1c2: {  	_ =	swait.ge [sflag:s11], $0x2800  }
0x1c3: {  	[sflag:s11] =	ssyncset.done $0x0  }
0x1c4: {  	[sflag:s11] =	ssyncadd.s32 $0xFFFFD800  }
0x1c5: {  	_ =	sfence.sel $0x180000  }
0x1c6: {  	[bflag:$0x0] =	sbarrier.arrive $0xFFFF  }
0x1c7: {  	_ =	strace $0x9000004A  }
0x1c8: {  	s0 =	stileid.u32;
	[bflag:$0x2] =	sbarrier.arrive $0xFFFF  }
0x1c9: {  	p0 =	sne.s32 s0, $0x0;
	s0 =	rddreg [dreg:$0x2]  }
0x1ca: {  	s0 =	sadd.s32 @!p0 $0x100000, s0  }
0x1cb: {  	[sflag:s0] =	ssyncadd.tile.s32 @!p0 $0x1;
	_ =	shalt  }
.Lfunc_end2:
_tile_overlayer_lowered:
.L_overlay_start_2:
0x1cc: {  	(tag) =	ssettag $0x2  }
0x1cd: {  	s0 =	rddreg [dreg:$0x0];
	s2 =	stileid.u32  }
0x1ce: {  	s1 =	rddreg [dreg:$0x1];
	p0 =	sne.s32 s2, $0x0  }
0x1cf: {  	s3 =	rddreg [dreg:$0x2];
	[bflag:$0x3] =	sbarrier.arrive $0xFFFF;
	s2 =	simm.s32 @!p0 $0x1C05  }
0x1d0: {  	[timem:s3], [sflag:s2] =	dma.local @!p0 [hbm:s0], s1  }
0x1d1: {  	s0 =	simm.s32 @!p0 $0x5  }
0x1d2: {  	_ =	swait.ge @!p0 [sflag:s0], s1  }
0x1d3: {  	s1 =	ssub.s32 @!p0 $0x0, s1;
	[sflag:s0] =	ssyncset.done @!p0 $0x0  }
0x1d4: {  	[sflag:s0] =	ssyncadd.s32 @!p0 s1  }
0x1d5: {  	[bflag:$0x3] =	sbarrier.arrive $0xFFFF  }
0x1d6: {  	_ =	shalt  }

// kernel: kernel.15.cloned.1.call-start
scs
__scs_entry_jumppad:
0x0: {  	(pc) =	sbr.rel $0x88, $3  }
0x1: {  	(tag) =	ssettag $0x0;
	lr =	simm.s32 $0x1  }
0x2: {  	[smem:$0x3F8F] =	sst lr;
	_ =	strace $0xD0000000  }
0x3: {  	_ = 	snop  }
0x4: {  	_ = 	snop  }
0x5: {  	_ = 	snop  }
0x6: {  	_ = 	snop  }
0x7: {  	_ = 	snop  }
__scs_overlays_trampoline_lowered:
0x8: {  	[smem:$0x3F9E] =	sst s0  }
0x9: {  	[smem:$0x3F9F] =	sst s1  }
0xa: {  	[smem:$0x3FA0] =	sst s2  }
0xb: {  	[smem:$0x3FA1] =	sst s3  }
0xc: {  	[smem:$0x3FA2] =	sst s4  }
0xd: {  	[smem:$0x3FA3] =	sst s5  }
0xe: {  	[smem:$0x3FA4] =	sst s6  }
0xf: {  	[smem:$0x3FA5] =	sst s7  }
0x10: {  	[smem:$0x3FA6] =	sst s8  }
0x11: {  	[smem:$0x3FA7] =	sst s9;
	s0 =	simm.s32 @!p0 $0x0  }
0x12: {  	s1 =	sld [smem:$0x3F8D];
	s0 =	simm.s32 @p0 $0x1  }
0x13: {  	[smem:$0x3FA8] =	sst s0;
	s0 =	simm.s32 @!p1 $0x0  }
0x14: {  	s2 =	sld [smem:$0x3F8C];
	s0 =	simm.s32 @p1 $0x1  }
0x15: {  	[smem:$0x3FA9] =	sst s0;
	s0 =	simm.s32 @!p2 $0x0  }
0x16: {  	s3 =	sld [smem:$0x3FDB];
	s0 =	simm.s32 @p2 $0x1  }
0x17: {  	s4 =	simm.s32 $0x1BF5;
	[smem:$0x3FAB] =	sst s0  }
0x18: {  	s0 =	sld [smem:$0x3F8E];
	_ =	swait.ge [sflag:s4], $0x0  }
0x19: {  	s7 =	sld [smem:$0x3F8F]  }
0x1a: {  	s8 =	sadd.s32 $0xFFFFE003, lr  }
0x1b: {  	s9 =	sadd.s32 $0xFFFFFEF7, lr;
	s5 =	simm.s32 $0xFFFFFFFF;
	p2 =	slt.u32 s8, $0xFFFFF086  }
0x1c: {  	p1 =	slt.u32 s9, $0xF7A;
	s5 =	simm.s32 @!p2 $0x0  }
0x1d: {  	s5 =	simm.s32 @p1 $0x1;
	p0 =	seq.s32 s7, s2  }
0x1e: {  	s7 =	smul.u32 @!p0 $0xF7A, s2;
	p2 =	seq.s32 @!p0 s5, $0x0  }
0x1f: {  	s9 =	smul.u32 $0xF7A, s1;
	s8 =	simm.s32 @!p0 $0x1BF5;
	p2 =	por !p2, p0  }
0x20: {  	[sflag:s8] =	ssyncset.s32 @!p0 $0xFFFFF086;
	s6 =	sadd.s32 @!p0 s3, s7;
	s7 =	simm.s32 @!p0 $0x108  }
0x21: {  	s3 =	sadd.s32 s3, s9;
	s6 =	sadd.s32 @!p0 $0x88, s6;
	s7 =	simm.s32 @p2 $0x1082  }
0x22: {  	[simem:s7], [sflag:s8] =	dma.local @!p0 [hbm:s6], $0xF7A  }
0x23: {  	s9 =	sor.u32 $0xD0000000, s2;
	s6 =	simm.s32 $0x108;
	_ =	swait.ge @!p0 [sflag:s8], $0x0  }
0x24: {  	s3 =	sadd.s32 $0x88, s3;
	s6 =	simm.s32 @!p1 $0x1082;
	[sflag:s4] =	ssyncset.s32 $0xFFFFF086  }
0x25: {  	[simem:s6], [sflag:s4] =	dma.local [hbm:s3], $0xF7A  }
0x26: {  	[smem:$0x3F8F] =	sst s1;
	(tag) =	ssettag s2;
	_ =	strace s9  }
0x27: {  	s1 =	sld [smem:$0x3F9F]  }
0x28: {  	s2 =	sld [smem:$0x3FA0]  }
0x29: {  	s4 =	sld [smem:$0x3FA2]  }
0x2a: {  	p0 =	seq.s32 s5, $0x0;
	s5 =	sld [smem:$0x3FA3]  }
0x2b: {  	s6 =	sld [smem:$0x3FA4]  }
0x2c: {  	s7 =	sld [smem:$0x3FA5]  }
0x2d: {  	s3 =	simm.s32 $0x108;
	s8 =	sld [smem:$0x3FA6]  }
0x2e: {  	s3 =	simm.s32 @!p0 $0x1082;
	s9 =	sld [smem:$0x3FA7]  }
0x2f: {  	lr =	sadd.s32 s0, s3;
	s0 =	sld [smem:$0x3F9E]  }
0x30: {  	s3 =	sld [smem:$0x3FA1]  }
0x31: {  	[smem:$0x3FAA] =	sst s10  }
0x32: {  	s10 =	sld [smem:$0x3FA8];
	_ =	sdelay $0x3  }
0x33: {  	p0 =	seq.s32 s10, $0x1;
	s10 =	sld [smem:$0x3FAA];
	_ =	sdelay $0x3  }
0x34: {  	[smem:$0x3FAA] =	sst s10  }
0x35: {  	s10 =	sld [smem:$0x3FA9];
	_ =	sdelay $0x3  }
0x36: {  	p1 =	seq.s32 s10, $0x1;
	s10 =	sld [smem:$0x3FAA];
	_ =	sdelay $0x3  }
0x37: {  	[smem:$0x3FAA] =	sst s10  }
0x38: {  	s10 =	sld [smem:$0x3FAB]  }
0x39: {  	_ = 	snop;
	(pc) =	sbr.ind lr, $3  }
0x3a: {  	_ = 	snop  }
0x3b: {  	_ = 	snop  }
0x3c: {  	p2 =	seq.s32 s10, $0x1;
	s10 =	sld [smem:$0x3FAA]  }
0x3d: {  	_ =	shalt  }
0x3e: {  	_ =	shalt  }
0x3f: {  	_ =	shalt  }
0x40: {  	_ =	shalt  }
0x41: {  	_ =	shalt  }
0x42: {  	_ =	shalt  }
0x43: {  	_ =	shalt  }
0x44: {  	_ =	shalt  }
0x45: {  	_ =	shalt  }
0x46: {  	_ =	shalt  }
0x47: {  	_ =	shalt  }
0x48: {  	_ =	shalt  }
0x49: {  	_ =	shalt  }
0x4a: {  	_ =	shalt  }
0x4b: {  	_ =	shalt  }
0x4c: {  	_ =	shalt  }
0x4d: {  	_ =	shalt  }
0x4e: {  	_ =	shalt  }
0x4f: {  	_ =	shalt  }
0x50: {  	_ =	shalt  }
0x51: {  	_ =	shalt  }
0x52: {  	_ =	shalt  }
0x53: {  	_ =	shalt  }
0x54: {  	_ =	shalt  }
0x55: {  	_ =	shalt  }
0x56: {  	_ =	shalt  }
0x57: {  	_ =	shalt  }
0x58: {  	_ =	shalt  }
0x59: {  	_ =	shalt  }
0x5a: {  	_ =	shalt  }
0x5b: {  	_ =	shalt  }
0x5c: {  	_ =	shalt  }
0x5d: {  	_ =	shalt  }
0x5e: {  	_ =	shalt  }
0x5f: {  	_ =	shalt  }
0x60: {  	_ =	shalt  }
0x61: {  	_ =	shalt  }
0x62: {  	_ =	shalt  }
0x63: {  	_ =	shalt  }
0x64: {  	_ =	shalt  }
0x65: {  	_ =	shalt  }
0x66: {  	_ =	shalt  }
0x67: {  	_ =	shalt  }
0x68: {  	_ =	shalt  }
0x69: {  	_ =	shalt  }
0x6a: {  	_ =	shalt  }
0x6b: {  	_ =	shalt  }
0x6c: {  	_ =	shalt  }
0x6d: {  	_ =	shalt  }
0x6e: {  	_ =	shalt  }
0x6f: {  	_ =	shalt  }
0x70: {  	_ =	shalt  }
0x71: {  	_ =	shalt  }
0x72: {  	_ =	shalt  }
0x73: {  	_ =	shalt  }
0x74: {  	_ =	shalt  }
0x75: {  	_ =	shalt  }
0x76: {  	_ =	shalt  }
0x77: {  	_ =	shalt  }
0x78: {  	_ =	shalt  }
0x79: {  	_ =	shalt  }
0x7a: {  	_ =	shalt  }
0x7b: {  	_ =	shalt  }
0x7c: {  	_ =	shalt  }
0x7d: {  	_ =	shalt  }
0x7e: {  	_ =	shalt  }
0x7f: {  	_ =	shalt  }
0x80: {  	_ =	shalt  }
0x81: {  	_ =	shalt  }
0x82: {  	_ =	shalt  }
0x83: {  	_ =	shalt  }
0x84: {  	_ =	shalt  }
0x85: {  	_ =	shalt  }
0x86: {  	_ =	shalt  }
0x87: {  	_ =	shalt  }
.Lfunc_end0:
.L_simem_size_0:
called_computation.2_lowered:
.L_overlay_start_0:
0x88: {  	s2 =	sld [smem:$0x3FD9]  }
0x89: {  	s3 =	sld [smem:$0x3FFE];
	_ =	sdelay $0x1  }
0x8a: {  	s1 =	srdreg.scid  }
0x8b: {  	s0 =	sand.u32 $0x1, s1  }
0x8c: {  	s16 =	sshll.u32 s0, $0xA;
	s2 =	sadd.s32 s3, s2  }
0x8d: {  	s2 =	sadd.s32 s2, s16  }
0x8e: {  	[smem:$0x3FB6] =	sst s2  }
0x8f: {  	_ = 	snop  }
0x90: {  	(tm) =	ssettm $0x1  }
0x91: {  	s17 =	sld [smem:$0x3FFB];
	_ =	sdelay $0x3  }
0x92: {  	_ =	strace s17  }
0x93: {  	s2 =	sld [smem:$0x3FFC];
	_ =	sdelay $0x3  }
0x94: {  	_ =	strace s2  }
0x95: {  	s2 =	sld [smem:$0x3FFD];
	_ =	sdelay $0x3  }
0x96: {  	_ =	strace s2  }
0x97: {  	_ =	strace $0x8FFFFFFF  }
0x98: {  	s18 =	sld [smem:$0x3FDB];
	_ =	sdelay $0x1  }
0x99: {  	s19 =	simm.s32 $_scs_section_size  }
0x9a: {  	s4 =	simm.s32 $_size__tile_overlayer_lowered;
	s5 =	simm.s32 $_tile_overlayer_lowered  }
0x9b: {  	s22 =	simm.s32 $0x1BFF;
	s21 =	sshll.u32 s5, $0x1;
	s2 =	sadd.s32 s19, s18  }
0x9c: {  	s6 =	simm.s32 $0x0;
	s20 =	sshll.u32 s4, $0x1;
	s4 =	sadd.s32 s21, s2  }
0x9d: {  	[timem:s6], [sflag:s22] =	dma.local [hbm:s4], s20  }
0x9e: {  	_ =	swait.ge [sflag:s22], s20  }
0x9f: {  	s3 =	ssub.s32 $0x0, s20;
	[sflag:s22] =	ssyncset.done $0x0  }
0xa0: {  	[sflag:s22] =	ssyncadd.s32 s3;
	_ =	sdelay $0x1  }
0xa1: {  	s23 =	simm.s32 $0x1B8B  }
0xa2: {  	_ =	swait.ge [sflag:s23], $0x1  }
0xa3: {  	[sflag:s23] =	ssyncset.done $0x0  }
0xa4: {  	s25 =	simm.s32 $0x1B8E;
	s24 =	sld [smem:$0x3FFE];
	[sflag:s23] =	ssyncadd.s32 $0xFFFFFFFF  }
0xa5: {  	s26 =	simm.s32 $execute0_lowered;
	[smem:$0x3FD2] =	sst s25  }
0xa6: {  	s4 =	sshll.u32 s26, $0x1;
	_ =	strace $0x8000004C;
	[dreg:$0x1] =	wrdreg $0xFFFFFFFF  }
0xa7: {  	s28 =	simm.s32 $_size_execute0_lowered;
	s2 =	sadd.s32 s2, s4;
	[dreg:$0x0] =	wrdreg $0x0  }
0xa8: {  	s4 =	sshll.u32 s28, $0x1;
	[dreg:$0x2] =	wrdreg s2  }
0xa9: {  	[dreg:$0x3] =	wrdreg s4  }
0xaa: {  	[dreg:$0x4] =	wrdreg $0xC0  }
0xab: {  	_ =	task [dreg:s6], $0x5FFFF  }
0xac: {  	[dreg:$0x1] =	wrdreg $0xFFFFFFFF  }
0xad: {  	[dreg:$0x0] =	wrdreg $0x60  }
0xae: {  	[dreg:$0x2] =	wrdreg s24  }
0xaf: {  	[dreg:$0x3] =	wrdreg $0xB0000  }
0xb0: {  	[dreg:$0x4] =	wrdreg $0x9  }
0xb1: {  	_ =	task.clear_ibuf [dreg:s6], $0x5FFFF;
	_ =	strace $0x9000004C  }
0xb2: {  	s29 =	simm.s32 $0x9;
	_ =	strace $0x8000004E  }
0xb3: {  	_ =	swait.ge [sflag:s29], $0x1  }
0xb4: {  	[sflag:s29] =	ssyncadd.s32 $0xFFFFFFFF  }
0xb5: {  	_ =	strace $0x9000004E  }
0xb6: {  	_ =	sfence  }
0xb7: {  	s30 =	sld [smem:$0x0];
	_ =	sdelay $0x2  }
0xb8: {  	s31 =	sshll.u32 s1, $0xD;
	s1 =	sshrl.u32 s1, $0x2  }
0xb9: {  	s3 =	sand.u32 $0x4000, s31;
	s1 =	sadd.s32 s1, s30  }
0xba: {  	s0 =	sor.u32 s3, s0;
	s1 =	sshll.u32 s1, $0x11  }
0xbb: {  	s0 =	sor.u32 s1, s0  }
0xbc: {  	s0 =	sadd.s32 $0x8F2B, s0  }
0xbd: {  	[sflag:s0] =	ssyncadd.remote.s32 $0x1  }
0xbe: {  	_ =	sfence.sel $0xFFFF  }
0xbf: {  	[dreg:$0x0] =	wrdreg $0xFFFFFFFF;
	(pc) =	sbr.abs _section_cstart, $3  }
0xc0: {  	[dreg:$0x1] =	wrdreg $0xFFFFFFFF  }
0xc1: {  	_ =	task.clear_ibuf [dreg:s6], $0x2FFFF;
	_ =	strace $0x9FFFFFFF  }
0xc2: {  	(tm) =	ssettm $0x7FFFFFFF  }
0xc3: {  	_ =	shalt  }
tec
execute0_lowered:
.L_overlay_start_1:
0x0: {  	(tag) =	ssettag $0x1  }
0x1: {  	s6 =	rddreg [dreg:$0x0];
	s1 =	srdreg.scid  }
0x2: {  	s0 =	stileid.u32;
	s2 =	rddreg [dreg:$0x1]  }
0x3: {  	s26 =	simm.s32 $0x2880;
	s13 =	simm.s32 $0x2900;
	s28 =	simm.s32 $0x2980  }
0x4: {  	s16 =	simm.s32 $0x2A00;
	s29 =	simm.s32 $0x2A80;
	s30 =	simm.s32 $0x2B00  }
0x5: {  	s17 =	simm.s32 $0x2B80;
	s18 =	simm.s32 $0x2C80;
	s19 =	simm.s32 $0x2D00  }
0x6: {  	s20 =	simm.s32 $0x2D80;
	s21 =	simm.s32 $0x2E00;
	s22 =	simm.s32 $0x2E80  }
0x7: {  	s31 =	simm.s32 $0x2F80;
	s5 =	sand.u32 $0x1, s1;
	s3 =	sshll.u32 s0, $0x1  }
0x8: {  	s11 =	smul.u32 $0x50000, s0;
	s4 =	sor.u32 s5, s3;
	s3 =	simm.s32 $0x0  }
0x9: {  	s7 =	sshrl.u32 s0, $0x2;
	s24 =	smul.u32 $0x2800, s0;
	[smem:$0x7FF] =	sst s3  }
0xa: {  	s7 =	smul.u32 $0x14000, s7;
	_ =	strace $0x8000004D;
	[dreg:$0x3] =	wrdreg s26  }
0xb: {  	s15 =	sshll.u32 s0, $0x6;
	s9 =	smul.u32 $0x28000, s5;
	[dreg:$0x4] =	wrdreg s13  }
0xc: {  	s10 =	ssub.s32 $0x2, s5;
	s5 =	sadd.s32 $0x40A00, s6;
	[dreg:$0x5] =	wrdreg s28  }
0xd: {  	s8 =	sshll.u32 s4, $0x7;
	s25 =	smul.u32 $0x500, s4;
	[dreg:$0x6] =	wrdreg s16  }
0xe: {  	s4 =	sadd.s32 $0x18A00, s6;
	s12 =	sshrl.u32 s10, $0x1;
	[dreg:$0x7] =	wrdreg s29  }
0xf: {  	s11 =	sshrl.u32 s11, $0x2;
	s8 =	sand.u32 $0x380, s8;
	[dreg:$0x8] =	wrdreg s30  }
0x10: {  	s9 =	sadd.s32 s9, s6;
	s10 =	ssub.s32 s10, s12;
	[dreg:$0x9] =	wrdreg s17  }
0x11: {  	s14 =	sadd.s32 s11, s2;
	s11 =	simm.s32 $0x5;
	[dreg:$0xa] =	wrdreg s18  }
0x12: {  	s12 =	simm.s32 $0x2800;
	s13 =	sor.u32 $0x1C05, s15;
	[dreg:$0xb] =	wrdreg s19  }
0x13: {  	s15 =	simm.s32 $0x3000;
	s17 =	simm.s32 $0x2C00;
	[dreg:$0xc] =	wrdreg s20  }
0x14: {  	s18 =	simm.s32 $0x1;
	s19 =	simm.s32 $0x7000;
	[dreg:$0xd] =	wrdreg s21  }
0x15: {  	s20 =	simm.s32 $0x3;
	s21 =	simm.s32 $0x4;
	[dreg:$0xe] =	wrdreg s22  }
0x16: {  	s22 =	simm.s32 $0x2;
	[dreg:$0x10] =	wrdreg s31;
	s7 =	sor.u32 s7, s8  }
0x17: {  	s8 =	sadd.s32 s25, s6;
	s23 =	sadd.s32 $0x43200, s9;
	s9 =	simm.s32 $0x80  }
0x18: {  	s14 =	sshrl.u32 s14, $0x3;
	s25 =	simm.s32 $0x2F00;
	s7 =	sshrl.u32 s7, $0x3  }
0x19: {  	[dreg:$0xf] =	wrdreg s25;
	s23 =	sadd.s32 s24, s23;
	s7 =	sadd.s32 s7, s6  }
0x1a: {  	s24 =	simm.s32 $0x0;
	s6 =	sadd.s32 $0xEA00, s7;
	s7 =	sadd.s32 $0x3A00, s8  }
0x1b: {  	s8 =	smax.u32 s10, $0x1;
	s10 =	simm.s32 $0x400;
	s16 =	sadd.s32 $0x100, s7  }
.LBB2_1:
0x1c: {  	[tilespmem:s3], [sflag:$0x5] =	stream.strided.gather [hbm4b:s6+s9], $0x2800, s10, s9, $0x38;
	[tilespmem:$0x1F000] =	vst v63  }
0x1d: {  	_ =	swait.ge [sflag:s11], $0x2800  }
0x1e: {  	[sflag:s11] =	ssyncset.done $0x0  }
0x1f: {  	[sflag:s11] =	ssyncadd.s32 $0xFFFFD800  }
0x20: {  	[tilespmem:s12], [sflag:$0x1] =	stream.linear.gather [hbm4b:s7+s3], $0x400, $0x38;
	[tilespmem:$0x1F000] =	vst v63  }
0x21: {  	[spmem:s14], [sflag:s13] =	dma.local [hbm:s5], $0x2800  }
0x22: {  	_ =	swait.ge [sflag:s11], $0x2800  }
0x23: {  	[sflag:s11] =	ssyncset.done $0x0  }
0x24: {  	[sflag:s11] =	ssyncadd.s32 $0xFFFFD800  }
0x25: {  	[bflag:$0x0] =	sbarrier.arrive $0xFFFF  }
0x26: {  	[tilespmem:s15], [sflag:$0x3] =	stream.indirect.gather [hbm4b:s4+s9], $0x80, s3, s9, $0xb8;
	[tilespmem:$0x1F000] =	vst v63  }
0x27: {  	s25 =	sadd.s32 $0xFFFFFF80, s16  }
0x28: {  	[tilespmem:s17], [sflag:$0x2] =	stream.linear.gather [hbm4b:s25+s3], $0x400, $0x38;
	[tilespmem:$0x1F000] =	vst v63  }
0x29: {  	_ =	swait.ge [sflag:s18], $0x400  }
0x2a: {  	[sflag:s18] =	ssyncset.done $0x0  }
0x2b: {  	s1 =	simm.s32 $0x80;
	[sflag:s18] =	ssyncadd.s32 $0xFFFFFC00  }
0x2c: {  	[tilespmem:s19], [sflag:$0x4] =	stream.indirect.gather [hbm4b:s4+s9], $0x80, s1, s9, $0xb8;
	[tilespmem:$0x1F000] =	vst v63  }
0x2d: {  	_ =	swait.ge [sflag:s20], $0x4000  }
0x2e: {  	[sflag:s20] =	ssyncset.done $0x0  }
0x2f: {  	[sflag:s20] =	ssyncadd.s32 $0xFFFFC000  }
0x30: {  	[spmem:s2] =	stream.indirect.scatter.add.f32 [tilespmem:s15], [sflag:$0x5], $0x80, s12, s9, $0xb8;
	[tilespmem:$0x1F000] =	vst v63  }
0x31: {  	_ =	swait.ge [sflag:s11], $0x4000  }
0x32: {  	[sflag:s11] =	ssyncset.done $0x0  }
0x33: {  	s26 =	simm.s32 $0x100;
	[sflag:s11] =	ssyncadd.s32 $0xFFFFC000  }
0x34: {  	[tilespmem:s15], [sflag:$0x3] =	stream.indirect.gather [hbm4b:s4+s9], $0x80, s26, s9, $0xb8;
	[tilespmem:$0x1F000] =	vst v63  }
0x35: {  	_ =	swait.ge [sflag:s21], $0x4000  }
0x36: {  	[sflag:s21] =	ssyncset.done $0x0  }
0x37: {  	s30 =	rddreg [dreg:$0x3];
	[sflag:s21] =	ssyncadd.s32 $0xFFFFC000  }
0x38: {  	[spmem:s2] =	stream.indirect.scatter.add.f32 [tilespmem:s19], [sflag:$0x5], $0x80, s30, s9, $0xb8;
	[tilespmem:$0x1F000] =	vst v63  }
0x39: {  	_ =	swait.ge [sflag:s11], $0x4000  }
0x3a: {  	[sflag:s11] =	ssyncset.done $0x0  }
0x3b: {  	s31 =	simm.s32 $0x180;
	[sflag:s11] =	ssyncadd.s32 $0xFFFFC000  }
0x3c: {  	[tilespmem:s19], [sflag:$0x4] =	stream.indirect.gather [hbm4b:s4+s9], $0x80, s31, s9, $0xb8;
	[tilespmem:$0x1F000] =	vst v63  }
0x3d: {  	_ =	swait.ge [sflag:s20], $0x4000  }
0x3e: {  	[sflag:s20] =	ssyncset.done $0x0  }
0x3f: {  	s0 =	rddreg [dreg:$0x4];
	[sflag:s20] =	ssyncadd.s32 $0xFFFFC000  }
0x40: {  	[spmem:s2] =	stream.indirect.scatter.add.f32 [tilespmem:s15], [sflag:$0x5], $0x80, s0, s9, $0xb8;
	[tilespmem:$0x1F000] =	vst v63  }
0x41: {  	_ =	swait.ge [sflag:s11], $0x4000  }
0x42: {  	[sflag:s11] =	ssyncset.done $0x0  }
0x43: {  	s1 =	simm.s32 $0x200;
	[sflag:s11] =	ssyncadd.s32 $0xFFFFC000  }
0x44: {  	[tilespmem:s15], [sflag:$0x3] =	stream.indirect.gather [hbm4b:s4+s9], $0x80, s1, s9, $0xb8;
	[tilespmem:$0x1F000] =	vst v63  }
0x45: {  	_ =	swait.ge [sflag:s21], $0x4000  }
0x46: {  	[sflag:s21] =	ssyncset.done $0x0  }
0x47: {  	s26 =	rddreg [dreg:$0x5];
	[sflag:s21] =	ssyncadd.s32 $0xFFFFC000  }
0x48: {  	[spmem:s2] =	stream.indirect.scatter.add.f32 [tilespmem:s19], [sflag:$0x5], $0x80, s26, s9, $0xb8;
	[tilespmem:$0x1F000] =	vst v63  }
0x49: {  	_ =	swait.ge [sflag:s11], $0x4000  }
0x4a: {  	[sflag:s11] =	ssyncset.done $0x0  }
0x4b: {  	s30 =	simm.s32 $0x280;
	[sflag:s11] =	ssyncadd.s32 $0xFFFFC000  }
0x4c: {  	[tilespmem:s19], [sflag:$0x4] =	stream.indirect.gather [hbm4b:s4+s9], $0x80, s30, s9, $0xb8;
	[tilespmem:$0x1F000] =	vst v63  }
0x4d: {  	_ =	swait.ge [sflag:s20], $0x4000  }
0x4e: {  	[sflag:s20] =	ssyncset.done $0x0  }
0x4f: {  	s31 =	rddreg [dreg:$0x6];
	[sflag:s20] =	ssyncadd.s32 $0xFFFFC000  }
0x50: {  	[spmem:s2] =	stream.indirect.scatter.add.f32 [tilespmem:s15], [sflag:$0x5], $0x80, s31, s9, $0xb8;
	[tilespmem:$0x1F000] =	vst v63  }
0x51: {  	_ =	swait.ge [sflag:s11], $0x4000  }
0x52: {  	[sflag:s11] =	ssyncset.done $0x0  }
0x53: {  	s0 =	simm.s32 $0x300;
	[sflag:s11] =	ssyncadd.s32 $0xFFFFC000  }
0x54: {  	[tilespmem:s15], [sflag:$0x3] =	stream.indirect.gather [hbm4b:s4+s9], $0x80, s0, s9, $0xb8;
	[tilespmem:$0x1F000] =	vst v63  }
0x55: {  	_ =	swait.ge [sflag:s21], $0x4000  }
0x56: {  	[sflag:s21] =	ssyncset.done $0x0  }
0x57: {  	s1 =	rddreg [dreg:$0x7];
	[sflag:s21] =	ssyncadd.s32 $0xFFFFC000  }
0x58: {  	[spmem:s2] =	stream.indirect.scatter.add.f32 [tilespmem:s19], [sflag:$0x5], $0x80, s1, s9, $0xb8;
	[tilespmem:$0x1F000] =	vst v63  }
0x59: {  	_ =	swait.ge [sflag:s11], $0x4000  }
0x5a: {  	[sflag:s11] =	ssyncset.done $0x0  }
0x5b: {  	s26 =	simm.s32 $0x380;
	[sflag:s11] =	ssyncadd.s32 $0xFFFFC000  }
0x5c: {  	[tilespmem:s19], [sflag:$0x4] =	stream.indirect.gather [hbm4b:s4+s9], $0x80, s26, s9, $0xb8;
	[tilespmem:$0x1F000] =	vst v63  }
0x5d: {  	_ =	swait.ge [sflag:s20], $0x4000  }
0x5e: {  	[sflag:s20] =	ssyncset.done $0x0  }
0x5f: {  	s30 =	rddreg [dreg:$0x8];
	[sflag:s20] =	ssyncadd.s32 $0xFFFFC000  }
0x60: {  	[spmem:s2] =	stream.indirect.scatter.add.f32 [tilespmem:s15], [sflag:$0x5], $0x80, s30, s9, $0xb8;
	[tilespmem:$0x1F000] =	vst v63  }
0x61: {  	_ =	swait.ge [sflag:s11], $0x4000  }
0x62: {  	[sflag:s11] =	ssyncset.done $0x0  }
0x63: {  	s31 =	simm.s32 $0x400;
	[sflag:s11] =	ssyncadd.s32 $0xFFFFC000  }
0x64: {  	[tilespmem:s15], [sflag:$0x3] =	stream.indirect.gather [hbm4b:s4+s9], $0x80, s31, s9, $0xb8;
	[tilespmem:$0x1F000] =	vst v63  }
0x65: {  	_ =	swait.ge [sflag:s21], $0x4000  }
0x66: {  	[sflag:s21] =	ssyncset.done $0x0  }
0x67: {  	s0 =	rddreg [dreg:$0x9];
	[sflag:s21] =	ssyncadd.s32 $0xFFFFC000  }
0x68: {  	[spmem:s2] =	stream.indirect.scatter.add.f32 [tilespmem:s19], [sflag:$0x5], $0x80, s0, s9, $0xb8;
	[tilespmem:$0x1F000] =	vst v63  }
0x69: {  	_ =	swait.ge [sflag:s11], $0x4000  }
0x6a: {  	p0 =	por $0x0, $0x0;
	[sflag:s11] =	ssyncset.done $0x0  }
0x6b: {  	s25 =	simm.s32 @!p0 $0x0;
	s26 =	simm.s32 @!p0 $0x2800;
	[sflag:s11] =	ssyncadd.s32 $0xFFFFC000  }
0x6c: {  	[tilespmem:s26], [sflag:$0x1] =	stream.linear.gather @!p0 [hbm4b:s16+s25], $0x400, $0x38;
	[tilespmem:$0x1F000] =	vst v63  }
0x6d: {  	_ =	swait.ge [sflag:s22], $0x400  }
0x6e: {  	[sflag:s22] =	ssyncset.done $0x0  }
0x6f: {  	s1 =	simm.s32 $0x480;
	[sflag:s22] =	ssyncadd.s32 $0xFFFFFC00  }
0x70: {  	[tilespmem:s19], [sflag:$0x4] =	stream.indirect.gather [hbm4b:s4+s9], $0x80, s1, s9, $0xb8;
	[tilespmem:$0x1F000] =	vst v63  }
0x71: {  	_ =	swait.ge [sflag:s20], $0x4000  }
0x72: {  	[sflag:s20] =	ssyncset.done $0x0  }
0x73: {  	[sflag:s20] =	ssyncadd.s32 $0xFFFFC000  }
0x74: {  	[spmem:s2] =	stream.indirect.scatter.add.f32 [tilespmem:s15], [sflag:$0x5], $0x80, s17, s9, $0xb8;
	[tilespmem:$0x1F000] =	vst v63  }
0x75: {  	_ =	swait.ge [sflag:s11], $0x4000  }
0x76: {  	[sflag:s11] =	ssyncset.done $0x0  }
0x77: {  	s26 =	simm.s32 $0x500;
	[sflag:s11] =	ssyncadd.s32 $0xFFFFC000  }
0x78: {  	[tilespmem:s15], [sflag:$0x3] =	stream.indirect.gather [hbm4b:s4+s9], $0x80, s26, s9, $0xb8;
	[tilespmem:$0x1F000] =	vst v63  }
0x79: {  	_ =	swait.ge [sflag:s21], $0x4000  }
0x7a: {  	[sflag:s21] =	ssyncset.done $0x0  }
0x7b: {  	s30 =	rddreg [dreg:$0xa];
	[sflag:s21] =	ssyncadd.s32 $0xFFFFC000  }
0x7c: {  	[spmem:s2] =	stream.indirect.scatter.add.f32 [tilespmem:s19], [sflag:$0x5], $0x80, s30, s9, $0xb8;
	[tilespmem:$0x1F000] =	vst v63  }
0x7d: {  	_ =	swait.ge [sflag:s11], $0x4000  }
0x7e: {  	[sflag:s11] =	ssyncset.done $0x0  }
0x7f: {  	s31 =	simm.s32 $0x580;
	[sflag:s11] =	ssyncadd.s32 $0xFFFFC000  }
0x80: {  	[tilespmem:s19], [sflag:$0x4] =	stream.indirect.gather [hbm4b:s4+s9], $0x80, s31, s9, $0xb8;
	[tilespmem:$0x1F000] =	vst v63  }
0x81: {  	_ =	swait.ge [sflag:s20], $0x4000  }
0x82: {  	[sflag:s20] =	ssyncset.done $0x0  }
0x83: {  	s0 =	rddreg [dreg:$0xb];
	[sflag:s20] =	ssyncadd.s32 $0xFFFFC000  }
0x84: {  	[spmem:s2] =	stream.indirect.scatter.add.f32 [tilespmem:s15], [sflag:$0x5], $0x80, s0, s9, $0xb8;
	[tilespmem:$0x1F000] =	vst v63  }
0x85: {  	_ =	swait.ge [sflag:s11], $0x4000  }
0x86: {  	[sflag:s11] =	ssyncset.done $0x0  }
0x87: {  	s1 =	simm.s32 $0x600;
	[sflag:s11] =	ssyncadd.s32 $0xFFFFC000  }
0x88: {  	[tilespmem:s15], [sflag:$0x3] =	stream.indirect.gather [hbm4b:s4+s9], $0x80, s1, s9, $0xb8;
	[tilespmem:$0x1F000] =	vst v63  }
0x89: {  	_ =	swait.ge [sflag:s21], $0x4000  }
0x8a: {  	[sflag:s21] =	ssyncset.done $0x0  }
0x8b: {  	s26 =	rddreg [dreg:$0xc];
	[sflag:s21] =	ssyncadd.s32 $0xFFFFC000  }
0x8c: {  	[spmem:s2] =	stream.indirect.scatter.add.f32 [tilespmem:s19], [sflag:$0x5], $0x80, s26, s9, $0xb8;
	[tilespmem:$0x1F000] =	vst v63  }
0x8d: {  	_ =	swait.ge [sflag:s11], $0x4000  }
0x8e: {  	[sflag:s11] =	ssyncset.done $0x0  }
0x8f: {  	s30 =	simm.s32 $0x680;
	[sflag:s11] =	ssyncadd.s32 $0xFFFFC000  }
0x90: {  	[tilespmem:s19], [sflag:$0x4] =	stream.indirect.gather [hbm4b:s4+s9], $0x80, s30, s9, $0xb8;
	[tilespmem:$0x1F000] =	vst v63  }
0x91: {  	_ =	swait.ge [sflag:s20], $0x4000  }
0x92: {  	[sflag:s20] =	ssyncset.done $0x0  }
0x93: {  	s31 =	rddreg [dreg:$0xd];
	[sflag:s20] =	ssyncadd.s32 $0xFFFFC000  }
0x94: {  	[spmem:s2] =	stream.indirect.scatter.add.f32 [tilespmem:s15], [sflag:$0x5], $0x80, s31, s9, $0xb8;
	[tilespmem:$0x1F000] =	vst v63  }
0x95: {  	_ =	swait.ge [sflag:s11], $0x4000  }
0x96: {  	[sflag:s11] =	ssyncset.done $0x0  }
0x97: {  	s0 =	simm.s32 $0x700;
	[sflag:s11] =	ssyncadd.s32 $0xFFFFC000  }
0x98: {  	[tilespmem:s15], [sflag:$0x3] =	stream.indirect.gather [hbm4b:s4+s9], $0x80, s0, s9, $0xb8;
	[tilespmem:$0x1F000] =	vst v63  }
0x99: {  	_ =	swait.ge [sflag:s21], $0x4000  }
0x9a: {  	[sflag:s21] =	ssyncset.done $0x0  }
0x9b: {  	s1 =	rddreg [dreg:$0xe];
	[sflag:s21] =	ssyncadd.s32 $0xFFFFC000  }
0x9c: {  	[spmem:s2] =	stream.indirect.scatter.add.f32 [tilespmem:s19], [sflag:$0x5], $0x80, s1, s9, $0xb8;
	[tilespmem:$0x1F000] =	vst v63  }
0x9d: {  	_ =	swait.ge [sflag:s11], $0x4000  }
0x9e: {  	[sflag:s11] =	ssyncset.done $0x0  }
0x9f: {  	s26 =	simm.s32 $0x780;
	[sflag:s11] =	ssyncadd.s32 $0xFFFFC000  }
0xa0: {  	[tilespmem:s19], [sflag:$0x4] =	stream.indirect.gather [hbm4b:s4+s9], $0x80, s26, s9, $0xb8;
	[tilespmem:$0x1F000] =	vst v63  }
0xa1: {  	_ =	swait.ge [sflag:s20], $0x4000  }
0xa2: {  	[sflag:s20] =	ssyncset.done $0x0  }
0xa3: {  	s30 =	rddreg [dreg:$0xf];
	[sflag:s20] =	ssyncadd.s32 $0xFFFFC000  }
0xa4: {  	[spmem:s2] =	stream.indirect.scatter.add.f32 [tilespmem:s15], [sflag:$0x5], $0x80, s30, s9, $0xb8;
	[tilespmem:$0x1F000] =	vst v63  }
0xa5: {  	p0 =	por $0x0, $0x0;
	_ =	swait.ge [sflag:s11], $0x4000  }
0xa6: {  	s25 =	simm.s32 @!p0 $0x3000;
	[sflag:s11] =	ssyncset.done $0x0  }
0xa7: {  	s28 =	simm.s32 @!p0 $0x80;
	s26 =	simm.s32 @!p0 $0x800;
	[sflag:s11] =	ssyncadd.s32 $0xFFFFC000  }
0xa8: {  	[tilespmem:s25], [sflag:$0x3] =	stream.indirect.gather @!p0 [hbm4b:s4+s28], $0x80, s26, s28, $0xb8;
	[tilespmem:$0x1F000] =	vst v63  }
0xa9: {  	_ =	swait.ge [sflag:s21], $0x4000  }
0xaa: {  	[sflag:s21] =	ssyncset.done $0x0  }
0xab: {  	s31 =	rddreg [dreg:$0x10];
	[sflag:s21] =	ssyncadd.s32 $0xFFFFC000  }
0xac: {  	[spmem:s2] =	stream.indirect.scatter.add.f32 [tilespmem:s19], [sflag:$0x5], $0x80, s31, s9, $0xb8;
	[tilespmem:$0x1F000] =	vst v63  }
0xad: {  	s29 =	simm.s32 $0x4000;
	s26 =	simm.s32 $0x2000;
	_ =	swait.ge [sflag:s11], $0x4000  }
0xae: {  	s28 =	sadd.s32 $0x100, s16;
	s25 =	simm.s32 $0x3;
	[sflag:s11] =	ssyncset.done $0x0  }
.LBB2_2:
0xaf: {  	s31 =	sadd.s32 $0xFFFFFF80, s28;
	[sflag:s11] =	ssyncadd.s32 $0xFFFFC000  }
0xb0: {  	[tilespmem:s17], [sflag:$0x2] =	stream.linear.gather [hbm4b:s31+s3], $0x400, $0x38;
	[tilespmem:$0x1F000] =	vst v63  }
0xb1: {  	_ =	swait.ge [sflag:s18], $0x400  }
0xb2: {  	s31 =	sshra.s32 s26, $0x2;
	[sflag:s18] =	ssyncset.done $0x0  }
0xb3: {  	s1 =	sadd.s32 $0x80, s31;
	[sflag:s18] =	ssyncadd.s32 $0xFFFFFC00  }
0xb4: {  	[tilespmem:s19], [sflag:$0x4] =	stream.indirect.gather [hbm4b:s4+s9], $0x80, s1, s9, $0xb8;
	[tilespmem:$0x1F000] =	vst v63  }
0xb5: {  	_ =	swait.ge [sflag:s20], $0x4000  }
0xb6: {  	[sflag:s20] =	ssyncset.done $0x0  }
0xb7: {  	[sflag:s20] =	ssyncadd.s32 $0xFFFFC000  }
0xb8: {  	[spmem:s2] =	stream.indirect.scatter.add.f32 [tilespmem:s15], [sflag:$0x5], $0x80, s12, s9, $0xb8;
	[tilespmem:$0x1F000] =	vst v63  }
0xb9: {  	_ =	swait.ge [sflag:s11], $0x4000  }
0xba: {  	[sflag:s11] =	ssyncset.done $0x0  }
0xbb: {  	s0 =	sadd.s32 $0x100, s31;
	[sflag:s11] =	ssyncadd.s32 $0xFFFFC000  }
0xbc: {  	[tilespmem:s15], [sflag:$0x3] =	stream.indirect.gather [hbm4b:s4+s9], $0x80, s0, s9, $0xb8;
	[tilespmem:$0x1F000] =	vst v63  }
0xbd: {  	_ =	swait.ge [sflag:s21], $0x4000  }
0xbe: {  	[sflag:s21] =	ssyncset.done $0x0  }
0xbf: {  	s0 =	rddreg [dreg:$0x3];
	[sflag:s21] =	ssyncadd.s32 $0xFFFFC000  }
0xc0: {  	[spmem:s2] =	stream.indirect.scatter.add.f32 [tilespmem:s19], [sflag:$0x5], $0x80, s0, s9, $0xb8;
	[tilespmem:$0x1F000] =	vst v63  }
0xc1: {  	_ =	swait.ge [sflag:s11], $0x4000  }
0xc2: {  	[sflag:s11] =	ssyncset.done $0x0  }
0xc3: {  	s0 =	sadd.s32 $0x180, s31;
	[sflag:s11] =	ssyncadd.s32 $0xFFFFC000  }
0xc4: {  	[tilespmem:s19], [sflag:$0x4] =	stream.indirect.gather [hbm4b:s4+s9], $0x80, s0, s9, $0xb8;
	[tilespmem:$0x1F000] =	vst v63  }
0xc5: {  	_ =	swait.ge [sflag:s20], $0x4000  }
0xc6: {  	[sflag:s20] =	ssyncset.done $0x0  }
0xc7: {  	s0 =	rddreg [dreg:$0x4];
	[sflag:s20] =	ssyncadd.s32 $0xFFFFC000  }
0xc8: {  	[spmem:s2] =	stream.indirect.scatter.add.f32 [tilespmem:s15], [sflag:$0x5], $0x80, s0, s9, $0xb8;
	[tilespmem:$0x1F000] =	vst v63  }
0xc9: {  	_ =	swait.ge [sflag:s11], $0x4000  }
0xca: {  	[sflag:s11] =	ssyncset.done $0x0  }
0xcb: {  	s0 =	sadd.s32 $0x200, s31;
	[sflag:s11] =	ssyncadd.s32 $0xFFFFC000  }
0xcc: {  	[tilespmem:s15], [sflag:$0x3] =	stream.indirect.gather [hbm4b:s4+s9], $0x80, s0, s9, $0xb8;
	[tilespmem:$0x1F000] =	vst v63  }
0xcd: {  	_ =	swait.ge [sflag:s21], $0x4000  }
0xce: {  	[sflag:s21] =	ssyncset.done $0x0  }
0xcf: {  	s0 =	rddreg [dreg:$0x5];
	[sflag:s21] =	ssyncadd.s32 $0xFFFFC000  }
0xd0: {  	[spmem:s2] =	stream.indirect.scatter.add.f32 [tilespmem:s19], [sflag:$0x5], $0x80, s0, s9, $0xb8;
	[tilespmem:$0x1F000] =	vst v63  }
0xd1: {  	_ =	swait.ge [sflag:s11], $0x4000  }
0xd2: {  	[sflag:s11] =	ssyncset.done $0x0  }
0xd3: {  	s0 =	sadd.s32 $0x280, s31;
	[sflag:s11] =	ssyncadd.s32 $0xFFFFC000  }
0xd4: {  	[tilespmem:s19], [sflag:$0x4] =	stream.indirect.gather [hbm4b:s4+s9], $0x80, s0, s9, $0xb8;
	[tilespmem:$0x1F000] =	vst v63  }
0xd5: {  	_ =	swait.ge [sflag:s20], $0x4000  }
0xd6: {  	[sflag:s20] =	ssyncset.done $0x0  }
0xd7: {  	s0 =	rddreg [dreg:$0x6];
	[sflag:s20] =	ssyncadd.s32 $0xFFFFC000  }
0xd8: {  	[spmem:s2] =	stream.indirect.scatter.add.f32 [tilespmem:s15], [sflag:$0x5], $0x80, s0, s9, $0xb8;
	[tilespmem:$0x1F000] =	vst v63  }
0xd9: {  	_ =	swait.ge [sflag:s11], $0x4000  }
0xda: {  	[sflag:s11] =	ssyncset.done $0x0  }
0xdb: {  	s0 =	sadd.s32 $0x300, s31;
	[sflag:s11] =	ssyncadd.s32 $0xFFFFC000  }
0xdc: {  	[tilespmem:s15], [sflag:$0x3] =	stream.indirect.gather [hbm4b:s4+s9], $0x80, s0, s9, $0xb8;
	[tilespmem:$0x1F000] =	vst v63  }
0xdd: {  	_ =	swait.ge [sflag:s21], $0x4000  }
0xde: {  	[sflag:s21] =	ssyncset.done $0x0  }
0xdf: {  	s0 =	rddreg [dreg:$0x7];
	[sflag:s21] =	ssyncadd.s32 $0xFFFFC000  }
0xe0: {  	[spmem:s2] =	stream.indirect.scatter.add.f32 [tilespmem:s19], [sflag:$0x5], $0x80, s0, s9, $0xb8;
	[tilespmem:$0x1F000] =	vst v63  }
0xe1: {  	_ =	swait.ge [sflag:s11], $0x4000  }
0xe2: {  	[sflag:s11] =	ssyncset.done $0x0  }
0xe3: {  	s0 =	sadd.s32 $0x380, s31;
	[sflag:s11] =	ssyncadd.s32 $0xFFFFC000  }
0xe4: {  	[tilespmem:s19], [sflag:$0x4] =	stream.indirect.gather [hbm4b:s4+s9], $0x80, s0, s9, $0xb8;
	[tilespmem:$0x1F000] =	vst v63  }
0xe5: {  	_ =	swait.ge [sflag:s20], $0x4000  }
0xe6: {  	[sflag:s20] =	ssyncset.done $0x0  }
0xe7: {  	s0 =	rddreg [dreg:$0x8];
	[sflag:s20] =	ssyncadd.s32 $0xFFFFC000  }
0xe8: {  	[spmem:s2] =	stream.indirect.scatter.add.f32 [tilespmem:s15], [sflag:$0x5], $0x80, s0, s9, $0xb8;
	[tilespmem:$0x1F000] =	vst v63  }
0xe9: {  	_ =	swait.ge [sflag:s11], $0x4000  }
0xea: {  	[sflag:s11] =	ssyncset.done $0x0  }
0xeb: {  	s0 =	sadd.s32 $0x400, s31;
	[sflag:s11] =	ssyncadd.s32 $0xFFFFC000  }
0xec: {  	[tilespmem:s15], [sflag:$0x3] =	stream.indirect.gather [hbm4b:s4+s9], $0x80, s0, s9, $0xb8;
	[tilespmem:$0x1F000] =	vst v63  }
0xed: {  	_ =	swait.ge [sflag:s21], $0x4000  }
0xee: {  	[sflag:s21] =	ssyncset.done $0x0  }
0xef: {  	s0 =	rddreg [dreg:$0x9];
	[sflag:s21] =	ssyncadd.s32 $0xFFFFC000  }
0xf0: {  	[spmem:s2] =	stream.indirect.scatter.add.f32 [tilespmem:s19], [sflag:$0x5], $0x80, s0, s9, $0xb8;
	[tilespmem:$0x1F000] =	vst v63  }
0xf1: {  	_ =	swait.ge [sflag:s11], $0x4000  }
0xf2: {  	p1 =	seq.s32 s26, $0x8000;
	[sflag:s11] =	ssyncset.done $0x0  }
0xf3: {  	s1 =	simm.s32 @!p1 $0x0;
	s0 =	simm.s32 @!p1 $0x2800;
	[sflag:s11] =	ssyncadd.s32 $0xFFFFC000  }
0xf4: {  	[tilespmem:s0], [sflag:$0x1] =	stream.linear.gather @!p1 [hbm4b:s28+s1], $0x400, $0x38;
	[tilespmem:$0x1F000] =	vst v63  }
0xf5: {  	_ =	swait.ge [sflag:s22], $0x400  }
0xf6: {  	[sflag:s22] =	ssyncset.done $0x0  }
0xf7: {  	s1 =	sadd.s32 $0x480, s31;
	[sflag:s22] =	ssyncadd.s32 $0xFFFFFC00  }
0xf8: {  	[tilespmem:s19], [sflag:$0x4] =	stream.indirect.gather [hbm4b:s4+s9], $0x80, s1, s9, $0xb8;
	[tilespmem:$0x1F000] =	vst v63  }
0xf9: {  	_ =	swait.ge [sflag:s20], $0x4000  }
0xfa: {  	[sflag:s20] =	ssyncset.done $0x0  }
0xfb: {  	[sflag:s20] =	ssyncadd.s32 $0xFFFFC000  }
0xfc: {  	[spmem:s2] =	stream.indirect.scatter.add.f32 [tilespmem:s15], [sflag:$0x5], $0x80, s17, s9, $0xb8;
	[tilespmem:$0x1F000] =	vst v63  }
0xfd: {  	_ =	swait.ge [sflag:s11], $0x4000  }
0xfe: {  	[sflag:s11] =	ssyncset.done $0x0  }
0xff: {  	s1 =	sadd.s32 $0x500, s31;
	[sflag:s11] =	ssyncadd.s32 $0xFFFFC000  }
0x100: {  	[tilespmem:s15], [sflag:$0x3] =	stream.indirect.gather [hbm4b:s4+s9], $0x80, s1, s9, $0xb8;
	[tilespmem:$0x1F000] =	vst v63  }
0x101: {  	_ =	swait.ge [sflag:s21], $0x4000  }
0x102: {  	[sflag:s21] =	ssyncset.done $0x0  }
0x103: {  	s1 =	rddreg [dreg:$0xa];
	[sflag:s21] =	ssyncadd.s32 $0xFFFFC000  }
0x104: {  	[spmem:s2] =	stream.indirect.scatter.add.f32 [tilespmem:s19], [sflag:$0x5], $0x80, s1, s9, $0xb8;
	[tilespmem:$0x1F000] =	vst v63  }
0x105: {  	_ =	swait.ge [sflag:s11], $0x4000  }
0x106: {  	[sflag:s11] =	ssyncset.done $0x0  }
0x107: {  	s1 =	sadd.s32 $0x580, s31;
	[sflag:s11] =	ssyncadd.s32 $0xFFFFC000  }
0x108: {  	[tilespmem:s19], [sflag:$0x4] =	stream.indirect.gather [hbm4b:s4+s9], $0x80, s1, s9, $0xb8;
	[tilespmem:$0x1F000] =	vst v63  }
0x109: {  	_ =	swait.ge [sflag:s20], $0x4000  }
0x10a: {  	[sflag:s20] =	ssyncset.done $0x0  }
0x10b: {  	s1 =	rddreg [dreg:$0xb];
	[sflag:s20] =	ssyncadd.s32 $0xFFFFC000  }
0x10c: {  	[spmem:s2] =	stream.indirect.scatter.add.f32 [tilespmem:s15], [sflag:$0x5], $0x80, s1, s9, $0xb8;
	[tilespmem:$0x1F000] =	vst v63  }
0x10d: {  	_ =	swait.ge [sflag:s11], $0x4000  }
0x10e: {  	[sflag:s11] =	ssyncset.done $0x0  }
0x10f: {  	s1 =	sadd.s32 $0x600, s31;
	[sflag:s11] =	ssyncadd.s32 $0xFFFFC000  }
0x110: {  	[tilespmem:s15], [sflag:$0x3] =	stream.indirect.gather [hbm4b:s4+s9], $0x80, s1, s9, $0xb8;
	[tilespmem:$0x1F000] =	vst v63  }
0x111: {  	_ =	swait.ge [sflag:s21], $0x4000  }
0x112: {  	[sflag:s21] =	ssyncset.done $0x0  }
0x113: {  	s1 =	rddreg [dreg:$0xc];
	[sflag:s21] =	ssyncadd.s32 $0xFFFFC000  }
0x114: {  	[spmem:s2] =	stream.indirect.scatter.add.f32 [tilespmem:s19], [sflag:$0x5], $0x80, s1, s9, $0xb8;
	[tilespmem:$0x1F000] =	vst v63  }
0x115: {  	_ =	swait.ge [sflag:s11], $0x4000  }
0x116: {  	[sflag:s11] =	ssyncset.done $0x0  }
0x117: {  	s1 =	sadd.s32 $0x680, s31;
	[sflag:s11] =	ssyncadd.s32 $0xFFFFC000  }
0x118: {  	[tilespmem:s19], [sflag:$0x4] =	stream.indirect.gather [hbm4b:s4+s9], $0x80, s1, s9, $0xb8;
	[tilespmem:$0x1F000] =	vst v63  }
0x119: {  	_ =	swait.ge [sflag:s20], $0x4000  }
0x11a: {  	[sflag:s20] =	ssyncset.done $0x0  }
0x11b: {  	s1 =	rddreg [dreg:$0xd];
	[sflag:s20] =	ssyncadd.s32 $0xFFFFC000  }
0x11c: {  	[spmem:s2] =	stream.indirect.scatter.add.f32 [tilespmem:s15], [sflag:$0x5], $0x80, s1, s9, $0xb8;
	[tilespmem:$0x1F000] =	vst v63  }
0x11d: {  	_ =	swait.ge [sflag:s11], $0x4000  }
0x11e: {  	[sflag:s11] =	ssyncset.done $0x0  }
0x11f: {  	s1 =	sadd.s32 $0x700, s31;
	[sflag:s11] =	ssyncadd.s32 $0xFFFFC000  }
0x120: {  	[tilespmem:s15], [sflag:$0x3] =	stream.indirect.gather [hbm4b:s4+s9], $0x80, s1, s9, $0xb8;
	[tilespmem:$0x1F000] =	vst v63  }
0x121: {  	_ =	swait.ge [sflag:s21], $0x4000  }
0x122: {  	[sflag:s21] =	ssyncset.done $0x0  }
0x123: {  	s1 =	rddreg [dreg:$0xe];
	[sflag:s21] =	ssyncadd.s32 $0xFFFFC000  }
0x124: {  	[spmem:s2] =	stream.indirect.scatter.add.f32 [tilespmem:s19], [sflag:$0x5], $0x80, s1, s9, $0xb8;
	[tilespmem:$0x1F000] =	vst v63  }
0x125: {  	_ =	swait.ge [sflag:s11], $0x4000  }
0x126: {  	[sflag:s11] =	ssyncset.done $0x0  }
0x127: {  	s31 =	sadd.s32 $0x780, s31;
	[sflag:s11] =	ssyncadd.s32 $0xFFFFC000  }
0x128: {  	[tilespmem:s19], [sflag:$0x4] =	stream.indirect.gather [hbm4b:s4+s9], $0x80, s31, s9, $0xb8;
	[tilespmem:$0x1F000] =	vst v63  }
0x129: {  	_ =	swait.ge [sflag:s20], $0x4000  }
0x12a: {  	[sflag:s20] =	ssyncset.done $0x0  }
0x12b: {  	s30 =	smov.u32 s29;
	s1 =	rddreg [dreg:$0xf];
	[sflag:s20] =	ssyncadd.s32 $0xFFFFC000  }
0x12c: {  	[spmem:s2] =	stream.indirect.scatter.add.f32 [tilespmem:s15], [sflag:$0x5], $0x80, s1, s9, $0xb8;
	[tilespmem:$0x1F000] =	vst v63  }
0x12d: {  	s29 =	sadd.s32 $0x2000, s29;
	p1 =	sgt.u32 s25, $0x8;
	_ =	swait.ge [sflag:s11], $0x4000  }
0x12e: {  	s0 =	sshra.s32 @!p1 s26, $0x2;
	s26 =	simm.s32 @!p1 $0x80;
	[sflag:s11] =	ssyncset.done $0x0  }
0x12f: {  	s0 =	sadd.s32 @!p1 $0x800, s0;
	s1 =	simm.s32 @!p1 $0x3000;
	[sflag:s11] =	ssyncadd.s32 $0xFFFFC000  }
0x130: {  	[tilespmem:s1], [sflag:$0x3] =	stream.indirect.gather @!p1 [hbm4b:s4+s26], $0x80, s0, s26, $0xb8;
	[tilespmem:$0x1F000] =	vst v63  }
0x131: {  	p0 =	sne.s32 s29, $0xA000;
	_ =	swait.ge [sflag:s21], $0x4000  }
.Ltmp0:
0x132: {  	[sflag:s21] =	ssyncset.done $0x0;
	(pc) =	sbr.rel @p0 .LBB2_2-.Ltmp0, $4  }
0x133: {  	s31 =	rddreg [dreg:$0x10];
	[sflag:s21] =	ssyncadd.s32 $0xFFFFC000  }
0x134: {  	[spmem:s2] =	stream.indirect.scatter.add.f32 [tilespmem:s19], [sflag:$0x5], $0x80, s31, s9, $0xb8;
	[tilespmem:$0x1F000] =	vst v63  }
0x135: {  	s28 =	sadd.s32 $0x100, s28;
	_ =	swait.ge [sflag:s11], $0x4000  }
0x136: {  	s25 =	sadd.s32 $0x2, s25;
	s26 =	smov.u32 s30;
	[sflag:s11] =	ssyncset.done $0x0  }
0x137: {  	s0 =	sadd.s32 $0xFFFFFF80, s28;
	[sflag:s11] =	ssyncadd.s32 $0xFFFFC000  }
0x138: {  	[tilespmem:s17], [sflag:$0x2] =	stream.linear.gather [hbm4b:s0+s3], $0x400, $0x38;
	[tilespmem:$0x1F000] =	vst v63  }
0x139: {  	_ =	swait.ge [sflag:s18], $0x400  }
0x13a: {  	s29 =	sshra.s32 s26, $0x2;
	[sflag:s18] =	ssyncset.done $0x0  }
0x13b: {  	s31 =	sadd.s32 $0x80, s29;
	[sflag:s18] =	ssyncadd.s32 $0xFFFFFC00  }
0x13c: {  	[tilespmem:s19], [sflag:$0x4] =	stream.indirect.gather [hbm4b:s4+s9], $0x80, s31, s9, $0xb8;
	[tilespmem:$0x1F000] =	vst v63  }
0x13d: {  	_ =	swait.ge [sflag:s20], $0x4000  }
0x13e: {  	[sflag:s20] =	ssyncset.done $0x0  }
0x13f: {  	[sflag:s20] =	ssyncadd.s32 $0xFFFFC000  }
0x140: {  	[spmem:s2] =	stream.indirect.scatter.add.f32 [tilespmem:s15], [sflag:$0x5], $0x80, s12, s9, $0xb8;
	[tilespmem:$0x1F000] =	vst v63  }
0x141: {  	_ =	swait.ge [sflag:s11], $0x4000  }
0x142: {  	[sflag:s11] =	ssyncset.done $0x0  }
0x143: {  	s1 =	sadd.s32 $0x100, s29;
	[sflag:s11] =	ssyncadd.s32 $0xFFFFC000  }
0x144: {  	[tilespmem:s15], [sflag:$0x3] =	stream.indirect.gather [hbm4b:s4+s9], $0x80, s1, s9, $0xb8;
	[tilespmem:$0x1F000] =	vst v63  }
0x145: {  	_ =	swait.ge [sflag:s21], $0x4000  }
0x146: {  	[sflag:s21] =	ssyncset.done $0x0  }
0x147: {  	s30 =	rddreg [dreg:$0x3];
	[sflag:s21] =	ssyncadd.s32 $0xFFFFC000  }
0x148: {  	[spmem:s2] =	stream.indirect.scatter.add.f32 [tilespmem:s19], [sflag:$0x5], $0x80, s30, s9, $0xb8;
	[tilespmem:$0x1F000] =	vst v63  }
0x149: {  	_ =	swait.ge [sflag:s11], $0x4000  }
0x14a: {  	[sflag:s11] =	ssyncset.done $0x0  }
0x14b: {  	s31 =	sadd.s32 $0x180, s29;
	[sflag:s11] =	ssyncadd.s32 $0xFFFFC000  }
0x14c: {  	[tilespmem:s19], [sflag:$0x4] =	stream.indirect.gather [hbm4b:s4+s9], $0x80, s31, s9, $0xb8;
	[tilespmem:$0x1F000] =	vst v63  }
0x14d: {  	_ =	swait.ge [sflag:s20], $0x4000  }
0x14e: {  	[sflag:s20] =	ssyncset.done $0x0  }
0x14f: {  	s1 =	rddreg [dreg:$0x4];
	[sflag:s20] =	ssyncadd.s32 $0xFFFFC000  }
0x150: {  	[spmem:s2] =	stream.indirect.scatter.add.f32 [tilespmem:s15], [sflag:$0x5], $0x80, s1, s9, $0xb8;
	[tilespmem:$0x1F000] =	vst v63  }
0x151: {  	_ =	swait.ge [sflag:s11], $0x4000  }
0x152: {  	[sflag:s11] =	ssyncset.done $0x0  }
0x153: {  	s30 =	sadd.s32 $0x200, s29;
	[sflag:s11] =	ssyncadd.s32 $0xFFFFC000  }
0x154: {  	[tilespmem:s15], [sflag:$0x3] =	stream.indirect.gather [hbm4b:s4+s9], $0x80, s30, s9, $0xb8;
	[tilespmem:$0x1F000] =	vst v63  }
0x155: {  	_ =	swait.ge [sflag:s21], $0x4000  }
0x156: {  	[sflag:s21] =	ssyncset.done $0x0  }
0x157: {  	s31 =	rddreg [dreg:$0x5];
	[sflag:s21] =	ssyncadd.s32 $0xFFFFC000  }
0x158: {  	[spmem:s2] =	stream.indirect.scatter.add.f32 [tilespmem:s19], [sflag:$0x5], $0x80, s31, s9, $0xb8;
	[tilespmem:$0x1F000] =	vst v63  }
0x159: {  	_ =	swait.ge [sflag:s11], $0x4000  }
0x15a: {  	[sflag:s11] =	ssyncset.done $0x0  }
0x15b: {  	s1 =	sadd.s32 $0x280, s29;
	[sflag:s11] =	ssyncadd.s32 $0xFFFFC000  }
0x15c: {  	[tilespmem:s19], [sflag:$0x4] =	stream.indirect.gather [hbm4b:s4+s9], $0x80, s1, s9, $0xb8;
	[tilespmem:$0x1F000] =	vst v63  }
0x15d: {  	_ =	swait.ge [sflag:s20], $0x4000  }
0x15e: {  	[sflag:s20] =	ssyncset.done $0x0  }
0x15f: {  	s30 =	rddreg [dreg:$0x6];
	[sflag:s20] =	ssyncadd.s32 $0xFFFFC000  }
0x160: {  	[spmem:s2] =	stream.indirect.scatter.add.f32 [tilespmem:s15], [sflag:$0x5], $0x80, s30, s9, $0xb8;
	[tilespmem:$0x1F000] =	vst v63  }
0x161: {  	_ =	swait.ge [sflag:s11], $0x4000  }
0x162: {  	[sflag:s11] =	ssyncset.done $0x0  }
0x163: {  	s31 =	sadd.s32 $0x300, s29;
	[sflag:s11] =	ssyncadd.s32 $0xFFFFC000  }
0x164: {  	[tilespmem:s15], [sflag:$0x3] =	stream.indirect.gather [hbm4b:s4+s9], $0x80, s31, s9, $0xb8;
	[tilespmem:$0x1F000] =	vst v63  }
0x165: {  	_ =	swait.ge [sflag:s21], $0x4000  }
0x166: {  	[sflag:s21] =	ssyncset.done $0x0  }
0x167: {  	s1 =	rddreg [dreg:$0x7];
	[sflag:s21] =	ssyncadd.s32 $0xFFFFC000  }
0x168: {  	[spmem:s2] =	stream.indirect.scatter.add.f32 [tilespmem:s19], [sflag:$0x5], $0x80, s1, s9, $0xb8;
	[tilespmem:$0x1F000] =	vst v63  }
0x169: {  	_ =	swait.ge [sflag:s11], $0x4000  }
0x16a: {  	[sflag:s11] =	ssyncset.done $0x0  }
0x16b: {  	s30 =	sadd.s32 $0x380, s29;
	[sflag:s11] =	ssyncadd.s32 $0xFFFFC000  }
0x16c: {  	[tilespmem:s19], [sflag:$0x4] =	stream.indirect.gather [hbm4b:s4+s9], $0x80, s30, s9, $0xb8;
	[tilespmem:$0x1F000] =	vst v63  }
0x16d: {  	_ =	swait.ge [sflag:s20], $0x4000  }
0x16e: {  	[sflag:s20] =	ssyncset.done $0x0  }
0x16f: {  	s31 =	rddreg [dreg:$0x8];
	[sflag:s20] =	ssyncadd.s32 $0xFFFFC000  }
0x170: {  	[spmem:s2] =	stream.indirect.scatter.add.f32 [tilespmem:s15], [sflag:$0x5], $0x80, s31, s9, $0xb8;
	[tilespmem:$0x1F000] =	vst v63  }
0x171: {  	_ =	swait.ge [sflag:s11], $0x4000  }
0x172: {  	[sflag:s11] =	ssyncset.done $0x0  }
0x173: {  	s1 =	sadd.s32 $0x400, s29;
	[sflag:s11] =	ssyncadd.s32 $0xFFFFC000  }
0x174: {  	[tilespmem:s15], [sflag:$0x3] =	stream.indirect.gather [hbm4b:s4+s9], $0x80, s1, s9, $0xb8;
	[tilespmem:$0x1F000] =	vst v63  }
0x175: {  	_ =	swait.ge [sflag:s21], $0x4000  }
0x176: {  	[sflag:s21] =	ssyncset.done $0x0  }
0x177: {  	s30 =	rddreg [dreg:$0x9];
	[sflag:s21] =	ssyncadd.s32 $0xFFFFC000  }
0x178: {  	[spmem:s2] =	stream.indirect.scatter.add.f32 [tilespmem:s19], [sflag:$0x5], $0x80, s30, s9, $0xb8;
	[tilespmem:$0x1F000] =	vst v63  }
0x179: {  	_ =	swait.ge [sflag:s11], $0x4000  }
0x17a: {  	p0 =	seq.s32 s26, $0x8000;
	[sflag:s11] =	ssyncset.done $0x0  }
0x17b: {  	s0 =	simm.s32 @!p0 $0x0;
	s1 =	simm.s32 @!p0 $0x2800;
	[sflag:s11] =	ssyncadd.s32 $0xFFFFC000  }
0x17c: {  	[tilespmem:s1], [sflag:$0x1] =	stream.linear.gather @!p0 [hbm4b:s28+s0], $0x400, $0x38;
	[tilespmem:$0x1F000] =	vst v63  }
0x17d: {  	_ =	swait.ge [sflag:s22], $0x400  }
0x17e: {  	[sflag:s22] =	ssyncset.done $0x0  }
0x17f: {  	s31 =	sadd.s32 $0x480, s29;
	[sflag:s22] =	ssyncadd.s32 $0xFFFFFC00  }
0x180: {  	[tilespmem:s19], [sflag:$0x4] =	stream.indirect.gather [hbm4b:s4+s9], $0x80, s31, s9, $0xb8;
	[tilespmem:$0x1F000] =	vst v63  }
0x181: {  	_ =	swait.ge [sflag:s20], $0x4000  }
0x182: {  	[sflag:s20] =	ssyncset.done $0x0  }
0x183: {  	[sflag:s20] =	ssyncadd.s32 $0xFFFFC000  }
0x184: {  	[spmem:s2] =	stream.indirect.scatter.add.f32 [tilespmem:s15], [sflag:$0x5], $0x80, s17, s9, $0xb8;
	[tilespmem:$0x1F000] =	vst v63  }
0x185: {  	_ =	swait.ge [sflag:s11], $0x4000  }
0x186: {  	[sflag:s11] =	ssyncset.done $0x0  }
0x187: {  	s1 =	sadd.s32 $0x500, s29;
	[sflag:s11] =	ssyncadd.s32 $0xFFFFC000  }
0x188: {  	[tilespmem:s15], [sflag:$0x3] =	stream.indirect.gather [hbm4b:s4+s9], $0x80, s1, s9, $0xb8;
	[tilespmem:$0x1F000] =	vst v63  }
0x189: {  	_ =	swait.ge [sflag:s21], $0x4000  }
0x18a: {  	[sflag:s21] =	ssyncset.done $0x0  }
0x18b: {  	s28 =	rddreg [dreg:$0xa];
	[sflag:s21] =	ssyncadd.s32 $0xFFFFC000  }
0x18c: {  	[spmem:s2] =	stream.indirect.scatter.add.f32 [tilespmem:s19], [sflag:$0x5], $0x80, s28, s9, $0xb8;
	[tilespmem:$0x1F000] =	vst v63  }
0x18d: {  	_ =	swait.ge [sflag:s11], $0x4000  }
0x18e: {  	[sflag:s11] =	ssyncset.done $0x0  }
0x18f: {  	s30 =	sadd.s32 $0x580, s29;
	[sflag:s11] =	ssyncadd.s32 $0xFFFFC000  }
0x190: {  	[tilespmem:s19], [sflag:$0x4] =	stream.indirect.gather [hbm4b:s4+s9], $0x80, s30, s9, $0xb8;
	[tilespmem:$0x1F000] =	vst v63  }
0x191: {  	_ =	swait.ge [sflag:s20], $0x4000  }
0x192: {  	[sflag:s20] =	ssyncset.done $0x0  }
0x193: {  	s31 =	rddreg [dreg:$0xb];
	[sflag:s20] =	ssyncadd.s32 $0xFFFFC000  }
0x194: {  	[spmem:s2] =	stream.indirect.scatter.add.f32 [tilespmem:s15], [sflag:$0x5], $0x80, s31, s9, $0xb8;
	[tilespmem:$0x1F000] =	vst v63  }
0x195: {  	_ =	swait.ge [sflag:s11], $0x4000  }
0x196: {  	[sflag:s11] =	ssyncset.done $0x0  }
0x197: {  	s1 =	sadd.s32 $0x600, s29;
	[sflag:s11] =	ssyncadd.s32 $0xFFFFC000  }
0x198: {  	[tilespmem:s15], [sflag:$0x3] =	stream.indirect.gather [hbm4b:s4+s9], $0x80, s1, s9, $0xb8;
	[tilespmem:$0x1F000] =	vst v63  }
0x199: {  	_ =	swait.ge [sflag:s21], $0x4000  }
0x19a: {  	[sflag:s21] =	ssyncset.done $0x0  }
0x19b: {  	s28 =	rddreg [dreg:$0xc];
	[sflag:s21] =	ssyncadd.s32 $0xFFFFC000  }
0x19c: {  	[spmem:s2] =	stream.indirect.scatter.add.f32 [tilespmem:s19], [sflag:$0x5], $0x80, s28, s9, $0xb8;
	[tilespmem:$0x1F000] =	vst v63  }
0x19d: {  	_ =	swait.ge [sflag:s11], $0x4000  }
0x19e: {  	[sflag:s11] =	ssyncset.done $0x0  }
0x19f: {  	s30 =	sadd.s32 $0x680, s29;
	[sflag:s11] =	ssyncadd.s32 $0xFFFFC000  }
0x1a0: {  	[tilespmem:s19], [sflag:$0x4] =	stream.indirect.gather [hbm4b:s4+s9], $0x80, s30, s9, $0xb8;
	[tilespmem:$0x1F000] =	vst v63  }
0x1a1: {  	_ =	swait.ge [sflag:s20], $0x4000  }
0x1a2: {  	[sflag:s20] =	ssyncset.done $0x0  }
0x1a3: {  	s31 =	rddreg [dreg:$0xd];
	[sflag:s20] =	ssyncadd.s32 $0xFFFFC000  }
0x1a4: {  	[spmem:s2] =	stream.indirect.scatter.add.f32 [tilespmem:s15], [sflag:$0x5], $0x80, s31, s9, $0xb8;
	[tilespmem:$0x1F000] =	vst v63  }
0x1a5: {  	_ =	swait.ge [sflag:s11], $0x4000  }
0x1a6: {  	[sflag:s11] =	ssyncset.done $0x0  }
0x1a7: {  	s1 =	sadd.s32 $0x700, s29;
	[sflag:s11] =	ssyncadd.s32 $0xFFFFC000  }
0x1a8: {  	[tilespmem:s15], [sflag:$0x3] =	stream.indirect.gather [hbm4b:s4+s9], $0x80, s1, s9, $0xb8;
	[tilespmem:$0x1F000] =	vst v63  }
0x1a9: {  	_ =	swait.ge [sflag:s21], $0x4000  }
0x1aa: {  	[sflag:s21] =	ssyncset.done $0x0  }
0x1ab: {  	s28 =	rddreg [dreg:$0xe];
	[sflag:s21] =	ssyncadd.s32 $0xFFFFC000  }
0x1ac: {  	[spmem:s2] =	stream.indirect.scatter.add.f32 [tilespmem:s19], [sflag:$0x5], $0x80, s28, s9, $0xb8;
	[tilespmem:$0x1F000] =	vst v63  }
0x1ad: {  	_ =	swait.ge [sflag:s11], $0x4000  }
0x1ae: {  	[sflag:s11] =	ssyncset.done $0x0  }
0x1af: {  	s29 =	sadd.s32 $0x780, s29;
	[sflag:s11] =	ssyncadd.s32 $0xFFFFC000  }
0x1b0: {  	[tilespmem:s19], [sflag:$0x4] =	stream.indirect.gather [hbm4b:s4+s9], $0x80, s29, s9, $0xb8;
	[tilespmem:$0x1F000] =	vst v63  }
0x1b1: {  	_ =	swait.ge [sflag:s20], $0x4000  }
0x1b2: {  	[sflag:s20] =	ssyncset.done $0x0  }
0x1b3: {  	s30 =	rddreg [dreg:$0xf];
	[sflag:s20] =	ssyncadd.s32 $0xFFFFC000  }
0x1b4: {  	[spmem:s2] =	stream.indirect.scatter.add.f32 [tilespmem:s15], [sflag:$0x5], $0x80, s30, s9, $0xb8;
	[tilespmem:$0x1F000] =	vst v63  }
0x1b5: {  	p0 =	sgt.u32 s25, $0x8;
	_ =	swait.ge [sflag:s11], $0x4000  }
0x1b6: {  	s0 =	sshra.s32 @!p0 s26, $0x2;
	s25 =	simm.s32 @!p0 $0x80;
	[sflag:s11] =	ssyncset.done $0x0  }
0x1b7: {  	s0 =	sadd.s32 @!p0 $0x800, s0;
	s1 =	simm.s32 @!p0 $0x3000;
	[sflag:s11] =	ssyncadd.s32 $0xFFFFC000  }
0x1b8: {  	[tilespmem:s1], [sflag:$0x3] =	stream.indirect.gather @!p0 [hbm4b:s4+s25], $0x80, s0, s25, $0xb8;
	[tilespmem:$0x1F000] =	vst v63  }
0x1b9: {  	_ =	swait.ge [sflag:s21], $0x4000  }
0x1ba: {  	[sflag:s21] =	ssyncset.done $0x0  }
0x1bb: {  	s31 =	rddreg [dreg:$0x10];
	[sflag:s21] =	ssyncadd.s32 $0xFFFFC000  }
0x1bc: {  	[spmem:s2] =	stream.indirect.scatter.add.f32 [tilespmem:s19], [sflag:$0x5], $0x80, s31, s9, $0xb8;
	[tilespmem:$0x1F000] =	vst v63  }
0x1bd: {  	_ =	swait.ge [sflag:s11], $0x4000  }
0x1be: {  	s24 =	sadd.s32 $0x1, s24;
	[sflag:s11] =	ssyncset.done $0x0  }
0x1bf: {  	p0 =	sne.s32 s24, s8;
	[sflag:s11] =	ssyncadd.s32 $0xFFFFC000  }
.Ltmp1:
0x1c0: {  	[bflag:$0x0] =	sbarrier.arrive $0xFFFF;
	(pc) =	sbr.rel @p0 .LBB2_1-.Ltmp1, $4  }
0x1c1: {  	[hbm:s23], [sflag:s13] =	dma.local [spmem:s14], $0x2800  }
0x1c2: {  	_ =	swait.ge [sflag:s11], $0x2800  }
0x1c3: {  	[sflag:s11] =	ssyncset.done $0x0  }
0x1c4: {  	[sflag:s11] =	ssyncadd.s32 $0xFFFFD800  }
0x1c5: {  	_ =	sfence.sel $0x180000  }
0x1c6: {  	[bflag:$0x0] =	sbarrier.arrive $0xFFFF  }
0x1c7: {  	_ =	strace $0x9000004D  }
0x1c8: {  	s0 =	stileid.u32;
	[bflag:$0x2] =	sbarrier.arrive $0xFFFF  }
0x1c9: {  	p0 =	sne.s32 s0, $0x0;
	s0 =	rddreg [dreg:$0x2]  }
0x1ca: {  	s0 =	sadd.s32 @!p0 $0x100000, s0  }
0x1cb: {  	[sflag:s0] =	ssyncadd.tile.s32 @!p0 $0x1;
	_ =	shalt  }
.Lfunc_end2:
_tile_overlayer_lowered:
.L_overlay_start_2:
0x1cc: {  	(tag) =	ssettag $0x2  }
0x1cd: {  	s0 =	rddreg [dreg:$0x0];
	s2 =	stileid.u32  }
0x1ce: {  	s1 =	rddreg [dreg:$0x1];
	p0 =	sne.s32 s2, $0x0  }
0x1cf: {  	s3 =	rddreg [dreg:$0x2];
	[bflag:$0x3] =	sbarrier.arrive $0xFFFF;
	s2 =	simm.s32 @!p0 $0x1C05  }
0x1d0: {  	[timem:s3], [sflag:s2] =	dma.local @!p0 [hbm:s0], s1  }
0x1d1: {  	s0 =	simm.s32 @!p0 $0x5  }
0x1d2: {  	_ =	swait.ge @!p0 [sflag:s0], s1  }
0x1d3: {  	s1 =	ssub.s32 @!p0 $0x0, s1;
	[sflag:s0] =	ssyncset.done @!p0 $0x0  }
0x1d4: {  	[sflag:s0] =	ssyncadd.s32 @!p0 s1  }
0x1d5: {  	[bflag:$0x3] =	sbarrier.arrive $0xFFFF  }
0x1d6: {  	_ =	shalt  }

// kernel: kernel.9.cloned.1.call-start
scs
__scs_entry_jumppad:
0x0: {  	(pc) =	sbr.rel $0x88, $3  }
0x1: {  	(tag) =	ssettag $0x0;
	lr =	simm.s32 $0x1  }
0x2: {  	[smem:$0x3F8F] =	sst lr;
	_ =	strace $0xD0000000  }
0x3: {  	_ = 	snop  }
0x4: {  	_ = 	snop  }
0x5: {  	_ = 	snop  }
0x6: {  	_ = 	snop  }
0x7: {  	_ = 	snop  }
__scs_overlays_trampoline_lowered:
0x8: {  	[smem:$0x3F9E] =	sst s0  }
0x9: {  	[smem:$0x3F9F] =	sst s1  }
0xa: {  	[smem:$0x3FA0] =	sst s2  }
0xb: {  	[smem:$0x3FA1] =	sst s3  }
0xc: {  	[smem:$0x3FA2] =	sst s4  }
0xd: {  	[smem:$0x3FA3] =	sst s5  }
0xe: {  	[smem:$0x3FA4] =	sst s6  }
0xf: {  	[smem:$0x3FA5] =	sst s7  }
0x10: {  	[smem:$0x3FA6] =	sst s8  }
0x11: {  	[smem:$0x3FA7] =	sst s9;
	s0 =	simm.s32 @!p0 $0x0  }
0x12: {  	s1 =	sld [smem:$0x3F8D];
	s0 =	simm.s32 @p0 $0x1  }
0x13: {  	[smem:$0x3FA8] =	sst s0;
	s0 =	simm.s32 @!p1 $0x0  }
0x14: {  	s2 =	sld [smem:$0x3F8C];
	s0 =	simm.s32 @p1 $0x1  }
0x15: {  	[smem:$0x3FA9] =	sst s0;
	s0 =	simm.s32 @!p2 $0x0  }
0x16: {  	s3 =	sld [smem:$0x3FDB];
	s0 =	simm.s32 @p2 $0x1  }
0x17: {  	s4 =	simm.s32 $0x1BF5;
	[smem:$0x3FAB] =	sst s0  }
0x18: {  	s0 =	sld [smem:$0x3F8E];
	_ =	swait.ge [sflag:s4], $0x0  }
0x19: {  	s7 =	sld [smem:$0x3F8F]  }
0x1a: {  	s8 =	sadd.s32 $0xFFFFE003, lr  }
0x1b: {  	s9 =	sadd.s32 $0xFFFFFEF7, lr;
	s5 =	simm.s32 $0xFFFFFFFF;
	p2 =	slt.u32 s8, $0xFFFFF086  }
0x1c: {  	p1 =	slt.u32 s9, $0xF7A;
	s5 =	simm.s32 @!p2 $0x0  }
0x1d: {  	s5 =	simm.s32 @p1 $0x1;
	p0 =	seq.s32 s7, s2  }
0x1e: {  	s7 =	smul.u32 @!p0 $0xF7A, s2;
	p2 =	seq.s32 @!p0 s5, $0x0  }
0x1f: {  	s9 =	smul.u32 $0xF7A, s1;
	s8 =	simm.s32 @!p0 $0x1BF5;
	p2 =	por !p2, p0  }
0x20: {  	[sflag:s8] =	ssyncset.s32 @!p0 $0xFFFFF086;
	s6 =	sadd.s32 @!p0 s3, s7;
	s7 =	simm.s32 @!p0 $0x108  }
0x21: {  	s3 =	sadd.s32 s3, s9;
	s6 =	sadd.s32 @!p0 $0x88, s6;
	s7 =	simm.s32 @p2 $0x1082  }
0x22: {  	[simem:s7], [sflag:s8] =	dma.local @!p0 [hbm:s6], $0xF7A  }
0x23: {  	s9 =	sor.u32 $0xD0000000, s2;
	s6 =	simm.s32 $0x108;
	_ =	swait.ge @!p0 [sflag:s8], $0x0  }
0x24: {  	s3 =	sadd.s32 $0x88, s3;
	s6 =	simm.s32 @!p1 $0x1082;
	[sflag:s4] =	ssyncset.s32 $0xFFFFF086  }
0x25: {  	[simem:s6], [sflag:s4] =	dma.local [hbm:s3], $0xF7A  }
0x26: {  	[smem:$0x3F8F] =	sst s1;
	(tag) =	ssettag s2;
	_ =	strace s9  }
0x27: {  	s1 =	sld [smem:$0x3F9F]  }
0x28: {  	s2 =	sld [smem:$0x3FA0]  }
0x29: {  	s4 =	sld [smem:$0x3FA2]  }
0x2a: {  	p0 =	seq.s32 s5, $0x0;
	s5 =	sld [smem:$0x3FA3]  }
0x2b: {  	s6 =	sld [smem:$0x3FA4]  }
0x2c: {  	s7 =	sld [smem:$0x3FA5]  }
0x2d: {  	s3 =	simm.s32 $0x108;
	s8 =	sld [smem:$0x3FA6]  }
0x2e: {  	s3 =	simm.s32 @!p0 $0x1082;
	s9 =	sld [smem:$0x3FA7]  }
0x2f: {  	lr =	sadd.s32 s0, s3;
	s0 =	sld [smem:$0x3F9E]  }
0x30: {  	s3 =	sld [smem:$0x3FA1]  }
0x31: {  	[smem:$0x3FAA] =	sst s10  }
0x32: {  	s10 =	sld [smem:$0x3FA8];
	_ =	sdelay $0x3  }
0x33: {  	p0 =	seq.s32 s10, $0x1;
	s10 =	sld [smem:$0x3FAA];
	_ =	sdelay $0x3  }
0x34: {  	[smem:$0x3FAA] =	sst s10  }
0x35: {  	s10 =	sld [smem:$0x3FA9];
	_ =	sdelay $0x3  }
0x36: {  	p1 =	seq.s32 s10, $0x1;
	s10 =	sld [smem:$0x3FAA];
	_ =	sdelay $0x3  }
0x37: {  	[smem:$0x3FAA] =	sst s10  }
0x38: {  	s10 =	sld [smem:$0x3FAB]  }
0x39: {  	_ = 	snop;
	(pc) =	sbr.ind lr, $3  }
0x3a: {  	_ = 	snop  }
0x3b: {  	_ = 	snop  }
0x3c: {  	p2 =	seq.s32 s10, $0x1;
	s10 =	sld [smem:$0x3FAA]  }
0x3d: {  	_ =	shalt  }
0x3e: {  	_ =	shalt  }
0x3f: {  	_ =	shalt  }
0x40: {  	_ =	shalt  }
0x41: {  	_ =	shalt  }
0x42: {  	_ =	shalt  }
0x43: {  	_ =	shalt  }
0x44: {  	_ =	shalt  }
0x45: {  	_ =	shalt  }
0x46: {  	_ =	shalt  }
0x47: {  	_ =	shalt  }
0x48: {  	_ =	shalt  }
0x49: {  	_ =	shalt  }
0x4a: {  	_ =	shalt  }
0x4b: {  	_ =	shalt  }
0x4c: {  	_ =	shalt  }
0x4d: {  	_ =	shalt  }
0x4e: {  	_ =	shalt  }
0x4f: {  	_ =	shalt  }
0x50: {  	_ =	shalt  }
0x51: {  	_ =	shalt  }
0x52: {  	_ =	shalt  }
0x53: {  	_ =	shalt  }
0x54: {  	_ =	shalt  }
0x55: {  	_ =	shalt  }
0x56: {  	_ =	shalt  }
0x57: {  	_ =	shalt  }
0x58: {  	_ =	shalt  }
0x59: {  	_ =	shalt  }
0x5a: {  	_ =	shalt  }
0x5b: {  	_ =	shalt  }
0x5c: {  	_ =	shalt  }
0x5d: {  	_ =	shalt  }
0x5e: {  	_ =	shalt  }
0x5f: {  	_ =	shalt  }
0x60: {  	_ =	shalt  }
0x61: {  	_ =	shalt  }
0x62: {  	_ =	shalt  }
0x63: {  	_ =	shalt  }
0x64: {  	_ =	shalt  }
0x65: {  	_ =	shalt  }
0x66: {  	_ =	shalt  }
0x67: {  	_ =	shalt  }
0x68: {  	_ =	shalt  }
0x69: {  	_ =	shalt  }
0x6a: {  	_ =	shalt  }
0x6b: {  	_ =	shalt  }
0x6c: {  	_ =	shalt  }
0x6d: {  	_ =	shalt  }
0x6e: {  	_ =	shalt  }
0x6f: {  	_ =	shalt  }
0x70: {  	_ =	shalt  }
0x71: {  	_ =	shalt  }
0x72: {  	_ =	shalt  }
0x73: {  	_ =	shalt  }
0x74: {  	_ =	shalt  }
0x75: {  	_ =	shalt  }
0x76: {  	_ =	shalt  }
0x77: {  	_ =	shalt  }
0x78: {  	_ =	shalt  }
0x79: {  	_ =	shalt  }
0x7a: {  	_ =	shalt  }
0x7b: {  	_ =	shalt  }
0x7c: {  	_ =	shalt  }
0x7d: {  	_ =	shalt  }
0x7e: {  	_ =	shalt  }
0x7f: {  	_ =	shalt  }
0x80: {  	_ =	shalt  }
0x81: {  	_ =	shalt  }
0x82: {  	_ =	shalt  }
0x83: {  	_ =	shalt  }
0x84: {  	_ =	shalt  }
0x85: {  	_ =	shalt  }
0x86: {  	_ =	shalt  }
0x87: {  	_ =	shalt  }
.Lfunc_end0:
.L_simem_size_0:
called_computation_lowered:
.L_overlay_start_0:
0x88: {  	s2 =	sld [smem:$0x3FD9]  }
0x89: {  	s3 =	sld [smem:$0x3FFE];
	_ =	sdelay $0x1  }
0x8a: {  	s1 =	srdreg.scid  }
0x8b: {  	s0 =	sand.u32 $0x1, s1  }
0x8c: {  	s17 =	sshll.u32 s0, $0xA;
	s2 =	sadd.s32 s3, s2  }
0x8d: {  	s2 =	sadd.s32 s2, s17  }
0x8e: {  	[smem:$0x3FB6] =	sst s2  }
0x8f: {  	_ = 	snop  }
0x90: {  	s2 =	sld [smem:$0x3FD0];
	(tm) =	ssettm $0x1  }
0x91: {  	s18 =	sld [smem:$0x3FFB];
	_ =	sdelay $0x3  }
0x92: {  	_ =	strace s18  }
0x93: {  	s3 =	sld [smem:$0x3FFC];
	_ =	sdelay $0x3  }
0x94: {  	_ =	strace s3  }
0x95: {  	s3 =	sld [smem:$0x3FFD];
	_ =	sdelay $0x3  }
0x96: {  	_ =	strace s3  }
0x97: {  	_ =	strace $0x8FFFFFFF  }
0x98: {  	s19 =	sld [smem:$0x3FDB];
	_ =	sdelay $0x1  }
0x99: {  	s4 =	simm.s32 $_scs_section_size  }
0x9a: {  	s5 =	simm.s32 $_size__tile_overlayer_lowered;
	s6 =	simm.s32 $_tile_overlayer_lowered  }
0x9b: {  	s22 =	simm.s32 $0x1BFF;
	s21 =	sshll.u32 s6, $0x1;
	s3 =	sadd.s32 s4, s19  }
0x9c: {  	s7 =	simm.s32 $0x0;
	s20 =	sshll.u32 s5, $0x1;
	s5 =	sadd.s32 s21, s3  }
0x9d: {  	[timem:s7], [sflag:s22] =	dma.local [hbm:s5], s20  }
0x9e: {  	_ =	swait.ge [sflag:s22], s20  }
0x9f: {  	s4 =	ssub.s32 $0x0, s20;
	[sflag:s22] =	ssyncset.done $0x0  }
0xa0: {  	[sflag:s22] =	ssyncadd.s32 s4;
	_ =	sdelay $0x1  }
0xa1: {  	s23 =	simm.s32 $0x1B8B  }
0xa2: {  	_ =	swait.ge [sflag:s23], $0x1  }
0xa3: {  	[sflag:s23] =	ssyncset.done $0x0  }
0xa4: {  	s25 =	simm.s32 $0x1B8E;
	s24 =	sld [smem:$0x3FFE];
	[sflag:s23] =	ssyncadd.s32 $0xFFFFFFFF  }
0xa5: {  	s26 =	simm.s32 $execute0_lowered;
	[smem:$0x3FD2] =	sst s25  }
0xa6: {  	s5 =	sshll.u32 s26, $0x1;
	_ =	strace $0x80000046;
	[dreg:$0x1] =	wrdreg $0xFFFFFFFF  }
0xa7: {  	s28 =	simm.s32 $_size_execute0_lowered;
	s3 =	sadd.s32 s3, s5;
	[dreg:$0x0] =	wrdreg $0x0  }
0xa8: {  	s5 =	sshll.u32 s28, $0x1;
	[dreg:$0x2] =	wrdreg s3  }
0xa9: {  	[dreg:$0x3] =	wrdreg s5  }
0xaa: {  	[dreg:$0x4] =	wrdreg $0xC0  }
0xab: {  	_ =	task [dreg:s7], $0x5FFFF  }
0xac: {  	[dreg:$0x1] =	wrdreg $0xFFFFFFFF  }
0xad: {  	[dreg:$0x0] =	wrdreg $0x60  }
0xae: {  	[dreg:$0x2] =	wrdreg s24  }
0xaf: {  	[dreg:$0x3] =	wrdreg s2  }
0xb0: {  	[dreg:$0x4] =	wrdreg $0x28800  }
0xb1: {  	[dreg:$0x5] =	wrdreg $0x9  }
0xb2: {  	_ =	task.clear_ibuf [dreg:s7], $0x6FFFF;
	_ =	strace $0x90000046  }
0xb3: {  	s29 =	simm.s32 $0x9;
	_ =	strace $0x80000048  }
0xb4: {  	_ =	swait.ge [sflag:s29], $0x1  }
0xb5: {  	[sflag:s29] =	ssyncadd.s32 $0xFFFFFFFF  }
0xb6: {  	_ =	strace $0x90000048  }
0xb7: {  	_ =	sfence  }
0xb8: {  	s30 =	sld [smem:$0x0];
	_ =	sdelay $0x2  }
0xb9: {  	s31 =	sshll.u32 s1, $0xD;
	s1 =	sshrl.u32 s1, $0x2  }
0xba: {  	s3 =	sand.u32 $0x4000, s31;
	s1 =	sadd.s32 s1, s30  }
0xbb: {  	s0 =	sor.u32 s3, s0;
	s1 =	sshll.u32 s1, $0x11  }
0xbc: {  	s0 =	sor.u32 s1, s0  }
0xbd: {  	s0 =	sadd.s32 $0x8F2B, s0  }
0xbe: {  	[sflag:s0] =	ssyncadd.remote.s32 $0x1  }
0xbf: {  	_ =	sfence.sel $0xFFFF  }
0xc0: {  	[dreg:$0x0] =	wrdreg $0xFFFFFFFF;
	(pc) =	sbr.abs _section_cstart, $3  }
0xc1: {  	[dreg:$0x1] =	wrdreg $0xFFFFFFFF  }
0xc2: {  	_ =	task.clear_ibuf [dreg:s7], $0x2FFFF;
	_ =	strace $0x9FFFFFFF  }
0xc3: {  	(tm) =	ssettm $0x7FFFFFFF  }
tec
execute0_lowered:
.L_overlay_start_1:
0x0: {  	(tag) =	ssettag $0x1  }
0x1: {  	s5 =	rddreg [dreg:$0x0]  }
0x2: {  	s0 =	rddreg [dreg:$0x1];
	s1 =	srdreg.scid  }
0x3: {  	s8 =	stileid.u32;
	s2 =	rddreg [dreg:$0x2]  }
0x4: {  	s3 =	simm.s32 $0x0;
	s11 =	simm.s32 $0x80;
	s12 =	simm.s32 $0x0  }
0x5: {  	s4 =	sand.u32 $0x1, s1;
	s6 =	sshll.u32 s8, $0x1;
	s1 =	rddreg [dreg:$0x3]  }
0x6: {  	[smem:$0x7FF] =	sst s3;
	p0 =	sne.s32 s8, $0x0;
	s8 =	simm.s32 $0x1  }
0x7: {  	s6 =	sor.u32 s4, s6;
	_ =	strace $0x80000047;
	s7 =	ssub.s32 $0x2, s4  }
0x8: {  	s9 =	sshll.u32 s4, $0x4;
	s6 =	smul.u32 $0x500, s6;
	s10 =	sshrl.u32 s7, $0x1  }
0x9: {  	s4 =	sadd.s32 $0xDA00, s5;
	s9 =	sadd.s32 s9, s5;
	s7 =	ssub.s32 s7, s10  }
0xa: {  	s10 =	sshrl.u32 @!p0 s2, $0x3;
	s6 =	sadd.s32 s6, s5;
	s7 =	smax.u32 s7, $0x1  }
0xb: {  	s5 =	sadd.s32 $0x3A00, s6;
	s6 =	sadd.s32 $0xE000, s9;
	s9 =	simm.s32 $0x2800  }
.LBB2_1:
0xc: {  	[tilespmem:s3], [sflag:$0x1] =	stream.linear.gather [hbm4b:s5+s3], $0x2800, $0x38;
	[tilespmem:$0x2B00] =	vst v63  }
0xd: {  	_ =	swait.ge [sflag:s8], $0x2800  }
0xe: {  	[sflag:s8] =	ssyncset.done $0x0  }
0xf: {  	[sflag:s8] =	ssyncadd.s32 $0xFFFFD800  }
0x10: {  	[tilespmem:s9], [sflag:$0x1] =	stream.linear.gather [hbm4b:s0+s3], $0x80, $0x38;
	[tilespmem:$0x2B00] =	vst v63  }
0x11: {  	_ =	swait.ge [sflag:s8], $0x80  }
0x12: {  	[sflag:s8] =	ssyncset.done $0x0  }
0x13: {  	s13 =	simm.s32 @!p0 $0x1C01;
	[sflag:s8] =	ssyncadd.s32 $0xFFFFFF80  }
0x14: {  	[spmem:s10], [sflag:s13] =	dma.local @!p0 [hbm:s4], $0x500  }
0x15: {  	s13 =	simm.s32 @!p0 $0x1  }
0x16: {  	_ =	swait.ge @!p0 [sflag:s13], $0x500  }
0x17: {  	[sflag:s13] =	ssyncset.done @!p0 $0x0  }
0x18: {  	[sflag:s13] =	ssyncadd.s32 @!p0 $0xFFFFFB00  }
0x19: {  	s31 =	simm.s32 $0x0;
	[bflag:$0x0] =	sbarrier.arrive $0xFFFF  }
0x1a: {  	[spmem:s2] =	stream.indirect.scatter.add.f32 [tilespmem:s9], [sflag:$0x1], $0x1, s31, s11, $0xb8;
	[tilespmem:$0x2B00] =	vst v63  }
0x1b: {  	_ =	swait.ge [sflag:s8], $0x80  }
0x1c: {  	s13 =	simm.s32 $0x200;
	[sflag:s8] =	ssyncset.done $0x0  }
.LBB2_2:
0x1d: {  	s14 =	sshra.s32 s13, $0x2;
	[sflag:s8] =	ssyncadd.s32 $0xFFFFFF80;
	p1 =	sne.s32 s13, $0x9E00  }
0x1e: {  	[spmem:s2] =	stream.indirect.scatter.add.f32 [tilespmem:s9], [sflag:$0x1], $0x1, s14, s11, $0xb8;
	[tilespmem:$0x2B00] =	vst v63  }
.Ltmp0:
0x1f: {  	_ = 	snop;
	(pc) =	sbr.rel @p1 .LBB2_2-.Ltmp0, $4  }
0x20: {  	_ = 	snop  }
0x21: {  	s13 =	sadd.s32 $0x200, s13  }
0x22: {  	_ =	swait.ge [sflag:s8], $0x80  }
0x23: {  	[sflag:s8] =	ssyncset.done $0x0  }
0x24: {  	[sflag:s8] =	ssyncadd.s32 $0xFFFFFF80;
	s13 =	simm.s32 @!p0 $0x1;
	s12 =	sadd.s32 $0x1, s12  }
0x25: {  	s14 =	simm.s32 @!p0 $0x20;
	s15 =	simm.s32 @!p0 $0x10;
	p1 =	sne.s32 s12, s7  }
.Ltmp1:
0x26: {  	s16 =	simm.s32 @!p0 $0x1C01;
	[bflag:$0x0] =	sbarrier.arrive $0xFFFF;
	(pc) =	sbr.rel @p1 .LBB2_1-.Ltmp1, $4  }
0x27: {  	[hbm:s6@s14], [sflag:s16] =	dma.strided @!p0 [spmem:s10@s15], $0x500, s13, $0x10   }
0x28: {  	_ =	swait.ge @!p0 [sflag:s13], $0x500  }
0x29: {  	[sflag:s13] =	ssyncset.done @!p0 $0x0  }
0x2a: {  	[sflag:s13] =	ssyncadd.s32 @!p0 $0xFFFFFB00  }
0x2b: {  	_ =	sfence.sel $0x180000  }
0x2c: {  	[bflag:$0x0] =	sbarrier.arrive $0xFFFF  }
0x2d: {  	_ =	strace $0x90000047  }
0x2e: {  	s0 =	sadd.s32 @!p0 $0x100000, s1;
	[bflag:$0x2] =	sbarrier.arrive $0xFFFF  }
0x2f: {  	[sflag:s0] =	ssyncadd.tile.s32 @!p0 $0x1;
	_ =	shalt  }
.Lfunc_end2:
_tile_overlayer_lowered:
.L_overlay_start_2:
0x30: {  	(tag) =	ssettag $0x2  }
0x31: {  	s0 =	rddreg [dreg:$0x0];
	s2 =	stileid.u32  }
0x32: {  	s1 =	rddreg [dreg:$0x1];
	p0 =	sne.s32 s2, $0x0  }
0x33: {  	s3 =	rddreg [dreg:$0x2];
	[bflag:$0x3] =	sbarrier.arrive $0xFFFF;
	s2 =	simm.s32 @!p0 $0x1C01  }
0x34: {  	[timem:s3], [sflag:s2] =	dma.local @!p0 [hbm:s0], s1  }
0x35: {  	s0 =	simm.s32 @!p0 $0x1  }
0x36: {  	_ =	swait.ge @!p0 [sflag:s0], s1  }
0x37: {  	s1 =	ssub.s32 @!p0 $0x0, s1;
	[sflag:s0] =	ssyncset.done @!p0 $0x0  }
0x38: {  	[sflag:s0] =	ssyncadd.s32 @!p0 s1  }
0x39: {  	[bflag:$0x3] =	sbarrier.arrive $0xFFFF  }
0x3a: {  	_ =	shalt  }

</sc_bundles>
